<compile_context>
chip_gen: v7x
topology: tpu7x:2x2x1
jax: 0.10.2.dev20260603
libtpu: 0.0.44.dev20260713+nightly
codegen_flags: <defaults>
</compile_context>

<pallas_src>
import functools

import jax
import jax.numpy as jnp
from jax import lax
from jax.experimental import pallas as pl
from jax.experimental.pallas import tpu as pltpu
from jax.experimental.pallas import tpu_sc as plsc

VOCAB = 1000000
D = 64
BATCH = 4096
SEQ = 200
B = BATCH * SEQ
PAD_ID = 0

NC = 2
NS = 16
L = 16
NW = NC * NS
BPW = B // NW
IPG = 128
C = 512
G = C // IPG
CHUNKS = BPW // C
PAIRS = CHUNKS // 2
IDROWS = BPW // IPG

_mesh = plsc.VectorSubcoreMesh(core_axis_name="c", subcore_axis_name="s")


@functools.partial(
    pl.kernel,
    out_type=jax.ShapeDtypeStruct((BATCH, SEQ, D), jnp.float32),
    mesh=_mesh,
    scratch_types=[
        pltpu.VMEM((IDROWS, IPG), jnp.int32),
        pltpu.VMEM((C, D), jnp.float32),
        pltpu.VMEM((C, D), jnp.float32),
        pltpu.SemaphoreType.DMA,
        pltpu.SemaphoreType.DMA,
        pltpu.SemaphoreType.DMA,
        pltpu.SemaphoreType.DMA,
    ],
    compiler_params=pltpu.CompilerParams(use_tc_tiling_on_sc=False),
)
def _embed_lookup(ids_hbm, table_hbm, out_hbm, idx_v, rows0, rows1,
                  sg0, sg1, sw0, sw1):
    wid = lax.axis_index("s") * NC + lax.axis_index("c")
    base = wid * BPW

    pltpu.sync_copy(ids_hbm.at[pl.ds(wid * IDROWS, IDROWS)], idx_v)

    def fire_gathers(k, rows_v, sg):
        for j in range(G):
            pltpu.async_copy(
                table_hbm.at[idx_v.at[k * G + j]],
                rows_v.at[pl.ds(j * IPG, IPG)],
                sg,
            )

    def drain_gathers(k, rows_v, sg):
        for j in range(G):
            pltpu.make_async_copy(
                table_hbm.at[idx_v.at[k * G + j]],
                rows_v.at[pl.ds(j * IPG, IPG)],
                sg,
            ).wait()

    def out_slice(k):
        flat0 = base + k * C
        s = flat0 >> 12
        b0 = flat0 & (BATCH - 1)
        return out_hbm.at[pl.ds(b0, C), s]

    def fire_write(k, rows_v, sw):
        pltpu.async_copy(rows_v, out_slice(k), sw)

    def drain_write(k, rows_v, sw):
        pltpu.make_async_copy(rows_v, out_slice(k), sw).wait()

    def fixup(k, rows_v):
        vs = [
            idx_v[k * G + j, pl.ds(t * L, L)]
            for j in range(G)
            for t in range(IPG // L)
        ]
        mn_vec = functools.reduce(jnp.minimum, vs)
        mn = functools.reduce(jnp.minimum, [mn_vec[i] for i in range(L)])

        @pl.when(mn == PAD_ID)
        def _fixup():
            def grp_body(g, c):
                jq = g // (IPG // L)
                tq = g % (IPG // L)
                idv = idx_v[k * G + jq, pl.ds(tq * L, L)]
                mvec = jnp.where(idv == PAD_ID, 0.0, 1.0).astype(jnp.float32)
                for rl in range(L):
                    f = mvec[rl]
                    row = g * L + rl
                    for cb in range(D // L):
                        sl = pl.ds(cb * L, L)
                        rows_v[row, sl] = rows_v[row, sl] * f
                return c

            lax.fori_loop(0, C // L, grp_body, 0)

    fire_gathers(0, rows0, sg0)
    fire_gathers(1, rows1, sg1)

    def pair_body(i, carry):
        a = 2 * i
        for (ko, rows_v, sg, sw) in ((0, rows0, sg0, sw0),
                                     (1, rows1, sg1, sw1)):
            k = a + ko
            drain_gathers(k, rows_v, sg)
            fixup(k, rows_v)
            fire_write(k, rows_v, sw)

            @pl.when(k + 2 < CHUNKS)
            def _refill(k=k, rows_v=rows_v, sg=sg, sw=sw):
                drain_write(k, rows_v, sw)
                fire_gathers(k + 2, rows_v, sg)

        return carry

    lax.fori_loop(0, PAIRS, pair_body, 0)

    drain_write(CHUNKS - 2, rows0, sw0)
    drain_write(CHUNKS - 1, rows1, sw1)


def kernel(ids, embedding_mat):
    ids_sb = ids.T.reshape(B // IPG, IPG)
    return _embed_lookup(ids_sb, embedding_mat)

# --- scband reference (transcript-rebuilt; emitter-appended) ---
"""Pipeline reference for scband-e2-eseq2-seq-model-64226940944495 (READ-ONLY COPY).

The authoritative reference and input builder live on the scoring server;
editing this copy changes nothing except your own understanding.
"""

import jax, jax.numpy as jnp
import numpy as np

VOCAB = 1000000
EMBED_DIM = 64
BATCH = 4096
SEQ_LEN = 200
PAD_ID = 0


def setup_inputs(seed: int = 0) -> dict:
    key = jax.random.key(seed)
    k_ids, k_tab = jax.random.split(key)
    ids = jax.random.randint(k_ids, (BATCH, SEQ_LEN), 0, VOCAB, dtype=jnp.int32)
    # nn.Embedding default init: N(0, 1); padding row zeroed inside reference
    embedding_mat = jax.random.normal(k_tab, (VOCAB, EMBED_DIM), dtype=jnp.float32)
    return {"ids": ids, "embedding_mat": embedding_mat}


def reference(ids, embedding_mat):
    # padding_idx=PAD_ID -> that row is held at zero
    table = embedding_mat.at[PAD_ID].set(0.0)
    # nn.Embedding lookup == row gather
    out = jnp.take(table, ids, axis=0)
    # embedding_dropout = 0.0 -> identity (and eval-mode dropout is identity anyway)
    return out

if __name__ == "__main__":
    import jax
    _d = setup_inputs()
    print(jax.jit(kernel)(*tuple(_d.values())))

</pallas_src>

<mosaic_0001>
#map = affine_map<(d0, d1) -> (0, 0)>
#map1 = affine_map<(d0, d1) -> (0, 0, 0)>
module attributes {stable_mosaic.version = 14 : i64} {
  func.func @_embed_lookup(%arg0: i32, %arg1: i32, %arg2: memref<6400x128xi32, #tpu.memory_space<hbm>>, %arg3: memref<1000000x64xf32, #tpu.memory_space<hbm>>, %arg4: memref<4096x200x64xf32, #tpu.memory_space<hbm>>, %arg5: memref<200x128xi32, #tpu.memory_space<vmem>>, %arg6: memref<512x64xf32, #tpu.memory_space<vmem>>, %arg7: memref<512x64xf32, #tpu.memory_space<vmem>>, %arg8: memref<!tpu.dma_semaphore, #tpu.memory_space<semaphore_mem>>, %arg9: memref<!tpu.dma_semaphore, #tpu.memory_space<semaphore_mem>>, %arg10: memref<!tpu.dma_semaphore, #tpu.memory_space<semaphore_mem>>, %arg11: memref<!tpu.dma_semaphore, #tpu.memory_space<semaphore_mem>>) attributes {dimension_semantics = [#tpu.dimension_semantics<core_parallel>, #tpu.dimension_semantics<subcore_parallel>], iteration_bounds = array<i64: 2, 16>, scalar_prefetch = 0 : i64, scratch_operands = 7 : i64, tpu.core_type = #tpu.core_type<sc_vector_subcore>, window_params = [{transform_indices = #map}, {transform_indices = #map}, {transform_indices = #map1}]} {
    %mul3A = arith.constant 2 : i32
    %mul3A_0 = arith.muli %arg1, %mul3A : i32
    %add3A = arith.addi %mul3A_0, %arg0 : i32
    %mul3A_1 = arith.constant 25600 : i32
    %mul3A_2 = arith.muli %add3A, %mul3A_1 : i32
    %mul3A_3 = arith.constant 200 : i32
    %mul3A_4 = arith.muli %add3A, %mul3A_3 : i32
    "tpu.region"() ({
      %run_scoped3A = tpu.sem_alloc : memref<!tpu.dma_semaphore, #tpu.memory_space<semaphore_mem>>
      %dma_start3A_110 = arith.constant 0 : i32
      %dma_start3A_111 = tpu.memref_slice %arg2[%mul3A_4, %dma_start3A_110] : memref<6400x128xi32, #tpu.memory_space<hbm>> -> memref<200x128xi32, #tpu.memory_space<hbm>>
      %dma_start3A_112 = arith.constant 0 : i32
      %dma_start3A_113 = tpu.memref_slice %arg2[%mul3A_4, %dma_start3A_112] : memref<6400x128xi32, #tpu.memory_space<hbm>> -> memref<200x128xi32, #tpu.memory_space<hbm>>
      tpu.enqueue_dma source(%dma_start3A_113 : memref<200x128xi32, #tpu.memory_space<hbm>>) target(%arg5 : memref<200x128xi32, #tpu.memory_space<vmem>>) target_semaphore(%run_scoped3A : memref<!tpu.dma_semaphore, #tpu.memory_space<semaphore_mem>>)
      %dma_wait3A_114 = arith.constant 0 : i32
      %dma_wait3A_115 = tpu.memref_slice %arg2[%mul3A_4, %dma_wait3A_114] : memref<6400x128xi32, #tpu.memory_space<hbm>> -> memref<200x128xi32, #tpu.memory_space<hbm>>
      %dma_wait3A_116 = arith.constant 0 : i32
      %dma_wait3A_117 = tpu.memref_slice %arg2[%mul3A_4, %dma_wait3A_116] : memref<6400x128xi32, #tpu.memory_space<hbm>> -> memref<200x128xi32, #tpu.memory_space<hbm>>
      tpu.wait_dma2 semaphore(%run_scoped3A : memref<!tpu.dma_semaphore, #tpu.memory_space<semaphore_mem>>) src(%dma_wait3A_117 : memref<200x128xi32, #tpu.memory_space<hbm>>) dst(%arg5 : memref<200x128xi32, #tpu.memory_space<vmem>>)
      tpu.yield
    }) : () -> ()
    %dma_start3A = arith.constant 0 : i32
    %dma_start3A_5 = arith.constant 0 : i32
    %dma_start3A_6 = arith.constant 0 : i32
    %dma_start3A_7 = tpu.memref_slice %arg6[%dma_start3A_5, %dma_start3A_6] : memref<512x64xf32, #tpu.memory_space<vmem>> -> memref<128x64xf32, #tpu.memory_space<vmem>>
    %dma_start3A_8 = arith.constant 0 : i32
    %dma_start3A_9 = tpu.memref_slice %arg5[%dma_start3A, %dma_start3A_8] : memref<200x128xi32, #tpu.memory_space<vmem>> -> memref<1x128xi32, #tpu.memory_space<vmem>>
    %dma_start3A_10 = tpu.memref_squeeze %dma_start3A_9 : memref<1x128xi32, #tpu.memory_space<vmem>> -> memref<128xi32, #tpu.memory_space<vmem>>
    %dma_start3A_11 = arith.constant 0 : i32
    %dma_start3A_12 = arith.constant 0 : i32
    %dma_start3A_13 = tpu.memref_slice %arg3[%dma_start3A_11, %dma_start3A_12] : memref<1000000x64xf32, #tpu.memory_space<hbm>> -> memref<1000000x64xf32, #tpu.memory_space<hbm>>
    tpu.enqueue_indirect_dma source(%dma_start3A_13 : memref<1000000x64xf32, #tpu.memory_space<hbm>>) target(%dma_start3A_7 : memref<128x64xf32, #tpu.memory_space<vmem>>) offsets(%dma_start3A_10 : memref<128xi32, #tpu.memory_space<vmem>>) semaphore(%arg8 : memref<!tpu.dma_semaphore, #tpu.memory_space<semaphore_mem>>)
    %dma_start3A_14 = arith.constant 1 : i32
    %dma_start3A_15 = arith.constant 128 : i32
    %dma_start3A_16 = arith.constant 0 : i32
    %dma_start3A_17 = tpu.memref_slice %arg6[%dma_start3A_15, %dma_start3A_16] : memref<512x64xf32, #tpu.memory_space<vmem>> -> memref<128x64xf32, #tpu.memory_space<vmem>>
    %dma_start3A_18 = arith.constant 0 : i32
    %dma_start3A_19 = tpu.memref_slice %arg5[%dma_start3A_14, %dma_start3A_18] : memref<200x128xi32, #tpu.memory_space<vmem>> -> memref<1x128xi32, #tpu.memory_space<vmem>>
    %dma_start3A_20 = tpu.memref_squeeze %dma_start3A_19 : memref<1x128xi32, #tpu.memory_space<vmem>> -> memref<128xi32, #tpu.memory_space<vmem>>
    %dma_start3A_21 = arith.constant 0 : i32
    %dma_start3A_22 = arith.constant 0 : i32
    %dma_start3A_23 = tpu.memref_slice %arg3[%dma_start3A_21, %dma_start3A_22] : memref<1000000x64xf32, #tpu.memory_space<hbm>> -> memref<1000000x64xf32, #tpu.memory_space<hbm>>
    tpu.enqueue_indirect_dma source(%dma_start3A_23 : memref<1000000x64xf32, #tpu.memory_space<hbm>>) target(%dma_start3A_17 : memref<128x64xf32, #tpu.memory_space<vmem>>) offsets(%dma_start3A_20 : memref<128xi32, #tpu.memory_space<vmem>>) semaphore(%arg8 : memref<!tpu.dma_semaphore, #tpu.memory_space<semaphore_mem>>)
    %dma_start3A_24 = arith.constant 2 : i32
    %dma_start3A_25 = arith.constant 256 : i32
    %dma_start3A_26 = arith.constant 0 : i32
    %dma_start3A_27 = tpu.memref_slice %arg6[%dma_start3A_25, %dma_start3A_26] : memref<512x64xf32, #tpu.memory_space<vmem>> -> memref<128x64xf32, #tpu.memory_space<vmem>>
    %dma_start3A_28 = arith.constant 0 : i32
    %dma_start3A_29 = tpu.memref_slice %arg5[%dma_start3A_24, %dma_start3A_28] : memref<200x128xi32, #tpu.memory_space<vmem>> -> memref<1x128xi32, #tpu.memory_space<vmem>>
    %dma_start3A_30 = tpu.memref_squeeze %dma_start3A_29 : memref<1x128xi32, #tpu.memory_space<vmem>> -> memref<128xi32, #tpu.memory_space<vmem>>
    %dma_start3A_31 = arith.constant 0 : i32
    %dma_start3A_32 = arith.constant 0 : i32
    %dma_start3A_33 = tpu.memref_slice %arg3[%dma_start3A_31, %dma_start3A_32] : memref<1000000x64xf32, #tpu.memory_space<hbm>> -> memref<1000000x64xf32, #tpu.memory_space<hbm>>
    tpu.enqueue_indirect_dma source(%dma_start3A_33 : memref<1000000x64xf32, #tpu.memory_space<hbm>>) target(%dma_start3A_27 : memref<128x64xf32, #tpu.memory_space<vmem>>) offsets(%dma_start3A_30 : memref<128xi32, #tpu.memory_space<vmem>>) semaphore(%arg8 : memref<!tpu.dma_semaphore, #tpu.memory_space<semaphore_mem>>)
    %dma_start3A_34 = arith.constant 3 : i32
    %dma_start3A_35 = arith.constant 384 : i32
    %dma_start3A_36 = arith.constant 0 : i32
    %dma_start3A_37 = tpu.memref_slice %arg6[%dma_start3A_35, %dma_start3A_36] : memref<512x64xf32, #tpu.memory_space<vmem>> -> memref<128x64xf32, #tpu.memory_space<vmem>>
    %dma_start3A_38 = arith.constant 0 : i32
    %dma_start3A_39 = tpu.memref_slice %arg5[%dma_start3A_34, %dma_start3A_38] : memref<200x128xi32, #tpu.memory_space<vmem>> -> memref<1x128xi32, #tpu.memory_space<vmem>>
    %dma_start3A_40 = tpu.memref_squeeze %dma_start3A_39 : memref<1x128xi32, #tpu.memory_space<vmem>> -> memref<128xi32, #tpu.memory_space<vmem>>
    %dma_start3A_41 = arith.constant 0 : i32
    %dma_start3A_42 = arith.constant 0 : i32
    %dma_start3A_43 = tpu.memref_slice %arg3[%dma_start3A_41, %dma_start3A_42] : memref<1000000x64xf32, #tpu.memory_space<hbm>> -> memref<1000000x64xf32, #tpu.memory_space<hbm>>
    tpu.enqueue_indirect_dma source(%dma_start3A_43 : memref<1000000x64xf32, #tpu.memory_space<hbm>>) target(%dma_start3A_37 : memref<128x64xf32, #tpu.memory_space<vmem>>) offsets(%dma_start3A_40 : memref<128xi32, #tpu.memory_space<vmem>>) semaphore(%arg8 : memref<!tpu.dma_semaphore, #tpu.memory_space<semaphore_mem>>)
    %dma_start3A_44 = arith.constant 4 : i32
    %dma_start3A_45 = arith.constant 0 : i32
    %dma_start3A_46 = arith.constant 0 : i32
    %dma_start3A_47 = tpu.memref_slice %arg7[%dma_start3A_45, %dma_start3A_46] : memref<512x64xf32, #tpu.memory_space<vmem>> -> memref<128x64xf32, #tpu.memory_space<vmem>>
    %dma_start3A_48 = arith.constant 0 : i32
    %dma_start3A_49 = tpu.memref_slice %arg5[%dma_start3A_44, %dma_start3A_48] : memref<200x128xi32, #tpu.memory_space<vmem>> -> memref<1x128xi32, #tpu.memory_space<vmem>>
    %dma_start3A_50 = tpu.memref_squeeze %dma_start3A_49 : memref<1x128xi32, #tpu.memory_space<vmem>> -> memref<128xi32, #tpu.memory_space<vmem>>
    %dma_start3A_51 = arith.constant 0 : i32
    %dma_start3A_52 = arith.constant 0 : i32
    %dma_start3A_53 = tpu.memref_slice %arg3[%dma_start3A_51, %dma_start3A_52] : memref<1000000x64xf32, #tpu.memory_space<hbm>> -> memref<1000000x64xf32, #tpu.memory_space<hbm>>
    tpu.enqueue_indirect_dma source(%dma_start3A_53 : memref<1000000x64xf32, #tpu.memory_space<hbm>>) target(%dma_start3A_47 : memref<128x64xf32, #tpu.memory_space<vmem>>) offsets(%dma_start3A_50 : memref<128xi32, #tpu.memory_space<vmem>>) semaphore(%arg9 : memref<!tpu.dma_semaphore, #tpu.memory_space<semaphore_mem>>)
    %dma_start3A_54 = arith.constant 5 : i32
    %dma_start3A_55 = arith.constant 128 : i32
    %dma_start3A_56 = arith.constant 0 : i32
    %dma_start3A_57 = tpu.memref_slice %arg7[%dma_start3A_55, %dma_start3A_56] : memref<512x64xf32, #tpu.memory_space<vmem>> -> memref<128x64xf32, #tpu.memory_space<vmem>>
    %dma_start3A_58 = arith.constant 0 : i32
    %dma_start3A_59 = tpu.memref_slice %arg5[%dma_start3A_54, %dma_start3A_58] : memref<200x128xi32, #tpu.memory_space<vmem>> -> memref<1x128xi32, #tpu.memory_space<vmem>>
    %dma_start3A_60 = tpu.memref_squeeze %dma_start3A_59 : memref<1x128xi32, #tpu.memory_space<vmem>> -> memref<128xi32, #tpu.memory_space<vmem>>
    %dma_start3A_61 = arith.constant 0 : i32
    %dma_start3A_62 = arith.constant 0 : i32
    %dma_start3A_63 = tpu.memref_slice %arg3[%dma_start3A_61, %dma_start3A_62] : memref<1000000x64xf32, #tpu.memory_space<hbm>> -> memref<1000000x64xf32, #tpu.memory_space<hbm>>
    tpu.enqueue_indirect_dma source(%dma_start3A_63 : memref<1000000x64xf32, #tpu.memory_space<hbm>>) target(%dma_start3A_57 : memref<128x64xf32, #tpu.memory_space<vmem>>) offsets(%dma_start3A_60 : memref<128xi32, #tpu.memory_space<vmem>>) semaphore(%arg9 : memref<!tpu.dma_semaphore, #tpu.memory_space<semaphore_mem>>)
    %dma_start3A_64 = arith.constant 6 : i32
    %dma_start3A_65 = arith.constant 256 : i32
    %dma_start3A_66 = arith.constant 0 : i32
    %dma_start3A_67 = tpu.memref_slice %arg7[%dma_start3A_65, %dma_start3A_66] : memref<512x64xf32, #tpu.memory_space<vmem>> -> memref<128x64xf32, #tpu.memory_space<vmem>>
    %dma_start3A_68 = arith.constant 0 : i32
    %dma_start3A_69 = tpu.memref_slice %arg5[%dma_start3A_64, %dma_start3A_68] : memref<200x128xi32, #tpu.memory_space<vmem>> -> memref<1x128xi32, #tpu.memory_space<vmem>>
    %dma_start3A_70 = tpu.memref_squeeze %dma_start3A_69 : memref<1x128xi32, #tpu.memory_space<vmem>> -> memref<128xi32, #tpu.memory_space<vmem>>
    %dma_start3A_71 = arith.constant 0 : i32
    %dma_start3A_72 = arith.constant 0 : i32
    %dma_start3A_73 = tpu.memref_slice %arg3[%dma_start3A_71, %dma_start3A_72] : memref<1000000x64xf32, #tpu.memory_space<hbm>> -> memref<1000000x64xf32, #tpu.memory_space<hbm>>
    tpu.enqueue_indirect_dma source(%dma_start3A_73 : memref<1000000x64xf32, #tpu.memory_space<hbm>>) target(%dma_start3A_67 : memref<128x64xf32, #tpu.memory_space<vmem>>) offsets(%dma_start3A_70 : memref<128xi32, #tpu.memory_space<vmem>>) semaphore(%arg9 : memref<!tpu.dma_semaphore, #tpu.memory_space<semaphore_mem>>)
    %dma_start3A_74 = arith.constant 7 : i32
    %dma_start3A_75 = arith.constant 384 : i32
    %dma_start3A_76 = arith.constant 0 : i32
    %dma_start3A_77 = tpu.memref_slice %arg7[%dma_start3A_75, %dma_start3A_76] : memref<512x64xf32, #tpu.memory_space<vmem>> -> memref<128x64xf32, #tpu.memory_space<vmem>>
    %dma_start3A_78 = arith.constant 0 : i32
    %dma_start3A_79 = tpu.memref_slice %arg5[%dma_start3A_74, %dma_start3A_78] : memref<200x128xi32, #tpu.memory_space<vmem>> -> memref<1x128xi32, #tpu.memory_space<vmem>>
    %dma_start3A_80 = tpu.memref_squeeze %dma_start3A_79 : memref<1x128xi32, #tpu.memory_space<vmem>> -> memref<128xi32, #tpu.memory_space<vmem>>
    %dma_start3A_81 = arith.constant 0 : i32
    %dma_start3A_82 = arith.constant 0 : i32
    %dma_start3A_83 = tpu.memref_slice %arg3[%dma_start3A_81, %dma_start3A_82] : memref<1000000x64xf32, #tpu.memory_space<hbm>> -> memref<1000000x64xf32, #tpu.memory_space<hbm>>
    tpu.enqueue_indirect_dma source(%dma_start3A_83 : memref<1000000x64xf32, #tpu.memory_space<hbm>>) target(%dma_start3A_77 : memref<128x64xf32, #tpu.memory_space<vmem>>) offsets(%dma_start3A_80 : memref<128xi32, #tpu.memory_space<vmem>>) semaphore(%arg9 : memref<!tpu.dma_semaphore, #tpu.memory_space<semaphore_mem>>)
    %scan3A = arith.constant 0 : i32
    %scan3A_84 = arith.constant 0 : i32
    %scan3A_85 = arith.constant 25 : i32
    %scan3A_86 = arith.addi %scan3A_84, %scan3A_85 : i32
    %scan3A_87 = arith.constant 1 : i32
    scf.for %scan3A_110 = %scan3A_84 to %scan3A_86 step %scan3A_87  : i32 {
      %mul3A_111 = arith.constant 2 : i32
      %mul3A_112 = arith.muli %mul3A_111, %scan3A_110 : i32
      %add3A_113 = arith.constant 0 : i32
      %add3A_114 = arith.addi %mul3A_112, %add3A_113 : i32
      %mul3A_115 = arith.constant 4 : i32
      %mul3A_116 = arith.muli %add3A_114, %mul3A_115 : i32
      %add3A_117 = arith.constant 0 : i32
      %add3A_118 = arith.addi %mul3A_116, %add3A_117 : i32
      %dma_wait3A_119 = arith.constant 0 : i32
      %dma_wait3A_120 = arith.constant 0 : i32
      %dma_wait3A_121 = tpu.memref_slice %arg6[%dma_wait3A_119, %dma_wait3A_120] : memref<512x64xf32, #tpu.memory_space<vmem>> -> memref<128x64xf32, #tpu.memory_space<vmem>>
      %dma_wait3A_122 = arith.constant 0 : i32
      %dma_wait3A_123 = tpu.memref_slice %arg5[%add3A_118, %dma_wait3A_122] : memref<200x128xi32, #tpu.memory_space<vmem>> -> memref<1x128xi32, #tpu.memory_space<vmem>>
      %dma_wait3A_124 = tpu.memref_squeeze %dma_wait3A_123 : memref<1x128xi32, #tpu.memory_space<vmem>> -> memref<128xi32, #tpu.memory_space<vmem>>
      %dma_wait3A_125 = arith.constant 0 : i32
      %dma_wait3A_126 = arith.constant 0 : i32
      %dma_wait3A_127 = tpu.memref_slice %arg3[%dma_wait3A_125, %dma_wait3A_126] : memref<1000000x64xf32, #tpu.memory_space<hbm>> -> memref<1000000x64xf32, #tpu.memory_space<hbm>>
      tpu.wait_indirect_dma semaphore(%arg8 : memref<!tpu.dma_semaphore, #tpu.memory_space<semaphore_mem>>) src(%dma_wait3A_127 : memref<1000000x64xf32, #tpu.memory_space<hbm>>) dst(%dma_wait3A_121 : memref<128x64xf32, #tpu.memory_space<vmem>>)
      %mul3A_128 = arith.constant 4 : i32
      %mul3A_129 = arith.muli %add3A_114, %mul3A_128 : i32
      %add3A_130 = arith.constant 1 : i32
      %add3A_131 = arith.addi %mul3A_129, %add3A_130 : i32
      %dma_wait3A_132 = arith.constant 128 : i32
      %dma_wait3A_133 = arith.constant 0 : i32
      %dma_wait3A_134 = tpu.memref_slice %arg6[%dma_wait3A_132, %dma_wait3A_133] : memref<512x64xf32, #tpu.memory_space<vmem>> -> memref<128x64xf32, #tpu.memory_space<vmem>>
      %dma_wait3A_135 = arith.constant 0 : i32
      %dma_wait3A_136 = tpu.memref_slice %arg5[%add3A_131, %dma_wait3A_135] : memref<200x128xi32, #tpu.memory_space<vmem>> -> memref<1x128xi32, #tpu.memory_space<vmem>>
      %dma_wait3A_137 = tpu.memref_squeeze %dma_wait3A_136 : memref<1x128xi32, #tpu.memory_space<vmem>> -> memref<128xi32, #tpu.memory_space<vmem>>
      %dma_wait3A_138 = arith.constant 0 : i32
      %dma_wait3A_139 = arith.constant 0 : i32
      %dma_wait3A_140 = tpu.memref_slice %arg3[%dma_wait3A_138, %dma_wait3A_139] : memref<1000000x64xf32, #tpu.memory_space<hbm>> -> memref<1000000x64xf32, #tpu.memory_space<hbm>>
      tpu.wait_indirect_dma semaphore(%arg8 : memref<!tpu.dma_semaphore, #tpu.memory_space<semaphore_mem>>) src(%dma_wait3A_140 : memref<1000000x64xf32, #tpu.memory_space<hbm>>) dst(%dma_wait3A_134 : memref<128x64xf32, #tpu.memory_space<vmem>>)
      %mul3A_141 = arith.constant 4 : i32
      %mul3A_142 = arith.muli %add3A_114, %mul3A_141 : i32
      %add3A_143 = arith.constant 2 : i32
      %add3A_144 = arith.addi %mul3A_142, %add3A_143 : i32
      %dma_wait3A_145 = arith.constant 256 : i32
      %dma_wait3A_146 = arith.constant 0 : i32
      %dma_wait3A_147 = tpu.memref_slice %arg6[%dma_wait3A_145, %dma_wait3A_146] : memref<512x64xf32, #tpu.memory_space<vmem>> -> memref<128x64xf32, #tpu.memory_space<vmem>>
      %dma_wait3A_148 = arith.constant 0 : i32
      %dma_wait3A_149 = tpu.memref_slice %arg5[%add3A_144, %dma_wait3A_148] : memref<200x128xi32, #tpu.memory_space<vmem>> -> memref<1x128xi32, #tpu.memory_space<vmem>>
      %dma_wait3A_150 = tpu.memref_squeeze %dma_wait3A_149 : memref<1x128xi32, #tpu.memory_space<vmem>> -> memref<128xi32, #tpu.memory_space<vmem>>
      %dma_wait3A_151 = arith.constant 0 : i32
      %dma_wait3A_152 = arith.constant 0 : i32
      %dma_wait3A_153 = tpu.memref_slice %arg3[%dma_wait3A_151, %dma_wait3A_152] : memref<1000000x64xf32, #tpu.memory_space<hbm>> -> memref<1000000x64xf32, #tpu.memory_space<hbm>>
      tpu.wait_indirect_dma semaphore(%arg8 : memref<!tpu.dma_semaphore, #tpu.memory_space<semaphore_mem>>) src(%dma_wait3A_153 : memref<1000000x64xf32, #tpu.memory_space<hbm>>) dst(%dma_wait3A_147 : memref<128x64xf32, #tpu.memory_space<vmem>>)
      %mul3A_154 = arith.constant 4 : i32
      %mul3A_155 = arith.muli %add3A_114, %mul3A_154 : i32
      %add3A_156 = arith.constant 3 : i32
      %add3A_157 = arith.addi %mul3A_155, %add3A_156 : i32
      %dma_wait3A_158 = arith.constant 384 : i32
      %dma_wait3A_159 = arith.constant 0 : i32
      %dma_wait3A_160 = tpu.memref_slice %arg6[%dma_wait3A_158, %dma_wait3A_159] : memref<512x64xf32, #tpu.memory_space<vmem>> -> memref<128x64xf32, #tpu.memory_space<vmem>>
      %dma_wait3A_161 = arith.constant 0 : i32
      %dma_wait3A_162 = tpu.memref_slice %arg5[%add3A_157, %dma_wait3A_161] : memref<200x128xi32, #tpu.memory_space<vmem>> -> memref<1x128xi32, #tpu.memory_space<vmem>>
      %dma_wait3A_163 = tpu.memref_squeeze %dma_wait3A_162 : memref<1x128xi32, #tpu.memory_space<vmem>> -> memref<128xi32, #tpu.memory_space<vmem>>
      %dma_wait3A_164 = arith.constant 0 : i32
      %dma_wait3A_165 = arith.constant 0 : i32
      %dma_wait3A_166 = tpu.memref_slice %arg3[%dma_wait3A_164, %dma_wait3A_165] : memref<1000000x64xf32, #tpu.memory_space<hbm>> -> memref<1000000x64xf32, #tpu.memory_space<hbm>>
      tpu.wait_indirect_dma semaphore(%arg8 : memref<!tpu.dma_semaphore, #tpu.memory_space<semaphore_mem>>) src(%dma_wait3A_166 : memref<1000000x64xf32, #tpu.memory_space<hbm>>) dst(%dma_wait3A_160 : memref<128x64xf32, #tpu.memory_space<vmem>>)
      %mul3A_167 = arith.constant 4 : i32
      %mul3A_168 = arith.muli %add3A_114, %mul3A_167 : i32
      %add3A_169 = arith.constant 0 : i32
      %add3A_170 = arith.addi %mul3A_168, %add3A_169 : i32
      %get3A = arith.index_cast %add3A_170 : i32 to index
      %get3A_171 = arith.constant 0 : index
      %get3A_172 = tpu.vector_load %arg5[%get3A, %get3A_171] {strides = array<i32>} : memref<200x128xi32, #tpu.memory_space<vmem>>, vector<1x16xi32>,
      %get3A_173 = vector.shape_cast %get3A_172 : vector<1x16xi32> to vector<16xi32>
      %mul3A_174 = arith.constant 4 : i32
      %mul3A_175 = arith.muli %add3A_114, %mul3A_174 : i32
      %add3A_176 = arith.constant 0 : i32
      %add3A_177 = arith.addi %mul3A_175, %add3A_176 : i32
      %get3A_178 = arith.index_cast %add3A_177 : i32 to index
      %get3A_179 = arith.constant 16 : index
      %get3A_180 = tpu.vector_load %arg5[%get3A_178, %get3A_179] {strides = array<i32>} : memref<200x128xi32, #tpu.memory_space<vmem>>, vector<1x16xi32>,
      %get3A_181 = vector.shape_cast %get3A_180 : vector<1x16xi32> to vector<16xi32>
      %mul3A_182 = arith.constant 4 : i32
      %mul3A_183 = arith.muli %add3A_114, %mul3A_182 : i32
      %add3A_184 = arith.constant 0 : i32
      %add3A_185 = arith.addi %mul3A_183, %add3A_184 : i32
      %get3A_186 = arith.index_cast %add3A_185 : i32 to index
      %get3A_187 = arith.constant 32 : index
      %get3A_188 = tpu.vector_load %arg5[%get3A_186, %get3A_187] {strides = array<i32>} : memref<200x128xi32, #tpu.memory_space<vmem>>, vector<1x16xi32>,
      %get3A_189 = vector.shape_cast %get3A_188 : vector<1x16xi32> to vector<16xi32>
      %mul3A_190 = arith.constant 4 : i32
      %mul3A_191 = arith.muli %add3A_114, %mul3A_190 : i32
      %add3A_192 = arith.constant 0 : i32
      %add3A_193 = arith.addi %mul3A_191, %add3A_192 : i32
      %get3A_194 = arith.index_cast %add3A_193 : i32 to index
      %get3A_195 = arith.constant 48 : index
      %get3A_196 = tpu.vector_load %arg5[%get3A_194, %get3A_195] {strides = array<i32>} : memref<200x128xi32, #tpu.memory_space<vmem>>, vector<1x16xi32>,
      %get3A_197 = vector.shape_cast %get3A_196 : vector<1x16xi32> to vector<16xi32>
      %mul3A_198 = arith.constant 4 : i32
      %mul3A_199 = arith.muli %add3A_114, %mul3A_198 : i32
      %add3A_200 = arith.constant 0 : i32
      %add3A_201 = arith.addi %mul3A_199, %add3A_200 : i32
      %get3A_202 = arith.index_cast %add3A_201 : i32 to index
      %get3A_203 = arith.constant 64 : index
      %get3A_204 = tpu.vector_load %arg5[%get3A_202, %get3A_203] {strides = array<i32>} : memref<200x128xi32, #tpu.memory_space<vmem>>, vector<1x16xi32>,
      %get3A_205 = vector.shape_cast %get3A_204 : vector<1x16xi32> to vector<16xi32>
      %mul3A_206 = arith.constant 4 : i32
      %mul3A_207 = arith.muli %add3A_114, %mul3A_206 : i32
      %add3A_208 = arith.constant 0 : i32
      %add3A_209 = arith.addi %mul3A_207, %add3A_208 : i32
      %get3A_210 = arith.index_cast %add3A_209 : i32 to index
      %get3A_211 = arith.constant 80 : index
      %get3A_212 = tpu.vector_load %arg5[%get3A_210, %get3A_211] {strides = array<i32>} : memref<200x128xi32, #tpu.memory_space<vmem>>, vector<1x16xi32>,
      %get3A_213 = vector.shape_cast %get3A_212 : vector<1x16xi32> to vector<16xi32>
      %mul3A_214 = arith.constant 4 : i32
      %mul3A_215 = arith.muli %add3A_114, %mul3A_214 : i32
      %add3A_216 = arith.constant 0 : i32
      %add3A_217 = arith.addi %mul3A_215, %add3A_216 : i32
      %get3A_218 = arith.index_cast %add3A_217 : i32 to index
      %get3A_219 = arith.constant 96 : index
      %get3A_220 = tpu.vector_load %arg5[%get3A_218, %get3A_219] {strides = array<i32>} : memref<200x128xi32, #tpu.memory_space<vmem>>, vector<1x16xi32>,
      %get3A_221 = vector.shape_cast %get3A_220 : vector<1x16xi32> to vector<16xi32>
      %mul3A_222 = arith.constant 4 : i32
      %mul3A_223 = arith.muli %add3A_114, %mul3A_222 : i32
      %add3A_224 = arith.constant 0 : i32
      %add3A_225 = arith.addi %mul3A_223, %add3A_224 : i32
      %get3A_226 = arith.index_cast %add3A_225 : i32 to index
      %get3A_227 = arith.constant 112 : index
      %get3A_228 = tpu.vector_load %arg5[%get3A_226, %get3A_227] {strides = array<i32>} : memref<200x128xi32, #tpu.memory_space<vmem>>, vector<1x16xi32>,
      %get3A_229 = vector.shape_cast %get3A_228 : vector<1x16xi32> to vector<16xi32>
      %mul3A_230 = arith.constant 4 : i32
      %mul3A_231 = arith.muli %add3A_114, %mul3A_230 : i32
      %add3A_232 = arith.constant 1 : i32
      %add3A_233 = arith.addi %mul3A_231, %add3A_232 : i32
      %get3A_234 = arith.index_cast %add3A_233 : i32 to index
      %get3A_235 = arith.constant 0 : index
      %get3A_236 = tpu.vector_load %arg5[%get3A_234, %get3A_235] {strides = array<i32>} : memref<200x128xi32, #tpu.memory_space<vmem>>, vector<1x16xi32>,
      %get3A_237 = vector.shape_cast %get3A_236 : vector<1x16xi32> to vector<16xi32>
      %mul3A_238 = arith.constant 4 : i32
      %mul3A_239 = arith.muli %add3A_114, %mul3A_238 : i32
      %add3A_240 = arith.constant 1 : i32
      %add3A_241 = arith.addi %mul3A_239, %add3A_240 : i32
      %get3A_242 = arith.index_cast %add3A_241 : i32 to index
      %get3A_243 = arith.constant 16 : index
      %get3A_244 = tpu.vector_load %arg5[%get3A_242, %get3A_243] {strides = array<i32>} : memref<200x128xi32, #tpu.memory_space<vmem>>, vector<1x16xi32>,
      %get3A_245 = vector.shape_cast %get3A_244 : vector<1x16xi32> to vector<16xi32>
      %mul3A_246 = arith.constant 4 : i32
      %mul3A_247 = arith.muli %add3A_114, %mul3A_246 : i32
      %add3A_248 = arith.constant 1 : i32
      %add3A_249 = arith.addi %mul3A_247, %add3A_248 : i32
      %get3A_250 = arith.index_cast %add3A_249 : i32 to index
      %get3A_251 = arith.constant 32 : index
      %get3A_252 = tpu.vector_load %arg5[%get3A_250, %get3A_251] {strides = array<i32>} : memref<200x128xi32, #tpu.memory_space<vmem>>, vector<1x16xi32>,
      %get3A_253 = vector.shape_cast %get3A_252 : vector<1x16xi32> to vector<16xi32>
      %mul3A_254 = arith.constant 4 : i32
      %mul3A_255 = arith.muli %add3A_114, %mul3A_254 : i32
      %add3A_256 = arith.constant 1 : i32
      %add3A_257 = arith.addi %mul3A_255, %add3A_256 : i32
      %get3A_258 = arith.index_cast %add3A_257 : i32 to index
      %get3A_259 = arith.constant 48 : index
      %get3A_260 = tpu.vector_load %arg5[%get3A_258, %get3A_259] {strides = array<i32>} : memref<200x128xi32, #tpu.memory_space<vmem>>, vector<1x16xi32>,
      %get3A_261 = vector.shape_cast %get3A_260 : vector<1x16xi32> to vector<16xi32>
      %mul3A_262 = arith.constant 4 : i32
      %mul3A_263 = arith.muli %add3A_114, %mul3A_262 : i32
      %add3A_264 = arith.constant 1 : i32
      %add3A_265 = arith.addi %mul3A_263, %add3A_264 : i32
      %get3A_266 = arith.index_cast %add3A_265 : i32 to index
      %get3A_267 = arith.constant 64 : index
      %get3A_268 = tpu.vector_load %arg5[%get3A_266, %get3A_267] {strides = array<i32>} : memref<200x128xi32, #tpu.memory_space<vmem>>, vector<1x16xi32>,
      %get3A_269 = vector.shape_cast %get3A_268 : vector<1x16xi32> to vector<16xi32>
      %mul3A_270 = arith.constant 4 : i32
      %mul3A_271 = arith.muli %add3A_114, %mul3A_270 : i32
      %add3A_272 = arith.constant 1 : i32
      %add3A_273 = arith.addi %mul3A_271, %add3A_272 : i32
      %get3A_274 = arith.index_cast %add3A_273 : i32 to index
      %get3A_275 = arith.constant 80 : index
      %get3A_276 = tpu.vector_load %arg5[%get3A_274, %get3A_275] {strides = array<i32>} : memref<200x128xi32, #tpu.memory_space<vmem>>, vector<1x16xi32>,
      %get3A_277 = vector.shape_cast %get3A_276 : vector<1x16xi32> to vector<16xi32>
      %mul3A_278 = arith.constant 4 : i32
      %mul3A_279 = arith.muli %add3A_114, %mul3A_278 : i32
      %add3A_280 = arith.constant 1 : i32
      %add3A_281 = arith.addi %mul3A_279, %add3A_280 : i32
      %get3A_282 = arith.index_cast %add3A_281 : i32 to index
      %get3A_283 = arith.constant 96 : index
      %get3A_284 = tpu.vector_load %arg5[%get3A_282, %get3A_283] {strides = array<i32>} : memref<200x128xi32, #tpu.memory_space<vmem>>, vector<1x16xi32>,
      %get3A_285 = vector.shape_cast %get3A_284 : vector<1x16xi32> to vector<16xi32>
      %mul3A_286 = arith.constant 4 : i32
      %mul3A_287 = arith.muli %add3A_114, %mul3A_286 : i32
      %add3A_288 = arith.constant 1 : i32
      %add3A_289 = arith.addi %mul3A_287, %add3A_288 : i32
      %get3A_290 = arith.index_cast %add3A_289 : i32 to index
      %get3A_291 = arith.constant 112 : index
      %get3A_292 = tpu.vector_load %arg5[%get3A_290, %get3A_291] {strides = array<i32>} : memref<200x128xi32, #tpu.memory_space<vmem>>, vector<1x16xi32>,
      %get3A_293 = vector.shape_cast %get3A_292 : vector<1x16xi32> to vector<16xi32>
      %mul3A_294 = arith.constant 4 : i32
      %mul3A_295 = arith.muli %add3A_114, %mul3A_294 : i32
      %add3A_296 = arith.constant 2 : i32
      %add3A_297 = arith.addi %mul3A_295, %add3A_296 : i32
      %get3A_298 = arith.index_cast %add3A_297 : i32 to index
      %get3A_299 = arith.constant 0 : index
      %get3A_300 = tpu.vector_load %arg5[%get3A_298, %get3A_299] {strides = array<i32>} : memref<200x128xi32, #tpu.memory_space<vmem>>, vector<1x16xi32>,
      %get3A_301 = vector.shape_cast %get3A_300 : vector<1x16xi32> to vector<16xi32>
      %mul3A_302 = arith.constant 4 : i32
      %mul3A_303 = arith.muli %add3A_114, %mul3A_302 : i32
      %add3A_304 = arith.constant 2 : i32
      %add3A_305 = arith.addi %mul3A_303, %add3A_304 : i32
      %get3A_306 = arith.index_cast %add3A_305 : i32 to index
      %get3A_307 = arith.constant 16 : index
      %get3A_308 = tpu.vector_load %arg5[%get3A_306, %get3A_307] {strides = array<i32>} : memref<200x128xi32, #tpu.memory_space<vmem>>, vector<1x16xi32>,
      %get3A_309 = vector.shape_cast %get3A_308 : vector<1x16xi32> to vector<16xi32>
      %mul3A_310 = arith.constant 4 : i32
      %mul3A_311 = arith.muli %add3A_114, %mul3A_310 : i32
      %add3A_312 = arith.constant 2 : i32
      %add3A_313 = arith.addi %mul3A_311, %add3A_312 : i32
      %get3A_314 = arith.index_cast %add3A_313 : i32 to index
      %get3A_315 = arith.constant 32 : index
      %get3A_316 = tpu.vector_load %arg5[%get3A_314, %get3A_315] {strides = array<i32>} : memref<200x128xi32, #tpu.memory_space<vmem>>, vector<1x16xi32>,
      %get3A_317 = vector.shape_cast %get3A_316 : vector<1x16xi32> to vector<16xi32>
      %mul3A_318 = arith.constant 4 : i32
      %mul3A_319 = arith.muli %add3A_114, %mul3A_318 : i32
      %add3A_320 = arith.constant 2 : i32
      %add3A_321 = arith.addi %mul3A_319, %add3A_320 : i32
      %get3A_322 = arith.index_cast %add3A_321 : i32 to index
      %get3A_323 = arith.constant 48 : index
      %get3A_324 = tpu.vector_load %arg5[%get3A_322, %get3A_323] {strides = array<i32>} : memref<200x128xi32, #tpu.memory_space<vmem>>, vector<1x16xi32>,
      %get3A_325 = vector.shape_cast %get3A_324 : vector<1x16xi32> to vector<16xi32>
      %mul3A_326 = arith.constant 4 : i32
      %mul3A_327 = arith.muli %add3A_114, %mul3A_326 : i32
      %add3A_328 = arith.constant 2 : i32
      %add3A_329 = arith.addi %mul3A_327, %add3A_328 : i32
      %get3A_330 = arith.index_cast %add3A_329 : i32 to index
      %get3A_331 = arith.constant 64 : index
      %get3A_332 = tpu.vector_load %arg5[%get3A_330, %get3A_331] {strides = array<i32>} : memref<200x128xi32, #tpu.memory_space<vmem>>, vector<1x16xi32>,
      %get3A_333 = vector.shape_cast %get3A_332 : vector<1x16xi32> to vector<16xi32>
      %mul3A_334 = arith.constant 4 : i32
      %mul3A_335 = arith.muli %add3A_114, %mul3A_334 : i32
      %add3A_336 = arith.constant 2 : i32
      %add3A_337 = arith.addi %mul3A_335, %add3A_336 : i32
      %get3A_338 = arith.index_cast %add3A_337 : i32 to index
      %get3A_339 = arith.constant 80 : index
      %get3A_340 = tpu.vector_load %arg5[%get3A_338, %get3A_339] {strides = array<i32>} : memref<200x128xi32, #tpu.memory_space<vmem>>, vector<1x16xi32>,
      %get3A_341 = vector.shape_cast %get3A_340 : vector<1x16xi32> to vector<16xi32>
      %mul3A_342 = arith.constant 4 : i32
      %mul3A_343 = arith.muli %add3A_114, %mul3A_342 : i32
      %add3A_344 = arith.constant 2 : i32
      %add3A_345 = arith.addi %mul3A_343, %add3A_344 : i32
      %get3A_346 = arith.index_cast %add3A_345 : i32 to index
      %get3A_347 = arith.constant 96 : index
      %get3A_348 = tpu.vector_load %arg5[%get3A_346, %get3A_347] {strides = array<i32>} : memref<200x128xi32, #tpu.memory_space<vmem>>, vector<1x16xi32>,
      %get3A_349 = vector.shape_cast %get3A_348 : vector<1x16xi32> to vector<16xi32>
      %mul3A_350 = arith.constant 4 : i32
      %mul3A_351 = arith.muli %add3A_114, %mul3A_350 : i32
      %add3A_352 = arith.constant 2 : i32
      %add3A_353 = arith.addi %mul3A_351, %add3A_352 : i32
      %get3A_354 = arith.index_cast %add3A_353 : i32 to index
      %get3A_355 = arith.constant 112 : index
      %get3A_356 = tpu.vector_load %arg5[%get3A_354, %get3A_355] {strides = array<i32>} : memref<200x128xi32, #tpu.memory_space<vmem>>, vector<1x16xi32>,
      %get3A_357 = vector.shape_cast %get3A_356 : vector<1x16xi32> to vector<16xi32>
      %mul3A_358 = arith.constant 4 : i32
      %mul3A_359 = arith.muli %add3A_114, %mul3A_358 : i32
      %add3A_360 = arith.constant 3 : i32
      %add3A_361 = arith.addi %mul3A_359, %add3A_360 : i32
      %get3A_362 = arith.index_cast %add3A_361 : i32 to index
      %get3A_363 = arith.constant 0 : index
      %get3A_364 = tpu.vector_load %arg5[%get3A_362, %get3A_363] {strides = array<i32>} : memref<200x128xi32, #tpu.memory_space<vmem>>, vector<1x16xi32>,
      %get3A_365 = vector.shape_cast %get3A_364 : vector<1x16xi32> to vector<16xi32>
      %mul3A_366 = arith.constant 4 : i32
      %mul3A_367 = arith.muli %add3A_114, %mul3A_366 : i32
      %add3A_368 = arith.constant 3 : i32
      %add3A_369 = arith.addi %mul3A_367, %add3A_368 : i32
      %get3A_370 = arith.index_cast %add3A_369 : i32 to index
      %get3A_371 = arith.constant 16 : index
      %get3A_372 = tpu.vector_load %arg5[%get3A_370, %get3A_371] {strides = array<i32>} : memref<200x128xi32, #tpu.memory_space<vmem>>, vector<1x16xi32>,
      %get3A_373 = vector.shape_cast %get3A_372 : vector<1x16xi32> to vector<16xi32>
      %mul3A_374 = arith.constant 4 : i32
      %mul3A_375 = arith.muli %add3A_114, %mul3A_374 : i32
      %add3A_376 = arith.constant 3 : i32
      %add3A_377 = arith.addi %mul3A_375, %add3A_376 : i32
      %get3A_378 = arith.index_cast %add3A_377 : i32 to index
      %get3A_379 = arith.constant 32 : index
      %get3A_380 = tpu.vector_load %arg5[%get3A_378, %get3A_379] {strides = array<i32>} : memref<200x128xi32, #tpu.memory_space<vmem>>, vector<1x16xi32>,
      %get3A_381 = vector.shape_cast %get3A_380 : vector<1x16xi32> to vector<16xi32>
      %mul3A_382 = arith.constant 4 : i32
      %mul3A_383 = arith.muli %add3A_114, %mul3A_382 : i32
      %add3A_384 = arith.constant 3 : i32
      %add3A_385 = arith.addi %mul3A_383, %add3A_384 : i32
      %get3A_386 = arith.index_cast %add3A_385 : i32 to index
      %get3A_387 = arith.constant 48 : index
      %get3A_388 = tpu.vector_load %arg5[%get3A_386, %get3A_387] {strides = array<i32>} : memref<200x128xi32, #tpu.memory_space<vmem>>, vector<1x16xi32>,
      %get3A_389 = vector.shape_cast %get3A_388 : vector<1x16xi32> to vector<16xi32>
      %mul3A_390 = arith.constant 4 : i32
      %mul3A_391 = arith.muli %add3A_114, %mul3A_390 : i32
      %add3A_392 = arith.constant 3 : i32
      %add3A_393 = arith.addi %mul3A_391, %add3A_392 : i32
      %get3A_394 = arith.index_cast %add3A_393 : i32 to index
      %get3A_395 = arith.constant 64 : index
      %get3A_396 = tpu.vector_load %arg5[%get3A_394, %get3A_395] {strides = array<i32>} : memref<200x128xi32, #tpu.memory_space<vmem>>, vector<1x16xi32>,
      %get3A_397 = vector.shape_cast %get3A_396 : vector<1x16xi32> to vector<16xi32>
      %mul3A_398 = arith.constant 4 : i32
      %mul3A_399 = arith.muli %add3A_114, %mul3A_398 : i32
      %add3A_400 = arith.constant 3 : i32
      %add3A_401 = arith.addi %mul3A_399, %add3A_400 : i32
      %get3A_402 = arith.index_cast %add3A_401 : i32 to index
      %get3A_403 = arith.constant 80 : index
      %get3A_404 = tpu.vector_load %arg5[%get3A_402, %get3A_403] {strides = array<i32>} : memref<200x128xi32, #tpu.memory_space<vmem>>, vector<1x16xi32>,
      %get3A_405 = vector.shape_cast %get3A_404 : vector<1x16xi32> to vector<16xi32>
      %mul3A_406 = arith.constant 4 : i32
      %mul3A_407 = arith.muli %add3A_114, %mul3A_406 : i32
      %add3A_408 = arith.constant 3 : i32
      %add3A_409 = arith.addi %mul3A_407, %add3A_408 : i32
      %get3A_410 = arith.index_cast %add3A_409 : i32 to index
      %get3A_411 = arith.constant 96 : index
      %get3A_412 = tpu.vector_load %arg5[%get3A_410, %get3A_411] {strides = array<i32>} : memref<200x128xi32, #tpu.memory_space<vmem>>, vector<1x16xi32>,
      %get3A_413 = vector.shape_cast %get3A_412 : vector<1x16xi32> to vector<16xi32>
      %mul3A_414 = arith.constant 4 : i32
      %mul3A_415 = arith.muli %add3A_114, %mul3A_414 : i32
      %add3A_416 = arith.constant 3 : i32
      %add3A_417 = arith.addi %mul3A_415, %add3A_416 : i32
      %get3A_418 = arith.index_cast %add3A_417 : i32 to index
      %get3A_419 = arith.constant 112 : index
      %get3A_420 = tpu.vector_load %arg5[%get3A_418, %get3A_419] {strides = array<i32>} : memref<200x128xi32, #tpu.memory_space<vmem>>, vector<1x16xi32>,
      %get3A_421 = vector.shape_cast %get3A_420 : vector<1x16xi32> to vector<16xi32>
      %min3A = arith.minsi %get3A_173, %get3A_181 : vector<16xi32>
      %min3A_422 = arith.minsi %min3A, %get3A_189 : vector<16xi32>
      %min3A_423 = arith.minsi %min3A_422, %get3A_197 : vector<16xi32>
      %min3A_424 = arith.minsi %min3A_423, %get3A_205 : vector<16xi32>
      %min3A_425 = arith.minsi %min3A_424, %get3A_213 : vector<16xi32>
      %min3A_426 = arith.minsi %min3A_425, %get3A_221 : vector<16xi32>
      %min3A_427 = arith.minsi %min3A_426, %get3A_229 : vector<16xi32>
      %min3A_428 = arith.minsi %min3A_427, %get3A_237 : vector<16xi32>
      %min3A_429 = arith.minsi %min3A_428, %get3A_245 : vector<16xi32>
      %min3A_430 = arith.minsi %min3A_429, %get3A_253 : vector<16xi32>
      %min3A_431 = arith.minsi %min3A_430, %get3A_261 : vector<16xi32>
      %min3A_432 = arith.minsi %min3A_431, %get3A_269 : vector<16xi32>
      %min3A_433 = arith.minsi %min3A_432, %get3A_277 : vector<16xi32>
      %min3A_434 = arith.minsi %min3A_433, %get3A_285 : vector<16xi32>
      %min3A_435 = arith.minsi %min3A_434, %get3A_293 : vector<16xi32>
      %min3A_436 = arith.minsi %min3A_435, %get3A_301 : vector<16xi32>
      %min3A_437 = arith.minsi %min3A_436, %get3A_309 : vector<16xi32>
      %min3A_438 = arith.minsi %min3A_437, %get3A_317 : vector<16xi32>
      %min3A_439 = arith.minsi %min3A_438, %get3A_325 : vector<16xi32>
      %min3A_440 = arith.minsi %min3A_439, %get3A_333 : vector<16xi32>
      %min3A_441 = arith.minsi %min3A_440, %get3A_341 : vector<16xi32>
      %min3A_442 = arith.minsi %min3A_441, %get3A_349 : vector<16xi32>
      %min3A_443 = arith.minsi %min3A_442, %get3A_357 : vector<16xi32>
      %min3A_444 = arith.minsi %min3A_443, %get3A_365 : vector<16xi32>
      %min3A_445 = arith.minsi %min3A_444, %get3A_373 : vector<16xi32>
      %min3A_446 = arith.minsi %min3A_445, %get3A_381 : vector<16xi32>
      %min3A_447 = arith.minsi %min3A_446, %get3A_389 : vector<16xi32>
      %min3A_448 = arith.minsi %min3A_447, %get3A_397 : vector<16xi32>
      %min3A_449 = arith.minsi %min3A_448, %get3A_405 : vector<16xi32>
      %min3A_450 = arith.minsi %min3A_449, %get3A_413 : vector<16xi32>
      %min3A_451 = arith.minsi %min3A_450, %get3A_421 : vector<16xi32>
      %slice3A = vector.extract_strided_slice %min3A_451 {offsets = [0], sizes = [1], strides = [1]} : vector<16xi32> to vector<1xi32>
      %squeeze3A = vector.extract %slice3A[0] : i32 from vector<1xi32>
      %slice3A_452 = vector.extract_strided_slice %min3A_451 {offsets = [1], sizes = [1], strides = [1]} : vector<16xi32> to vector<1xi32>
      %squeeze3A_453 = vector.extract %slice3A_452[0] : i32 from vector<1xi32>
      %slice3A_454 = vector.extract_strided_slice %min3A_451 {offsets = [2], sizes = [1], strides = [1]} : vector<16xi32> to vector<1xi32>
      %squeeze3A_455 = vector.extract %slice3A_454[0] : i32 from vector<1xi32>
      %slice3A_456 = vector.extract_strided_slice %min3A_451 {offsets = [3], sizes = [1], strides = [1]} : vector<16xi32> to vector<1xi32>
      %squeeze3A_457 = vector.extract %slice3A_456[0] : i32 from vector<1xi32>
      %slice3A_458 = vector.extract_strided_slice %min3A_451 {offsets = [4], sizes = [1], strides = [1]} : vector<16xi32> to vector<1xi32>
      %squeeze3A_459 = vector.extract %slice3A_458[0] : i32 from vector<1xi32>
      %slice3A_460 = vector.extract_strided_slice %min3A_451 {offsets = [5], sizes = [1], strides = [1]} : vector<16xi32> to vector<1xi32>
      %squeeze3A_461 = vector.extract %slice3A_460[0] : i32 from vector<1xi32>
      %slice3A_462 = vector.extract_strided_slice %min3A_451 {offsets = [6], sizes = [1], strides = [1]} : vector<16xi32> to vector<1xi32>
      %squeeze3A_463 = vector.extract %slice3A_462[0] : i32 from vector<1xi32>
      %slice3A_464 = vector.extract_strided_slice %min3A_451 {offsets = [7], sizes = [1], strides = [1]} : vector<16xi32> to vector<1xi32>
      %squeeze3A_465 = vector.extract %slice3A_464[0] : i32 from vector<1xi32>
      %slice3A_466 = vector.extract_strided_slice %min3A_451 {offsets = [8], sizes = [1], strides = [1]} : vector<16xi32> to vector<1xi32>
      %squeeze3A_467 = vector.extract %slice3A_466[0] : i32 from vector<1xi32>
      %slice3A_468 = vector.extract_strided_slice %min3A_451 {offsets = [9], sizes = [1], strides = [1]} : vector<16xi32> to vector<1xi32>
      %squeeze3A_469 = vector.extract %slice3A_468[0] : i32 from vector<1xi32>
      %slice3A_470 = vector.extract_strided_slice %min3A_451 {offsets = [10], sizes = [1], strides = [1]} : vector<16xi32> to vector<1xi32>
      %squeeze3A_471 = vector.extract %slice3A_470[0] : i32 from vector<1xi32>
      %slice3A_472 = vector.extract_strided_slice %min3A_451 {offsets = [11], sizes = [1], strides = [1]} : vector<16xi32> to vector<1xi32>
      %squeeze3A_473 = vector.extract %slice3A_472[0] : i32 from vector<1xi32>
      %slice3A_474 = vector.extract_strided_slice %min3A_451 {offsets = [12], sizes = [1], strides = [1]} : vector<16xi32> to vector<1xi32>
      %squeeze3A_475 = vector.extract %slice3A_474[0] : i32 from vector<1xi32>
      %slice3A_476 = vector.extract_strided_slice %min3A_451 {offsets = [13], sizes = [1], strides = [1]} : vector<16xi32> to vector<1xi32>
      %squeeze3A_477 = vector.extract %slice3A_476[0] : i32 from vector<1xi32>
      %slice3A_478 = vector.extract_strided_slice %min3A_451 {offsets = [14], sizes = [1], strides = [1]} : vector<16xi32> to vector<1xi32>
      %squeeze3A_479 = vector.extract %slice3A_478[0] : i32 from vector<1xi32>
      %slice3A_480 = vector.extract_strided_slice %min3A_451 {offsets = [15], sizes = [1], strides = [1]} : vector<16xi32> to vector<1xi32>
      %squeeze3A_481 = vector.extract %slice3A_480[0] : i32 from vector<1xi32>
      %min3A_482 = arith.minsi %squeeze3A, %squeeze3A_453 : i32
      %min3A_483 = arith.minsi %min3A_482, %squeeze3A_455 : i32
      %min3A_484 = arith.minsi %min3A_483, %squeeze3A_457 : i32
      %min3A_485 = arith.minsi %min3A_484, %squeeze3A_459 : i32
      %min3A_486 = arith.minsi %min3A_485, %squeeze3A_461 : i32
      %min3A_487 = arith.minsi %min3A_486, %squeeze3A_463 : i32
      %min3A_488 = arith.minsi %min3A_487, %squeeze3A_465 : i32
      %min3A_489 = arith.minsi %min3A_488, %squeeze3A_467 : i32
      %min3A_490 = arith.minsi %min3A_489, %squeeze3A_469 : i32
      %min3A_491 = arith.minsi %min3A_490, %squeeze3A_471 : i32
      %min3A_492 = arith.minsi %min3A_491, %squeeze3A_473 : i32
      %min3A_493 = arith.minsi %min3A_492, %squeeze3A_475 : i32
      %min3A_494 = arith.minsi %min3A_493, %squeeze3A_477 : i32
      %min3A_495 = arith.minsi %min3A_494, %squeeze3A_479 : i32
      %min3A_496 = arith.minsi %min3A_495, %squeeze3A_481 : i32
      %eq3A = arith.constant 0 : i32
      %eq3A_497 = arith.cmpi eq, %min3A_496, %eq3A : i32
      %convert_element_type3A = arith.extui %eq3A_497 : i1 to i32
      %cond3A = arith.constant 0 : i32
      %cond3A_498 = arith.cmpi ne, %convert_element_type3A, %cond3A : i32
      scf.if %cond3A_498 {
        %scan3A_931 = arith.constant 0 : i32
        %scan3A_932 = arith.constant 0 : i32
        %scan3A_933 = arith.constant 32 : i32
        %scan3A_934 = arith.addi %scan3A_932, %scan3A_933 : i32
        %scan3A_935 = arith.constant 1 : i32
        scf.for %scan3A_937 = %scan3A_932 to %scan3A_934 step %scan3A_935  : i32 {
          %jit3A = arith.constant 8 : i32
          %div3A = arith.divsi %scan3A_937, %jit3A : i32
          %sign3A = arith.constant 0 : i32
          %sign3A_938 = arith.cmpi sgt, %scan3A_937, %sign3A : i32
          %sign3A_939 = arith.extui %sign3A_938 : i1 to i32
          %sign3A_940 = arith.constant 0 : i32
          %sign3A_941 = arith.cmpi slt, %scan3A_937, %sign3A_940 : i32
          %sign3A_942 = arith.extui %sign3A_941 : i1 to i32
          %sign3A_943 = arith.subi %sign3A_939, %sign3A_942 : i32
          %sign3A_944 = arith.constant 0 : i32
          %sign3A_945 = arith.cmpi sgt, %jit3A, %sign3A_944 : i32
          %sign3A_946 = arith.extui %sign3A_945 : i1 to i32
          %sign3A_947 = arith.constant 0 : i32
          %sign3A_948 = arith.cmpi slt, %jit3A, %sign3A_947 : i32
          %sign3A_949 = arith.extui %sign3A_948 : i1 to i32
          %sign3A_950 = arith.subi %sign3A_946, %sign3A_949 : i32
          %ne3A = arith.cmpi ne, %sign3A_943, %sign3A_950 : i32
          %rem3A = arith.remsi %scan3A_937, %jit3A : i32
          %ne3A_951 = arith.constant 0 : i32
          %ne3A_952 = arith.cmpi ne, %rem3A, %ne3A_951 : i32
          %and3A_953 = arith.andi %ne3A, %ne3A_952 : i1
          %sub3A = arith.constant 1 : i32
          %sub3A_954 = arith.subi %div3A, %sub3A : i32
          %select_n3A = arith.select %and3A_953, %sub3A_954, %div3A : i32
          %jit3A_955 = arith.constant 8 : i32
          %eq3A_956 = arith.constant 0 : i32
          %eq3A_957 = arith.cmpi eq, %jit3A_955, %eq3A_956 : i32
          %jit3A_958 = arith.constant 1 : i32
          %select_n3A_959 = arith.select %eq3A_957, %jit3A_958, %jit3A_955 : i32
          %rem3A_960 = arith.remsi %scan3A_937, %select_n3A_959 : i32
          %ne3A_961 = arith.constant 0 : i32
          %ne3A_962 = arith.cmpi ne, %rem3A_960, %ne3A_961 : i32
          %lt3A_963 = arith.constant 0 : i32
          %lt3A_964 = arith.cmpi slt, %rem3A_960, %lt3A_963 : i32
          %lt3A_965 = arith.constant 0 : i32
          %lt3A_966 = arith.cmpi slt, %select_n3A_959, %lt3A_965 : i32
          %ne3A_967 = arith.xori %lt3A_964, %lt3A_966 : i1
          %and3A_968 = arith.andi %ne3A_967, %ne3A_962 : i1
          %add3A_969 = arith.addi %rem3A_960, %select_n3A_959 : i32
          %select_n3A_970 = arith.select %and3A_968, %add3A_969, %rem3A_960 : i32
          %mul3A_971 = arith.constant 4 : i32
          %mul3A_972 = arith.muli %add3A_114, %mul3A_971 : i32
          %add3A_973 = arith.addi %mul3A_972, %select_n3A : i32
          %mul3A_974 = arith.constant 16 : i32
          %mul3A_975 = arith.muli %select_n3A_970, %mul3A_974 : i32
          %get3A_976 = arith.index_cast %add3A_973 : i32 to index
          %get3A_977 = arith.index_cast %mul3A_975 : i32 to index
          %get3A_978 = tpu.vector_load %arg5[%get3A_976, %get3A_977] {strides = array<i32>} : memref<200x128xi32, #tpu.memory_space<vmem>>, vector<1x16xi32>,
          %get3A_979 = vector.shape_cast %get3A_978 : vector<1x16xi32> to vector<16xi32>
          %eq3A_980 = arith.constant 0 : i32
          %eq3A_981 = vector.broadcast %eq3A_980 : i32 to vector<16xi32>
          %eq3A_982 = arith.cmpi eq, %get3A_979, %eq3A_981 : vector<16xi32>
          %jit3A_983 = arith.constant 0.000000e+00 : f32
          %jit3A_984 = arith.constant 1.000000e+00 : f32
          %broadcast_in_dim3A = vector.broadcast %jit3A_983 : f32 to vector<16xf32>
          %broadcast_in_dim3A_985 = vector.broadcast %jit3A_984 : f32 to vector<16xf32>
          %select_n3A_986 = arith.select %eq3A_982, %broadcast_in_dim3A, %broadcast_in_dim3A_985 : vector<16xi1>, vector<16xf32>
          %slice3A_987 = vector.extract_strided_slice %select_n3A_986 {offsets = [0], sizes = [1], strides = [1]} : vector<16xf32> to vector<1xf32>
          %squeeze3A_988 = vector.extract %slice3A_987[0] : f32 from vector<1xf32>
          %mul3A_989 = arith.constant 16 : i32
          %mul3A_990 = arith.muli %scan3A_937, %mul3A_989 : i32
          %add3A_991 = arith.constant 0 : i32
          %add3A_992 = arith.addi %mul3A_990, %add3A_991 : i32
          %get3A_993 = arith.index_cast %add3A_992 : i32 to index
          %get3A_994 = arith.constant 0 : index
          %get3A_995 = tpu.vector_load %arg6[%get3A_993, %get3A_994] {strides = array<i32>} : memref<512x64xf32, #tpu.memory_space<vmem>>, vector<1x16xf32>,
          %get3A_996 = vector.shape_cast %get3A_995 : vector<1x16xf32> to vector<16xf32>
          %mul3A_997 = vector.broadcast %squeeze3A_988 : f32 to vector<16xf32>
          %mul3A_998 = arith.mulf %get3A_996, %mul3A_997 : vector<16xf32>
          %swap3A = arith.index_cast %add3A_992 : i32 to index
          %swap3A_999 = arith.constant 0 : index
          %swap3A_1000 = tpu.vector_load %arg6[%swap3A, %swap3A_999] {strides = array<i32>} : memref<512x64xf32, #tpu.memory_space<vmem>>, vector<1x16xf32>,
          %swap3A_1001 = vector.shape_cast %swap3A_1000 : vector<1x16xf32> to vector<16xf32>
          %swap3A_1002 = vector.shape_cast %mul3A_998 : vector<16xf32> to vector<1x16xf32>
          tpu.vector_store %arg6[%swap3A, %swap3A_999], %swap3A_1002 {strides = array<i32>} : memref<512x64xf32, #tpu.memory_space<vmem>>, vector<1x16xf32>,
          %get3A_1003 = arith.index_cast %add3A_992 : i32 to index
          %get3A_1004 = arith.constant 16 : index
          %get3A_1005 = tpu.vector_load %arg6[%get3A_1003, %get3A_1004] {strides = array<i32>} : memref<512x64xf32, #tpu.memory_space<vmem>>, vector<1x16xf32>,
          %get3A_1006 = vector.shape_cast %get3A_1005 : vector<1x16xf32> to vector<16xf32>
          %mul3A_1007 = vector.broadcast %squeeze3A_988 : f32 to vector<16xf32>
          %mul3A_1008 = arith.mulf %get3A_1006, %mul3A_1007 : vector<16xf32>
          %swap3A_1009 = arith.index_cast %add3A_992 : i32 to index
          %swap3A_1010 = arith.constant 16 : index
          %swap3A_1011 = tpu.vector_load %arg6[%swap3A_1009, %swap3A_1010] {strides = array<i32>} : memref<512x64xf32, #tpu.memory_space<vmem>>, vector<1x16xf32>,
          %swap3A_1012 = vector.shape_cast %swap3A_1011 : vector<1x16xf32> to vector<16xf32>
          %swap3A_1013 = vector.shape_cast %mul3A_1008 : vector<16xf32> to vector<1x16xf32>
          tpu.vector_store %arg6[%swap3A_1009, %swap3A_1010], %swap3A_1013 {strides = array<i32>} : memref<512x64xf32, #tpu.memory_space<vmem>>, vector<1x16xf32>,
          %get3A_1014 = arith.index_cast %add3A_992 : i32 to index
          %get3A_1015 = arith.constant 32 : index
          %get3A_1016 = tpu.vector_load %arg6[%get3A_1014, %get3A_1015] {strides = array<i32>} : memref<512x64xf32, #tpu.memory_space<vmem>>, vector<1x16xf32>,
          %get3A_1017 = vector.shape_cast %get3A_1016 : vector<1x16xf32> to vector<16xf32>
          %mul3A_1018 = vector.broadcast %squeeze3A_988 : f32 to vector<16xf32>
          %mul3A_1019 = arith.mulf %get3A_1017, %mul3A_1018 : vector<16xf32>
          %swap3A_1020 = arith.index_cast %add3A_992 : i32 to index
          %swap3A_1021 = arith.constant 32 : index
          %swap3A_1022 = tpu.vector_load %arg6[%swap3A_1020, %swap3A_1021] {strides = array<i32>} : memref<512x64xf32, #tpu.memory_space<vmem>>, vector<1x16xf32>,
          %swap3A_1023 = vector.shape_cast %swap3A_1022 : vector<1x16xf32> to vector<16xf32>
          %swap3A_1024 = vector.shape_cast %mul3A_1019 : vector<16xf32> to vector<1x16xf32>
          tpu.vector_store %arg6[%swap3A_1020, %swap3A_1021], %swap3A_1024 {strides = array<i32>} : memref<512x64xf32, #tpu.memory_space<vmem>>, vector<1x16xf32>,
          %get3A_1025 = arith.index_cast %add3A_992 : i32 to index
          %get3A_1026 = arith.constant 48 : index
          %get3A_1027 = tpu.vector_load %arg6[%get3A_1025, %get3A_1026] {strides = array<i32>} : memref<512x64xf32, #tpu.memory_space<vmem>>, vector<1x16xf32>,
          %get3A_1028 = vector.shape_cast %get3A_1027 : vector<1x16xf32> to vector<16xf32>
          %mul3A_1029 = vector.broadcast %squeeze3A_988 : f32 to vector<16xf32>
          %mul3A_1030 = arith.mulf %get3A_1028, %mul3A_1029 : vector<16xf32>
          %swap3A_1031 = arith.index_cast %add3A_992 : i32 to index
          %swap3A_1032 = arith.constant 48 : index
          %swap3A_1033 = tpu.vector_load %arg6[%swap3A_1031, %swap3A_1032] {strides = array<i32>} : memref<512x64xf32, #tpu.memory_space<vmem>>, vector<1x16xf32>,
          %swap3A_1034 = vector.shape_cast %swap3A_1033 : vector<1x16xf32> to vector<16xf32>
          %swap3A_1035 = vector.shape_cast %mul3A_1030 : vector<16xf32> to vector<1x16xf32>
          tpu.vector_store %arg6[%swap3A_1031, %swap3A_1032], %swap3A_1035 {strides = array<i32>} : memref<512x64xf32, #tpu.memory_space<vmem>>, vector<1x16xf32>,
          %slice3A_1036 = vector.extract_strided_slice %select_n3A_986 {offsets = [1], sizes = [1], strides = [1]} : vector<16xf32> to vector<1xf32>
          %squeeze3A_1037 = vector.extract %slice3A_1036[0] : f32 from vector<1xf32>
          %mul3A_1038 = arith.constant 16 : i32
          %mul3A_1039 = arith.muli %scan3A_937, %mul3A_1038 : i32
          %add3A_1040 = arith.constant 1 : i32
          %add3A_1041 = arith.addi %mul3A_1039, %add3A_1040 : i32
          %get3A_1042 = arith.index_cast %add3A_1041 : i32 to index
          %get3A_1043 = arith.constant 0 : index
          %get3A_1044 = tpu.vector_load %arg6[%get3A_1042, %get3A_1043] {strides = array<i32>} : memref<512x64xf32, #tpu.memory_space<vmem>>, vector<1x16xf32>,
          %get3A_1045 = vector.shape_cast %get3A_1044 : vector<1x16xf32> to vector<16xf32>
          %mul3A_1046 = vector.broadcast %squeeze3A_1037 : f32 to vector<16xf32>
          %mul3A_1047 = arith.mulf %get3A_1045, %mul3A_1046 : vector<16xf32>
          %swap3A_1048 = arith.index_cast %add3A_1041 : i32 to index
          %swap3A_1049 = arith.constant 0 : index
          %swap3A_1050 = tpu.vector_load %arg6[%swap3A_1048, %swap3A_1049] {strides = array<i32>} : memref<512x64xf32, #tpu.memory_space<vmem>>, vector<1x16xf32>,
          %swap3A_1051 = vector.shape_cast %swap3A_1050 : vector<1x16xf32> to vector<16xf32>
          %swap3A_1052 = vector.shape_cast %mul3A_1047 : vector<16xf32> to vector<1x16xf32>
          tpu.vector_store %arg6[%swap3A_1048, %swap3A_1049], %swap3A_1052 {strides = array<i32>} : memref<512x64xf32, #tpu.memory_space<vmem>>, vector<1x16xf32>,
          %get3A_1053 = arith.index_cast %add3A_1041 : i32 to index
          %get3A_1054 = arith.constant 16 : index
          %get3A_1055 = tpu.vector_load %arg6[%get3A_1053, %get3A_1054] {strides = array<i32>} : memref<512x64xf32, #tpu.memory_space<vmem>>, vector<1x16xf32>,
          %get3A_1056 = vector.shape_cast %get3A_1055 : vector<1x16xf32> to vector<16xf32>
          %mul3A_1057 = vector.broadcast %squeeze3A_1037 : f32 to vector<16xf32>
          %mul3A_1058 = arith.mulf %get3A_1056, %mul3A_1057 : vector<16xf32>
          %swap3A_1059 = arith.index_cast %add3A_1041 : i32 to index
          %swap3A_1060 = arith.constant 16 : index
          %swap3A_1061 = tpu.vector_load %arg6[%swap3A_1059, %swap3A_1060] {strides = array<i32>} : memref<512x64xf32, #tpu.memory_space<vmem>>, vector<1x16xf32>,
          %swap3A_1062 = vector.shape_cast %swap3A_1061 : vector<1x16xf32> to vector<16xf32>
          %swap3A_1063 = vector.shape_cast %mul3A_1058 : vector<16xf32> to vector<1x16xf32>
          tpu.vector_store %arg6[%swap3A_1059, %swap3A_1060], %swap3A_1063 {strides = array<i32>} : memref<512x64xf32, #tpu.memory_space<vmem>>, vector<1x16xf32>,
          %get3A_1064 = arith.index_cast %add3A_1041 : i32 to index
          %get3A_1065 = arith.constant 32 : index
          %get3A_1066 = tpu.vector_load %arg6[%get3A_1064, %get3A_1065] {strides = array<i32>} : memref<512x64xf32, #tpu.memory_space<vmem>>, vector<1x16xf32>,
          %get3A_1067 = vector.shape_cast %get3A_1066 : vector<1x16xf32> to vector<16xf32>
          %mul3A_1068 = vector.broadcast %squeeze3A_1037 : f32 to vector<16xf32>
          %mul3A_1069 = arith.mulf %get3A_1067, %mul3A_1068 : vector<16xf32>
          %swap3A_1070 = arith.index_cast %add3A_1041 : i32 to index
          %swap3A_1071 = arith.constant 32 : index
          %swap3A_1072 = tpu.vector_load %arg6[%swap3A_1070, %swap3A_1071] {strides = array<i32>} : memref<512x64xf32, #tpu.memory_space<vmem>>, vector<1x16xf32>,
          %swap3A_1073 = vector.shape_cast %swap3A_1072 : vector<1x16xf32> to vector<16xf32>
          %swap3A_1074 = vector.shape_cast %mul3A_1069 : vector<16xf32> to vector<1x16xf32>
          tpu.vector_store %arg6[%swap3A_1070, %swap3A_1071], %swap3A_1074 {strides = array<i32>} : memref<512x64xf32, #tpu.memory_space<vmem>>, vector<1x16xf32>,
          %get3A_1075 = arith.index_cast %add3A_1041 : i32 to index
          %get3A_1076 = arith.constant 48 : index
          %get3A_1077 = tpu.vector_load %arg6[%get3A_1075, %get3A_1076] {strides = array<i32>} : memref<512x64xf32, #tpu.memory_space<vmem>>, vector<1x16xf32>,
          %get3A_1078 = vector.shape_cast %get3A_1077 : vector<1x16xf32> to vector<16xf32>
          %mul3A_1079 = vector.broadcast %squeeze3A_1037 : f32 to vector<16xf32>
          %mul3A_1080 = arith.mulf %get3A_1078, %mul3A_1079 : vector<16xf32>
          %swap3A_1081 = arith.index_cast %add3A_1041 : i32 to index
          %swap3A_1082 = arith.constant 48 : index
          %swap3A_1083 = tpu.vector_load %arg6[%swap3A_1081, %swap3A_1082] {strides = array<i32>} : memref<512x64xf32, #tpu.memory_space<vmem>>, vector<1x16xf32>,
          %swap3A_1084 = vector.shape_cast %swap3A_1083 : vector<1x16xf32> to vector<16xf32>
          %swap3A_1085 = vector.shape_cast %mul3A_1080 : vector<16xf32> to vector<1x16xf32>
          tpu.vector_store %arg6[%swap3A_1081, %swap3A_1082], %swap3A_1085 {strides = array<i32>} : memref<512x64xf32, #tpu.memory_space<vmem>>, vector<1x16xf32>,
          %slice3A_1086 = vector.extract_strided_slice %select_n3A_986 {offsets = [2], sizes = [1], strides = [1]} : vector<16xf32> to vector<1xf32>
          %squeeze3A_1087 = vector.extract %slice3A_1086[0] : f32 from vector<1xf32>
          %mul3A_1088 = arith.constant 16 : i32
          %mul3A_1089 = arith.muli %scan3A_937, %mul3A_1088 : i32
          %add3A_1090 = arith.constant 2 : i32
          %add3A_1091 = arith.addi %mul3A_1089, %add3A_1090 : i32
          %get3A_1092 = arith.index_cast %add3A_1091 : i32 to index
          %get3A_1093 = arith.constant 0 : index
          %get3A_1094 = tpu.vector_load %arg6[%get3A_1092, %get3A_1093] {strides = array<i32>} : memref<512x64xf32, #tpu.memory_space<vmem>>, vector<1x16xf32>,
          %get3A_1095 = vector.shape_cast %get3A_1094 : vector<1x16xf32> to vector<16xf32>
          %mul3A_1096 = vector.broadcast %squeeze3A_1087 : f32 to vector<16xf32>
          %mul3A_1097 = arith.mulf %get3A_1095, %mul3A_1096 : vector<16xf32>
          %swap3A_1098 = arith.index_cast %add3A_1091 : i32 to index
          %swap3A_1099 = arith.constant 0 : index
          %swap3A_1100 = tpu.vector_load %arg6[%swap3A_1098, %swap3A_1099] {strides = array<i32>} : memref<512x64xf32, #tpu.memory_space<vmem>>, vector<1x16xf32>,
          %swap3A_1101 = vector.shape_cast %swap3A_1100 : vector<1x16xf32> to vector<16xf32>
          %swap3A_1102 = vector.shape_cast %mul3A_1097 : vector<16xf32> to vector<1x16xf32>
          tpu.vector_store %arg6[%swap3A_1098, %swap3A_1099], %swap3A_1102 {strides = array<i32>} : memref<512x64xf32, #tpu.memory_space<vmem>>, vector<1x16xf32>,
          %get3A_1103 = arith.index_cast %add3A_1091 : i32 to index
          %get3A_1104 = arith.constant 16 : index
          %get3A_1105 = tpu.vector_load %arg6[%get3A_1103, %get3A_1104] {strides = array<i32>} : memref<512x64xf32, #tpu.memory_space<vmem>>, vector<1x16xf32>,
          %get3A_1106 = vector.shape_cast %get3A_1105 : vector<1x16xf32> to vector<16xf32>
          %mul3A_1107 = vector.broadcast %squeeze3A_1087 : f32 to vector<16xf32>
          %mul3A_1108 = arith.mulf %get3A_1106, %mul3A_1107 : vector<16xf32>
          %swap3A_1109 = arith.index_cast %add3A_1091 : i32 to index
          %swap3A_1110 = arith.constant 16 : index
          %swap3A_1111 = tpu.vector_load %arg6[%swap3A_1109, %swap3A_1110] {strides = array<i32>} : memref<512x64xf32, #tpu.memory_space<vmem>>, vector<1x16xf32>,
          %swap3A_1112 = vector.shape_cast %swap3A_1111 : vector<1x16xf32> to vector<16xf32>
          %swap3A_1113 = vector.shape_cast %mul3A_1108 : vector<16xf32> to vector<1x16xf32>
          tpu.vector_store %arg6[%swap3A_1109, %swap3A_1110], %swap3A_1113 {strides = array<i32>} : memref<512x64xf32, #tpu.memory_space<vmem>>, vector<1x16xf32>,
          %get3A_1114 = arith.index_cast %add3A_1091 : i32 to index
          %get3A_1115 = arith.constant 32 : index
          %get3A_1116 = tpu.vector_load %arg6[%get3A_1114, %get3A_1115] {strides = array<i32>} : memref<512x64xf32, #tpu.memory_space<vmem>>, vector<1x16xf32>,
          %get3A_1117 = vector.shape_cast %get3A_1116 : vector<1x16xf32> to vector<16xf32>
          %mul3A_1118 = vector.broadcast %squeeze3A_1087 : f32 to vector<16xf32>
          %mul3A_1119 = arith.mulf %get3A_1117, %mul3A_1118 : vector<16xf32>
          %swap3A_1120 = arith.index_cast %add3A_1091 : i32 to index
          %swap3A_1121 = arith.constant 32 : index
          %swap3A_1122 = tpu.vector_load %arg6[%swap3A_1120, %swap3A_1121] {strides = array<i32>} : memref<512x64xf32, #tpu.memory_space<vmem>>, vector<1x16xf32>,
          %swap3A_1123 = vector.shape_cast %swap3A_1122 : vector<1x16xf32> to vector<16xf32>
          %swap3A_1124 = vector.shape_cast %mul3A_1119 : vector<16xf32> to vector<1x16xf32>
          tpu.vector_store %arg6[%swap3A_1120, %swap3A_1121], %swap3A_1124 {strides = array<i32>} : memref<512x64xf32, #tpu.memory_space<vmem>>, vector<1x16xf32>,
          %get3A_1125 = arith.index_cast %add3A_1091 : i32 to index
          %get3A_1126 = arith.constant 48 : index
          %get3A_1127 = tpu.vector_load %arg6[%get3A_1125, %get3A_1126] {strides = array<i32>} : memref<512x64xf32, #tpu.memory_space<vmem>>, vector<1x16xf32>,
          %get3A_1128 = vector.shape_cast %get3A_1127 : vector<1x16xf32> to vector<16xf32>
          %mul3A_1129 = vector.broadcast %squeeze3A_1087 : f32 to vector<16xf32>
          %mul3A_1130 = arith.mulf %get3A_1128, %mul3A_1129 : vector<16xf32>
          %swap3A_1131 = arith.index_cast %add3A_1091 : i32 to index
          %swap3A_1132 = arith.constant 48 : index
          %swap3A_1133 = tpu.vector_load %arg6[%swap3A_1131, %swap3A_1132] {strides = array<i32>} : memref<512x64xf32, #tpu.memory_space<vmem>>, vector<1x16xf32>,
          %swap3A_1134 = vector.shape_cast %swap3A_1133 : vector<1x16xf32> to vector<16xf32>
          %swap3A_1135 = vector.shape_cast %mul3A_1130 : vector<16xf32> to vector<1x16xf32>
          tpu.vector_store %arg6[%swap3A_1131, %swap3A_1132], %swap3A_1135 {strides = array<i32>} : memref<512x64xf32, #tpu.memory_space<vmem>>, vector<1x16xf32>,
          %slice3A_1136 = vector.extract_strided_slice %select_n3A_986 {offsets = [3], sizes = [1], strides = [1]} : vector<16xf32> to vector<1xf32>
          %squeeze3A_1137 = vector.extract %slice3A_1136[0] : f32 from vector<1xf32>
          %mul3A_1138 = arith.constant 16 : i32
          %mul3A_1139 = arith.muli %scan3A_937, %mul3A_1138 : i32
          %add3A_1140 = arith.constant 3 : i32
          %add3A_1141 = arith.addi %mul3A_1139, %add3A_1140 : i32
          %get3A_1142 = arith.index_cast %add3A_1141 : i32 to index
          %get3A_1143 = arith.constant 0 : index
          %get3A_1144 = tpu.vector_load %arg6[%get3A_1142, %get3A_1143] {strides = array<i32>} : memref<512x64xf32, #tpu.memory_space<vmem>>, vector<1x16xf32>,
          %get3A_1145 = vector.shape_cast %get3A_1144 : vector<1x16xf32> to vector<16xf32>
          %mul3A_1146 = vector.broadcast %squeeze3A_1137 : f32 to vector<16xf32>
          %mul3A_1147 = arith.mulf %get3A_1145, %mul3A_1146 : vector<16xf32>
          %swap3A_1148 = arith.index_cast %add3A_1141 : i32 to index
          %swap3A_1149 = arith.constant 0 : index
          %swap3A_1150 = tpu.vector_load %arg6[%swap3A_1148, %swap3A_1149] {strides = array<i32>} : memref<512x64xf32, #tpu.memory_space<vmem>>, vector<1x16xf32>,
          %swap3A_1151 = vector.shape_cast %swap3A_1150 : vector<1x16xf32> to vector<16xf32>
          %swap3A_1152 = vector.shape_cast %mul3A_1147 : vector<16xf32> to vector<1x16xf32>
          tpu.vector_store %arg6[%swap3A_1148, %swap3A_1149], %swap3A_1152 {strides = array<i32>} : memref<512x64xf32, #tpu.memory_space<vmem>>, vector<1x16xf32>,
          %get3A_1153 = arith.index_cast %add3A_1141 : i32 to index
          %get3A_1154 = arith.constant 16 : index
          %get3A_1155 = tpu.vector_load %arg6[%get3A_1153, %get3A_1154] {strides = array<i32>} : memref<512x64xf32, #tpu.memory_space<vmem>>, vector<1x16xf32>,
          %get3A_1156 = vector.shape_cast %get3A_1155 : vector<1x16xf32> to vector<16xf32>
          %mul3A_1157 = vector.broadcast %squeeze3A_1137 : f32 to vector<16xf32>
          %mul3A_1158 = arith.mulf %get3A_1156, %mul3A_1157 : vector<16xf32>
          %swap3A_1159 = arith.index_cast %add3A_1141 : i32 to index
          %swap3A_1160 = arith.constant 16 : index
          %swap3A_1161 = tpu.vector_load %arg6[%swap3A_1159, %swap3A_1160] {strides = array<i32>} : memref<512x64xf32, #tpu.memory_space<vmem>>, vector<1x16xf32>,
          %swap3A_1162 = vector.shape_cast %swap3A_1161 : vector<1x16xf32> to vector<16xf32>
          %swap3A_1163 = vector.shape_cast %mul3A_1158 : vector<16xf32> to vector<1x16xf32>
          tpu.vector_store %arg6[%swap3A_1159, %swap3A_1160], %swap3A_1163 {strides = array<i32>} : memref<512x64xf32, #tpu.memory_space<vmem>>, vector<1x16xf32>,
          %get3A_1164 = arith.index_cast %add3A_1141 : i32 to index
          %get3A_1165 = arith.constant 32 : index
          %get3A_1166 = tpu.vector_load %arg6[%get3A_1164, %get3A_1165] {strides = array<i32>} : memref<512x64xf32, #tpu.memory_space<vmem>>, vector<1x16xf32>,
          %get3A_1167 = vector.shape_cast %get3A_1166 : vector<1x16xf32> to vector<16xf32>
          %mul3A_1168 = vector.broadcast %squeeze3A_1137 : f32 to vector<16xf32>
          %mul3A_1169 = arith.mulf %get3A_1167, %mul3A_1168 : vector<16xf32>
          %swap3A_1170 = arith.index_cast %add3A_1141 : i32 to index
          %swap3A_1171 = arith.constant 32 : index
          %swap3A_1172 = tpu.vector_load %arg6[%swap3A_1170, %swap3A_1171] {strides = array<i32>} : memref<512x64xf32, #tpu.memory_space<vmem>>, vector<1x16xf32>,
          %swap3A_1173 = vector.shape_cast %swap3A_1172 : vector<1x16xf32> to vector<16xf32>
          %swap3A_1174 = vector.shape_cast %mul3A_1169 : vector<16xf32> to vector<1x16xf32>
          tpu.vector_store %arg6[%swap3A_1170, %swap3A_1171], %swap3A_1174 {strides = array<i32>} : memref<512x64xf32, #tpu.memory_space<vmem>>, vector<1x16xf32>,
          %get3A_1175 = arith.index_cast %add3A_1141 : i32 to index
          %get3A_1176 = arith.constant 48 : index
          %get3A_1177 = tpu.vector_load %arg6[%get3A_1175, %get3A_1176] {strides = array<i32>} : memref<512x64xf32, #tpu.memory_space<vmem>>, vector<1x16xf32>,
          %get3A_1178 = vector.shape_cast %get3A_1177 : vector<1x16xf32> to vector<16xf32>
          %mul3A_1179 = vector.broadcast %squeeze3A_1137 : f32 to vector<16xf32>
          %mul3A_1180 = arith.mulf %get3A_1178, %mul3A_1179 : vector<16xf32>
          %swap3A_1181 = arith.index_cast %add3A_1141 : i32 to index
          %swap3A_1182 = arith.constant 48 : index
          %swap3A_1183 = tpu.vector_load %arg6[%swap3A_1181, %swap3A_1182] {strides = array<i32>} : memref<512x64xf32, #tpu.memory_space<vmem>>, vector<1x16xf32>,
          %swap3A_1184 = vector.shape_cast %swap3A_1183 : vector<1x16xf32> to vector<16xf32>
          %swap3A_1185 = vector.shape_cast %mul3A_1180 : vector<16xf32> to vector<1x16xf32>
          tpu.vector_store %arg6[%swap3A_1181, %swap3A_1182], %swap3A_1185 {strides = array<i32>} : memref<512x64xf32, #tpu.memory_space<vmem>>, vector<1x16xf32>,
          %slice3A_1186 = vector.extract_strided_slice %select_n3A_986 {offsets = [4], sizes = [1], strides = [1]} : vector<16xf32> to vector<1xf32>
          %squeeze3A_1187 = vector.extract %slice3A_1186[0] : f32 from vector<1xf32>
          %mul3A_1188 = arith.constant 16 : i32
          %mul3A_1189 = arith.muli %scan3A_937, %mul3A_1188 : i32
          %add3A_1190 = arith.constant 4 : i32
          %add3A_1191 = arith.addi %mul3A_1189, %add3A_1190 : i32
          %get3A_1192 = arith.index_cast %add3A_1191 : i32 to index
          %get3A_1193 = arith.constant 0 : index
          %get3A_1194 = tpu.vector_load %arg6[%get3A_1192, %get3A_1193] {strides = array<i32>} : memref<512x64xf32, #tpu.memory_space<vmem>>, vector<1x16xf32>,
          %get3A_1195 = vector.shape_cast %get3A_1194 : vector<1x16xf32> to vector<16xf32>
          %mul3A_1196 = vector.broadcast %squeeze3A_1187 : f32 to vector<16xf32>
          %mul3A_1197 = arith.mulf %get3A_1195, %mul3A_1196 : vector<16xf32>
          %swap3A_1198 = arith.index_cast %add3A_1191 : i32 to index
          %swap3A_1199 = arith.constant 0 : index
          %swap3A_1200 = tpu.vector_load %arg6[%swap3A_1198, %swap3A_1199] {strides = array<i32>} : memref<512x64xf32, #tpu.memory_space<vmem>>, vector<1x16xf32>,
          %swap3A_1201 = vector.shape_cast %swap3A_1200 : vector<1x16xf32> to vector<16xf32>
          %swap3A_1202 = vector.shape_cast %mul3A_1197 : vector<16xf32> to vector<1x16xf32>
          tpu.vector_store %arg6[%swap3A_1198, %swap3A_1199], %swap3A_1202 {strides = array<i32>} : memref<512x64xf32, #tpu.memory_space<vmem>>, vector<1x16xf32>,
          %get3A_1203 = arith.index_cast %add3A_1191 : i32 to index
          %get3A_1204 = arith.constant 16 : index
          %get3A_1205 = tpu.vector_load %arg6[%get3A_1203, %get3A_1204] {strides = array<i32>} : memref<512x64xf32, #tpu.memory_space<vmem>>, vector<1x16xf32>,
          %get3A_1206 = vector.shape_cast %get3A_1205 : vector<1x16xf32> to vector<16xf32>
          %mul3A_1207 = vector.broadcast %squeeze3A_1187 : f32 to vector<16xf32>
          %mul3A_1208 = arith.mulf %get3A_1206, %mul3A_1207 : vector<16xf32>
          %swap3A_1209 = arith.index_cast %add3A_1191 : i32 to index
          %swap3A_1210 = arith.constant 16 : index
          %swap3A_1211 = tpu.vector_load %arg6[%swap3A_1209, %swap3A_1210] {strides = array<i32>} : memref<512x64xf32, #tpu.memory_space<vmem>>, vector<1x16xf32>,
          %swap3A_1212 = vector.shape_cast %swap3A_1211 : vector<1x16xf32> to vector<16xf32>
          %swap3A_1213 = vector.shape_cast %mul3A_1208 : vector<16xf32> to vector<1x16xf32>
          tpu.vector_store %arg6[%swap3A_1209, %swap3A_1210], %swap3A_1213 {strides = array<i32>} : memref<512x64xf32, #tpu.memory_space<vmem>>, vector<1x16xf32>,
          %get3A_1214 = arith.index_cast %add3A_1191 : i32 to index
          %get3A_1215 = arith.constant 32 : index
          %get3A_1216 = tpu.vector_load %arg6[%get3A_1214, %get3A_1215] {strides = array<i32>} : memref<512x64xf32, #tpu.memory_space<vmem>>, vector<1x16xf32>,
          %get3A_1217 = vector.shape_cast %get3A_1216 : vector<1x16xf32> to vector<16xf32>
          %mul3A_1218 = vector.broadcast %squeeze3A_1187 : f32 to vector<16xf32>
          %mul3A_1219 = arith.mulf %get3A_1217, %mul3A_1218 : vector<16xf32>
          %swap3A_1220 = arith.index_cast %add3A_1191 : i32 to index
          %swap3A_1221 = arith.constant 32 : index
          %swap3A_1222 = tpu.vector_load %arg6[%swap3A_1220, %swap3A_1221] {strides = array<i32>} : memref<512x64xf32, #tpu.memory_space<vmem>>, vector<1x16xf32>,
          %swap3A_1223 = vector.shape_cast %swap3A_1222 : vector<1x16xf32> to vector<16xf32>
          %swap3A_1224 = vector.shape_cast %mul3A_1219 : vector<16xf32> to vector<1x16xf32>
          tpu.vector_store %arg6[%swap3A_1220, %swap3A_1221], %swap3A_1224 {strides = array<i32>} : memref<512x64xf32, #tpu.memory_space<vmem>>, vector<1x16xf32>,
          %get3A_1225 = arith.index_cast %add3A_1191 : i32 to index
          %get3A_1226 = arith.constant 48 : index
          %get3A_1227 = tpu.vector_load %arg6[%get3A_1225, %get3A_1226] {strides = array<i32>} : memref<512x64xf32, #tpu.memory_space<vmem>>, vector<1x16xf32>,
          %get3A_1228 = vector.shape_cast %get3A_1227 : vector<1x16xf32> to vector<16xf32>
          %mul3A_1229 = vector.broadcast %squeeze3A_1187 : f32 to vector<16xf32>
          %mul3A_1230 = arith.mulf %get3A_1228, %mul3A_1229 : vector<16xf32>
          %swap3A_1231 = arith.index_cast %add3A_1191 : i32 to index
          %swap3A_1232 = arith.constant 48 : index
          %swap3A_1233 = tpu.vector_load %arg6[%swap3A_1231, %swap3A_1232] {strides = array<i32>} : memref<512x64xf32, #tpu.memory_space<vmem>>, vector<1x16xf32>,
          %swap3A_1234 = vector.shape_cast %swap3A_1233 : vector<1x16xf32> to vector<16xf32>
          %swap3A_1235 = vector.shape_cast %mul3A_1230 : vector<16xf32> to vector<1x16xf32>
          tpu.vector_store %arg6[%swap3A_1231, %swap3A_1232], %swap3A_1235 {strides = array<i32>} : memref<512x64xf32, #tpu.memory_space<vmem>>, vector<1x16xf32>,
          %slice3A_1236 = vector.extract_strided_slice %select_n3A_986 {offsets = [5], sizes = [1], strides = [1]} : vector<16xf32> to vector<1xf32>
          %squeeze3A_1237 = vector.extract %slice3A_1236[0] : f32 from vector<1xf32>
          %mul3A_1238 = arith.constant 16 : i32
          %mul3A_1239 = arith.muli %scan3A_937, %mul3A_1238 : i32
          %add3A_1240 = arith.constant 5 : i32
          %add3A_1241 = arith.addi %mul3A_1239, %add3A_1240 : i32
          %get3A_1242 = arith.index_cast %add3A_1241 : i32 to index
          %get3A_1243 = arith.constant 0 : index
          %get3A_1244 = tpu.vector_load %arg6[%get3A_1242, %get3A_1243] {strides = array<i32>} : memref<512x64xf32, #tpu.memory_space<vmem>>, vector<1x16xf32>,
          %get3A_1245 = vector.shape_cast %get3A_1244 : vector<1x16xf32> to vector<16xf32>
          %mul3A_1246 = vector.broadcast %squeeze3A_1237 : f32 to vector<16xf32>
          %mul3A_1247 = arith.mulf %get3A_1245, %mul3A_1246 : vector<16xf32>
          %swap3A_1248 = arith.index_cast %add3A_1241 : i32 to index
          %swap3A_1249 = arith.constant 0 : index
          %swap3A_1250 = tpu.vector_load %arg6[%swap3A_1248, %swap3A_1249] {strides = array<i32>} : memref<512x64xf32, #tpu.memory_space<vmem>>, vector<1x16xf32>,
          %swap3A_1251 = vector.shape_cast %swap3A_1250 : vector<1x16xf32> to vector<16xf32>
          %swap3A_1252 = vector.shape_cast %mul3A_1247 : vector<16xf32> to vector<1x16xf32>
          tpu.vector_store %arg6[%swap3A_1248, %swap3A_1249], %swap3A_1252 {strides = array<i32>} : memref<512x64xf32, #tpu.memory_space<vmem>>, vector<1x16xf32>,
          %get3A_1253 = arith.index_cast %add3A_1241 : i32 to index
          %get3A_1254 = arith.constant 16 : index
          %get3A_1255 = tpu.vector_load %arg6[%get3A_1253, %get3A_1254] {strides = array<i32>} : memref<512x64xf32, #tpu.memory_space<vmem>>, vector<1x16xf32>,
          %get3A_1256 = vector.shape_cast %get3A_1255 : vector<1x16xf32> to vector<16xf32>
          %mul3A_1257 = vector.broadcast %squeeze3A_1237 : f32 to vector<16xf32>
          %mul3A_1258 = arith.mulf %get3A_1256, %mul3A_1257 : vector<16xf32>
          %swap3A_1259 = arith.index_cast %add3A_1241 : i32 to index
          %swap3A_1260 = arith.constant 16 : index
          %swap3A_1261 = tpu.vector_load %arg6[%swap3A_1259, %swap3A_1260] {strides = array<i32>} : memref<512x64xf32, #tpu.memory_space<vmem>>, vector<1x16xf32>,
          %swap3A_1262 = vector.shape_cast %swap3A_1261 : vector<1x16xf32> to vector<16xf32>
          %swap3A_1263 = vector.shape_cast %mul3A_1258 : vector<16xf32> to vector<1x16xf32>
          tpu.vector_store %arg6[%swap3A_1259, %swap3A_1260], %swap3A_1263 {strides = array<i32>} : memref<512x64xf32, #tpu.memory_space<vmem>>, vector<1x16xf32>,
          %get3A_1264 = arith.index_cast %add3A_1241 : i32 to index
          %get3A_1265 = arith.constant 32 : index
          %get3A_1266 = tpu.vector_load %arg6[%get3A_1264, %get3A_1265] {strides = array<i32>} : memref<512x64xf32, #tpu.memory_space<vmem>>, vector<1x16xf32>,
          %get3A_1267 = vector.shape_cast %get3A_1266 : vector<1x16xf32> to vector<16xf32>
          %mul3A_1268 = vector.broadcast %squeeze3A_1237 : f32 to vector<16xf32>
          %mul3A_1269 = arith.mulf %get3A_1267, %mul3A_1268 : vector<16xf32>
          %swap3A_1270 = arith.index_cast %add3A_1241 : i32 to index
          %swap3A_1271 = arith.constant 32 : index
          %swap3A_1272 = tpu.vector_load %arg6[%swap3A_1270, %swap3A_1271] {strides = array<i32>} : memref<512x64xf32, #tpu.memory_space<vmem>>, vector<1x16xf32>,
          %swap3A_1273 = vector.shape_cast %swap3A_1272 : vector<1x16xf32> to vector<16xf32>
          %swap3A_1274 = vector.shape_cast %mul3A_1269 : vector<16xf32> to vector<1x16xf32>
          tpu.vector_store %arg6[%swap3A_1270, %swap3A_1271], %swap3A_1274 {strides = array<i32>} : memref<512x64xf32, #tpu.memory_space<vmem>>, vector<1x16xf32>,
          %get3A_1275 = arith.index_cast %add3A_1241 : i32 to index
          %get3A_1276 = arith.constant 48 : index
          %get3A_1277 = tpu.vector_load %arg6[%get3A_1275, %get3A_1276] {strides = array<i32>} : memref<512x64xf32, #tpu.memory_space<vmem>>, vector<1x16xf32>,
          %get3A_1278 = vector.shape_cast %get3A_1277 : vector<1x16xf32> to vector<16xf32>
          %mul3A_1279 = vector.broadcast %squeeze3A_1237 : f32 to vector<16xf32>
          %mul3A_1280 = arith.mulf %get3A_1278, %mul3A_1279 : vector<16xf32>
          %swap3A_1281 = arith.index_cast %add3A_1241 : i32 to index
          %swap3A_1282 = arith.constant 48 : index
          %swap3A_1283 = tpu.vector_load %arg6[%swap3A_1281, %swap3A_1282] {strides = array<i32>} : memref<512x64xf32, #tpu.memory_space<vmem>>, vector<1x16xf32>,
          %swap3A_1284 = vector.shape_cast %swap3A_1283 : vector<1x16xf32> to vector<16xf32>
          %swap3A_1285 = vector.shape_cast %mul3A_1280 : vector<16xf32> to vector<1x16xf32>
          tpu.vector_store %arg6[%swap3A_1281, %swap3A_1282], %swap3A_1285 {strides = array<i32>} : memref<512x64xf32, #tpu.memory_space<vmem>>, vector<1x16xf32>,
          %slice3A_1286 = vector.extract_strided_slice %select_n3A_986 {offsets = [6], sizes = [1], strides = [1]} : vector<16xf32> to vector<1xf32>
          %squeeze3A_1287 = vector.extract %slice3A_1286[0] : f32 from vector<1xf32>
          %mul3A_1288 = arith.constant 16 : i32
          %mul3A_1289 = arith.muli %scan3A_937, %mul3A_1288 : i32
          %add3A_1290 = arith.constant 6 : i32
          %add3A_1291 = arith.addi %mul3A_1289, %add3A_1290 : i32
          %get3A_1292 = arith.index_cast %add3A_1291 : i32 to index
          %get3A_1293 = arith.constant 0 : index
          %get3A_1294 = tpu.vector_load %arg6[%get3A_1292, %get3A_1293] {strides = array<i32>} : memref<512x64xf32, #tpu.memory_space<vmem>>, vector<1x16xf32>,
          %get3A_1295 = vector.shape_cast %get3A_1294 : vector<1x16xf32> to vector<16xf32>
          %mul3A_1296 = vector.broadcast %squeeze3A_1287 : f32 to vector<16xf32>
          %mul3A_1297 = arith.mulf %get3A_1295, %mul3A_1296 : vector<16xf32>
          %swap3A_1298 = arith.index_cast %add3A_1291 : i32 to index
          %swap3A_1299 = arith.constant 0 : index
          %swap3A_1300 = tpu.vector_load %arg6[%swap3A_1298, %swap3A_1299] {strides = array<i32>} : memref<512x64xf32, #tpu.memory_space<vmem>>, vector<1x16xf32>,
          %swap3A_1301 = vector.shape_cast %swap3A_1300 : vector<1x16xf32> to vector<16xf32>
          %swap3A_1302 = vector.shape_cast %mul3A_1297 : vector<16xf32> to vector<1x16xf32>
          tpu.vector_store %arg6[%swap3A_1298, %swap3A_1299], %swap3A_1302 {strides = array<i32>} : memref<512x64xf32, #tpu.memory_space<vmem>>, vector<1x16xf32>,
          %get3A_1303 = arith.index_cast %add3A_1291 : i32 to index
          %get3A_1304 = arith.constant 16 : index
          %get3A_1305 = tpu.vector_load %arg6[%get3A_1303, %get3A_1304] {strides = array<i32>} : memref<512x64xf32, #tpu.memory_space<vmem>>, vector<1x16xf32>,
          %get3A_1306 = vector.shape_cast %get3A_1305 : vector<1x16xf32> to vector<16xf32>
          %mul3A_1307 = vector.broadcast %squeeze3A_1287 : f32 to vector<16xf32>
          %mul3A_1308 = arith.mulf %get3A_1306, %mul3A_1307 : vector<16xf32>
          %swap3A_1309 = arith.index_cast %add3A_1291 : i32 to index
          %swap3A_1310 = arith.constant 16 : index
          %swap3A_1311 = tpu.vector_load %arg6[%swap3A_1309, %swap3A_1310] {strides = array<i32>} : memref<512x64xf32, #tpu.memory_space<vmem>>, vector<1x16xf32>,
          %swap3A_1312 = vector.shape_cast %swap3A_1311 : vector<1x16xf32> to vector<16xf32>
          %swap3A_1313 = vector.shape_cast %mul3A_1308 : vector<16xf32> to vector<1x16xf32>
          tpu.vector_store %arg6[%swap3A_1309, %swap3A_1310], %swap3A_1313 {strides = array<i32>} : memref<512x64xf32, #tpu.memory_space<vmem>>, vector<1x16xf32>,
          %get3A_1314 = arith.index_cast %add3A_1291 : i32 to index
          %get3A_1315 = arith.constant 32 : index
          %get3A_1316 = tpu.vector_load %arg6[%get3A_1314, %get3A_1315] {strides = array<i32>} : memref<512x64xf32, #tpu.memory_space<vmem>>, vector<1x16xf32>,
          %get3A_1317 = vector.shape_cast %get3A_1316 : vector<1x16xf32> to vector<16xf32>
          %mul3A_1318 = vector.broadcast %squeeze3A_1287 : f32 to vector<16xf32>
          %mul3A_1319 = arith.mulf %get3A_1317, %mul3A_1318 : vector<16xf32>
          %swap3A_1320 = arith.index_cast %add3A_1291 : i32 to index
          %swap3A_1321 = arith.constant 32 : index
          %swap3A_1322 = tpu.vector_load %arg6[%swap3A_1320, %swap3A_1321] {strides = array<i32>} : memref<512x64xf32, #tpu.memory_space<vmem>>, vector<1x16xf32>,
          %swap3A_1323 = vector.shape_cast %swap3A_1322 : vector<1x16xf32> to vector<16xf32>
          %swap3A_1324 = vector.shape_cast %mul3A_1319 : vector<16xf32> to vector<1x16xf32>
          tpu.vector_store %arg6[%swap3A_1320, %swap3A_1321], %swap3A_1324 {strides = array<i32>} : memref<512x64xf32, #tpu.memory_space<vmem>>, vector<1x16xf32>,
          %get3A_1325 = arith.index_cast %add3A_1291 : i32 to index
          %get3A_1326 = arith.constant 48 : index
          %get3A_1327 = tpu.vector_load %arg6[%get3A_1325, %get3A_1326] {strides = array<i32>} : memref<512x64xf32, #tpu.memory_space<vmem>>, vector<1x16xf32>,
          %get3A_1328 = vector.shape_cast %get3A_1327 : vector<1x16xf32> to vector<16xf32>
          %mul3A_1329 = vector.broadcast %squeeze3A_1287 : f32 to vector<16xf32>
          %mul3A_1330 = arith.mulf %get3A_1328, %mul3A_1329 : vector<16xf32>
          %swap3A_1331 = arith.index_cast %add3A_1291 : i32 to index
          %swap3A_1332 = arith.constant 48 : index
          %swap3A_1333 = tpu.vector_load %arg6[%swap3A_1331, %swap3A_1332] {strides = array<i32>} : memref<512x64xf32, #tpu.memory_space<vmem>>, vector<1x16xf32>,
          %swap3A_1334 = vector.shape_cast %swap3A_1333 : vector<1x16xf32> to vector<16xf32>
          %swap3A_1335 = vector.shape_cast %mul3A_1330 : vector<16xf32> to vector<1x16xf32>
          tpu.vector_store %arg6[%swap3A_1331, %swap3A_1332], %swap3A_1335 {strides = array<i32>} : memref<512x64xf32, #tpu.memory_space<vmem>>, vector<1x16xf32>,
          %slice3A_1336 = vector.extract_strided_slice %select_n3A_986 {offsets = [7], sizes = [1], strides = [1]} : vector<16xf32> to vector<1xf32>
          %squeeze3A_1337 = vector.extract %slice3A_1336[0] : f32 from vector<1xf32>
          %mul3A_1338 = arith.constant 16 : i32
          %mul3A_1339 = arith.muli %scan3A_937, %mul3A_1338 : i32
          %add3A_1340 = arith.constant 7 : i32
          %add3A_1341 = arith.addi %mul3A_1339, %add3A_1340 : i32
          %get3A_1342 = arith.index_cast %add3A_1341 : i32 to index
          %get3A_1343 = arith.constant 0 : index
          %get3A_1344 = tpu.vector_load %arg6[%get3A_1342, %get3A_1343] {strides = array<i32>} : memref<512x64xf32, #tpu.memory_space<vmem>>, vector<1x16xf32>,
          %get3A_1345 = vector.shape_cast %get3A_1344 : vector<1x16xf32> to vector<16xf32>
          %mul3A_1346 = vector.broadcast %squeeze3A_1337 : f32 to vector<16xf32>
          %mul3A_1347 = arith.mulf %get3A_1345, %mul3A_1346 : vector<16xf32>
          %swap3A_1348 = arith.index_cast %add3A_1341 : i32 to index
          %swap3A_1349 = arith.constant 0 : index
          %swap3A_1350 = tpu.vector_load %arg6[%swap3A_1348, %swap3A_1349] {strides = array<i32>} : memref<512x64xf32, #tpu.memory_space<vmem>>, vector<1x16xf32>,
          %swap3A_1351 = vector.shape_cast %swap3A_1350 : vector<1x16xf32> to vector<16xf32>
          %swap3A_1352 = vector.shape_cast %mul3A_1347 : vector<16xf32> to vector<1x16xf32>
          tpu.vector_store %arg6[%swap3A_1348, %swap3A_1349], %swap3A_1352 {strides = array<i32>} : memref<512x64xf32, #tpu.memory_space<vmem>>, vector<1x16xf32>,
          %get3A_1353 = arith.index_cast %add3A_1341 : i32 to index
          %get3A_1354 = arith.constant 16 : index
          %get3A_1355 = tpu.vector_load %arg6[%get3A_1353, %get3A_1354] {strides = array<i32>} : memref<512x64xf32, #tpu.memory_space<vmem>>, vector<1x16xf32>,
          %get3A_1356 = vector.shape_cast %get3A_1355 : vector<1x16xf32> to vector<16xf32>
          %mul3A_1357 = vector.broadcast %squeeze3A_1337 : f32 to vector<16xf32>
          %mul3A_1358 = arith.mulf %get3A_1356, %mul3A_1357 : vector<16xf32>
          %swap3A_1359 = arith.index_cast %add3A_1341 : i32 to index
          %swap3A_1360 = arith.constant 16 : index
          %swap3A_1361 = tpu.vector_load %arg6[%swap3A_1359, %swap3A_1360] {strides = array<i32>} : memref<512x64xf32, #tpu.memory_space<vmem>>, vector<1x16xf32>,
          %swap3A_1362 = vector.shape_cast %swap3A_1361 : vector<1x16xf32> to vector<16xf32>
          %swap3A_1363 = vector.shape_cast %mul3A_1358 : vector<16xf32> to vector<1x16xf32>
          tpu.vector_store %arg6[%swap3A_1359, %swap3A_1360], %swap3A_1363 {strides = array<i32>} : memref<512x64xf32, #tpu.memory_space<vmem>>, vector<1x16xf32>,
          %get3A_1364 = arith.index_cast %add3A_1341 : i32 to index
          %get3A_1365 = arith.constant 32 : index
          %get3A_1366 = tpu.vector_load %arg6[%get3A_1364, %get3A_1365] {strides = array<i32>} : memref<512x64xf32, #tpu.memory_space<vmem>>, vector<1x16xf32>,
          %get3A_1367 = vector.shape_cast %get3A_1366 : vector<1x16xf32> to vector<16xf32>
          %mul3A_1368 = vector.broadcast %squeeze3A_1337 : f32 to vector<16xf32>
          %mul3A_1369 = arith.mulf %get3A_1367, %mul3A_1368 : vector<16xf32>
          %swap3A_1370 = arith.index_cast %add3A_1341 : i32 to index
          %swap3A_1371 = arith.constant 32 : index
          %swap3A_1372 = tpu.vector_load %arg6[%swap3A_1370, %swap3A_1371] {strides = array<i32>} : memref<512x64xf32, #tpu.memory_space<vmem>>, vector<1x16xf32>,
          %swap3A_1373 = vector.shape_cast %swap3A_1372 : vector<1x16xf32> to vector<16xf32>
          %swap3A_1374 = vector.shape_cast %mul3A_1369 : vector<16xf32> to vector<1x16xf32>
          tpu.vector_store %arg6[%swap3A_1370, %swap3A_1371], %swap3A_1374 {strides = array<i32>} : memref<512x64xf32, #tpu.memory_space<vmem>>, vector<1x16xf32>,
          %get3A_1375 = arith.index_cast %add3A_1341 : i32 to index
          %get3A_1376 = arith.constant 48 : index
          %get3A_1377 = tpu.vector_load %arg6[%get3A_1375, %get3A_1376] {strides = array<i32>} : memref<512x64xf32, #tpu.memory_space<vmem>>, vector<1x16xf32>,
          %get3A_1378 = vector.shape_cast %get3A_1377 : vector<1x16xf32> to vector<16xf32>
          %mul3A_1379 = vector.broadcast %squeeze3A_1337 : f32 to vector<16xf32>
          %mul3A_1380 = arith.mulf %get3A_1378, %mul3A_1379 : vector<16xf32>
          %swap3A_1381 = arith.index_cast %add3A_1341 : i32 to index
          %swap3A_1382 = arith.constant 48 : index
          %swap3A_1383 = tpu.vector_load %arg6[%swap3A_1381, %swap3A_1382] {strides = array<i32>} : memref<512x64xf32, #tpu.memory_space<vmem>>, vector<1x16xf32>,
          %swap3A_1384 = vector.shape_cast %swap3A_1383 : vector<1x16xf32> to vector<16xf32>
          %swap3A_1385 = vector.shape_cast %mul3A_1380 : vector<16xf32> to vector<1x16xf32>
          tpu.vector_store %arg6[%swap3A_1381, %swap3A_1382], %swap3A_1385 {strides = array<i32>} : memref<512x64xf32, #tpu.memory_space<vmem>>, vector<1x16xf32>,
          %slice3A_1386 = vector.extract_strided_slice %select_n3A_986 {offsets = [8], sizes = [1], strides = [1]} : vector<16xf32> to vector<1xf32>
          %squeeze3A_1387 = vector.extract %slice3A_1386[0] : f32 from vector<1xf32>
          %mul3A_1388 = arith.constant 16 : i32
          %mul3A_1389 = arith.muli %scan3A_937, %mul3A_1388 : i32
          %add3A_1390 = arith.constant 8 : i32
          %add3A_1391 = arith.addi %mul3A_1389, %add3A_1390 : i32
          %get3A_1392 = arith.index_cast %add3A_1391 : i32 to index
          %get3A_1393 = arith.constant 0 : index
          %get3A_1394 = tpu.vector_load %arg6[%get3A_1392, %get3A_1393] {strides = array<i32>} : memref<512x64xf32, #tpu.memory_space<vmem>>, vector<1x16xf32>,
          %get3A_1395 = vector.shape_cast %get3A_1394 : vector<1x16xf32> to vector<16xf32>
          %mul3A_1396 = vector.broadcast %squeeze3A_1387 : f32 to vector<16xf32>
          %mul3A_1397 = arith.mulf %get3A_1395, %mul3A_1396 : vector<16xf32>
          %swap3A_1398 = arith.index_cast %add3A_1391 : i32 to index
          %swap3A_1399 = arith.constant 0 : index
          %swap3A_1400 = tpu.vector_load %arg6[%swap3A_1398, %swap3A_1399] {strides = array<i32>} : memref<512x64xf32, #tpu.memory_space<vmem>>, vector<1x16xf32>,
          %swap3A_1401 = vector.shape_cast %swap3A_1400 : vector<1x16xf32> to vector<16xf32>
          %swap3A_1402 = vector.shape_cast %mul3A_1397 : vector<16xf32> to vector<1x16xf32>
          tpu.vector_store %arg6[%swap3A_1398, %swap3A_1399], %swap3A_1402 {strides = array<i32>} : memref<512x64xf32, #tpu.memory_space<vmem>>, vector<1x16xf32>,
          %get3A_1403 = arith.index_cast %add3A_1391 : i32 to index
          %get3A_1404 = arith.constant 16 : index
          %get3A_1405 = tpu.vector_load %arg6[%get3A_1403, %get3A_1404] {strides = array<i32>} : memref<512x64xf32, #tpu.memory_space<vmem>>, vector<1x16xf32>,
          %get3A_1406 = vector.shape_cast %get3A_1405 : vector<1x16xf32> to vector<16xf32>
          %mul3A_1407 = vector.broadcast %squeeze3A_1387 : f32 to vector<16xf32>
          %mul3A_1408 = arith.mulf %get3A_1406, %mul3A_1407 : vector<16xf32>
          %swap3A_1409 = arith.index_cast %add3A_1391 : i32 to index
          %swap3A_1410 = arith.constant 16 : index
          %swap3A_1411 = tpu.vector_load %arg6[%swap3A_1409, %swap3A_1410] {strides = array<i32>} : memref<512x64xf32, #tpu.memory_space<vmem>>, vector<1x16xf32>,
          %swap3A_1412 = vector.shape_cast %swap3A_1411 : vector<1x16xf32> to vector<16xf32>
          %swap3A_1413 = vector.shape_cast %mul3A_1408 : vector<16xf32> to vector<1x16xf32>
          tpu.vector_store %arg6[%swap3A_1409, %swap3A_1410], %swap3A_1413 {strides = array<i32>} : memref<512x64xf32, #tpu.memory_space<vmem>>, vector<1x16xf32>,
          %get3A_1414 = arith.index_cast %add3A_1391 : i32 to index
          %get3A_1415 = arith.constant 32 : index
          %get3A_1416 = tpu.vector_load %arg6[%get3A_1414, %get3A_1415] {strides = array<i32>} : memref<512x64xf32, #tpu.memory_space<vmem>>, vector<1x16xf32>,
          %get3A_1417 = vector.shape_cast %get3A_1416 : vector<1x16xf32> to vector<16xf32>
          %mul3A_1418 = vector.broadcast %squeeze3A_1387 : f32 to vector<16xf32>
          %mul3A_1419 = arith.mulf %get3A_1417, %mul3A_1418 : vector<16xf32>
          %swap3A_1420 = arith.index_cast %add3A_1391 : i32 to index
          %swap3A_1421 = arith.constant 32 : index
          %swap3A_1422 = tpu.vector_load %arg6[%swap3A_1420, %swap3A_1421] {strides = array<i32>} : memref<512x64xf32, #tpu.memory_space<vmem>>, vector<1x16xf32>,
          %swap3A_1423 = vector.shape_cast %swap3A_1422 : vector<1x16xf32> to vector<16xf32>
          %swap3A_1424 = vector.shape_cast %mul3A_1419 : vector<16xf32> to vector<1x16xf32>
          tpu.vector_store %arg6[%swap3A_1420, %swap3A_1421], %swap3A_1424 {strides = array<i32>} : memref<512x64xf32, #tpu.memory_space<vmem>>, vector<1x16xf32>,
          %get3A_1425 = arith.index_cast %add3A_1391 : i32 to index
          %get3A_1426 = arith.constant 48 : index
          %get3A_1427 = tpu.vector_load %arg6[%get3A_1425, %get3A_1426] {strides = array<i32>} : memref<512x64xf32, #tpu.memory_space<vmem>>, vector<1x16xf32>,
          %get3A_1428 = vector.shape_cast %get3A_1427 : vector<1x16xf32> to vector<16xf32>
          %mul3A_1429 = vector.broadcast %squeeze3A_1387 : f32 to vector<16xf32>
          %mul3A_1430 = arith.mulf %get3A_1428, %mul3A_1429 : vector<16xf32>
          %swap3A_1431 = arith.index_cast %add3A_1391 : i32 to index
          %swap3A_1432 = arith.constant 48 : index
          %swap3A_1433 = tpu.vector_load %arg6[%swap3A_1431, %swap3A_1432] {strides = array<i32>} : memref<512x64xf32, #tpu.memory_space<vmem>>, vector<1x16xf32>,
          %swap3A_1434 = vector.shape_cast %swap3A_1433 : vector<1x16xf32> to vector<16xf32>
          %swap3A_1435 = vector.shape_cast %mul3A_1430 : vector<16xf32> to vector<1x16xf32>
          tpu.vector_store %arg6[%swap3A_1431, %swap3A_1432], %swap3A_1435 {strides = array<i32>} : memref<512x64xf32, #tpu.memory_space<vmem>>, vector<1x16xf32>,
          %slice3A_1436 = vector.extract_strided_slice %select_n3A_986 {offsets = [9], sizes = [1], strides = [1]} : vector<16xf32> to vector<1xf32>
          %squeeze3A_1437 = vector.extract %slice3A_1436[0] : f32 from vector<1xf32>
          %mul3A_1438 = arith.constant 16 : i32
          %mul3A_1439 = arith.muli %scan3A_937, %mul3A_1438 : i32
          %add3A_1440 = arith.constant 9 : i32
          %add3A_1441 = arith.addi %mul3A_1439, %add3A_1440 : i32
          %get3A_1442 = arith.index_cast %add3A_1441 : i32 to index
          %get3A_1443 = arith.constant 0 : index
          %get3A_1444 = tpu.vector_load %arg6[%get3A_1442, %get3A_1443] {strides = array<i32>} : memref<512x64xf32, #tpu.memory_space<vmem>>, vector<1x16xf32>,
          %get3A_1445 = vector.shape_cast %get3A_1444 : vector<1x16xf32> to vector<16xf32>
          %mul3A_1446 = vector.broadcast %squeeze3A_1437 : f32 to vector<16xf32>
          %mul3A_1447 = arith.mulf %get3A_1445, %mul3A_1446 : vector<16xf32>
          %swap3A_1448 = arith.index_cast %add3A_1441 : i32 to index
          %swap3A_1449 = arith.constant 0 : index
          %swap3A_1450 = tpu.vector_load %arg6[%swap3A_1448, %swap3A_1449] {strides = array<i32>} : memref<512x64xf32, #tpu.memory_space<vmem>>, vector<1x16xf32>,
          %swap3A_1451 = vector.shape_cast %swap3A_1450 : vector<1x16xf32> to vector<16xf32>
          %swap3A_1452 = vector.shape_cast %mul3A_1447 : vector<16xf32> to vector<1x16xf32>
          tpu.vector_store %arg6[%swap3A_1448, %swap3A_1449], %swap3A_1452 {strides = array<i32>} : memref<512x64xf32, #tpu.memory_space<vmem>>, vector<1x16xf32>,
          %get3A_1453 = arith.index_cast %add3A_1441 : i32 to index
          %get3A_1454 = arith.constant 16 : index
          %get3A_1455 = tpu.vector_load %arg6[%get3A_1453, %get3A_1454] {strides = array<i32>} : memref<512x64xf32, #tpu.memory_space<vmem>>, vector<1x16xf32>,
          %get3A_1456 = vector.shape_cast %get3A_1455 : vector<1x16xf32> to vector<16xf32>
          %mul3A_1457 = vector.broadcast %squeeze3A_1437 : f32 to vector<16xf32>
          %mul3A_1458 = arith.mulf %get3A_1456, %mul3A_1457 : vector<16xf32>
          %swap3A_1459 = arith.index_cast %add3A_1441 : i32 to index
          %swap3A_1460 = arith.constant 16 : index
          %swap3A_1461 = tpu.vector_load %arg6[%swap3A_1459, %swap3A_1460] {strides = array<i32>} : memref<512x64xf32, #tpu.memory_space<vmem>>, vector<1x16xf32>,
          %swap3A_1462 = vector.shape_cast %swap3A_1461 : vector<1x16xf32> to vector<16xf32>
          %swap3A_1463 = vector.shape_cast %mul3A_1458 : vector<16xf32> to vector<1x16xf32>
          tpu.vector_store %arg6[%swap3A_1459, %swap3A_1460], %swap3A_1463 {strides = array<i32>} : memref<512x64xf32, #tpu.memory_space<vmem>>, vector<1x16xf32>,
          %get3A_1464 = arith.index_cast %add3A_1441 : i32 to index
          %get3A_1465 = arith.constant 32 : index
          %get3A_1466 = tpu.vector_load %arg6[%get3A_1464, %get3A_1465] {strides = array<i32>} : memref<512x64xf32, #tpu.memory_space<vmem>>, vector<1x16xf32>,
          %get3A_1467 = vector.shape_cast %get3A_1466 : vector<1x16xf32> to vector<16xf32>
          %mul3A_1468 = vector.broadcast %squeeze3A_1437 : f32 to vector<16xf32>
          %mul3A_1469 = arith.mulf %get3A_1467, %mul3A_1468 : vector<16xf32>
          %swap3A_1470 = arith.index_cast %add3A_1441 : i32 to index
          %swap3A_1471 = arith.constant 32 : index
          %swap3A_1472 = tpu.vector_load %arg6[%swap3A_1470, %swap3A_1471] {strides = array<i32>} : memref<512x64xf32, #tpu.memory_space<vmem>>, vector<1x16xf32>,
          %swap3A_1473 = vector.shape_cast %swap3A_1472 : vector<1x16xf32> to vector<16xf32>
          %swap3A_1474 = vector.shape_cast %mul3A_1469 : vector<16xf32> to vector<1x16xf32>
          tpu.vector_store %arg6[%swap3A_1470, %swap3A_1471], %swap3A_1474 {strides = array<i32>} : memref<512x64xf32, #tpu.memory_space<vmem>>, vector<1x16xf32>,
          %get3A_1475 = arith.index_cast %add3A_1441 : i32 to index
          %get3A_1476 = arith.constant 48 : index
          %get3A_1477 = tpu.vector_load %arg6[%get3A_1475, %get3A_1476] {strides = array<i32>} : memref<512x64xf32, #tpu.memory_space<vmem>>, vector<1x16xf32>,
          %get3A_1478 = vector.shape_cast %get3A_1477 : vector<1x16xf32> to vector<16xf32>
          %mul3A_1479 = vector.broadcast %squeeze3A_1437 : f32 to vector<16xf32>
          %mul3A_1480 = arith.mulf %get3A_1478, %mul3A_1479 : vector<16xf32>
          %swap3A_1481 = arith.index_cast %add3A_1441 : i32 to index
          %swap3A_1482 = arith.constant 48 : index
          %swap3A_1483 = tpu.vector_load %arg6[%swap3A_1481, %swap3A_1482] {strides = array<i32>} : memref<512x64xf32, #tpu.memory_space<vmem>>, vector<1x16xf32>,
          %swap3A_1484 = vector.shape_cast %swap3A_1483 : vector<1x16xf32> to vector<16xf32>
          %swap3A_1485 = vector.shape_cast %mul3A_1480 : vector<16xf32> to vector<1x16xf32>
          tpu.vector_store %arg6[%swap3A_1481, %swap3A_1482], %swap3A_1485 {strides = array<i32>} : memref<512x64xf32, #tpu.memory_space<vmem>>, vector<1x16xf32>,
          %slice3A_1486 = vector.extract_strided_slice %select_n3A_986 {offsets = [10], sizes = [1], strides = [1]} : vector<16xf32> to vector<1xf32>
          %squeeze3A_1487 = vector.extract %slice3A_1486[0] : f32 from vector<1xf32>
          %mul3A_1488 = arith.constant 16 : i32
          %mul3A_1489 = arith.muli %scan3A_937, %mul3A_1488 : i32
          %add3A_1490 = arith.constant 10 : i32
          %add3A_1491 = arith.addi %mul3A_1489, %add3A_1490 : i32
          %get3A_1492 = arith.index_cast %add3A_1491 : i32 to index
          %get3A_1493 = arith.constant 0 : index
          %get3A_1494 = tpu.vector_load %arg6[%get3A_1492, %get3A_1493] {strides = array<i32>} : memref<512x64xf32, #tpu.memory_space<vmem>>, vector<1x16xf32>,
          %get3A_1495 = vector.shape_cast %get3A_1494 : vector<1x16xf32> to vector<16xf32>
          %mul3A_1496 = vector.broadcast %squeeze3A_1487 : f32 to vector<16xf32>
          %mul3A_1497 = arith.mulf %get3A_1495, %mul3A_1496 : vector<16xf32>
          %swap3A_1498 = arith.index_cast %add3A_1491 : i32 to index
          %swap3A_1499 = arith.constant 0 : index
          %swap3A_1500 = tpu.vector_load %arg6[%swap3A_1498, %swap3A_1499] {strides = array<i32>} : memref<512x64xf32, #tpu.memory_space<vmem>>, vector<1x16xf32>,
          %swap3A_1501 = vector.shape_cast %swap3A_1500 : vector<1x16xf32> to vector<16xf32>
          %swap3A_1502 = vector.shape_cast %mul3A_1497 : vector<16xf32> to vector<1x16xf32>
          tpu.vector_store %arg6[%swap3A_1498, %swap3A_1499], %swap3A_1502 {strides = array<i32>} : memref<512x64xf32, #tpu.memory_space<vmem>>, vector<1x16xf32>,
          %get3A_1503 = arith.index_cast %add3A_1491 : i32 to index
          %get3A_1504 = arith.constant 16 : index
          %get3A_1505 = tpu.vector_load %arg6[%get3A_1503, %get3A_1504] {strides = array<i32>} : memref<512x64xf32, #tpu.memory_space<vmem>>, vector<1x16xf32>,
          %get3A_1506 = vector.shape_cast %get3A_1505 : vector<1x16xf32> to vector<16xf32>
          %mul3A_1507 = vector.broadcast %squeeze3A_1487 : f32 to vector<16xf32>
          %mul3A_1508 = arith.mulf %get3A_1506, %mul3A_1507 : vector<16xf32>
          %swap3A_1509 = arith.index_cast %add3A_1491 : i32 to index
          %swap3A_1510 = arith.constant 16 : index
          %swap3A_1511 = tpu.vector_load %arg6[%swap3A_1509, %swap3A_1510] {strides = array<i32>} : memref<512x64xf32, #tpu.memory_space<vmem>>, vector<1x16xf32>,
          %swap3A_1512 = vector.shape_cast %swap3A_1511 : vector<1x16xf32> to vector<16xf32>
          %swap3A_1513 = vector.shape_cast %mul3A_1508 : vector<16xf32> to vector<1x16xf32>
          tpu.vector_store %arg6[%swap3A_1509, %swap3A_1510], %swap3A_1513 {strides = array<i32>} : memref<512x64xf32, #tpu.memory_space<vmem>>, vector<1x16xf32>,
          %get3A_1514 = arith.index_cast %add3A_1491 : i32 to index
          %get3A_1515 = arith.constant 32 : index
          %get3A_1516 = tpu.vector_load %arg6[%get3A_1514, %get3A_1515] {strides = array<i32>} : memref<512x64xf32, #tpu.memory_space<vmem>>, vector<1x16xf32>,
          %get3A_1517 = vector.shape_cast %get3A_1516 : vector<1x16xf32> to vector<16xf32>
          %mul3A_1518 = vector.broadcast %squeeze3A_1487 : f32 to vector<16xf32>
          %mul3A_1519 = arith.mulf %get3A_1517, %mul3A_1518 : vector<16xf32>
          %swap3A_1520 = arith.index_cast %add3A_1491 : i32 to index
          %swap3A_1521 = arith.constant 32 : index
          %swap3A_1522 = tpu.vector_load %arg6[%swap3A_1520, %swap3A_1521] {strides = array<i32>} : memref<512x64xf32, #tpu.memory_space<vmem>>, vector<1x16xf32>,
          %swap3A_1523 = vector.shape_cast %swap3A_1522 : vector<1x16xf32> to vector<16xf32>
          %swap3A_1524 = vector.shape_cast %mul3A_1519 : vector<16xf32> to vector<1x16xf32>
          tpu.vector_store %arg6[%swap3A_1520, %swap3A_1521], %swap3A_1524 {strides = array<i32>} : memref<512x64xf32, #tpu.memory_space<vmem>>, vector<1x16xf32>,
          %get3A_1525 = arith.index_cast %add3A_1491 : i32 to index
          %get3A_1526 = arith.constant 48 : index
          %get3A_1527 = tpu.vector_load %arg6[%get3A_1525, %get3A_1526] {strides = array<i32>} : memref<512x64xf32, #tpu.memory_space<vmem>>, vector<1x16xf32>,
          %get3A_1528 = vector.shape_cast %get3A_1527 : vector<1x16xf32> to vector<16xf32>
          %mul3A_1529 = vector.broadcast %squeeze3A_1487 : f32 to vector<16xf32>
          %mul3A_1530 = arith.mulf %get3A_1528, %mul3A_1529 : vector<16xf32>
          %swap3A_1531 = arith.index_cast %add3A_1491 : i32 to index
          %swap3A_1532 = arith.constant 48 : index
          %swap3A_1533 = tpu.vector_load %arg6[%swap3A_1531, %swap3A_1532] {strides = array<i32>} : memref<512x64xf32, #tpu.memory_space<vmem>>, vector<1x16xf32>,
          %swap3A_1534 = vector.shape_cast %swap3A_1533 : vector<1x16xf32> to vector<16xf32>
          %swap3A_1535 = vector.shape_cast %mul3A_1530 : vector<16xf32> to vector<1x16xf32>
          tpu.vector_store %arg6[%swap3A_1531, %swap3A_1532], %swap3A_1535 {strides = array<i32>} : memref<512x64xf32, #tpu.memory_space<vmem>>, vector<1x16xf32>,
          %slice3A_1536 = vector.extract_strided_slice %select_n3A_986 {offsets = [11], sizes = [1], strides = [1]} : vector<16xf32> to vector<1xf32>
          %squeeze3A_1537 = vector.extract %slice3A_1536[0] : f32 from vector<1xf32>
          %mul3A_1538 = arith.constant 16 : i32
          %mul3A_1539 = arith.muli %scan3A_937, %mul3A_1538 : i32
          %add3A_1540 = arith.constant 11 : i32
          %add3A_1541 = arith.addi %mul3A_1539, %add3A_1540 : i32
          %get3A_1542 = arith.index_cast %add3A_1541 : i32 to index
          %get3A_1543 = arith.constant 0 : index
          %get3A_1544 = tpu.vector_load %arg6[%get3A_1542, %get3A_1543] {strides = array<i32>} : memref<512x64xf32, #tpu.memory_space<vmem>>, vector<1x16xf32>,
          %get3A_1545 = vector.shape_cast %get3A_1544 : vector<1x16xf32> to vector<16xf32>
          %mul3A_1546 = vector.broadcast %squeeze3A_1537 : f32 to vector<16xf32>
          %mul3A_1547 = arith.mulf %get3A_1545, %mul3A_1546 : vector<16xf32>
          %swap3A_1548 = arith.index_cast %add3A_1541 : i32 to index
          %swap3A_1549 = arith.constant 0 : index
          %swap3A_1550 = tpu.vector_load %arg6[%swap3A_1548, %swap3A_1549] {strides = array<i32>} : memref<512x64xf32, #tpu.memory_space<vmem>>, vector<1x16xf32>,
          %swap3A_1551 = vector.shape_cast %swap3A_1550 : vector<1x16xf32> to vector<16xf32>
          %swap3A_1552 = vector.shape_cast %mul3A_1547 : vector<16xf32> to vector<1x16xf32>
          tpu.vector_store %arg6[%swap3A_1548, %swap3A_1549], %swap3A_1552 {strides = array<i32>} : memref<512x64xf32, #tpu.memory_space<vmem>>, vector<1x16xf32>,
          %get3A_1553 = arith.index_cast %add3A_1541 : i32 to index
          %get3A_1554 = arith.constant 16 : index
          %get3A_1555 = tpu.vector_load %arg6[%get3A_1553, %get3A_1554] {strides = array<i32>} : memref<512x64xf32, #tpu.memory_space<vmem>>, vector<1x16xf32>,
          %get3A_1556 = vector.shape_cast %get3A_1555 : vector<1x16xf32> to vector<16xf32>
          %mul3A_1557 = vector.broadcast %squeeze3A_1537 : f32 to vector<16xf32>
          %mul3A_1558 = arith.mulf %get3A_1556, %mul3A_1557 : vector<16xf32>
          %swap3A_1559 = arith.index_cast %add3A_1541 : i32 to index
          %swap3A_1560 = arith.constant 16 : index
          %swap3A_1561 = tpu.vector_load %arg6[%swap3A_1559, %swap3A_1560] {strides = array<i32>} : memref<512x64xf32, #tpu.memory_space<vmem>>, vector<1x16xf32>,
          %swap3A_1562 = vector.shape_cast %swap3A_1561 : vector<1x16xf32> to vector<16xf32>
          %swap3A_1563 = vector.shape_cast %mul3A_1558 : vector<16xf32> to vector<1x16xf32>
          tpu.vector_store %arg6[%swap3A_1559, %swap3A_1560], %swap3A_1563 {strides = array<i32>} : memref<512x64xf32, #tpu.memory_space<vmem>>, vector<1x16xf32>,
          %get3A_1564 = arith.index_cast %add3A_1541 : i32 to index
          %get3A_1565 = arith.constant 32 : index
          %get3A_1566 = tpu.vector_load %arg6[%get3A_1564, %get3A_1565] {strides = array<i32>} : memref<512x64xf32, #tpu.memory_space<vmem>>, vector<1x16xf32>,
          %get3A_1567 = vector.shape_cast %get3A_1566 : vector<1x16xf32> to vector<16xf32>
          %mul3A_1568 = vector.broadcast %squeeze3A_1537 : f32 to vector<16xf32>
          %mul3A_1569 = arith.mulf %get3A_1567, %mul3A_1568 : vector<16xf32>
          %swap3A_1570 = arith.index_cast %add3A_1541 : i32 to index
          %swap3A_1571 = arith.constant 32 : index
          %swap3A_1572 = tpu.vector_load %arg6[%swap3A_1570, %swap3A_1571] {strides = array<i32>} : memref<512x64xf32, #tpu.memory_space<vmem>>, vector<1x16xf32>,
          %swap3A_1573 = vector.shape_cast %swap3A_1572 : vector<1x16xf32> to vector<16xf32>
          %swap3A_1574 = vector.shape_cast %mul3A_1569 : vector<16xf32> to vector<1x16xf32>
          tpu.vector_store %arg6[%swap3A_1570, %swap3A_1571], %swap3A_1574 {strides = array<i32>} : memref<512x64xf32, #tpu.memory_space<vmem>>, vector<1x16xf32>,
          %get3A_1575 = arith.index_cast %add3A_1541 : i32 to index
          %get3A_1576 = arith.constant 48 : index
          %get3A_1577 = tpu.vector_load %arg6[%get3A_1575, %get3A_1576] {strides = array<i32>} : memref<512x64xf32, #tpu.memory_space<vmem>>, vector<1x16xf32>,
          %get3A_1578 = vector.shape_cast %get3A_1577 : vector<1x16xf32> to vector<16xf32>
          %mul3A_1579 = vector.broadcast %squeeze3A_1537 : f32 to vector<16xf32>
          %mul3A_1580 = arith.mulf %get3A_1578, %mul3A_1579 : vector<16xf32>
          %swap3A_1581 = arith.index_cast %add3A_1541 : i32 to index
          %swap3A_1582 = arith.constant 48 : index
          %swap3A_1583 = tpu.vector_load %arg6[%swap3A_1581, %swap3A_1582] {strides = array<i32>} : memref<512x64xf32, #tpu.memory_space<vmem>>, vector<1x16xf32>,
          %swap3A_1584 = vector.shape_cast %swap3A_1583 : vector<1x16xf32> to vector<16xf32>
          %swap3A_1585 = vector.shape_cast %mul3A_1580 : vector<16xf32> to vector<1x16xf32>
          tpu.vector_store %arg6[%swap3A_1581, %swap3A_1582], %swap3A_1585 {strides = array<i32>} : memref<512x64xf32, #tpu.memory_space<vmem>>, vector<1x16xf32>,
          %slice3A_1586 = vector.extract_strided_slice %select_n3A_986 {offsets = [12], sizes = [1], strides = [1]} : vector<16xf32> to vector<1xf32>
          %squeeze3A_1587 = vector.extract %slice3A_1586[0] : f32 from vector<1xf32>
          %mul3A_1588 = arith.constant 16 : i32
          %mul3A_1589 = arith.muli %scan3A_937, %mul3A_1588 : i32
          %add3A_1590 = arith.constant 12 : i32
          %add3A_1591 = arith.addi %mul3A_1589, %add3A_1590 : i32
          %get3A_1592 = arith.index_cast %add3A_1591 : i32 to index
          %get3A_1593 = arith.constant 0 : index
          %get3A_1594 = tpu.vector_load %arg6[%get3A_1592, %get3A_1593] {strides = array<i32>} : memref<512x64xf32, #tpu.memory_space<vmem>>, vector<1x16xf32>,
          %get3A_1595 = vector.shape_cast %get3A_1594 : vector<1x16xf32> to vector<16xf32>
          %mul3A_1596 = vector.broadcast %squeeze3A_1587 : f32 to vector<16xf32>
          %mul3A_1597 = arith.mulf %get3A_1595, %mul3A_1596 : vector<16xf32>
          %swap3A_1598 = arith.index_cast %add3A_1591 : i32 to index
          %swap3A_1599 = arith.constant 0 : index
          %swap3A_1600 = tpu.vector_load %arg6[%swap3A_1598, %swap3A_1599] {strides = array<i32>} : memref<512x64xf32, #tpu.memory_space<vmem>>, vector<1x16xf32>,
          %swap3A_1601 = vector.shape_cast %swap3A_1600 : vector<1x16xf32> to vector<16xf32>
          %swap3A_1602 = vector.shape_cast %mul3A_1597 : vector<16xf32> to vector<1x16xf32>
          tpu.vector_store %arg6[%swap3A_1598, %swap3A_1599], %swap3A_1602 {strides = array<i32>} : memref<512x64xf32, #tpu.memory_space<vmem>>, vector<1x16xf32>,
          %get3A_1603 = arith.index_cast %add3A_1591 : i32 to index
          %get3A_1604 = arith.constant 16 : index
          %get3A_1605 = tpu.vector_load %arg6[%get3A_1603, %get3A_1604] {strides = array<i32>} : memref<512x64xf32, #tpu.memory_space<vmem>>, vector<1x16xf32>,
          %get3A_1606 = vector.shape_cast %get3A_1605 : vector<1x16xf32> to vector<16xf32>
          %mul3A_1607 = vector.broadcast %squeeze3A_1587 : f32 to vector<16xf32>
          %mul3A_1608 = arith.mulf %get3A_1606, %mul3A_1607 : vector<16xf32>
          %swap3A_1609 = arith.index_cast %add3A_1591 : i32 to index
          %swap3A_1610 = arith.constant 16 : index
          %swap3A_1611 = tpu.vector_load %arg6[%swap3A_1609, %swap3A_1610] {strides = array<i32>} : memref<512x64xf32, #tpu.memory_space<vmem>>, vector<1x16xf32>,
          %swap3A_1612 = vector.shape_cast %swap3A_1611 : vector<1x16xf32> to vector<16xf32>
          %swap3A_1613 = vector.shape_cast %mul3A_1608 : vector<16xf32> to vector<1x16xf32>
          tpu.vector_store %arg6[%swap3A_1609, %swap3A_1610], %swap3A_1613 {strides = array<i32>} : memref<512x64xf32, #tpu.memory_space<vmem>>, vector<1x16xf32>,
          %get3A_1614 = arith.index_cast %add3A_1591 : i32 to index
          %get3A_1615 = arith.constant 32 : index
          %get3A_1616 = tpu.vector_load %arg6[%get3A_1614, %get3A_1615] {strides = array<i32>} : memref<512x64xf32, #tpu.memory_space<vmem>>, vector<1x16xf32>,
          %get3A_1617 = vector.shape_cast %get3A_1616 : vector<1x16xf32> to vector<16xf32>
          %mul3A_1618 = vector.broadcast %squeeze3A_1587 : f32 to vector<16xf32>
          %mul3A_1619 = arith.mulf %get3A_1617, %mul3A_1618 : vector<16xf32>
          %swap3A_1620 = arith.index_cast %add3A_1591 : i32 to index
          %swap3A_1621 = arith.constant 32 : index
          %swap3A_1622 = tpu.vector_load %arg6[%swap3A_1620, %swap3A_1621] {strides = array<i32>} : memref<512x64xf32, #tpu.memory_space<vmem>>, vector<1x16xf32>,
          %swap3A_1623 = vector.shape_cast %swap3A_1622 : vector<1x16xf32> to vector<16xf32>
          %swap3A_1624 = vector.shape_cast %mul3A_1619 : vector<16xf32> to vector<1x16xf32>
          tpu.vector_store %arg6[%swap3A_1620, %swap3A_1621], %swap3A_1624 {strides = array<i32>} : memref<512x64xf32, #tpu.memory_space<vmem>>, vector<1x16xf32>,
          %get3A_1625 = arith.index_cast %add3A_1591 : i32 to index
          %get3A_1626 = arith.constant 48 : index
          %get3A_1627 = tpu.vector_load %arg6[%get3A_1625, %get3A_1626] {strides = array<i32>} : memref<512x64xf32, #tpu.memory_space<vmem>>, vector<1x16xf32>,
          %get3A_1628 = vector.shape_cast %get3A_1627 : vector<1x16xf32> to vector<16xf32>
          %mul3A_1629 = vector.broadcast %squeeze3A_1587 : f32 to vector<16xf32>
          %mul3A_1630 = arith.mulf %get3A_1628, %mul3A_1629 : vector<16xf32>
          %swap3A_1631 = arith.index_cast %add3A_1591 : i32 to index
          %swap3A_1632 = arith.constant 48 : index
          %swap3A_1633 = tpu.vector_load %arg6[%swap3A_1631, %swap3A_1632] {strides = array<i32>} : memref<512x64xf32, #tpu.memory_space<vmem>>, vector<1x16xf32>,
          %swap3A_1634 = vector.shape_cast %swap3A_1633 : vector<1x16xf32> to vector<16xf32>
          %swap3A_1635 = vector.shape_cast %mul3A_1630 : vector<16xf32> to vector<1x16xf32>
          tpu.vector_store %arg6[%swap3A_1631, %swap3A_1632], %swap3A_1635 {strides = array<i32>} : memref<512x64xf32, #tpu.memory_space<vmem>>, vector<1x16xf32>,
          %slice3A_1636 = vector.extract_strided_slice %select_n3A_986 {offsets = [13], sizes = [1], strides = [1]} : vector<16xf32> to vector<1xf32>
          %squeeze3A_1637 = vector.extract %slice3A_1636[0] : f32 from vector<1xf32>
          %mul3A_1638 = arith.constant 16 : i32
          %mul3A_1639 = arith.muli %scan3A_937, %mul3A_1638 : i32
          %add3A_1640 = arith.constant 13 : i32
          %add3A_1641 = arith.addi %mul3A_1639, %add3A_1640 : i32
          %get3A_1642 = arith.index_cast %add3A_1641 : i32 to index
          %get3A_1643 = arith.constant 0 : index
          %get3A_1644 = tpu.vector_load %arg6[%get3A_1642, %get3A_1643] {strides = array<i32>} : memref<512x64xf32, #tpu.memory_space<vmem>>, vector<1x16xf32>,
          %get3A_1645 = vector.shape_cast %get3A_1644 : vector<1x16xf32> to vector<16xf32>
          %mul3A_1646 = vector.broadcast %squeeze3A_1637 : f32 to vector<16xf32>
          %mul3A_1647 = arith.mulf %get3A_1645, %mul3A_1646 : vector<16xf32>
          %swap3A_1648 = arith.index_cast %add3A_1641 : i32 to index
          %swap3A_1649 = arith.constant 0 : index
          %swap3A_1650 = tpu.vector_load %arg6[%swap3A_1648, %swap3A_1649] {strides = array<i32>} : memref<512x64xf32, #tpu.memory_space<vmem>>, vector<1x16xf32>,
          %swap3A_1651 = vector.shape_cast %swap3A_1650 : vector<1x16xf32> to vector<16xf32>
          %swap3A_1652 = vector.shape_cast %mul3A_1647 : vector<16xf32> to vector<1x16xf32>
          tpu.vector_store %arg6[%swap3A_1648, %swap3A_1649], %swap3A_1652 {strides = array<i32>} : memref<512x64xf32, #tpu.memory_space<vmem>>, vector<1x16xf32>,
          %get3A_1653 = arith.index_cast %add3A_1641 : i32 to index
          %get3A_1654 = arith.constant 16 : index
          %get3A_1655 = tpu.vector_load %arg6[%get3A_1653, %get3A_1654] {strides = array<i32>} : memref<512x64xf32, #tpu.memory_space<vmem>>, vector<1x16xf32>,
          %get3A_1656 = vector.shape_cast %get3A_1655 : vector<1x16xf32> to vector<16xf32>
          %mul3A_1657 = vector.broadcast %squeeze3A_1637 : f32 to vector<16xf32>
          %mul3A_1658 = arith.mulf %get3A_1656, %mul3A_1657 : vector<16xf32>
          %swap3A_1659 = arith.index_cast %add3A_1641 : i32 to index
          %swap3A_1660 = arith.constant 16 : index
          %swap3A_1661 = tpu.vector_load %arg6[%swap3A_1659, %swap3A_1660] {strides = array<i32>} : memref<512x64xf32, #tpu.memory_space<vmem>>, vector<1x16xf32>,
          %swap3A_1662 = vector.shape_cast %swap3A_1661 : vector<1x16xf32> to vector<16xf32>
          %swap3A_1663 = vector.shape_cast %mul3A_1658 : vector<16xf32> to vector<1x16xf32>
          tpu.vector_store %arg6[%swap3A_1659, %swap3A_1660], %swap3A_1663 {strides = array<i32>} : memref<512x64xf32, #tpu.memory_space<vmem>>, vector<1x16xf32>,
          %get3A_1664 = arith.index_cast %add3A_1641 : i32 to index
          %get3A_1665 = arith.constant 32 : index
          %get3A_1666 = tpu.vector_load %arg6[%get3A_1664, %get3A_1665] {strides = array<i32>} : memref<512x64xf32, #tpu.memory_space<vmem>>, vector<1x16xf32>,
          %get3A_1667 = vector.shape_cast %get3A_1666 : vector<1x16xf32> to vector<16xf32>
          %mul3A_1668 = vector.broadcast %squeeze3A_1637 : f32 to vector<16xf32>
          %mul3A_1669 = arith.mulf %get3A_1667, %mul3A_1668 : vector<16xf32>
          %swap3A_1670 = arith.index_cast %add3A_1641 : i32 to index
          %swap3A_1671 = arith.constant 32 : index
          %swap3A_1672 = tpu.vector_load %arg6[%swap3A_1670, %swap3A_1671] {strides = array<i32>} : memref<512x64xf32, #tpu.memory_space<vmem>>, vector<1x16xf32>,
          %swap3A_1673 = vector.shape_cast %swap3A_1672 : vector<1x16xf32> to vector<16xf32>
          %swap3A_1674 = vector.shape_cast %mul3A_1669 : vector<16xf32> to vector<1x16xf32>
          tpu.vector_store %arg6[%swap3A_1670, %swap3A_1671], %swap3A_1674 {strides = array<i32>} : memref<512x64xf32, #tpu.memory_space<vmem>>, vector<1x16xf32>,
          %get3A_1675 = arith.index_cast %add3A_1641 : i32 to index
          %get3A_1676 = arith.constant 48 : index
          %get3A_1677 = tpu.vector_load %arg6[%get3A_1675, %get3A_1676] {strides = array<i32>} : memref<512x64xf32, #tpu.memory_space<vmem>>, vector<1x16xf32>,
          %get3A_1678 = vector.shape_cast %get3A_1677 : vector<1x16xf32> to vector<16xf32>
          %mul3A_1679 = vector.broadcast %squeeze3A_1637 : f32 to vector<16xf32>
          %mul3A_1680 = arith.mulf %get3A_1678, %mul3A_1679 : vector<16xf32>
          %swap3A_1681 = arith.index_cast %add3A_1641 : i32 to index
          %swap3A_1682 = arith.constant 48 : index
          %swap3A_1683 = tpu.vector_load %arg6[%swap3A_1681, %swap3A_1682] {strides = array<i32>} : memref<512x64xf32, #tpu.memory_space<vmem>>, vector<1x16xf32>,
          %swap3A_1684 = vector.shape_cast %swap3A_1683 : vector<1x16xf32> to vector<16xf32>
          %swap3A_1685 = vector.shape_cast %mul3A_1680 : vector<16xf32> to vector<1x16xf32>
          tpu.vector_store %arg6[%swap3A_1681, %swap3A_1682], %swap3A_1685 {strides = array<i32>} : memref<512x64xf32, #tpu.memory_space<vmem>>, vector<1x16xf32>,
          %slice3A_1686 = vector.extract_strided_slice %select_n3A_986 {offsets = [14], sizes = [1], strides = [1]} : vector<16xf32> to vector<1xf32>
          %squeeze3A_1687 = vector.extract %slice3A_1686[0] : f32 from vector<1xf32>
          %mul3A_1688 = arith.constant 16 : i32
          %mul3A_1689 = arith.muli %scan3A_937, %mul3A_1688 : i32
          %add3A_1690 = arith.constant 14 : i32
          %add3A_1691 = arith.addi %mul3A_1689, %add3A_1690 : i32
          %get3A_1692 = arith.index_cast %add3A_1691 : i32 to index
          %get3A_1693 = arith.constant 0 : index
          %get3A_1694 = tpu.vector_load %arg6[%get3A_1692, %get3A_1693] {strides = array<i32>} : memref<512x64xf32, #tpu.memory_space<vmem>>, vector<1x16xf32>,
          %get3A_1695 = vector.shape_cast %get3A_1694 : vector<1x16xf32> to vector<16xf32>
          %mul3A_1696 = vector.broadcast %squeeze3A_1687 : f32 to vector<16xf32>
          %mul3A_1697 = arith.mulf %get3A_1695, %mul3A_1696 : vector<16xf32>
          %swap3A_1698 = arith.index_cast %add3A_1691 : i32 to index
          %swap3A_1699 = arith.constant 0 : index
          %swap3A_1700 = tpu.vector_load %arg6[%swap3A_1698, %swap3A_1699] {strides = array<i32>} : memref<512x64xf32, #tpu.memory_space<vmem>>, vector<1x16xf32>,
          %swap3A_1701 = vector.shape_cast %swap3A_1700 : vector<1x16xf32> to vector<16xf32>
          %swap3A_1702 = vector.shape_cast %mul3A_1697 : vector<16xf32> to vector<1x16xf32>
          tpu.vector_store %arg6[%swap3A_1698, %swap3A_1699], %swap3A_1702 {strides = array<i32>} : memref<512x64xf32, #tpu.memory_space<vmem>>, vector<1x16xf32>,
          %get3A_1703 = arith.index_cast %add3A_1691 : i32 to index
          %get3A_1704 = arith.constant 16 : index
          %get3A_1705 = tpu.vector_load %arg6[%get3A_1703, %get3A_1704] {strides = array<i32>} : memref<512x64xf32, #tpu.memory_space<vmem>>, vector<1x16xf32>,
          %get3A_1706 = vector.shape_cast %get3A_1705 : vector<1x16xf32> to vector<16xf32>
          %mul3A_1707 = vector.broadcast %squeeze3A_1687 : f32 to vector<16xf32>
          %mul3A_1708 = arith.mulf %get3A_1706, %mul3A_1707 : vector<16xf32>
          %swap3A_1709 = arith.index_cast %add3A_1691 : i32 to index
          %swap3A_1710 = arith.constant 16 : index
          %swap3A_1711 = tpu.vector_load %arg6[%swap3A_1709, %swap3A_1710] {strides = array<i32>} : memref<512x64xf32, #tpu.memory_space<vmem>>, vector<1x16xf32>,
          %swap3A_1712 = vector.shape_cast %swap3A_1711 : vector<1x16xf32> to vector<16xf32>
          %swap3A_1713 = vector.shape_cast %mul3A_1708 : vector<16xf32> to vector<1x16xf32>
          tpu.vector_store %arg6[%swap3A_1709, %swap3A_1710], %swap3A_1713 {strides = array<i32>} : memref<512x64xf32, #tpu.memory_space<vmem>>, vector<1x16xf32>,
          %get3A_1714 = arith.index_cast %add3A_1691 : i32 to index
          %get3A_1715 = arith.constant 32 : index
          %get3A_1716 = tpu.vector_load %arg6[%get3A_1714, %get3A_1715] {strides = array<i32>} : memref<512x64xf32, #tpu.memory_space<vmem>>, vector<1x16xf32>,
          %get3A_1717 = vector.shape_cast %get3A_1716 : vector<1x16xf32> to vector<16xf32>
          %mul3A_1718 = vector.broadcast %squeeze3A_1687 : f32 to vector<16xf32>
          %mul3A_1719 = arith.mulf %get3A_1717, %mul3A_1718 : vector<16xf32>
          %swap3A_1720 = arith.index_cast %add3A_1691 : i32 to index
          %swap3A_1721 = arith.constant 32 : index
          %swap3A_1722 = tpu.vector_load %arg6[%swap3A_1720, %swap3A_1721] {strides = array<i32>} : memref<512x64xf32, #tpu.memory_space<vmem>>, vector<1x16xf32>,
          %swap3A_1723 = vector.shape_cast %swap3A_1722 : vector<1x16xf32> to vector<16xf32>
          %swap3A_1724 = vector.shape_cast %mul3A_1719 : vector<16xf32> to vector<1x16xf32>
          tpu.vector_store %arg6[%swap3A_1720, %swap3A_1721], %swap3A_1724 {strides = array<i32>} : memref<512x64xf32, #tpu.memory_space<vmem>>, vector<1x16xf32>,
          %get3A_1725 = arith.index_cast %add3A_1691 : i32 to index
          %get3A_1726 = arith.constant 48 : index
          %get3A_1727 = tpu.vector_load %arg6[%get3A_1725, %get3A_1726] {strides = array<i32>} : memref<512x64xf32, #tpu.memory_space<vmem>>, vector<1x16xf32>,
          %get3A_1728 = vector.shape_cast %get3A_1727 : vector<1x16xf32> to vector<16xf32>
          %mul3A_1729 = vector.broadcast %squeeze3A_1687 : f32 to vector<16xf32>
          %mul3A_1730 = arith.mulf %get3A_1728, %mul3A_1729 : vector<16xf32>
          %swap3A_1731 = arith.index_cast %add3A_1691 : i32 to index
          %swap3A_1732 = arith.constant 48 : index
          %swap3A_1733 = tpu.vector_load %arg6[%swap3A_1731, %swap3A_1732] {strides = array<i32>} : memref<512x64xf32, #tpu.memory_space<vmem>>, vector<1x16xf32>,
          %swap3A_1734 = vector.shape_cast %swap3A_1733 : vector<1x16xf32> to vector<16xf32>
          %swap3A_1735 = vector.shape_cast %mul3A_1730 : vector<16xf32> to vector<1x16xf32>
          tpu.vector_store %arg6[%swap3A_1731, %swap3A_1732], %swap3A_1735 {strides = array<i32>} : memref<512x64xf32, #tpu.memory_space<vmem>>, vector<1x16xf32>,
          %slice3A_1736 = vector.extract_strided_slice %select_n3A_986 {offsets = [15], sizes = [1], strides = [1]} : vector<16xf32> to vector<1xf32>
          %squeeze3A_1737 = vector.extract %slice3A_1736[0] : f32 from vector<1xf32>
          %mul3A_1738 = arith.constant 16 : i32
          %mul3A_1739 = arith.muli %scan3A_937, %mul3A_1738 : i32
          %add3A_1740 = arith.constant 15 : i32
          %add3A_1741 = arith.addi %mul3A_1739, %add3A_1740 : i32
          %get3A_1742 = arith.index_cast %add3A_1741 : i32 to index
          %get3A_1743 = arith.constant 0 : index
          %get3A_1744 = tpu.vector_load %arg6[%get3A_1742, %get3A_1743] {strides = array<i32>} : memref<512x64xf32, #tpu.memory_space<vmem>>, vector<1x16xf32>,
          %get3A_1745 = vector.shape_cast %get3A_1744 : vector<1x16xf32> to vector<16xf32>
          %mul3A_1746 = vector.broadcast %squeeze3A_1737 : f32 to vector<16xf32>
          %mul3A_1747 = arith.mulf %get3A_1745, %mul3A_1746 : vector<16xf32>
          %swap3A_1748 = arith.index_cast %add3A_1741 : i32 to index
          %swap3A_1749 = arith.constant 0 : index
          %swap3A_1750 = tpu.vector_load %arg6[%swap3A_1748, %swap3A_1749] {strides = array<i32>} : memref<512x64xf32, #tpu.memory_space<vmem>>, vector<1x16xf32>,
          %swap3A_1751 = vector.shape_cast %swap3A_1750 : vector<1x16xf32> to vector<16xf32>
          %swap3A_1752 = vector.shape_cast %mul3A_1747 : vector<16xf32> to vector<1x16xf32>
          tpu.vector_store %arg6[%swap3A_1748, %swap3A_1749], %swap3A_1752 {strides = array<i32>} : memref<512x64xf32, #tpu.memory_space<vmem>>, vector<1x16xf32>,
          %get3A_1753 = arith.index_cast %add3A_1741 : i32 to index
          %get3A_1754 = arith.constant 16 : index
          %get3A_1755 = tpu.vector_load %arg6[%get3A_1753, %get3A_1754] {strides = array<i32>} : memref<512x64xf32, #tpu.memory_space<vmem>>, vector<1x16xf32>,
          %get3A_1756 = vector.shape_cast %get3A_1755 : vector<1x16xf32> to vector<16xf32>
          %mul3A_1757 = vector.broadcast %squeeze3A_1737 : f32 to vector<16xf32>
          %mul3A_1758 = arith.mulf %get3A_1756, %mul3A_1757 : vector<16xf32>
          %swap3A_1759 = arith.index_cast %add3A_1741 : i32 to index
          %swap3A_1760 = arith.constant 16 : index
          %swap3A_1761 = tpu.vector_load %arg6[%swap3A_1759, %swap3A_1760] {strides = array<i32>} : memref<512x64xf32, #tpu.memory_space<vmem>>, vector<1x16xf32>,
          %swap3A_1762 = vector.shape_cast %swap3A_1761 : vector<1x16xf32> to vector<16xf32>
          %swap3A_1763 = vector.shape_cast %mul3A_1758 : vector<16xf32> to vector<1x16xf32>
          tpu.vector_store %arg6[%swap3A_1759, %swap3A_1760], %swap3A_1763 {strides = array<i32>} : memref<512x64xf32, #tpu.memory_space<vmem>>, vector<1x16xf32>,
          %get3A_1764 = arith.index_cast %add3A_1741 : i32 to index
          %get3A_1765 = arith.constant 32 : index
          %get3A_1766 = tpu.vector_load %arg6[%get3A_1764, %get3A_1765] {strides = array<i32>} : memref<512x64xf32, #tpu.memory_space<vmem>>, vector<1x16xf32>,
          %get3A_1767 = vector.shape_cast %get3A_1766 : vector<1x16xf32> to vector<16xf32>
          %mul3A_1768 = vector.broadcast %squeeze3A_1737 : f32 to vector<16xf32>
          %mul3A_1769 = arith.mulf %get3A_1767, %mul3A_1768 : vector<16xf32>
          %swap3A_1770 = arith.index_cast %add3A_1741 : i32 to index
          %swap3A_1771 = arith.constant 32 : index
          %swap3A_1772 = tpu.vector_load %arg6[%swap3A_1770, %swap3A_1771] {strides = array<i32>} : memref<512x64xf32, #tpu.memory_space<vmem>>, vector<1x16xf32>,
          %swap3A_1773 = vector.shape_cast %swap3A_1772 : vector<1x16xf32> to vector<16xf32>
          %swap3A_1774 = vector.shape_cast %mul3A_1769 : vector<16xf32> to vector<1x16xf32>
          tpu.vector_store %arg6[%swap3A_1770, %swap3A_1771], %swap3A_1774 {strides = array<i32>} : memref<512x64xf32, #tpu.memory_space<vmem>>, vector<1x16xf32>,
          %get3A_1775 = arith.index_cast %add3A_1741 : i32 to index
          %get3A_1776 = arith.constant 48 : index
          %get3A_1777 = tpu.vector_load %arg6[%get3A_1775, %get3A_1776] {strides = array<i32>} : memref<512x64xf32, #tpu.memory_space<vmem>>, vector<1x16xf32>,
          %get3A_1778 = vector.shape_cast %get3A_1777 : vector<1x16xf32> to vector<16xf32>
          %mul3A_1779 = vector.broadcast %squeeze3A_1737 : f32 to vector<16xf32>
          %mul3A_1780 = arith.mulf %get3A_1778, %mul3A_1779 : vector<16xf32>
          %swap3A_1781 = arith.index_cast %add3A_1741 : i32 to index
          %swap3A_1782 = arith.constant 48 : index
          %swap3A_1783 = tpu.vector_load %arg6[%swap3A_1781, %swap3A_1782] {strides = array<i32>} : memref<512x64xf32, #tpu.memory_space<vmem>>, vector<1x16xf32>,
          %swap3A_1784 = vector.shape_cast %swap3A_1783 : vector<1x16xf32> to vector<16xf32>
          %swap3A_1785 = vector.shape_cast %mul3A_1780 : vector<16xf32> to vector<1x16xf32>
          tpu.vector_store %arg6[%swap3A_1781, %swap3A_1782], %swap3A_1785 {strides = array<i32>} : memref<512x64xf32, #tpu.memory_space<vmem>>, vector<1x16xf32>,
        }
        %scan3A_936 = arith.constant 32 : i32
      } else {
      }
      %mul3A_499 = arith.constant 512 : i32
      %mul3A_500 = arith.muli %add3A_114, %mul3A_499 : i32
      %add3A_501 = arith.addi %mul3A_2, %mul3A_500 : i32
      %shift_right_arithmetic3A_502 = arith.constant 12 : i32
      %shift_right_arithmetic3A_503 = arith.shrsi %add3A_501, %shift_right_arithmetic3A_502 : i32
      %and3A_504 = arith.constant 4095 : i32
      %and3A_505 = arith.andi %add3A_501, %and3A_504 : i32
      %dma_start3A_506 = arith.constant 0 : i32
      %dma_start3A_507 = tpu.memref_slice %arg4[%and3A_505, %shift_right_arithmetic3A_503, %dma_start3A_506] : memref<4096x200x64xf32, #tpu.memory_space<hbm>> -> memref<512x1x64xf32, #tpu.memory_space<hbm>>
      %dma_start3A_508 = tpu.memref_squeeze %dma_start3A_507 : memref<512x1x64xf32, #tpu.memory_space<hbm>> -> memref<512x64xf32, #tpu.memory_space<hbm>>
      %dma_start3A_509 = arith.constant 0 : i32
      %dma_start3A_510 = tpu.memref_slice %arg4[%and3A_505, %shift_right_arithmetic3A_503, %dma_start3A_509] : memref<4096x200x64xf32, #tpu.memory_space<hbm>> -> memref<512x1x64xf32, #tpu.memory_space<hbm>>
      %dma_start3A_511 = tpu.memref_squeeze %dma_start3A_510 : memref<512x1x64xf32, #tpu.memory_space<hbm>> -> memref<512x64xf32, #tpu.memory_space<hbm>>
      tpu.enqueue_dma source(%arg6 : memref<512x64xf32, #tpu.memory_space<vmem>>) target(%dma_start3A_511 : memref<512x64xf32, #tpu.memory_space<hbm>>) target_semaphore(%arg10 : memref<!tpu.dma_semaphore, #tpu.memory_space<semaphore_mem>>)
      %add3A_512 = arith.constant 2 : i32
      %add3A_513 = arith.addi %add3A_114, %add3A_512 : i32
      %lt3A = arith.constant 50 : i32
      %lt3A_514 = arith.cmpi slt, %add3A_513, %lt3A : i32
      %convert_element_type3A_515 = arith.extui %lt3A_514 : i1 to i32
      %cond3A_516 = arith.constant 0 : i32
      %cond3A_517 = arith.cmpi ne, %convert_element_type3A_515, %cond3A_516 : i32
      scf.if %cond3A_517 {
        %mul3A_931 = arith.constant 512 : i32
        %mul3A_932 = arith.muli %add3A_114, %mul3A_931 : i32
        %add3A_933 = arith.addi %mul3A_2, %mul3A_932 : i32
        %shift_right_arithmetic3A_934 = arith.constant 12 : i32
        %shift_right_arithmetic3A_935 = arith.shrsi %add3A_933, %shift_right_arithmetic3A_934 : i32
        %and3A_936 = arith.constant 4095 : i32
        %and3A_937 = arith.andi %add3A_933, %and3A_936 : i32
        %dma_wait3A_938 = arith.constant 0 : i32
        %dma_wait3A_939 = tpu.memref_slice %arg4[%and3A_937, %shift_right_arithmetic3A_935, %dma_wait3A_938] : memref<4096x200x64xf32, #tpu.memory_space<hbm>> -> memref<512x1x64xf32, #tpu.memory_space<hbm>>
        %dma_wait3A_940 = tpu.memref_squeeze %dma_wait3A_939 : memref<512x1x64xf32, #tpu.memory_space<hbm>> -> memref<512x64xf32, #tpu.memory_space<hbm>>
        %dma_wait3A_941 = arith.constant 0 : i32
        %dma_wait3A_942 = tpu.memref_slice %arg4[%and3A_937, %shift_right_arithmetic3A_935, %dma_wait3A_941] : memref<4096x200x64xf32, #tpu.memory_space<hbm>> -> memref<512x1x64xf32, #tpu.memory_space<hbm>>
        %dma_wait3A_943 = tpu.memref_squeeze %dma_wait3A_942 : memref<512x1x64xf32, #tpu.memory_space<hbm>> -> memref<512x64xf32, #tpu.memory_space<hbm>>
        tpu.wait_dma2 semaphore(%arg10 : memref<!tpu.dma_semaphore, #tpu.memory_space<semaphore_mem>>) src(%arg6 : memref<512x64xf32, #tpu.memory_space<vmem>>) dst(%dma_wait3A_943 : memref<512x64xf32, #tpu.memory_space<hbm>>)
        %add3A_944 = arith.constant 2 : i32
        %add3A_945 = arith.addi %add3A_114, %add3A_944 : i32
        %mul3A_946 = arith.constant 4 : i32
        %mul3A_947 = arith.muli %add3A_945, %mul3A_946 : i32
        %add3A_948 = arith.constant 0 : i32
        %add3A_949 = arith.addi %mul3A_947, %add3A_948 : i32
        %dma_start3A_950 = arith.constant 0 : i32
        %dma_start3A_951 = arith.constant 0 : i32
        %dma_start3A_952 = tpu.memref_slice %arg6[%dma_start3A_950, %dma_start3A_951] : memref<512x64xf32, #tpu.memory_space<vmem>> -> memref<128x64xf32, #tpu.memory_space<vmem>>
        %dma_start3A_953 = arith.constant 0 : i32
        %dma_start3A_954 = tpu.memref_slice %arg5[%add3A_949, %dma_start3A_953] : memref<200x128xi32, #tpu.memory_space<vmem>> -> memref<1x128xi32, #tpu.memory_space<vmem>>
        %dma_start3A_955 = tpu.memref_squeeze %dma_start3A_954 : memref<1x128xi32, #tpu.memory_space<vmem>> -> memref<128xi32, #tpu.memory_space<vmem>>
        %dma_start3A_956 = arith.constant 0 : i32
        %dma_start3A_957 = arith.constant 0 : i32
        %dma_start3A_958 = tpu.memref_slice %arg3[%dma_start3A_956, %dma_start3A_957] : memref<1000000x64xf32, #tpu.memory_space<hbm>> -> memref<1000000x64xf32, #tpu.memory_space<hbm>>
        tpu.enqueue_indirect_dma source(%dma_start3A_958 : memref<1000000x64xf32, #tpu.memory_space<hbm>>) target(%dma_start3A_952 : memref<128x64xf32, #tpu.memory_space<vmem>>) offsets(%dma_start3A_955 : memref<128xi32, #tpu.memory_space<vmem>>) semaphore(%arg8 : memref<!tpu.dma_semaphore, #tpu.memory_space<semaphore_mem>>)
        %mul3A_959 = arith.constant 4 : i32
        %mul3A_960 = arith.muli %add3A_945, %mul3A_959 : i32
        %add3A_961 = arith.constant 1 : i32
        %add3A_962 = arith.addi %mul3A_960, %add3A_961 : i32
        %dma_start3A_963 = arith.constant 128 : i32
        %dma_start3A_964 = arith.constant 0 : i32
        %dma_start3A_965 = tpu.memref_slice %arg6[%dma_start3A_963, %dma_start3A_964] : memref<512x64xf32, #tpu.memory_space<vmem>> -> memref<128x64xf32, #tpu.memory_space<vmem>>
        %dma_start3A_966 = arith.constant 0 : i32
        %dma_start3A_967 = tpu.memref_slice %arg5[%add3A_962, %dma_start3A_966] : memref<200x128xi32, #tpu.memory_space<vmem>> -> memref<1x128xi32, #tpu.memory_space<vmem>>
        %dma_start3A_968 = tpu.memref_squeeze %dma_start3A_967 : memref<1x128xi32, #tpu.memory_space<vmem>> -> memref<128xi32, #tpu.memory_space<vmem>>
        %dma_start3A_969 = arith.constant 0 : i32
        %dma_start3A_970 = arith.constant 0 : i32
        %dma_start3A_971 = tpu.memref_slice %arg3[%dma_start3A_969, %dma_start3A_970] : memref<1000000x64xf32, #tpu.memory_space<hbm>> -> memref<1000000x64xf32, #tpu.memory_space<hbm>>
        tpu.enqueue_indirect_dma source(%dma_start3A_971 : memref<1000000x64xf32, #tpu.memory_space<hbm>>) target(%dma_start3A_965 : memref<128x64xf32, #tpu.memory_space<vmem>>) offsets(%dma_start3A_968 : memref<128xi32, #tpu.memory_space<vmem>>) semaphore(%arg8 : memref<!tpu.dma_semaphore, #tpu.memory_space<semaphore_mem>>)
        %mul3A_972 = arith.constant 4 : i32
        %mul3A_973 = arith.muli %add3A_945, %mul3A_972 : i32
        %add3A_974 = arith.constant 2 : i32
        %add3A_975 = arith.addi %mul3A_973, %add3A_974 : i32
        %dma_start3A_976 = arith.constant 256 : i32
        %dma_start3A_977 = arith.constant 0 : i32
        %dma_start3A_978 = tpu.memref_slice %arg6[%dma_start3A_976, %dma_start3A_977] : memref<512x64xf32, #tpu.memory_space<vmem>> -> memref<128x64xf32, #tpu.memory_space<vmem>>
        %dma_start3A_979 = arith.constant 0 : i32
        %dma_start3A_980 = tpu.memref_slice %arg5[%add3A_975, %dma_start3A_979] : memref<200x128xi32, #tpu.memory_space<vmem>> -> memref<1x128xi32, #tpu.memory_space<vmem>>
        %dma_start3A_981 = tpu.memref_squeeze %dma_start3A_980 : memref<1x128xi32, #tpu.memory_space<vmem>> -> memref<128xi32, #tpu.memory_space<vmem>>
        %dma_start3A_982 = arith.constant 0 : i32
        %dma_start3A_983 = arith.constant 0 : i32
        %dma_start3A_984 = tpu.memref_slice %arg3[%dma_start3A_982, %dma_start3A_983] : memref<1000000x64xf32, #tpu.memory_space<hbm>> -> memref<1000000x64xf32, #tpu.memory_space<hbm>>
        tpu.enqueue_indirect_dma source(%dma_start3A_984 : memref<1000000x64xf32, #tpu.memory_space<hbm>>) target(%dma_start3A_978 : memref<128x64xf32, #tpu.memory_space<vmem>>) offsets(%dma_start3A_981 : memref<128xi32, #tpu.memory_space<vmem>>) semaphore(%arg8 : memref<!tpu.dma_semaphore, #tpu.memory_space<semaphore_mem>>)
        %mul3A_985 = arith.constant 4 : i32
        %mul3A_986 = arith.muli %add3A_945, %mul3A_985 : i32
        %add3A_987 = arith.constant 3 : i32
        %add3A_988 = arith.addi %mul3A_986, %add3A_987 : i32
        %dma_start3A_989 = arith.constant 384 : i32
        %dma_start3A_990 = arith.constant 0 : i32
        %dma_start3A_991 = tpu.memref_slice %arg6[%dma_start3A_989, %dma_start3A_990] : memref<512x64xf32, #tpu.memory_space<vmem>> -> memref<128x64xf32, #tpu.memory_space<vmem>>
        %dma_start3A_992 = arith.constant 0 : i32
        %dma_start3A_993 = tpu.memref_slice %arg5[%add3A_988, %dma_start3A_992] : memref<200x128xi32, #tpu.memory_space<vmem>> -> memref<1x128xi32, #tpu.memory_space<vmem>>
        %dma_start3A_994 = tpu.memref_squeeze %dma_start3A_993 : memref<1x128xi32, #tpu.memory_space<vmem>> -> memref<128xi32, #tpu.memory_space<vmem>>
        %dma_start3A_995 = arith.constant 0 : i32
        %dma_start3A_996 = arith.constant 0 : i32
        %dma_start3A_997 = tpu.memref_slice %arg3[%dma_start3A_995, %dma_start3A_996] : memref<1000000x64xf32, #tpu.memory_space<hbm>> -> memref<1000000x64xf32, #tpu.memory_space<hbm>>
        tpu.enqueue_indirect_dma source(%dma_start3A_997 : memref<1000000x64xf32, #tpu.memory_space<hbm>>) target(%dma_start3A_991 : memref<128x64xf32, #tpu.memory_space<vmem>>) offsets(%dma_start3A_994 : memref<128xi32, #tpu.memory_space<vmem>>) semaphore(%arg8 : memref<!tpu.dma_semaphore, #tpu.memory_space<semaphore_mem>>)
      } else {
      }
      %add3A_518 = arith.constant 1 : i32
      %add3A_519 = arith.addi %mul3A_112, %add3A_518 : i32
      %mul3A_520 = arith.constant 4 : i32
      %mul3A_521 = arith.muli %add3A_519, %mul3A_520 : i32
      %add3A_522 = arith.constant 0 : i32
      %add3A_523 = arith.addi %mul3A_521, %add3A_522 : i32
      %dma_wait3A_524 = arith.constant 0 : i32
      %dma_wait3A_525 = arith.constant 0 : i32
      %dma_wait3A_526 = tpu.memref_slice %arg7[%dma_wait3A_524, %dma_wait3A_525] : memref<512x64xf32, #tpu.memory_space<vmem>> -> memref<128x64xf32, #tpu.memory_space<vmem>>
      %dma_wait3A_527 = arith.constant 0 : i32
      %dma_wait3A_528 = tpu.memref_slice %arg5[%add3A_523, %dma_wait3A_527] : memref<200x128xi32, #tpu.memory_space<vmem>> -> memref<1x128xi32, #tpu.memory_space<vmem>>
      %dma_wait3A_529 = tpu.memref_squeeze %dma_wait3A_528 : memref<1x128xi32, #tpu.memory_space<vmem>> -> memref<128xi32, #tpu.memory_space<vmem>>
      %dma_wait3A_530 = arith.constant 0 : i32
      %dma_wait3A_531 = arith.constant 0 : i32
      %dma_wait3A_532 = tpu.memref_slice %arg3[%dma_wait3A_530, %dma_wait3A_531] : memref<1000000x64xf32, #tpu.memory_space<hbm>> -> memref<1000000x64xf32, #tpu.memory_space<hbm>>
      tpu.wait_indirect_dma semaphore(%arg9 : memref<!tpu.dma_semaphore, #tpu.memory_space<semaphore_mem>>) src(%dma_wait3A_532 : memref<1000000x64xf32, #tpu.memory_space<hbm>>) dst(%dma_wait3A_526 : memref<128x64xf32, #tpu.memory_space<vmem>>)
      %mul3A_533 = arith.constant 4 : i32
      %mul3A_534 = arith.muli %add3A_519, %mul3A_533 : i32
      %add3A_535 = arith.constant 1 : i32
      %add3A_536 = arith.addi %mul3A_534, %add3A_535 : i32
      %dma_wait3A_537 = arith.constant 128 : i32
      %dma_wait3A_538 = arith.constant 0 : i32
      %dma_wait3A_539 = tpu.memref_slice %arg7[%dma_wait3A_537, %dma_wait3A_538] : memref<512x64xf32, #tpu.memory_space<vmem>> -> memref<128x64xf32, #tpu.memory_space<vmem>>
      %dma_wait3A_540 = arith.constant 0 : i32
      %dma_wait3A_541 = tpu.memref_slice %arg5[%add3A_536, %dma_wait3A_540] : memref<200x128xi32, #tpu.memory_space<vmem>> -> memref<1x128xi32, #tpu.memory_space<vmem>>
      %dma_wait3A_542 = tpu.memref_squeeze %dma_wait3A_541 : memref<1x128xi32, #tpu.memory_space<vmem>> -> memref<128xi32, #tpu.memory_space<vmem>>
      %dma_wait3A_543 = arith.constant 0 : i32
      %dma_wait3A_544 = arith.constant 0 : i32
      %dma_wait3A_545 = tpu.memref_slice %arg3[%dma_wait3A_543, %dma_wait3A_544] : memref<1000000x64xf32, #tpu.memory_space<hbm>> -> memref<1000000x64xf32, #tpu.memory_space<hbm>>
      tpu.wait_indirect_dma semaphore(%arg9 : memref<!tpu.dma_semaphore, #tpu.memory_space<semaphore_mem>>) src(%dma_wait3A_545 : memref<1000000x64xf32, #tpu.memory_space<hbm>>) dst(%dma_wait3A_539 : memref<128x64xf32, #tpu.memory_space<vmem>>)
      %mul3A_546 = arith.constant 4 : i32
      %mul3A_547 = arith.muli %add3A_519, %mul3A_546 : i32
      %add3A_548 = arith.constant 2 : i32
      %add3A_549 = arith.addi %mul3A_547, %add3A_548 : i32
      %dma_wait3A_550 = arith.constant 256 : i32
      %dma_wait3A_551 = arith.constant 0 : i32
      %dma_wait3A_552 = tpu.memref_slice %arg7[%dma_wait3A_550, %dma_wait3A_551] : memref<512x64xf32, #tpu.memory_space<vmem>> -> memref<128x64xf32, #tpu.memory_space<vmem>>
      %dma_wait3A_553 = arith.constant 0 : i32
      %dma_wait3A_554 = tpu.memref_slice %arg5[%add3A_549, %dma_wait3A_553] : memref<200x128xi32, #tpu.memory_space<vmem>> -> memref<1x128xi32, #tpu.memory_space<vmem>>
      %dma_wait3A_555 = tpu.memref_squeeze %dma_wait3A_554 : memref<1x128xi32, #tpu.memory_space<vmem>> -> memref<128xi32, #tpu.memory_space<vmem>>
      %dma_wait3A_556 = arith.constant 0 : i32
      %dma_wait3A_557 = arith.constant 0 : i32
      %dma_wait3A_558 = tpu.memref_slice %arg3[%dma_wait3A_556, %dma_wait3A_557] : memref<1000000x64xf32, #tpu.memory_space<hbm>> -> memref<1000000x64xf32, #tpu.memory_space<hbm>>
      tpu.wait_indirect_dma semaphore(%arg9 : memref<!tpu.dma_semaphore, #tpu.memory_space<semaphore_mem>>) src(%dma_wait3A_558 : memref<1000000x64xf32, #tpu.memory_space<hbm>>) dst(%dma_wait3A_552 : memref<128x64xf32, #tpu.memory_space<vmem>>)
      %mul3A_559 = arith.constant 4 : i32
      %mul3A_560 = arith.muli %add3A_519, %mul3A_559 : i32
      %add3A_561 = arith.constant 3 : i32
      %add3A_562 = arith.addi %mul3A_560, %add3A_561 : i32
      %dma_wait3A_563 = arith.constant 384 : i32
      %dma_wait3A_564 = arith.constant 0 : i32
      %dma_wait3A_565 = tpu.memref_slice %arg7[%dma_wait3A_563, %dma_wait3A_564] : memref<512x64xf32, #tpu.memory_space<vmem>> -> memref<128x64xf32, #tpu.memory_space<vmem>>
      %dma_wait3A_566 = arith.constant 0 : i32
      %dma_wait3A_567 = tpu.memref_slice %arg5[%add3A_562, %dma_wait3A_566] : memref<200x128xi32, #tpu.memory_space<vmem>> -> memref<1x128xi32, #tpu.memory_space<vmem>>
      %dma_wait3A_568 = tpu.memref_squeeze %dma_wait3A_567 : memref<1x128xi32, #tpu.memory_space<vmem>> -> memref<128xi32, #tpu.memory_space<vmem>>
      %dma_wait3A_569 = arith.constant 0 : i32
      %dma_wait3A_570 = arith.constant 0 : i32
      %dma_wait3A_571 = tpu.memref_slice %arg3[%dma_wait3A_569, %dma_wait3A_570] : memref<1000000x64xf32, #tpu.memory_space<hbm>> -> memref<1000000x64xf32, #tpu.memory_space<hbm>>
      tpu.wait_indirect_dma semaphore(%arg9 : memref<!tpu.dma_semaphore, #tpu.memory_space<semaphore_mem>>) src(%dma_wait3A_571 : memref<1000000x64xf32, #tpu.memory_space<hbm>>) dst(%dma_wait3A_565 : memref<128x64xf32, #tpu.memory_space<vmem>>)
      %mul3A_572 = arith.constant 4 : i32
      %mul3A_573 = arith.muli %add3A_519, %mul3A_572 : i32
      %add3A_574 = arith.constant 0 : i32
      %add3A_575 = arith.addi %mul3A_573, %add3A_574 : i32
      %get3A_576 = arith.index_cast %add3A_575 : i32 to index
      %get3A_577 = arith.constant 0 : index
      %get3A_578 = tpu.vector_load %arg5[%get3A_576, %get3A_577] {strides = array<i32>} : memref<200x128xi32, #tpu.memory_space<vmem>>, vector<1x16xi32>,
      %get3A_579 = vector.shape_cast %get3A_578 : vector<1x16xi32> to vector<16xi32>
      %mul3A_580 = arith.constant 4 : i32
      %mul3A_581 = arith.muli %add3A_519, %mul3A_580 : i32
      %add3A_582 = arith.constant 0 : i32
      %add3A_583 = arith.addi %mul3A_581, %add3A_582 : i32
      %get3A_584 = arith.index_cast %add3A_583 : i32 to index
      %get3A_585 = arith.constant 16 : index
      %get3A_586 = tpu.vector_load %arg5[%get3A_584, %get3A_585] {strides = array<i32>} : memref<200x128xi32, #tpu.memory_space<vmem>>, vector<1x16xi32>,
      %get3A_587 = vector.shape_cast %get3A_586 : vector<1x16xi32> to vector<16xi32>
      %mul3A_588 = arith.constant 4 : i32
      %mul3A_589 = arith.muli %add3A_519, %mul3A_588 : i32
      %add3A_590 = arith.constant 0 : i32
      %add3A_591 = arith.addi %mul3A_589, %add3A_590 : i32
      %get3A_592 = arith.index_cast %add3A_591 : i32 to index
      %get3A_593 = arith.constant 32 : index
      %get3A_594 = tpu.vector_load %arg5[%get3A_592, %get3A_593] {strides = array<i32>} : memref<200x128xi32, #tpu.memory_space<vmem>>, vector<1x16xi32>,
      %get3A_595 = vector.shape_cast %get3A_594 : vector<1x16xi32> to vector<16xi32>
      %mul3A_596 = arith.constant 4 : i32
      %mul3A_597 = arith.muli %add3A_519, %mul3A_596 : i32
      %add3A_598 = arith.constant 0 : i32
      %add3A_599 = arith.addi %mul3A_597, %add3A_598 : i32
      %get3A_600 = arith.index_cast %add3A_599 : i32 to index
      %get3A_601 = arith.constant 48 : index
      %get3A_602 = tpu.vector_load %arg5[%get3A_600, %get3A_601] {strides = array<i32>} : memref<200x128xi32, #tpu.memory_space<vmem>>, vector<1x16xi32>,
      %get3A_603 = vector.shape_cast %get3A_602 : vector<1x16xi32> to vector<16xi32>
      %mul3A_604 = arith.constant 4 : i32
      %mul3A_605 = arith.muli %add3A_519, %mul3A_604 : i32
      %add3A_606 = arith.constant 0 : i32
      %add3A_607 = arith.addi %mul3A_605, %add3A_606 : i32
      %get3A_608 = arith.index_cast %add3A_607 : i32 to index
      %get3A_609 = arith.constant 64 : index
      %get3A_610 = tpu.vector_load %arg5[%get3A_608, %get3A_609] {strides = array<i32>} : memref<200x128xi32, #tpu.memory_space<vmem>>, vector<1x16xi32>,
      %get3A_611 = vector.shape_cast %get3A_610 : vector<1x16xi32> to vector<16xi32>
      %mul3A_612 = arith.constant 4 : i32
      %mul3A_613 = arith.muli %add3A_519, %mul3A_612 : i32
      %add3A_614 = arith.constant 0 : i32
      %add3A_615 = arith.addi %mul3A_613, %add3A_614 : i32
      %get3A_616 = arith.index_cast %add3A_615 : i32 to index
      %get3A_617 = arith.constant 80 : index
      %get3A_618 = tpu.vector_load %arg5[%get3A_616, %get3A_617] {strides = array<i32>} : memref<200x128xi32, #tpu.memory_space<vmem>>, vector<1x16xi32>,
      %get3A_619 = vector.shape_cast %get3A_618 : vector<1x16xi32> to vector<16xi32>
      %mul3A_620 = arith.constant 4 : i32
      %mul3A_621 = arith.muli %add3A_519, %mul3A_620 : i32
      %add3A_622 = arith.constant 0 : i32
      %add3A_623 = arith.addi %mul3A_621, %add3A_622 : i32
      %get3A_624 = arith.index_cast %add3A_623 : i32 to index
      %get3A_625 = arith.constant 96 : index
      %get3A_626 = tpu.vector_load %arg5[%get3A_624, %get3A_625] {strides = array<i32>} : memref<200x128xi32, #tpu.memory_space<vmem>>, vector<1x16xi32>,
      %get3A_627 = vector.shape_cast %get3A_626 : vector<1x16xi32> to vector<16xi32>
      %mul3A_628 = arith.constant 4 : i32
      %mul3A_629 = arith.muli %add3A_519, %mul3A_628 : i32
      %add3A_630 = arith.constant 0 : i32
      %add3A_631 = arith.addi %mul3A_629, %add3A_630 : i32
      %get3A_632 = arith.index_cast %add3A_631 : i32 to index
      %get3A_633 = arith.constant 112 : index
      %get3A_634 = tpu.vector_load %arg5[%get3A_632, %get3A_633] {strides = array<i32>} : memref<200x128xi32, #tpu.memory_space<vmem>>, vector<1x16xi32>,
      %get3A_635 = vector.shape_cast %get3A_634 : vector<1x16xi32> to vector<16xi32>
      %mul3A_636 = arith.constant 4 : i32
      %mul3A_637 = arith.muli %add3A_519, %mul3A_636 : i32
      %add3A_638 = arith.constant 1 : i32
      %add3A_639 = arith.addi %mul3A_637, %add3A_638 : i32
      %get3A_640 = arith.index_cast %add3A_639 : i32 to index
      %get3A_641 = arith.constant 0 : index
      %get3A_642 = tpu.vector_load %arg5[%get3A_640, %get3A_641] {strides = array<i32>} : memref<200x128xi32, #tpu.memory_space<vmem>>, vector<1x16xi32>,
      %get3A_643 = vector.shape_cast %get3A_642 : vector<1x16xi32> to vector<16xi32>
      %mul3A_644 = arith.constant 4 : i32
      %mul3A_645 = arith.muli %add3A_519, %mul3A_644 : i32
      %add3A_646 = arith.constant 1 : i32
      %add3A_647 = arith.addi %mul3A_645, %add3A_646 : i32
      %get3A_648 = arith.index_cast %add3A_647 : i32 to index
      %get3A_649 = arith.constant 16 : index
      %get3A_650 = tpu.vector_load %arg5[%get3A_648, %get3A_649] {strides = array<i32>} : memref<200x128xi32, #tpu.memory_space<vmem>>, vector<1x16xi32>,
      %get3A_651 = vector.shape_cast %get3A_650 : vector<1x16xi32> to vector<16xi32>
      %mul3A_652 = arith.constant 4 : i32
      %mul3A_653 = arith.muli %add3A_519, %mul3A_652 : i32
      %add3A_654 = arith.constant 1 : i32
      %add3A_655 = arith.addi %mul3A_653, %add3A_654 : i32
      %get3A_656 = arith.index_cast %add3A_655 : i32 to index
      %get3A_657 = arith.constant 32 : index
      %get3A_658 = tpu.vector_load %arg5[%get3A_656, %get3A_657] {strides = array<i32>} : memref<200x128xi32, #tpu.memory_space<vmem>>, vector<1x16xi32>,
      %get3A_659 = vector.shape_cast %get3A_658 : vector<1x16xi32> to vector<16xi32>
      %mul3A_660 = arith.constant 4 : i32
      %mul3A_661 = arith.muli %add3A_519, %mul3A_660 : i32
      %add3A_662 = arith.constant 1 : i32
      %add3A_663 = arith.addi %mul3A_661, %add3A_662 : i32
      %get3A_664 = arith.index_cast %add3A_663 : i32 to index
      %get3A_665 = arith.constant 48 : index
      %get3A_666 = tpu.vector_load %arg5[%get3A_664, %get3A_665] {strides = array<i32>} : memref<200x128xi32, #tpu.memory_space<vmem>>, vector<1x16xi32>,
      %get3A_667 = vector.shape_cast %get3A_666 : vector<1x16xi32> to vector<16xi32>
      %mul3A_668 = arith.constant 4 : i32
      %mul3A_669 = arith.muli %add3A_519, %mul3A_668 : i32
      %add3A_670 = arith.constant 1 : i32
      %add3A_671 = arith.addi %mul3A_669, %add3A_670 : i32
      %get3A_672 = arith.index_cast %add3A_671 : i32 to index
      %get3A_673 = arith.constant 64 : index
      %get3A_674 = tpu.vector_load %arg5[%get3A_672, %get3A_673] {strides = array<i32>} : memref<200x128xi32, #tpu.memory_space<vmem>>, vector<1x16xi32>,
      %get3A_675 = vector.shape_cast %get3A_674 : vector<1x16xi32> to vector<16xi32>
      %mul3A_676 = arith.constant 4 : i32
      %mul3A_677 = arith.muli %add3A_519, %mul3A_676 : i32
      %add3A_678 = arith.constant 1 : i32
      %add3A_679 = arith.addi %mul3A_677, %add3A_678 : i32
      %get3A_680 = arith.index_cast %add3A_679 : i32 to index
      %get3A_681 = arith.constant 80 : index
      %get3A_682 = tpu.vector_load %arg5[%get3A_680, %get3A_681] {strides = array<i32>} : memref<200x128xi32, #tpu.memory_space<vmem>>, vector<1x16xi32>,
      %get3A_683 = vector.shape_cast %get3A_682 : vector<1x16xi32> to vector<16xi32>
      %mul3A_684 = arith.constant 4 : i32
      %mul3A_685 = arith.muli %add3A_519, %mul3A_684 : i32
      %add3A_686 = arith.constant 1 : i32
      %add3A_687 = arith.addi %mul3A_685, %add3A_686 : i32
      %get3A_688 = arith.index_cast %add3A_687 : i32 to index
      %get3A_689 = arith.constant 96 : index
      %get3A_690 = tpu.vector_load %arg5[%get3A_688, %get3A_689] {strides = array<i32>} : memref<200x128xi32, #tpu.memory_space<vmem>>, vector<1x16xi32>,
      %get3A_691 = vector.shape_cast %get3A_690 : vector<1x16xi32> to vector<16xi32>
      %mul3A_692 = arith.constant 4 : i32
      %mul3A_693 = arith.muli %add3A_519, %mul3A_692 : i32
      %add3A_694 = arith.constant 1 : i32
      %add3A_695 = arith.addi %mul3A_693, %add3A_694 : i32
      %get3A_696 = arith.index_cast %add3A_695 : i32 to index
      %get3A_697 = arith.constant 112 : index
      %get3A_698 = tpu.vector_load %arg5[%get3A_696, %get3A_697] {strides = array<i32>} : memref<200x128xi32, #tpu.memory_space<vmem>>, vector<1x16xi32>,
      %get3A_699 = vector.shape_cast %get3A_698 : vector<1x16xi32> to vector<16xi32>
      %mul3A_700 = arith.constant 4 : i32
      %mul3A_701 = arith.muli %add3A_519, %mul3A_700 : i32
      %add3A_702 = arith.constant 2 : i32
      %add3A_703 = arith.addi %mul3A_701, %add3A_702 : i32
      %get3A_704 = arith.index_cast %add3A_703 : i32 to index
      %get3A_705 = arith.constant 0 : index
      %get3A_706 = tpu.vector_load %arg5[%get3A_704, %get3A_705] {strides = array<i32>} : memref<200x128xi32, #tpu.memory_space<vmem>>, vector<1x16xi32>,
      %get3A_707 = vector.shape_cast %get3A_706 : vector<1x16xi32> to vector<16xi32>
      %mul3A_708 = arith.constant 4 : i32
      %mul3A_709 = arith.muli %add3A_519, %mul3A_708 : i32
      %add3A_710 = arith.constant 2 : i32
      %add3A_711 = arith.addi %mul3A_709, %add3A_710 : i32
      %get3A_712 = arith.index_cast %add3A_711 : i32 to index
      %get3A_713 = arith.constant 16 : index
      %get3A_714 = tpu.vector_load %arg5[%get3A_712, %get3A_713] {strides = array<i32>} : memref<200x128xi32, #tpu.memory_space<vmem>>, vector<1x16xi32>,
      %get3A_715 = vector.shape_cast %get3A_714 : vector<1x16xi32> to vector<16xi32>
      %mul3A_716 = arith.constant 4 : i32
      %mul3A_717 = arith.muli %add3A_519, %mul3A_716 : i32
      %add3A_718 = arith.constant 2 : i32
      %add3A_719 = arith.addi %mul3A_717, %add3A_718 : i32
      %get3A_720 = arith.index_cast %add3A_719 : i32 to index
      %get3A_721 = arith.constant 32 : index
      %get3A_722 = tpu.vector_load %arg5[%get3A_720, %get3A_721] {strides = array<i32>} : memref<200x128xi32, #tpu.memory_space<vmem>>, vector<1x16xi32>,
      %get3A_723 = vector.shape_cast %get3A_722 : vector<1x16xi32> to vector<16xi32>
      %mul3A_724 = arith.constant 4 : i32
      %mul3A_725 = arith.muli %add3A_519, %mul3A_724 : i32
      %add3A_726 = arith.constant 2 : i32
      %add3A_727 = arith.addi %mul3A_725, %add3A_726 : i32
      %get3A_728 = arith.index_cast %add3A_727 : i32 to index
      %get3A_729 = arith.constant 48 : index
      %get3A_730 = tpu.vector_load %arg5[%get3A_728, %get3A_729] {strides = array<i32>} : memref<200x128xi32, #tpu.memory_space<vmem>>, vector<1x16xi32>,
      %get3A_731 = vector.shape_cast %get3A_730 : vector<1x16xi32> to vector<16xi32>
      %mul3A_732 = arith.constant 4 : i32
      %mul3A_733 = arith.muli %add3A_519, %mul3A_732 : i32
      %add3A_734 = arith.constant 2 : i32
      %add3A_735 = arith.addi %mul3A_733, %add3A_734 : i32
      %get3A_736 = arith.index_cast %add3A_735 : i32 to index
      %get3A_737 = arith.constant 64 : index
      %get3A_738 = tpu.vector_load %arg5[%get3A_736, %get3A_737] {strides = array<i32>} : memref<200x128xi32, #tpu.memory_space<vmem>>, vector<1x16xi32>,
      %get3A_739 = vector.shape_cast %get3A_738 : vector<1x16xi32> to vector<16xi32>
      %mul3A_740 = arith.constant 4 : i32
      %mul3A_741 = arith.muli %add3A_519, %mul3A_740 : i32
      %add3A_742 = arith.constant 2 : i32
      %add3A_743 = arith.addi %mul3A_741, %add3A_742 : i32
      %get3A_744 = arith.index_cast %add3A_743 : i32 to index
      %get3A_745 = arith.constant 80 : index
      %get3A_746 = tpu.vector_load %arg5[%get3A_744, %get3A_745] {strides = array<i32>} : memref<200x128xi32, #tpu.memory_space<vmem>>, vector<1x16xi32>,
      %get3A_747 = vector.shape_cast %get3A_746 : vector<1x16xi32> to vector<16xi32>
      %mul3A_748 = arith.constant 4 : i32
      %mul3A_749 = arith.muli %add3A_519, %mul3A_748 : i32
      %add3A_750 = arith.constant 2 : i32
      %add3A_751 = arith.addi %mul3A_749, %add3A_750 : i32
      %get3A_752 = arith.index_cast %add3A_751 : i32 to index
      %get3A_753 = arith.constant 96 : index
      %get3A_754 = tpu.vector_load %arg5[%get3A_752, %get3A_753] {strides = array<i32>} : memref<200x128xi32, #tpu.memory_space<vmem>>, vector<1x16xi32>,
      %get3A_755 = vector.shape_cast %get3A_754 : vector<1x16xi32> to vector<16xi32>
      %mul3A_756 = arith.constant 4 : i32
      %mul3A_757 = arith.muli %add3A_519, %mul3A_756 : i32
      %add3A_758 = arith.constant 2 : i32
      %add3A_759 = arith.addi %mul3A_757, %add3A_758 : i32
      %get3A_760 = arith.index_cast %add3A_759 : i32 to index
      %get3A_761 = arith.constant 112 : index
      %get3A_762 = tpu.vector_load %arg5[%get3A_760, %get3A_761] {strides = array<i32>} : memref<200x128xi32, #tpu.memory_space<vmem>>, vector<1x16xi32>,
      %get3A_763 = vector.shape_cast %get3A_762 : vector<1x16xi32> to vector<16xi32>
      %mul3A_764 = arith.constant 4 : i32
      %mul3A_765 = arith.muli %add3A_519, %mul3A_764 : i32
      %add3A_766 = arith.constant 3 : i32
      %add3A_767 = arith.addi %mul3A_765, %add3A_766 : i32
      %get3A_768 = arith.index_cast %add3A_767 : i32 to index
      %get3A_769 = arith.constant 0 : index
      %get3A_770 = tpu.vector_load %arg5[%get3A_768, %get3A_769] {strides = array<i32>} : memref<200x128xi32, #tpu.memory_space<vmem>>, vector<1x16xi32>,
      %get3A_771 = vector.shape_cast %get3A_770 : vector<1x16xi32> to vector<16xi32>
      %mul3A_772 = arith.constant 4 : i32
      %mul3A_773 = arith.muli %add3A_519, %mul3A_772 : i32
      %add3A_774 = arith.constant 3 : i32
      %add3A_775 = arith.addi %mul3A_773, %add3A_774 : i32
      %get3A_776 = arith.index_cast %add3A_775 : i32 to index
      %get3A_777 = arith.constant 16 : index
      %get3A_778 = tpu.vector_load %arg5[%get3A_776, %get3A_777] {strides = array<i32>} : memref<200x128xi32, #tpu.memory_space<vmem>>, vector<1x16xi32>,
      %get3A_779 = vector.shape_cast %get3A_778 : vector<1x16xi32> to vector<16xi32>
      %mul3A_780 = arith.constant 4 : i32
      %mul3A_781 = arith.muli %add3A_519, %mul3A_780 : i32
      %add3A_782 = arith.constant 3 : i32
      %add3A_783 = arith.addi %mul3A_781, %add3A_782 : i32
      %get3A_784 = arith.index_cast %add3A_783 : i32 to index
      %get3A_785 = arith.constant 32 : index
      %get3A_786 = tpu.vector_load %arg5[%get3A_784, %get3A_785] {strides = array<i32>} : memref<200x128xi32, #tpu.memory_space<vmem>>, vector<1x16xi32>,
      %get3A_787 = vector.shape_cast %get3A_786 : vector<1x16xi32> to vector<16xi32>
      %mul3A_788 = arith.constant 4 : i32
      %mul3A_789 = arith.muli %add3A_519, %mul3A_788 : i32
      %add3A_790 = arith.constant 3 : i32
      %add3A_791 = arith.addi %mul3A_789, %add3A_790 : i32
      %get3A_792 = arith.index_cast %add3A_791 : i32 to index
      %get3A_793 = arith.constant 48 : index
      %get3A_794 = tpu.vector_load %arg5[%get3A_792, %get3A_793] {strides = array<i32>} : memref<200x128xi32, #tpu.memory_space<vmem>>, vector<1x16xi32>,
      %get3A_795 = vector.shape_cast %get3A_794 : vector<1x16xi32> to vector<16xi32>
      %mul3A_796 = arith.constant 4 : i32
      %mul3A_797 = arith.muli %add3A_519, %mul3A_796 : i32
      %add3A_798 = arith.constant 3 : i32
      %add3A_799 = arith.addi %mul3A_797, %add3A_798 : i32
      %get3A_800 = arith.index_cast %add3A_799 : i32 to index
      %get3A_801 = arith.constant 64 : index
      %get3A_802 = tpu.vector_load %arg5[%get3A_800, %get3A_801] {strides = array<i32>} : memref<200x128xi32, #tpu.memory_space<vmem>>, vector<1x16xi32>,
      %get3A_803 = vector.shape_cast %get3A_802 : vector<1x16xi32> to vector<16xi32>
      %mul3A_804 = arith.constant 4 : i32
      %mul3A_805 = arith.muli %add3A_519, %mul3A_804 : i32
      %add3A_806 = arith.constant 3 : i32
      %add3A_807 = arith.addi %mul3A_805, %add3A_806 : i32
      %get3A_808 = arith.index_cast %add3A_807 : i32 to index
      %get3A_809 = arith.constant 80 : index
      %get3A_810 = tpu.vector_load %arg5[%get3A_808, %get3A_809] {strides = array<i32>} : memref<200x128xi32, #tpu.memory_space<vmem>>, vector<1x16xi32>,
      %get3A_811 = vector.shape_cast %get3A_810 : vector<1x16xi32> to vector<16xi32>
      %mul3A_812 = arith.constant 4 : i32
      %mul3A_813 = arith.muli %add3A_519, %mul3A_812 : i32
      %add3A_814 = arith.constant 3 : i32
      %add3A_815 = arith.addi %mul3A_813, %add3A_814 : i32
      %get3A_816 = arith.index_cast %add3A_815 : i32 to index
      %get3A_817 = arith.constant 96 : index
      %get3A_818 = tpu.vector_load %arg5[%get3A_816, %get3A_817] {strides = array<i32>} : memref<200x128xi32, #tpu.memory_space<vmem>>, vector<1x16xi32>,
      %get3A_819 = vector.shape_cast %get3A_818 : vector<1x16xi32> to vector<16xi32>
      %mul3A_820 = arith.constant 4 : i32
      %mul3A_821 = arith.muli %add3A_519, %mul3A_820 : i32
      %add3A_822 = arith.constant 3 : i32
      %add3A_823 = arith.addi %mul3A_821, %add3A_822 : i32
      %get3A_824 = arith.index_cast %add3A_823 : i32 to index
      %get3A_825 = arith.constant 112 : index
      %get3A_826 = tpu.vector_load %arg5[%get3A_824, %get3A_825] {strides = array<i32>} : memref<200x128xi32, #tpu.memory_space<vmem>>, vector<1x16xi32>,
      %get3A_827 = vector.shape_cast %get3A_826 : vector<1x16xi32> to vector<16xi32>
      %min3A_828 = arith.minsi %get3A_579, %get3A_587 : vector<16xi32>
      %min3A_829 = arith.minsi %min3A_828, %get3A_595 : vector<16xi32>
      %min3A_830 = arith.minsi %min3A_829, %get3A_603 : vector<16xi32>
      %min3A_831 = arith.minsi %min3A_830, %get3A_611 : vector<16xi32>
      %min3A_832 = arith.minsi %min3A_831, %get3A_619 : vector<16xi32>
      %min3A_833 = arith.minsi %min3A_832, %get3A_627 : vector<16xi32>
      %min3A_834 = arith.minsi %min3A_833, %get3A_635 : vector<16xi32>
      %min3A_835 = arith.minsi %min3A_834, %get3A_643 : vector<16xi32>
      %min3A_836 = arith.minsi %min3A_835, %get3A_651 : vector<16xi32>
      %min3A_837 = arith.minsi %min3A_836, %get3A_659 : vector<16xi32>
      %min3A_838 = arith.minsi %min3A_837, %get3A_667 : vector<16xi32>
      %min3A_839 = arith.minsi %min3A_838, %get3A_675 : vector<16xi32>
      %min3A_840 = arith.minsi %min3A_839, %get3A_683 : vector<16xi32>
      %min3A_841 = arith.minsi %min3A_840, %get3A_691 : vector<16xi32>
      %min3A_842 = arith.minsi %min3A_841, %get3A_699 : vector<16xi32>
      %min3A_843 = arith.minsi %min3A_842, %get3A_707 : vector<16xi32>
      %min3A_844 = arith.minsi %min3A_843, %get3A_715 : vector<16xi32>
      %min3A_845 = arith.minsi %min3A_844, %get3A_723 : vector<16xi32>
      %min3A_846 = arith.minsi %min3A_845, %get3A_731 : vector<16xi32>
      %min3A_847 = arith.minsi %min3A_846, %get3A_739 : vector<16xi32>
      %min3A_848 = arith.minsi %min3A_847, %get3A_747 : vector<16xi32>
      %min3A_849 = arith.minsi %min3A_848, %get3A_755 : vector<16xi32>
      %min3A_850 = arith.minsi %min3A_849, %get3A_763 : vector<16xi32>
      %min3A_851 = arith.minsi %min3A_850, %get3A_771 : vector<16xi32>
      %min3A_852 = arith.minsi %min3A_851, %get3A_779 : vector<16xi32>
      %min3A_853 = arith.minsi %min3A_852, %get3A_787 : vector<16xi32>
      %min3A_854 = arith.minsi %min3A_853, %get3A_795 : vector<16xi32>
      %min3A_855 = arith.minsi %min3A_854, %get3A_803 : vector<16xi32>
      %min3A_856 = arith.minsi %min3A_855, %get3A_811 : vector<16xi32>
      %min3A_857 = arith.minsi %min3A_856, %get3A_819 : vector<16xi32>
      %min3A_858 = arith.minsi %min3A_857, %get3A_827 : vector<16xi32>
      %slice3A_859 = vector.extract_strided_slice %min3A_858 {offsets = [0], sizes = [1], strides = [1]} : vector<16xi32> to vector<1xi32>
      %squeeze3A_860 = vector.extract %slice3A_859[0] : i32 from vector<1xi32>
      %slice3A_861 = vector.extract_strided_slice %min3A_858 {offsets = [1], sizes = [1], strides = [1]} : vector<16xi32> to vector<1xi32>
      %squeeze3A_862 = vector.extract %slice3A_861[0] : i32 from vector<1xi32>
      %slice3A_863 = vector.extract_strided_slice %min3A_858 {offsets = [2], sizes = [1], strides = [1]} : vector<16xi32> to vector<1xi32>
      %squeeze3A_864 = vector.extract %slice3A_863[0] : i32 from vector<1xi32>
      %slice3A_865 = vector.extract_strided_slice %min3A_858 {offsets = [3], sizes = [1], strides = [1]} : vector<16xi32> to vector<1xi32>
      %squeeze3A_866 = vector.extract %slice3A_865[0] : i32 from vector<1xi32>
      %slice3A_867 = vector.extract_strided_slice %min3A_858 {offsets = [4], sizes = [1], strides = [1]} : vector<16xi32> to vector<1xi32>
      %squeeze3A_868 = vector.extract %slice3A_867[0] : i32 from vector<1xi32>
      %slice3A_869 = vector.extract_strided_slice %min3A_858 {offsets = [5], sizes = [1], strides = [1]} : vector<16xi32> to vector<1xi32>
      %squeeze3A_870 = vector.extract %slice3A_869[0] : i32 from vector<1xi32>
      %slice3A_871 = vector.extract_strided_slice %min3A_858 {offsets = [6], sizes = [1], strides = [1]} : vector<16xi32> to vector<1xi32>
      %squeeze3A_872 = vector.extract %slice3A_871[0] : i32 from vector<1xi32>
      %slice3A_873 = vector.extract_strided_slice %min3A_858 {offsets = [7], sizes = [1], strides = [1]} : vector<16xi32> to vector<1xi32>
      %squeeze3A_874 = vector.extract %slice3A_873[0] : i32 from vector<1xi32>
      %slice3A_875 = vector.extract_strided_slice %min3A_858 {offsets = [8], sizes = [1], strides = [1]} : vector<16xi32> to vector<1xi32>
      %squeeze3A_876 = vector.extract %slice3A_875[0] : i32 from vector<1xi32>
      %slice3A_877 = vector.extract_strided_slice %min3A_858 {offsets = [9], sizes = [1], strides = [1]} : vector<16xi32> to vector<1xi32>
      %squeeze3A_878 = vector.extract %slice3A_877[0] : i32 from vector<1xi32>
      %slice3A_879 = vector.extract_strided_slice %min3A_858 {offsets = [10], sizes = [1], strides = [1]} : vector<16xi32> to vector<1xi32>
      %squeeze3A_880 = vector.extract %slice3A_879[0] : i32 from vector<1xi32>
      %slice3A_881 = vector.extract_strided_slice %min3A_858 {offsets = [11], sizes = [1], strides = [1]} : vector<16xi32> to vector<1xi32>
      %squeeze3A_882 = vector.extract %slice3A_881[0] : i32 from vector<1xi32>
      %slice3A_883 = vector.extract_strided_slice %min3A_858 {offsets = [12], sizes = [1], strides = [1]} : vector<16xi32> to vector<1xi32>
      %squeeze3A_884 = vector.extract %slice3A_883[0] : i32 from vector<1xi32>
      %slice3A_885 = vector.extract_strided_slice %min3A_858 {offsets = [13], sizes = [1], strides = [1]} : vector<16xi32> to vector<1xi32>
      %squeeze3A_886 = vector.extract %slice3A_885[0] : i32 from vector<1xi32>
      %slice3A_887 = vector.extract_strided_slice %min3A_858 {offsets = [14], sizes = [1], strides = [1]} : vector<16xi32> to vector<1xi32>
      %squeeze3A_888 = vector.extract %slice3A_887[0] : i32 from vector<1xi32>
      %slice3A_889 = vector.extract_strided_slice %min3A_858 {offsets = [15], sizes = [1], strides = [1]} : vector<16xi32> to vector<1xi32>
      %squeeze3A_890 = vector.extract %slice3A_889[0] : i32 from vector<1xi32>
      %min3A_891 = arith.minsi %squeeze3A_860, %squeeze3A_862 : i32
      %min3A_892 = arith.minsi %min3A_891, %squeeze3A_864 : i32
      %min3A_893 = arith.minsi %min3A_892, %squeeze3A_866 : i32
      %min3A_894 = arith.minsi %min3A_893, %squeeze3A_868 : i32
      %min3A_895 = arith.minsi %min3A_894, %squeeze3A_870 : i32
      %min3A_896 = arith.minsi %min3A_895, %squeeze3A_872 : i32
      %min3A_897 = arith.minsi %min3A_896, %squeeze3A_874 : i32
      %min3A_898 = arith.minsi %min3A_897, %squeeze3A_876 : i32
      %min3A_899 = arith.minsi %min3A_898, %squeeze3A_878 : i32
      %min3A_900 = arith.minsi %min3A_899, %squeeze3A_880 : i32
      %min3A_901 = arith.minsi %min3A_900, %squeeze3A_882 : i32
      %min3A_902 = arith.minsi %min3A_901, %squeeze3A_884 : i32
      %min3A_903 = arith.minsi %min3A_902, %squeeze3A_886 : i32
      %min3A_904 = arith.minsi %min3A_903, %squeeze3A_888 : i32
      %min3A_905 = arith.minsi %min3A_904, %squeeze3A_890 : i32
      %eq3A_906 = arith.constant 0 : i32
      %eq3A_907 = arith.cmpi eq, %min3A_905, %eq3A_906 : i32
      %convert_element_type3A_908 = arith.extui %eq3A_907 : i1 to i32
      %cond3A_909 = arith.constant 0 : i32
      %cond3A_910 = arith.cmpi ne, %convert_element_type3A_908, %cond3A_909 : i32
      scf.if %cond3A_910 {
        %scan3A_931 = arith.constant 0 : i32
        %scan3A_932 = arith.constant 0 : i32
        %scan3A_933 = arith.constant 32 : i32
        %scan3A_934 = arith.addi %scan3A_932, %scan3A_933 : i32
        %scan3A_935 = arith.constant 1 : i32
        scf.for %scan3A_937 = %scan3A_932 to %scan3A_934 step %scan3A_935  : i32 {
          %jit3A = arith.constant 8 : i32
          %div3A = arith.divsi %scan3A_937, %jit3A : i32
          %sign3A = arith.constant 0 : i32
          %sign3A_938 = arith.cmpi sgt, %scan3A_937, %sign3A : i32
          %sign3A_939 = arith.extui %sign3A_938 : i1 to i32
          %sign3A_940 = arith.constant 0 : i32
          %sign3A_941 = arith.cmpi slt, %scan3A_937, %sign3A_940 : i32
          %sign3A_942 = arith.extui %sign3A_941 : i1 to i32
          %sign3A_943 = arith.subi %sign3A_939, %sign3A_942 : i32
          %sign3A_944 = arith.constant 0 : i32
          %sign3A_945 = arith.cmpi sgt, %jit3A, %sign3A_944 : i32
          %sign3A_946 = arith.extui %sign3A_945 : i1 to i32
          %sign3A_947 = arith.constant 0 : i32
          %sign3A_948 = arith.cmpi slt, %jit3A, %sign3A_947 : i32
          %sign3A_949 = arith.extui %sign3A_948 : i1 to i32
          %sign3A_950 = arith.subi %sign3A_946, %sign3A_949 : i32
          %ne3A = arith.cmpi ne, %sign3A_943, %sign3A_950 : i32
          %rem3A = arith.remsi %scan3A_937, %jit3A : i32
          %ne3A_951 = arith.constant 0 : i32
          %ne3A_952 = arith.cmpi ne, %rem3A, %ne3A_951 : i32
          %and3A_953 = arith.andi %ne3A, %ne3A_952 : i1
          %sub3A = arith.constant 1 : i32
          %sub3A_954 = arith.subi %div3A, %sub3A : i32
          %select_n3A = arith.select %and3A_953, %sub3A_954, %div3A : i32
          %jit3A_955 = arith.constant 8 : i32
          %eq3A_956 = arith.constant 0 : i32
          %eq3A_957 = arith.cmpi eq, %jit3A_955, %eq3A_956 : i32
          %jit3A_958 = arith.constant 1 : i32
          %select_n3A_959 = arith.select %eq3A_957, %jit3A_958, %jit3A_955 : i32
          %rem3A_960 = arith.remsi %scan3A_937, %select_n3A_959 : i32
          %ne3A_961 = arith.constant 0 : i32
          %ne3A_962 = arith.cmpi ne, %rem3A_960, %ne3A_961 : i32
          %lt3A_963 = arith.constant 0 : i32
          %lt3A_964 = arith.cmpi slt, %rem3A_960, %lt3A_963 : i32
          %lt3A_965 = arith.constant 0 : i32
          %lt3A_966 = arith.cmpi slt, %select_n3A_959, %lt3A_965 : i32
          %ne3A_967 = arith.xori %lt3A_964, %lt3A_966 : i1
          %and3A_968 = arith.andi %ne3A_967, %ne3A_962 : i1
          %add3A_969 = arith.addi %rem3A_960, %select_n3A_959 : i32
          %select_n3A_970 = arith.select %and3A_968, %add3A_969, %rem3A_960 : i32
          %mul3A_971 = arith.constant 4 : i32
          %mul3A_972 = arith.muli %add3A_519, %mul3A_971 : i32
          %add3A_973 = arith.addi %mul3A_972, %select_n3A : i32
          %mul3A_974 = arith.constant 16 : i32
          %mul3A_975 = arith.muli %select_n3A_970, %mul3A_974 : i32
          %get3A_976 = arith.index_cast %add3A_973 : i32 to index
          %get3A_977 = arith.index_cast %mul3A_975 : i32 to index
          %get3A_978 = tpu.vector_load %arg5[%get3A_976, %get3A_977] {strides = array<i32>} : memref<200x128xi32, #tpu.memory_space<vmem>>, vector<1x16xi32>,
          %get3A_979 = vector.shape_cast %get3A_978 : vector<1x16xi32> to vector<16xi32>
          %eq3A_980 = arith.constant 0 : i32
          %eq3A_981 = vector.broadcast %eq3A_980 : i32 to vector<16xi32>
          %eq3A_982 = arith.cmpi eq, %get3A_979, %eq3A_981 : vector<16xi32>
          %jit3A_983 = arith.constant 0.000000e+00 : f32
          %jit3A_984 = arith.constant 1.000000e+00 : f32
          %broadcast_in_dim3A = vector.broadcast %jit3A_983 : f32 to vector<16xf32>
          %broadcast_in_dim3A_985 = vector.broadcast %jit3A_984 : f32 to vector<16xf32>
          %select_n3A_986 = arith.select %eq3A_982, %broadcast_in_dim3A, %broadcast_in_dim3A_985 : vector<16xi1>, vector<16xf32>
          %slice3A_987 = vector.extract_strided_slice %select_n3A_986 {offsets = [0], sizes = [1], strides = [1]} : vector<16xf32> to vector<1xf32>
          %squeeze3A_988 = vector.extract %slice3A_987[0] : f32 from vector<1xf32>
          %mul3A_989 = arith.constant 16 : i32
          %mul3A_990 = arith.muli %scan3A_937, %mul3A_989 : i32
          %add3A_991 = arith.constant 0 : i32
          %add3A_992 = arith.addi %mul3A_990, %add3A_991 : i32
          %get3A_993 = arith.index_cast %add3A_992 : i32 to index
          %get3A_994 = arith.constant 0 : index
          %get3A_995 = tpu.vector_load %arg7[%get3A_993, %get3A_994] {strides = array<i32>} : memref<512x64xf32, #tpu.memory_space<vmem>>, vector<1x16xf32>,
          %get3A_996 = vector.shape_cast %get3A_995 : vector<1x16xf32> to vector<16xf32>
          %mul3A_997 = vector.broadcast %squeeze3A_988 : f32 to vector<16xf32>
          %mul3A_998 = arith.mulf %get3A_996, %mul3A_997 : vector<16xf32>
          %swap3A = arith.index_cast %add3A_992 : i32 to index
          %swap3A_999 = arith.constant 0 : index
          %swap3A_1000 = tpu.vector_load %arg7[%swap3A, %swap3A_999] {strides = array<i32>} : memref<512x64xf32, #tpu.memory_space<vmem>>, vector<1x16xf32>,
          %swap3A_1001 = vector.shape_cast %swap3A_1000 : vector<1x16xf32> to vector<16xf32>
          %swap3A_1002 = vector.shape_cast %mul3A_998 : vector<16xf32> to vector<1x16xf32>
          tpu.vector_store %arg7[%swap3A, %swap3A_999], %swap3A_1002 {strides = array<i32>} : memref<512x64xf32, #tpu.memory_space<vmem>>, vector<1x16xf32>,
          %get3A_1003 = arith.index_cast %add3A_992 : i32 to index
          %get3A_1004 = arith.constant 16 : index
          %get3A_1005 = tpu.vector_load %arg7[%get3A_1003, %get3A_1004] {strides = array<i32>} : memref<512x64xf32, #tpu.memory_space<vmem>>, vector<1x16xf32>,
          %get3A_1006 = vector.shape_cast %get3A_1005 : vector<1x16xf32> to vector<16xf32>
          %mul3A_1007 = vector.broadcast %squeeze3A_988 : f32 to vector<16xf32>
          %mul3A_1008 = arith.mulf %get3A_1006, %mul3A_1007 : vector<16xf32>
          %swap3A_1009 = arith.index_cast %add3A_992 : i32 to index
          %swap3A_1010 = arith.constant 16 : index
          %swap3A_1011 = tpu.vector_load %arg7[%swap3A_1009, %swap3A_1010] {strides = array<i32>} : memref<512x64xf32, #tpu.memory_space<vmem>>, vector<1x16xf32>,
          %swap3A_1012 = vector.shape_cast %swap3A_1011 : vector<1x16xf32> to vector<16xf32>
          %swap3A_1013 = vector.shape_cast %mul3A_1008 : vector<16xf32> to vector<1x16xf32>
          tpu.vector_store %arg7[%swap3A_1009, %swap3A_1010], %swap3A_1013 {strides = array<i32>} : memref<512x64xf32, #tpu.memory_space<vmem>>, vector<1x16xf32>,
          %get3A_1014 = arith.index_cast %add3A_992 : i32 to index
          %get3A_1015 = arith.constant 32 : index
          %get3A_1016 = tpu.vector_load %arg7[%get3A_1014, %get3A_1015] {strides = array<i32>} : memref<512x64xf32, #tpu.memory_space<vmem>>, vector<1x16xf32>,
          %get3A_1017 = vector.shape_cast %get3A_1016 : vector<1x16xf32> to vector<16xf32>
          %mul3A_1018 = vector.broadcast %squeeze3A_988 : f32 to vector<16xf32>
          %mul3A_1019 = arith.mulf %get3A_1017, %mul3A_1018 : vector<16xf32>
          %swap3A_1020 = arith.index_cast %add3A_992 : i32 to index
          %swap3A_1021 = arith.constant 32 : index
          %swap3A_1022 = tpu.vector_load %arg7[%swap3A_1020, %swap3A_1021] {strides = array<i32>} : memref<512x64xf32, #tpu.memory_space<vmem>>, vector<1x16xf32>,
          %swap3A_1023 = vector.shape_cast %swap3A_1022 : vector<1x16xf32> to vector<16xf32>
          %swap3A_1024 = vector.shape_cast %mul3A_1019 : vector<16xf32> to vector<1x16xf32>
          tpu.vector_store %arg7[%swap3A_1020, %swap3A_1021], %swap3A_1024 {strides = array<i32>} : memref<512x64xf32, #tpu.memory_space<vmem>>, vector<1x16xf32>,
          %get3A_1025 = arith.index_cast %add3A_992 : i32 to index
          %get3A_1026 = arith.constant 48 : index
          %get3A_1027 = tpu.vector_load %arg7[%get3A_1025, %get3A_1026] {strides = array<i32>} : memref<512x64xf32, #tpu.memory_space<vmem>>, vector<1x16xf32>,
          %get3A_1028 = vector.shape_cast %get3A_1027 : vector<1x16xf32> to vector<16xf32>
          %mul3A_1029 = vector.broadcast %squeeze3A_988 : f32 to vector<16xf32>
          %mul3A_1030 = arith.mulf %get3A_1028, %mul3A_1029 : vector<16xf32>
          %swap3A_1031 = arith.index_cast %add3A_992 : i32 to index
          %swap3A_1032 = arith.constant 48 : index
          %swap3A_1033 = tpu.vector_load %arg7[%swap3A_1031, %swap3A_1032] {strides = array<i32>} : memref<512x64xf32, #tpu.memory_space<vmem>>, vector<1x16xf32>,
          %swap3A_1034 = vector.shape_cast %swap3A_1033 : vector<1x16xf32> to vector<16xf32>
          %swap3A_1035 = vector.shape_cast %mul3A_1030 : vector<16xf32> to vector<1x16xf32>
          tpu.vector_store %arg7[%swap3A_1031, %swap3A_1032], %swap3A_1035 {strides = array<i32>} : memref<512x64xf32, #tpu.memory_space<vmem>>, vector<1x16xf32>,
          %slice3A_1036 = vector.extract_strided_slice %select_n3A_986 {offsets = [1], sizes = [1], strides = [1]} : vector<16xf32> to vector<1xf32>
          %squeeze3A_1037 = vector.extract %slice3A_1036[0] : f32 from vector<1xf32>
          %mul3A_1038 = arith.constant 16 : i32
          %mul3A_1039 = arith.muli %scan3A_937, %mul3A_1038 : i32
          %add3A_1040 = arith.constant 1 : i32
          %add3A_1041 = arith.addi %mul3A_1039, %add3A_1040 : i32
          %get3A_1042 = arith.index_cast %add3A_1041 : i32 to index
          %get3A_1043 = arith.constant 0 : index
          %get3A_1044 = tpu.vector_load %arg7[%get3A_1042, %get3A_1043] {strides = array<i32>} : memref<512x64xf32, #tpu.memory_space<vmem>>, vector<1x16xf32>,
          %get3A_1045 = vector.shape_cast %get3A_1044 : vector<1x16xf32> to vector<16xf32>
          %mul3A_1046 = vector.broadcast %squeeze3A_1037 : f32 to vector<16xf32>
          %mul3A_1047 = arith.mulf %get3A_1045, %mul3A_1046 : vector<16xf32>
          %swap3A_1048 = arith.index_cast %add3A_1041 : i32 to index
          %swap3A_1049 = arith.constant 0 : index
          %swap3A_1050 = tpu.vector_load %arg7[%swap3A_1048, %swap3A_1049] {strides = array<i32>} : memref<512x64xf32, #tpu.memory_space<vmem>>, vector<1x16xf32>,
          %swap3A_1051 = vector.shape_cast %swap3A_1050 : vector<1x16xf32> to vector<16xf32>
          %swap3A_1052 = vector.shape_cast %mul3A_1047 : vector<16xf32> to vector<1x16xf32>
          tpu.vector_store %arg7[%swap3A_1048, %swap3A_1049], %swap3A_1052 {strides = array<i32>} : memref<512x64xf32, #tpu.memory_space<vmem>>, vector<1x16xf32>,
          %get3A_1053 = arith.index_cast %add3A_1041 : i32 to index
          %get3A_1054 = arith.constant 16 : index
          %get3A_1055 = tpu.vector_load %arg7[%get3A_1053, %get3A_1054] {strides = array<i32>} : memref<512x64xf32, #tpu.memory_space<vmem>>, vector<1x16xf32>,
          %get3A_1056 = vector.shape_cast %get3A_1055 : vector<1x16xf32> to vector<16xf32>
          %mul3A_1057 = vector.broadcast %squeeze3A_1037 : f32 to vector<16xf32>
          %mul3A_1058 = arith.mulf %get3A_1056, %mul3A_1057 : vector<16xf32>
          %swap3A_1059 = arith.index_cast %add3A_1041 : i32 to index
          %swap3A_1060 = arith.constant 16 : index
          %swap3A_1061 = tpu.vector_load %arg7[%swap3A_1059, %swap3A_1060] {strides = array<i32>} : memref<512x64xf32, #tpu.memory_space<vmem>>, vector<1x16xf32>,
          %swap3A_1062 = vector.shape_cast %swap3A_1061 : vector<1x16xf32> to vector<16xf32>
          %swap3A_1063 = vector.shape_cast %mul3A_1058 : vector<16xf32> to vector<1x16xf32>
          tpu.vector_store %arg7[%swap3A_1059, %swap3A_1060], %swap3A_1063 {strides = array<i32>} : memref<512x64xf32, #tpu.memory_space<vmem>>, vector<1x16xf32>,
          %get3A_1064 = arith.index_cast %add3A_1041 : i32 to index
          %get3A_1065 = arith.constant 32 : index
          %get3A_1066 = tpu.vector_load %arg7[%get3A_1064, %get3A_1065] {strides = array<i32>} : memref<512x64xf32, #tpu.memory_space<vmem>>, vector<1x16xf32>,
          %get3A_1067 = vector.shape_cast %get3A_1066 : vector<1x16xf32> to vector<16xf32>
          %mul3A_1068 = vector.broadcast %squeeze3A_1037 : f32 to vector<16xf32>
          %mul3A_1069 = arith.mulf %get3A_1067, %mul3A_1068 : vector<16xf32>
          %swap3A_1070 = arith.index_cast %add3A_1041 : i32 to index
          %swap3A_1071 = arith.constant 32 : index
          %swap3A_1072 = tpu.vector_load %arg7[%swap3A_1070, %swap3A_1071] {strides = array<i32>} : memref<512x64xf32, #tpu.memory_space<vmem>>, vector<1x16xf32>,
          %swap3A_1073 = vector.shape_cast %swap3A_1072 : vector<1x16xf32> to vector<16xf32>
          %swap3A_1074 = vector.shape_cast %mul3A_1069 : vector<16xf32> to vector<1x16xf32>
          tpu.vector_store %arg7[%swap3A_1070, %swap3A_1071], %swap3A_1074 {strides = array<i32>} : memref<512x64xf32, #tpu.memory_space<vmem>>, vector<1x16xf32>,
          %get3A_1075 = arith.index_cast %add3A_1041 : i32 to index
          %get3A_1076 = arith.constant 48 : index
          %get3A_1077 = tpu.vector_load %arg7[%get3A_1075, %get3A_1076] {strides = array<i32>} : memref<512x64xf32, #tpu.memory_space<vmem>>, vector<1x16xf32>,
          %get3A_1078 = vector.shape_cast %get3A_1077 : vector<1x16xf32> to vector<16xf32>
          %mul3A_1079 = vector.broadcast %squeeze3A_1037 : f32 to vector<16xf32>
          %mul3A_1080 = arith.mulf %get3A_1078, %mul3A_1079 : vector<16xf32>
          %swap3A_1081 = arith.index_cast %add3A_1041 : i32 to index
          %swap3A_1082 = arith.constant 48 : index
          %swap3A_1083 = tpu.vector_load %arg7[%swap3A_1081, %swap3A_1082] {strides = array<i32>} : memref<512x64xf32, #tpu.memory_space<vmem>>, vector<1x16xf32>,
          %swap3A_1084 = vector.shape_cast %swap3A_1083 : vector<1x16xf32> to vector<16xf32>
          %swap3A_1085 = vector.shape_cast %mul3A_1080 : vector<16xf32> to vector<1x16xf32>
          tpu.vector_store %arg7[%swap3A_1081, %swap3A_1082], %swap3A_1085 {strides = array<i32>} : memref<512x64xf32, #tpu.memory_space<vmem>>, vector<1x16xf32>,
          %slice3A_1086 = vector.extract_strided_slice %select_n3A_986 {offsets = [2], sizes = [1], strides = [1]} : vector<16xf32> to vector<1xf32>
          %squeeze3A_1087 = vector.extract %slice3A_1086[0] : f32 from vector<1xf32>
          %mul3A_1088 = arith.constant 16 : i32
          %mul3A_1089 = arith.muli %scan3A_937, %mul3A_1088 : i32
          %add3A_1090 = arith.constant 2 : i32
          %add3A_1091 = arith.addi %mul3A_1089, %add3A_1090 : i32
          %get3A_1092 = arith.index_cast %add3A_1091 : i32 to index
          %get3A_1093 = arith.constant 0 : index
          %get3A_1094 = tpu.vector_load %arg7[%get3A_1092, %get3A_1093] {strides = array<i32>} : memref<512x64xf32, #tpu.memory_space<vmem>>, vector<1x16xf32>,
          %get3A_1095 = vector.shape_cast %get3A_1094 : vector<1x16xf32> to vector<16xf32>
          %mul3A_1096 = vector.broadcast %squeeze3A_1087 : f32 to vector<16xf32>
          %mul3A_1097 = arith.mulf %get3A_1095, %mul3A_1096 : vector<16xf32>
          %swap3A_1098 = arith.index_cast %add3A_1091 : i32 to index
          %swap3A_1099 = arith.constant 0 : index
          %swap3A_1100 = tpu.vector_load %arg7[%swap3A_1098, %swap3A_1099] {strides = array<i32>} : memref<512x64xf32, #tpu.memory_space<vmem>>, vector<1x16xf32>,
          %swap3A_1101 = vector.shape_cast %swap3A_1100 : vector<1x16xf32> to vector<16xf32>
          %swap3A_1102 = vector.shape_cast %mul3A_1097 : vector<16xf32> to vector<1x16xf32>
          tpu.vector_store %arg7[%swap3A_1098, %swap3A_1099], %swap3A_1102 {strides = array<i32>} : memref<512x64xf32, #tpu.memory_space<vmem>>, vector<1x16xf32>,
          %get3A_1103 = arith.index_cast %add3A_1091 : i32 to index
          %get3A_1104 = arith.constant 16 : index
          %get3A_1105 = tpu.vector_load %arg7[%get3A_1103, %get3A_1104] {strides = array<i32>} : memref<512x64xf32, #tpu.memory_space<vmem>>, vector<1x16xf32>,
          %get3A_1106 = vector.shape_cast %get3A_1105 : vector<1x16xf32> to vector<16xf32>
          %mul3A_1107 = vector.broadcast %squeeze3A_1087 : f32 to vector<16xf32>
          %mul3A_1108 = arith.mulf %get3A_1106, %mul3A_1107 : vector<16xf32>
          %swap3A_1109 = arith.index_cast %add3A_1091 : i32 to index
          %swap3A_1110 = arith.constant 16 : index
          %swap3A_1111 = tpu.vector_load %arg7[%swap3A_1109, %swap3A_1110] {strides = array<i32>} : memref<512x64xf32, #tpu.memory_space<vmem>>, vector<1x16xf32>,
          %swap3A_1112 = vector.shape_cast %swap3A_1111 : vector<1x16xf32> to vector<16xf32>
          %swap3A_1113 = vector.shape_cast %mul3A_1108 : vector<16xf32> to vector<1x16xf32>
          tpu.vector_store %arg7[%swap3A_1109, %swap3A_1110], %swap3A_1113 {strides = array<i32>} : memref<512x64xf32, #tpu.memory_space<vmem>>, vector<1x16xf32>,
          %get3A_1114 = arith.index_cast %add3A_1091 : i32 to index
          %get3A_1115 = arith.constant 32 : index
          %get3A_1116 = tpu.vector_load %arg7[%get3A_1114, %get3A_1115] {strides = array<i32>} : memref<512x64xf32, #tpu.memory_space<vmem>>, vector<1x16xf32>,
          %get3A_1117 = vector.shape_cast %get3A_1116 : vector<1x16xf32> to vector<16xf32>
          %mul3A_1118 = vector.broadcast %squeeze3A_1087 : f32 to vector<16xf32>
          %mul3A_1119 = arith.mulf %get3A_1117, %mul3A_1118 : vector<16xf32>
          %swap3A_1120 = arith.index_cast %add3A_1091 : i32 to index
          %swap3A_1121 = arith.constant 32 : index
          %swap3A_1122 = tpu.vector_load %arg7[%swap3A_1120, %swap3A_1121] {strides = array<i32>} : memref<512x64xf32, #tpu.memory_space<vmem>>, vector<1x16xf32>,
          %swap3A_1123 = vector.shape_cast %swap3A_1122 : vector<1x16xf32> to vector<16xf32>
          %swap3A_1124 = vector.shape_cast %mul3A_1119 : vector<16xf32> to vector<1x16xf32>
          tpu.vector_store %arg7[%swap3A_1120, %swap3A_1121], %swap3A_1124 {strides = array<i32>} : memref<512x64xf32, #tpu.memory_space<vmem>>, vector<1x16xf32>,
          %get3A_1125 = arith.index_cast %add3A_1091 : i32 to index
          %get3A_1126 = arith.constant 48 : index
          %get3A_1127 = tpu.vector_load %arg7[%get3A_1125, %get3A_1126] {strides = array<i32>} : memref<512x64xf32, #tpu.memory_space<vmem>>, vector<1x16xf32>,
          %get3A_1128 = vector.shape_cast %get3A_1127 : vector<1x16xf32> to vector<16xf32>
          %mul3A_1129 = vector.broadcast %squeeze3A_1087 : f32 to vector<16xf32>
          %mul3A_1130 = arith.mulf %get3A_1128, %mul3A_1129 : vector<16xf32>
          %swap3A_1131 = arith.index_cast %add3A_1091 : i32 to index
          %swap3A_1132 = arith.constant 48 : index
          %swap3A_1133 = tpu.vector_load %arg7[%swap3A_1131, %swap3A_1132] {strides = array<i32>} : memref<512x64xf32, #tpu.memory_space<vmem>>, vector<1x16xf32>,
          %swap3A_1134 = vector.shape_cast %swap3A_1133 : vector<1x16xf32> to vector<16xf32>
          %swap3A_1135 = vector.shape_cast %mul3A_1130 : vector<16xf32> to vector<1x16xf32>
          tpu.vector_store %arg7[%swap3A_1131, %swap3A_1132], %swap3A_1135 {strides = array<i32>} : memref<512x64xf32, #tpu.memory_space<vmem>>, vector<1x16xf32>,
          %slice3A_1136 = vector.extract_strided_slice %select_n3A_986 {offsets = [3], sizes = [1], strides = [1]} : vector<16xf32> to vector<1xf32>
          %squeeze3A_1137 = vector.extract %slice3A_1136[0] : f32 from vector<1xf32>
          %mul3A_1138 = arith.constant 16 : i32
          %mul3A_1139 = arith.muli %scan3A_937, %mul3A_1138 : i32
          %add3A_1140 = arith.constant 3 : i32
          %add3A_1141 = arith.addi %mul3A_1139, %add3A_1140 : i32
          %get3A_1142 = arith.index_cast %add3A_1141 : i32 to index
          %get3A_1143 = arith.constant 0 : index
          %get3A_1144 = tpu.vector_load %arg7[%get3A_1142, %get3A_1143] {strides = array<i32>} : memref<512x64xf32, #tpu.memory_space<vmem>>, vector<1x16xf32>,
          %get3A_1145 = vector.shape_cast %get3A_1144 : vector<1x16xf32> to vector<16xf32>
          %mul3A_1146 = vector.broadcast %squeeze3A_1137 : f32 to vector<16xf32>
          %mul3A_1147 = arith.mulf %get3A_1145, %mul3A_1146 : vector<16xf32>
          %swap3A_1148 = arith.index_cast %add3A_1141 : i32 to index
          %swap3A_1149 = arith.constant 0 : index
          %swap3A_1150 = tpu.vector_load %arg7[%swap3A_1148, %swap3A_1149] {strides = array<i32>} : memref<512x64xf32, #tpu.memory_space<vmem>>, vector<1x16xf32>,
          %swap3A_1151 = vector.shape_cast %swap3A_1150 : vector<1x16xf32> to vector<16xf32>
          %swap3A_1152 = vector.shape_cast %mul3A_1147 : vector<16xf32> to vector<1x16xf32>
          tpu.vector_store %arg7[%swap3A_1148, %swap3A_1149], %swap3A_1152 {strides = array<i32>} : memref<512x64xf32, #tpu.memory_space<vmem>>, vector<1x16xf32>,
          %get3A_1153 = arith.index_cast %add3A_1141 : i32 to index
          %get3A_1154 = arith.constant 16 : index
          %get3A_1155 = tpu.vector_load %arg7[%get3A_1153, %get3A_1154] {strides = array<i32>} : memref<512x64xf32, #tpu.memory_space<vmem>>, vector<1x16xf32>,
          %get3A_1156 = vector.shape_cast %get3A_1155 : vector<1x16xf32> to vector<16xf32>
          %mul3A_1157 = vector.broadcast %squeeze3A_1137 : f32 to vector<16xf32>
          %mul3A_1158 = arith.mulf %get3A_1156, %mul3A_1157 : vector<16xf32>
          %swap3A_1159 = arith.index_cast %add3A_1141 : i32 to index
          %swap3A_1160 = arith.constant 16 : index
          %swap3A_1161 = tpu.vector_load %arg7[%swap3A_1159, %swap3A_1160] {strides = array<i32>} : memref<512x64xf32, #tpu.memory_space<vmem>>, vector<1x16xf32>,
          %swap3A_1162 = vector.shape_cast %swap3A_1161 : vector<1x16xf32> to vector<16xf32>
          %swap3A_1163 = vector.shape_cast %mul3A_1158 : vector<16xf32> to vector<1x16xf32>
          tpu.vector_store %arg7[%swap3A_1159, %swap3A_1160], %swap3A_1163 {strides = array<i32>} : memref<512x64xf32, #tpu.memory_space<vmem>>, vector<1x16xf32>,
          %get3A_1164 = arith.index_cast %add3A_1141 : i32 to index
          %get3A_1165 = arith.constant 32 : index
          %get3A_1166 = tpu.vector_load %arg7[%get3A_1164, %get3A_1165] {strides = array<i32>} : memref<512x64xf32, #tpu.memory_space<vmem>>, vector<1x16xf32>,
          %get3A_1167 = vector.shape_cast %get3A_1166 : vector<1x16xf32> to vector<16xf32>
          %mul3A_1168 = vector.broadcast %squeeze3A_1137 : f32 to vector<16xf32>
          %mul3A_1169 = arith.mulf %get3A_1167, %mul3A_1168 : vector<16xf32>
          %swap3A_1170 = arith.index_cast %add3A_1141 : i32 to index
          %swap3A_1171 = arith.constant 32 : index
          %swap3A_1172 = tpu.vector_load %arg7[%swap3A_1170, %swap3A_1171] {strides = array<i32>} : memref<512x64xf32, #tpu.memory_space<vmem>>, vector<1x16xf32>,
          %swap3A_1173 = vector.shape_cast %swap3A_1172 : vector<1x16xf32> to vector<16xf32>
          %swap3A_1174 = vector.shape_cast %mul3A_1169 : vector<16xf32> to vector<1x16xf32>
          tpu.vector_store %arg7[%swap3A_1170, %swap3A_1171], %swap3A_1174 {strides = array<i32>} : memref<512x64xf32, #tpu.memory_space<vmem>>, vector<1x16xf32>,
          %get3A_1175 = arith.index_cast %add3A_1141 : i32 to index
          %get3A_1176 = arith.constant 48 : index
          %get3A_1177 = tpu.vector_load %arg7[%get3A_1175, %get3A_1176] {strides = array<i32>} : memref<512x64xf32, #tpu.memory_space<vmem>>, vector<1x16xf32>,
          %get3A_1178 = vector.shape_cast %get3A_1177 : vector<1x16xf32> to vector<16xf32>
          %mul3A_1179 = vector.broadcast %squeeze3A_1137 : f32 to vector<16xf32>
          %mul3A_1180 = arith.mulf %get3A_1178, %mul3A_1179 : vector<16xf32>
          %swap3A_1181 = arith.index_cast %add3A_1141 : i32 to index
          %swap3A_1182 = arith.constant 48 : index
          %swap3A_1183 = tpu.vector_load %arg7[%swap3A_1181, %swap3A_1182] {strides = array<i32>} : memref<512x64xf32, #tpu.memory_space<vmem>>, vector<1x16xf32>,
          %swap3A_1184 = vector.shape_cast %swap3A_1183 : vector<1x16xf32> to vector<16xf32>
          %swap3A_1185 = vector.shape_cast %mul3A_1180 : vector<16xf32> to vector<1x16xf32>
          tpu.vector_store %arg7[%swap3A_1181, %swap3A_1182], %swap3A_1185 {strides = array<i32>} : memref<512x64xf32, #tpu.memory_space<vmem>>, vector<1x16xf32>,
          %slice3A_1186 = vector.extract_strided_slice %select_n3A_986 {offsets = [4], sizes = [1], strides = [1]} : vector<16xf32> to vector<1xf32>
          %squeeze3A_1187 = vector.extract %slice3A_1186[0] : f32 from vector<1xf32>
          %mul3A_1188 = arith.constant 16 : i32
          %mul3A_1189 = arith.muli %scan3A_937, %mul3A_1188 : i32
          %add3A_1190 = arith.constant 4 : i32
          %add3A_1191 = arith.addi %mul3A_1189, %add3A_1190 : i32
          %get3A_1192 = arith.index_cast %add3A_1191 : i32 to index
          %get3A_1193 = arith.constant 0 : index
          %get3A_1194 = tpu.vector_load %arg7[%get3A_1192, %get3A_1193] {strides = array<i32>} : memref<512x64xf32, #tpu.memory_space<vmem>>, vector<1x16xf32>,
          %get3A_1195 = vector.shape_cast %get3A_1194 : vector<1x16xf32> to vector<16xf32>
          %mul3A_1196 = vector.broadcast %squeeze3A_1187 : f32 to vector<16xf32>
          %mul3A_1197 = arith.mulf %get3A_1195, %mul3A_1196 : vector<16xf32>
          %swap3A_1198 = arith.index_cast %add3A_1191 : i32 to index
          %swap3A_1199 = arith.constant 0 : index
          %swap3A_1200 = tpu.vector_load %arg7[%swap3A_1198, %swap3A_1199] {strides = array<i32>} : memref<512x64xf32, #tpu.memory_space<vmem>>, vector<1x16xf32>,
          %swap3A_1201 = vector.shape_cast %swap3A_1200 : vector<1x16xf32> to vector<16xf32>
          %swap3A_1202 = vector.shape_cast %mul3A_1197 : vector<16xf32> to vector<1x16xf32>
          tpu.vector_store %arg7[%swap3A_1198, %swap3A_1199], %swap3A_1202 {strides = array<i32>} : memref<512x64xf32, #tpu.memory_space<vmem>>, vector<1x16xf32>,
          %get3A_1203 = arith.index_cast %add3A_1191 : i32 to index
          %get3A_1204 = arith.constant 16 : index
          %get3A_1205 = tpu.vector_load %arg7[%get3A_1203, %get3A_1204] {strides = array<i32>} : memref<512x64xf32, #tpu.memory_space<vmem>>, vector<1x16xf32>,
          %get3A_1206 = vector.shape_cast %get3A_1205 : vector<1x16xf32> to vector<16xf32>
          %mul3A_1207 = vector.broadcast %squeeze3A_1187 : f32 to vector<16xf32>
          %mul3A_1208 = arith.mulf %get3A_1206, %mul3A_1207 : vector<16xf32>
          %swap3A_1209 = arith.index_cast %add3A_1191 : i32 to index
          %swap3A_1210 = arith.constant 16 : index
          %swap3A_1211 = tpu.vector_load %arg7[%swap3A_1209, %swap3A_1210] {strides = array<i32>} : memref<512x64xf32, #tpu.memory_space<vmem>>, vector<1x16xf32>,
          %swap3A_1212 = vector.shape_cast %swap3A_1211 : vector<1x16xf32> to vector<16xf32>
          %swap3A_1213 = vector.shape_cast %mul3A_1208 : vector<16xf32> to vector<1x16xf32>
          tpu.vector_store %arg7[%swap3A_1209, %swap3A_1210], %swap3A_1213 {strides = array<i32>} : memref<512x64xf32, #tpu.memory_space<vmem>>, vector<1x16xf32>,
          %get3A_1214 = arith.index_cast %add3A_1191 : i32 to index
          %get3A_1215 = arith.constant 32 : index
          %get3A_1216 = tpu.vector_load %arg7[%get3A_1214, %get3A_1215] {strides = array<i32>} : memref<512x64xf32, #tpu.memory_space<vmem>>, vector<1x16xf32>,
          %get3A_1217 = vector.shape_cast %get3A_1216 : vector<1x16xf32> to vector<16xf32>
          %mul3A_1218 = vector.broadcast %squeeze3A_1187 : f32 to vector<16xf32>
          %mul3A_1219 = arith.mulf %get3A_1217, %mul3A_1218 : vector<16xf32>
          %swap3A_1220 = arith.index_cast %add3A_1191 : i32 to index
          %swap3A_1221 = arith.constant 32 : index
          %swap3A_1222 = tpu.vector_load %arg7[%swap3A_1220, %swap3A_1221] {strides = array<i32>} : memref<512x64xf32, #tpu.memory_space<vmem>>, vector<1x16xf32>,
          %swap3A_1223 = vector.shape_cast %swap3A_1222 : vector<1x16xf32> to vector<16xf32>
          %swap3A_1224 = vector.shape_cast %mul3A_1219 : vector<16xf32> to vector<1x16xf32>
          tpu.vector_store %arg7[%swap3A_1220, %swap3A_1221], %swap3A_1224 {strides = array<i32>} : memref<512x64xf32, #tpu.memory_space<vmem>>, vector<1x16xf32>,
          %get3A_1225 = arith.index_cast %add3A_1191 : i32 to index
          %get3A_1226 = arith.constant 48 : index
          %get3A_1227 = tpu.vector_load %arg7[%get3A_1225, %get3A_1226] {strides = array<i32>} : memref<512x64xf32, #tpu.memory_space<vmem>>, vector<1x16xf32>,
          %get3A_1228 = vector.shape_cast %get3A_1227 : vector<1x16xf32> to vector<16xf32>
          %mul3A_1229 = vector.broadcast %squeeze3A_1187 : f32 to vector<16xf32>
          %mul3A_1230 = arith.mulf %get3A_1228, %mul3A_1229 : vector<16xf32>
          %swap3A_1231 = arith.index_cast %add3A_1191 : i32 to index
          %swap3A_1232 = arith.constant 48 : index
          %swap3A_1233 = tpu.vector_load %arg7[%swap3A_1231, %swap3A_1232] {strides = array<i32>} : memref<512x64xf32, #tpu.memory_space<vmem>>, vector<1x16xf32>,
          %swap3A_1234 = vector.shape_cast %swap3A_1233 : vector<1x16xf32> to vector<16xf32>
          %swap3A_1235 = vector.shape_cast %mul3A_1230 : vector<16xf32> to vector<1x16xf32>
          tpu.vector_store %arg7[%swap3A_1231, %swap3A_1232], %swap3A_1235 {strides = array<i32>} : memref<512x64xf32, #tpu.memory_space<vmem>>, vector<1x16xf32>,
          %slice3A_1236 = vector.extract_strided_slice %select_n3A_986 {offsets = [5], sizes = [1], strides = [1]} : vector<16xf32> to vector<1xf32>
          %squeeze3A_1237 = vector.extract %slice3A_1236[0] : f32 from vector<1xf32>
          %mul3A_1238 = arith.constant 16 : i32
          %mul3A_1239 = arith.muli %scan3A_937, %mul3A_1238 : i32
          %add3A_1240 = arith.constant 5 : i32
          %add3A_1241 = arith.addi %mul3A_1239, %add3A_1240 : i32
          %get3A_1242 = arith.index_cast %add3A_1241 : i32 to index
          %get3A_1243 = arith.constant 0 : index
          %get3A_1244 = tpu.vector_load %arg7[%get3A_1242, %get3A_1243] {strides = array<i32>} : memref<512x64xf32, #tpu.memory_space<vmem>>, vector<1x16xf32>,
          %get3A_1245 = vector.shape_cast %get3A_1244 : vector<1x16xf32> to vector<16xf32>
          %mul3A_1246 = vector.broadcast %squeeze3A_1237 : f32 to vector<16xf32>
          %mul3A_1247 = arith.mulf %get3A_1245, %mul3A_1246 : vector<16xf32>
          %swap3A_1248 = arith.index_cast %add3A_1241 : i32 to index
          %swap3A_1249 = arith.constant 0 : index
          %swap3A_1250 = tpu.vector_load %arg7[%swap3A_1248, %swap3A_1249] {strides = array<i32>} : memref<512x64xf32, #tpu.memory_space<vmem>>, vector<1x16xf32>,
          %swap3A_1251 = vector.shape_cast %swap3A_1250 : vector<1x16xf32> to vector<16xf32>
          %swap3A_1252 = vector.shape_cast %mul3A_1247 : vector<16xf32> to vector<1x16xf32>
          tpu.vector_store %arg7[%swap3A_1248, %swap3A_1249], %swap3A_1252 {strides = array<i32>} : memref<512x64xf32, #tpu.memory_space<vmem>>, vector<1x16xf32>,
          %get3A_1253 = arith.index_cast %add3A_1241 : i32 to index
          %get3A_1254 = arith.constant 16 : index
          %get3A_1255 = tpu.vector_load %arg7[%get3A_1253, %get3A_1254] {strides = array<i32>} : memref<512x64xf32, #tpu.memory_space<vmem>>, vector<1x16xf32>,
          %get3A_1256 = vector.shape_cast %get3A_1255 : vector<1x16xf32> to vector<16xf32>
          %mul3A_1257 = vector.broadcast %squeeze3A_1237 : f32 to vector<16xf32>
          %mul3A_1258 = arith.mulf %get3A_1256, %mul3A_1257 : vector<16xf32>
          %swap3A_1259 = arith.index_cast %add3A_1241 : i32 to index
          %swap3A_1260 = arith.constant 16 : index
          %swap3A_1261 = tpu.vector_load %arg7[%swap3A_1259, %swap3A_1260] {strides = array<i32>} : memref<512x64xf32, #tpu.memory_space<vmem>>, vector<1x16xf32>,
          %swap3A_1262 = vector.shape_cast %swap3A_1261 : vector<1x16xf32> to vector<16xf32>
          %swap3A_1263 = vector.shape_cast %mul3A_1258 : vector<16xf32> to vector<1x16xf32>
          tpu.vector_store %arg7[%swap3A_1259, %swap3A_1260], %swap3A_1263 {strides = array<i32>} : memref<512x64xf32, #tpu.memory_space<vmem>>, vector<1x16xf32>,
          %get3A_1264 = arith.index_cast %add3A_1241 : i32 to index
          %get3A_1265 = arith.constant 32 : index
          %get3A_1266 = tpu.vector_load %arg7[%get3A_1264, %get3A_1265] {strides = array<i32>} : memref<512x64xf32, #tpu.memory_space<vmem>>, vector<1x16xf32>,
          %get3A_1267 = vector.shape_cast %get3A_1266 : vector<1x16xf32> to vector<16xf32>
          %mul3A_1268 = vector.broadcast %squeeze3A_1237 : f32 to vector<16xf32>
          %mul3A_1269 = arith.mulf %get3A_1267, %mul3A_1268 : vector<16xf32>
          %swap3A_1270 = arith.index_cast %add3A_1241 : i32 to index
          %swap3A_1271 = arith.constant 32 : index
          %swap3A_1272 = tpu.vector_load %arg7[%swap3A_1270, %swap3A_1271] {strides = array<i32>} : memref<512x64xf32, #tpu.memory_space<vmem>>, vector<1x16xf32>,
          %swap3A_1273 = vector.shape_cast %swap3A_1272 : vector<1x16xf32> to vector<16xf32>
          %swap3A_1274 = vector.shape_cast %mul3A_1269 : vector<16xf32> to vector<1x16xf32>
          tpu.vector_store %arg7[%swap3A_1270, %swap3A_1271], %swap3A_1274 {strides = array<i32>} : memref<512x64xf32, #tpu.memory_space<vmem>>, vector<1x16xf32>,
          %get3A_1275 = arith.index_cast %add3A_1241 : i32 to index
          %get3A_1276 = arith.constant 48 : index
          %get3A_1277 = tpu.vector_load %arg7[%get3A_1275, %get3A_1276] {strides = array<i32>} : memref<512x64xf32, #tpu.memory_space<vmem>>, vector<1x16xf32>,
          %get3A_1278 = vector.shape_cast %get3A_1277 : vector<1x16xf32> to vector<16xf32>
          %mul3A_1279 = vector.broadcast %squeeze3A_1237 : f32 to vector<16xf32>
          %mul3A_1280 = arith.mulf %get3A_1278, %mul3A_1279 : vector<16xf32>
          %swap3A_1281 = arith.index_cast %add3A_1241 : i32 to index
          %swap3A_1282 = arith.constant 48 : index
          %swap3A_1283 = tpu.vector_load %arg7[%swap3A_1281, %swap3A_1282] {strides = array<i32>} : memref<512x64xf32, #tpu.memory_space<vmem>>, vector<1x16xf32>,
          %swap3A_1284 = vector.shape_cast %swap3A_1283 : vector<1x16xf32> to vector<16xf32>
          %swap3A_1285 = vector.shape_cast %mul3A_1280 : vector<16xf32> to vector<1x16xf32>
          tpu.vector_store %arg7[%swap3A_1281, %swap3A_1282], %swap3A_1285 {strides = array<i32>} : memref<512x64xf32, #tpu.memory_space<vmem>>, vector<1x16xf32>,
          %slice3A_1286 = vector.extract_strided_slice %select_n3A_986 {offsets = [6], sizes = [1], strides = [1]} : vector<16xf32> to vector<1xf32>
          %squeeze3A_1287 = vector.extract %slice3A_1286[0] : f32 from vector<1xf32>
          %mul3A_1288 = arith.constant 16 : i32
          %mul3A_1289 = arith.muli %scan3A_937, %mul3A_1288 : i32
          %add3A_1290 = arith.constant 6 : i32
          %add3A_1291 = arith.addi %mul3A_1289, %add3A_1290 : i32
          %get3A_1292 = arith.index_cast %add3A_1291 : i32 to index
          %get3A_1293 = arith.constant 0 : index
          %get3A_1294 = tpu.vector_load %arg7[%get3A_1292, %get3A_1293] {strides = array<i32>} : memref<512x64xf32, #tpu.memory_space<vmem>>, vector<1x16xf32>,
          %get3A_1295 = vector.shape_cast %get3A_1294 : vector<1x16xf32> to vector<16xf32>
          %mul3A_1296 = vector.broadcast %squeeze3A_1287 : f32 to vector<16xf32>
          %mul3A_1297 = arith.mulf %get3A_1295, %mul3A_1296 : vector<16xf32>
          %swap3A_1298 = arith.index_cast %add3A_1291 : i32 to index
          %swap3A_1299 = arith.constant 0 : index
          %swap3A_1300 = tpu.vector_load %arg7[%swap3A_1298, %swap3A_1299] {strides = array<i32>} : memref<512x64xf32, #tpu.memory_space<vmem>>, vector<1x16xf32>,
          %swap3A_1301 = vector.shape_cast %swap3A_1300 : vector<1x16xf32> to vector<16xf32>
          %swap3A_1302 = vector.shape_cast %mul3A_1297 : vector<16xf32> to vector<1x16xf32>
          tpu.vector_store %arg7[%swap3A_1298, %swap3A_1299], %swap3A_1302 {strides = array<i32>} : memref<512x64xf32, #tpu.memory_space<vmem>>, vector<1x16xf32>,
          %get3A_1303 = arith.index_cast %add3A_1291 : i32 to index
          %get3A_1304 = arith.constant 16 : index
          %get3A_1305 = tpu.vector_load %arg7[%get3A_1303, %get3A_1304] {strides = array<i32>} : memref<512x64xf32, #tpu.memory_space<vmem>>, vector<1x16xf32>,
          %get3A_1306 = vector.shape_cast %get3A_1305 : vector<1x16xf32> to vector<16xf32>
          %mul3A_1307 = vector.broadcast %squeeze3A_1287 : f32 to vector<16xf32>
          %mul3A_1308 = arith.mulf %get3A_1306, %mul3A_1307 : vector<16xf32>
          %swap3A_1309 = arith.index_cast %add3A_1291 : i32 to index
          %swap3A_1310 = arith.constant 16 : index
          %swap3A_1311 = tpu.vector_load %arg7[%swap3A_1309, %swap3A_1310] {strides = array<i32>} : memref<512x64xf32, #tpu.memory_space<vmem>>, vector<1x16xf32>,
          %swap3A_1312 = vector.shape_cast %swap3A_1311 : vector<1x16xf32> to vector<16xf32>
          %swap3A_1313 = vector.shape_cast %mul3A_1308 : vector<16xf32> to vector<1x16xf32>
          tpu.vector_store %arg7[%swap3A_1309, %swap3A_1310], %swap3A_1313 {strides = array<i32>} : memref<512x64xf32, #tpu.memory_space<vmem>>, vector<1x16xf32>,
          %get3A_1314 = arith.index_cast %add3A_1291 : i32 to index
          %get3A_1315 = arith.constant 32 : index
          %get3A_1316 = tpu.vector_load %arg7[%get3A_1314, %get3A_1315] {strides = array<i32>} : memref<512x64xf32, #tpu.memory_space<vmem>>, vector<1x16xf32>,
          %get3A_1317 = vector.shape_cast %get3A_1316 : vector<1x16xf32> to vector<16xf32>
          %mul3A_1318 = vector.broadcast %squeeze3A_1287 : f32 to vector<16xf32>
          %mul3A_1319 = arith.mulf %get3A_1317, %mul3A_1318 : vector<16xf32>
          %swap3A_1320 = arith.index_cast %add3A_1291 : i32 to index
          %swap3A_1321 = arith.constant 32 : index
          %swap3A_1322 = tpu.vector_load %arg7[%swap3A_1320, %swap3A_1321] {strides = array<i32>} : memref<512x64xf32, #tpu.memory_space<vmem>>, vector<1x16xf32>,
          %swap3A_1323 = vector.shape_cast %swap3A_1322 : vector<1x16xf32> to vector<16xf32>
          %swap3A_1324 = vector.shape_cast %mul3A_1319 : vector<16xf32> to vector<1x16xf32>
          tpu.vector_store %arg7[%swap3A_1320, %swap3A_1321], %swap3A_1324 {strides = array<i32>} : memref<512x64xf32, #tpu.memory_space<vmem>>, vector<1x16xf32>,
          %get3A_1325 = arith.index_cast %add3A_1291 : i32 to index
          %get3A_1326 = arith.constant 48 : index
          %get3A_1327 = tpu.vector_load %arg7[%get3A_1325, %get3A_1326] {strides = array<i32>} : memref<512x64xf32, #tpu.memory_space<vmem>>, vector<1x16xf32>,
          %get3A_1328 = vector.shape_cast %get3A_1327 : vector<1x16xf32> to vector<16xf32>
          %mul3A_1329 = vector.broadcast %squeeze3A_1287 : f32 to vector<16xf32>
          %mul3A_1330 = arith.mulf %get3A_1328, %mul3A_1329 : vector<16xf32>
          %swap3A_1331 = arith.index_cast %add3A_1291 : i32 to index
          %swap3A_1332 = arith.constant 48 : index
          %swap3A_1333 = tpu.vector_load %arg7[%swap3A_1331, %swap3A_1332] {strides = array<i32>} : memref<512x64xf32, #tpu.memory_space<vmem>>, vector<1x16xf32>,
          %swap3A_1334 = vector.shape_cast %swap3A_1333 : vector<1x16xf32> to vector<16xf32>
          %swap3A_1335 = vector.shape_cast %mul3A_1330 : vector<16xf32> to vector<1x16xf32>
          tpu.vector_store %arg7[%swap3A_1331, %swap3A_1332], %swap3A_1335 {strides = array<i32>} : memref<512x64xf32, #tpu.memory_space<vmem>>, vector<1x16xf32>,
          %slice3A_1336 = vector.extract_strided_slice %select_n3A_986 {offsets = [7], sizes = [1], strides = [1]} : vector<16xf32> to vector<1xf32>
          %squeeze3A_1337 = vector.extract %slice3A_1336[0] : f32 from vector<1xf32>
          %mul3A_1338 = arith.constant 16 : i32
          %mul3A_1339 = arith.muli %scan3A_937, %mul3A_1338 : i32
          %add3A_1340 = arith.constant 7 : i32
          %add3A_1341 = arith.addi %mul3A_1339, %add3A_1340 : i32
          %get3A_1342 = arith.index_cast %add3A_1341 : i32 to index
          %get3A_1343 = arith.constant 0 : index
          %get3A_1344 = tpu.vector_load %arg7[%get3A_1342, %get3A_1343] {strides = array<i32>} : memref<512x64xf32, #tpu.memory_space<vmem>>, vector<1x16xf32>,
          %get3A_1345 = vector.shape_cast %get3A_1344 : vector<1x16xf32> to vector<16xf32>
          %mul3A_1346 = vector.broadcast %squeeze3A_1337 : f32 to vector<16xf32>
          %mul3A_1347 = arith.mulf %get3A_1345, %mul3A_1346 : vector<16xf32>
          %swap3A_1348 = arith.index_cast %add3A_1341 : i32 to index
          %swap3A_1349 = arith.constant 0 : index
          %swap3A_1350 = tpu.vector_load %arg7[%swap3A_1348, %swap3A_1349] {strides = array<i32>} : memref<512x64xf32, #tpu.memory_space<vmem>>, vector<1x16xf32>,
          %swap3A_1351 = vector.shape_cast %swap3A_1350 : vector<1x16xf32> to vector<16xf32>
          %swap3A_1352 = vector.shape_cast %mul3A_1347 : vector<16xf32> to vector<1x16xf32>
          tpu.vector_store %arg7[%swap3A_1348, %swap3A_1349], %swap3A_1352 {strides = array<i32>} : memref<512x64xf32, #tpu.memory_space<vmem>>, vector<1x16xf32>,
          %get3A_1353 = arith.index_cast %add3A_1341 : i32 to index
          %get3A_1354 = arith.constant 16 : index
          %get3A_1355 = tpu.vector_load %arg7[%get3A_1353, %get3A_1354] {strides = array<i32>} : memref<512x64xf32, #tpu.memory_space<vmem>>, vector<1x16xf32>,
          %get3A_1356 = vector.shape_cast %get3A_1355 : vector<1x16xf32> to vector<16xf32>
          %mul3A_1357 = vector.broadcast %squeeze3A_1337 : f32 to vector<16xf32>
          %mul3A_1358 = arith.mulf %get3A_1356, %mul3A_1357 : vector<16xf32>
          %swap3A_1359 = arith.index_cast %add3A_1341 : i32 to index
          %swap3A_1360 = arith.constant 16 : index
          %swap3A_1361 = tpu.vector_load %arg7[%swap3A_1359, %swap3A_1360] {strides = array<i32>} : memref<512x64xf32, #tpu.memory_space<vmem>>, vector<1x16xf32>,
          %swap3A_1362 = vector.shape_cast %swap3A_1361 : vector<1x16xf32> to vector<16xf32>
          %swap3A_1363 = vector.shape_cast %mul3A_1358 : vector<16xf32> to vector<1x16xf32>
          tpu.vector_store %arg7[%swap3A_1359, %swap3A_1360], %swap3A_1363 {strides = array<i32>} : memref<512x64xf32, #tpu.memory_space<vmem>>, vector<1x16xf32>,
          %get3A_1364 = arith.index_cast %add3A_1341 : i32 to index
          %get3A_1365 = arith.constant 32 : index
          %get3A_1366 = tpu.vector_load %arg7[%get3A_1364, %get3A_1365] {strides = array<i32>} : memref<512x64xf32, #tpu.memory_space<vmem>>, vector<1x16xf32>,
          %get3A_1367 = vector.shape_cast %get3A_1366 : vector<1x16xf32> to vector<16xf32>
          %mul3A_1368 = vector.broadcast %squeeze3A_1337 : f32 to vector<16xf32>
          %mul3A_1369 = arith.mulf %get3A_1367, %mul3A_1368 : vector<16xf32>
          %swap3A_1370 = arith.index_cast %add3A_1341 : i32 to index
          %swap3A_1371 = arith.constant 32 : index
          %swap3A_1372 = tpu.vector_load %arg7[%swap3A_1370, %swap3A_1371] {strides = array<i32>} : memref<512x64xf32, #tpu.memory_space<vmem>>, vector<1x16xf32>,
          %swap3A_1373 = vector.shape_cast %swap3A_1372 : vector<1x16xf32> to vector<16xf32>
          %swap3A_1374 = vector.shape_cast %mul3A_1369 : vector<16xf32> to vector<1x16xf32>
          tpu.vector_store %arg7[%swap3A_1370, %swap3A_1371], %swap3A_1374 {strides = array<i32>} : memref<512x64xf32, #tpu.memory_space<vmem>>, vector<1x16xf32>,
          %get3A_1375 = arith.index_cast %add3A_1341 : i32 to index
          %get3A_1376 = arith.constant 48 : index
          %get3A_1377 = tpu.vector_load %arg7[%get3A_1375, %get3A_1376] {strides = array<i32>} : memref<512x64xf32, #tpu.memory_space<vmem>>, vector<1x16xf32>,
          %get3A_1378 = vector.shape_cast %get3A_1377 : vector<1x16xf32> to vector<16xf32>
          %mul3A_1379 = vector.broadcast %squeeze3A_1337 : f32 to vector<16xf32>
          %mul3A_1380 = arith.mulf %get3A_1378, %mul3A_1379 : vector<16xf32>
          %swap3A_1381 = arith.index_cast %add3A_1341 : i32 to index
          %swap3A_1382 = arith.constant 48 : index
          %swap3A_1383 = tpu.vector_load %arg7[%swap3A_1381, %swap3A_1382] {strides = array<i32>} : memref<512x64xf32, #tpu.memory_space<vmem>>, vector<1x16xf32>,
          %swap3A_1384 = vector.shape_cast %swap3A_1383 : vector<1x16xf32> to vector<16xf32>
          %swap3A_1385 = vector.shape_cast %mul3A_1380 : vector<16xf32> to vector<1x16xf32>
          tpu.vector_store %arg7[%swap3A_1381, %swap3A_1382], %swap3A_1385 {strides = array<i32>} : memref<512x64xf32, #tpu.memory_space<vmem>>, vector<1x16xf32>,
          %slice3A_1386 = vector.extract_strided_slice %select_n3A_986 {offsets = [8], sizes = [1], strides = [1]} : vector<16xf32> to vector<1xf32>
          %squeeze3A_1387 = vector.extract %slice3A_1386[0] : f32 from vector<1xf32>
          %mul3A_1388 = arith.constant 16 : i32
          %mul3A_1389 = arith.muli %scan3A_937, %mul3A_1388 : i32
          %add3A_1390 = arith.constant 8 : i32
          %add3A_1391 = arith.addi %mul3A_1389, %add3A_1390 : i32
          %get3A_1392 = arith.index_cast %add3A_1391 : i32 to index
          %get3A_1393 = arith.constant 0 : index
          %get3A_1394 = tpu.vector_load %arg7[%get3A_1392, %get3A_1393] {strides = array<i32>} : memref<512x64xf32, #tpu.memory_space<vmem>>, vector<1x16xf32>,
          %get3A_1395 = vector.shape_cast %get3A_1394 : vector<1x16xf32> to vector<16xf32>
          %mul3A_1396 = vector.broadcast %squeeze3A_1387 : f32 to vector<16xf32>
          %mul3A_1397 = arith.mulf %get3A_1395, %mul3A_1396 : vector<16xf32>
          %swap3A_1398 = arith.index_cast %add3A_1391 : i32 to index
          %swap3A_1399 = arith.constant 0 : index
          %swap3A_1400 = tpu.vector_load %arg7[%swap3A_1398, %swap3A_1399] {strides = array<i32>} : memref<512x64xf32, #tpu.memory_space<vmem>>, vector<1x16xf32>,
          %swap3A_1401 = vector.shape_cast %swap3A_1400 : vector<1x16xf32> to vector<16xf32>
          %swap3A_1402 = vector.shape_cast %mul3A_1397 : vector<16xf32> to vector<1x16xf32>
          tpu.vector_store %arg7[%swap3A_1398, %swap3A_1399], %swap3A_1402 {strides = array<i32>} : memref<512x64xf32, #tpu.memory_space<vmem>>, vector<1x16xf32>,
          %get3A_1403 = arith.index_cast %add3A_1391 : i32 to index
          %get3A_1404 = arith.constant 16 : index
          %get3A_1405 = tpu.vector_load %arg7[%get3A_1403, %get3A_1404] {strides = array<i32>} : memref<512x64xf32, #tpu.memory_space<vmem>>, vector<1x16xf32>,
          %get3A_1406 = vector.shape_cast %get3A_1405 : vector<1x16xf32> to vector<16xf32>
          %mul3A_1407 = vector.broadcast %squeeze3A_1387 : f32 to vector<16xf32>
          %mul3A_1408 = arith.mulf %get3A_1406, %mul3A_1407 : vector<16xf32>
          %swap3A_1409 = arith.index_cast %add3A_1391 : i32 to index
          %swap3A_1410 = arith.constant 16 : index
          %swap3A_1411 = tpu.vector_load %arg7[%swap3A_1409, %swap3A_1410] {strides = array<i32>} : memref<512x64xf32, #tpu.memory_space<vmem>>, vector<1x16xf32>,
          %swap3A_1412 = vector.shape_cast %swap3A_1411 : vector<1x16xf32> to vector<16xf32>
          %swap3A_1413 = vector.shape_cast %mul3A_1408 : vector<16xf32> to vector<1x16xf32>
          tpu.vector_store %arg7[%swap3A_1409, %swap3A_1410], %swap3A_1413 {strides = array<i32>} : memref<512x64xf32, #tpu.memory_space<vmem>>, vector<1x16xf32>,
          %get3A_1414 = arith.index_cast %add3A_1391 : i32 to index
          %get3A_1415 = arith.constant 32 : index
          %get3A_1416 = tpu.vector_load %arg7[%get3A_1414, %get3A_1415] {strides = array<i32>} : memref<512x64xf32, #tpu.memory_space<vmem>>, vector<1x16xf32>,
          %get3A_1417 = vector.shape_cast %get3A_1416 : vector<1x16xf32> to vector<16xf32>
          %mul3A_1418 = vector.broadcast %squeeze3A_1387 : f32 to vector<16xf32>
          %mul3A_1419 = arith.mulf %get3A_1417, %mul3A_1418 : vector<16xf32>
          %swap3A_1420 = arith.index_cast %add3A_1391 : i32 to index
          %swap3A_1421 = arith.constant 32 : index
          %swap3A_1422 = tpu.vector_load %arg7[%swap3A_1420, %swap3A_1421] {strides = array<i32>} : memref<512x64xf32, #tpu.memory_space<vmem>>, vector<1x16xf32>,
          %swap3A_1423 = vector.shape_cast %swap3A_1422 : vector<1x16xf32> to vector<16xf32>
          %swap3A_1424 = vector.shape_cast %mul3A_1419 : vector<16xf32> to vector<1x16xf32>
          tpu.vector_store %arg7[%swap3A_1420, %swap3A_1421], %swap3A_1424 {strides = array<i32>} : memref<512x64xf32, #tpu.memory_space<vmem>>, vector<1x16xf32>,
          %get3A_1425 = arith.index_cast %add3A_1391 : i32 to index
          %get3A_1426 = arith.constant 48 : index
          %get3A_1427 = tpu.vector_load %arg7[%get3A_1425, %get3A_1426] {strides = array<i32>} : memref<512x64xf32, #tpu.memory_space<vmem>>, vector<1x16xf32>,
          %get3A_1428 = vector.shape_cast %get3A_1427 : vector<1x16xf32> to vector<16xf32>
          %mul3A_1429 = vector.broadcast %squeeze3A_1387 : f32 to vector<16xf32>
          %mul3A_1430 = arith.mulf %get3A_1428, %mul3A_1429 : vector<16xf32>
          %swap3A_1431 = arith.index_cast %add3A_1391 : i32 to index
          %swap3A_1432 = arith.constant 48 : index
          %swap3A_1433 = tpu.vector_load %arg7[%swap3A_1431, %swap3A_1432] {strides = array<i32>} : memref<512x64xf32, #tpu.memory_space<vmem>>, vector<1x16xf32>,
          %swap3A_1434 = vector.shape_cast %swap3A_1433 : vector<1x16xf32> to vector<16xf32>
          %swap3A_1435 = vector.shape_cast %mul3A_1430 : vector<16xf32> to vector<1x16xf32>
          tpu.vector_store %arg7[%swap3A_1431, %swap3A_1432], %swap3A_1435 {strides = array<i32>} : memref<512x64xf32, #tpu.memory_space<vmem>>, vector<1x16xf32>,
          %slice3A_1436 = vector.extract_strided_slice %select_n3A_986 {offsets = [9], sizes = [1], strides = [1]} : vector<16xf32> to vector<1xf32>
          %squeeze3A_1437 = vector.extract %slice3A_1436[0] : f32 from vector<1xf32>
          %mul3A_1438 = arith.constant 16 : i32
          %mul3A_1439 = arith.muli %scan3A_937, %mul3A_1438 : i32
          %add3A_1440 = arith.constant 9 : i32
          %add3A_1441 = arith.addi %mul3A_1439, %add3A_1440 : i32
          %get3A_1442 = arith.index_cast %add3A_1441 : i32 to index
          %get3A_1443 = arith.constant 0 : index
          %get3A_1444 = tpu.vector_load %arg7[%get3A_1442, %get3A_1443] {strides = array<i32>} : memref<512x64xf32, #tpu.memory_space<vmem>>, vector<1x16xf32>,
          %get3A_1445 = vector.shape_cast %get3A_1444 : vector<1x16xf32> to vector<16xf32>
          %mul3A_1446 = vector.broadcast %squeeze3A_1437 : f32 to vector<16xf32>
          %mul3A_1447 = arith.mulf %get3A_1445, %mul3A_1446 : vector<16xf32>
          %swap3A_1448 = arith.index_cast %add3A_1441 : i32 to index
          %swap3A_1449 = arith.constant 0 : index
          %swap3A_1450 = tpu.vector_load %arg7[%swap3A_1448, %swap3A_1449] {strides = array<i32>} : memref<512x64xf32, #tpu.memory_space<vmem>>, vector<1x16xf32>,
          %swap3A_1451 = vector.shape_cast %swap3A_1450 : vector<1x16xf32> to vector<16xf32>
          %swap3A_1452 = vector.shape_cast %mul3A_1447 : vector<16xf32> to vector<1x16xf32>
          tpu.vector_store %arg7[%swap3A_1448, %swap3A_1449], %swap3A_1452 {strides = array<i32>} : memref<512x64xf32, #tpu.memory_space<vmem>>, vector<1x16xf32>,
          %get3A_1453 = arith.index_cast %add3A_1441 : i32 to index
          %get3A_1454 = arith.constant 16 : index
          %get3A_1455 = tpu.vector_load %arg7[%get3A_1453, %get3A_1454] {strides = array<i32>} : memref<512x64xf32, #tpu.memory_space<vmem>>, vector<1x16xf32>,
          %get3A_1456 = vector.shape_cast %get3A_1455 : vector<1x16xf32> to vector<16xf32>
          %mul3A_1457 = vector.broadcast %squeeze3A_1437 : f32 to vector<16xf32>
          %mul3A_1458 = arith.mulf %get3A_1456, %mul3A_1457 : vector<16xf32>
          %swap3A_1459 = arith.index_cast %add3A_1441 : i32 to index
          %swap3A_1460 = arith.constant 16 : index
          %swap3A_1461 = tpu.vector_load %arg7[%swap3A_1459, %swap3A_1460] {strides = array<i32>} : memref<512x64xf32, #tpu.memory_space<vmem>>, vector<1x16xf32>,
          %swap3A_1462 = vector.shape_cast %swap3A_1461 : vector<1x16xf32> to vector<16xf32>
          %swap3A_1463 = vector.shape_cast %mul3A_1458 : vector<16xf32> to vector<1x16xf32>
          tpu.vector_store %arg7[%swap3A_1459, %swap3A_1460], %swap3A_1463 {strides = array<i32>} : memref<512x64xf32, #tpu.memory_space<vmem>>, vector<1x16xf32>,
          %get3A_1464 = arith.index_cast %add3A_1441 : i32 to index
          %get3A_1465 = arith.constant 32 : index
          %get3A_1466 = tpu.vector_load %arg7[%get3A_1464, %get3A_1465] {strides = array<i32>} : memref<512x64xf32, #tpu.memory_space<vmem>>, vector<1x16xf32>,
          %get3A_1467 = vector.shape_cast %get3A_1466 : vector<1x16xf32> to vector<16xf32>
          %mul3A_1468 = vector.broadcast %squeeze3A_1437 : f32 to vector<16xf32>
          %mul3A_1469 = arith.mulf %get3A_1467, %mul3A_1468 : vector<16xf32>
          %swap3A_1470 = arith.index_cast %add3A_1441 : i32 to index
          %swap3A_1471 = arith.constant 32 : index
          %swap3A_1472 = tpu.vector_load %arg7[%swap3A_1470, %swap3A_1471] {strides = array<i32>} : memref<512x64xf32, #tpu.memory_space<vmem>>, vector<1x16xf32>,
          %swap3A_1473 = vector.shape_cast %swap3A_1472 : vector<1x16xf32> to vector<16xf32>
          %swap3A_1474 = vector.shape_cast %mul3A_1469 : vector<16xf32> to vector<1x16xf32>
          tpu.vector_store %arg7[%swap3A_1470, %swap3A_1471], %swap3A_1474 {strides = array<i32>} : memref<512x64xf32, #tpu.memory_space<vmem>>, vector<1x16xf32>,
          %get3A_1475 = arith.index_cast %add3A_1441 : i32 to index
          %get3A_1476 = arith.constant 48 : index
          %get3A_1477 = tpu.vector_load %arg7[%get3A_1475, %get3A_1476] {strides = array<i32>} : memref<512x64xf32, #tpu.memory_space<vmem>>, vector<1x16xf32>,
          %get3A_1478 = vector.shape_cast %get3A_1477 : vector<1x16xf32> to vector<16xf32>
          %mul3A_1479 = vector.broadcast %squeeze3A_1437 : f32 to vector<16xf32>
          %mul3A_1480 = arith.mulf %get3A_1478, %mul3A_1479 : vector<16xf32>
          %swap3A_1481 = arith.index_cast %add3A_1441 : i32 to index
          %swap3A_1482 = arith.constant 48 : index
          %swap3A_1483 = tpu.vector_load %arg7[%swap3A_1481, %swap3A_1482] {strides = array<i32>} : memref<512x64xf32, #tpu.memory_space<vmem>>, vector<1x16xf32>,
          %swap3A_1484 = vector.shape_cast %swap3A_1483 : vector<1x16xf32> to vector<16xf32>
          %swap3A_1485 = vector.shape_cast %mul3A_1480 : vector<16xf32> to vector<1x16xf32>
          tpu.vector_store %arg7[%swap3A_1481, %swap3A_1482], %swap3A_1485 {strides = array<i32>} : memref<512x64xf32, #tpu.memory_space<vmem>>, vector<1x16xf32>,
          %slice3A_1486 = vector.extract_strided_slice %select_n3A_986 {offsets = [10], sizes = [1], strides = [1]} : vector<16xf32> to vector<1xf32>
          %squeeze3A_1487 = vector.extract %slice3A_1486[0] : f32 from vector<1xf32>
          %mul3A_1488 = arith.constant 16 : i32
          %mul3A_1489 = arith.muli %scan3A_937, %mul3A_1488 : i32
          %add3A_1490 = arith.constant 10 : i32
          %add3A_1491 = arith.addi %mul3A_1489, %add3A_1490 : i32
          %get3A_1492 = arith.index_cast %add3A_1491 : i32 to index
          %get3A_1493 = arith.constant 0 : index
          %get3A_1494 = tpu.vector_load %arg7[%get3A_1492, %get3A_1493] {strides = array<i32>} : memref<512x64xf32, #tpu.memory_space<vmem>>, vector<1x16xf32>,
          %get3A_1495 = vector.shape_cast %get3A_1494 : vector<1x16xf32> to vector<16xf32>
          %mul3A_1496 = vector.broadcast %squeeze3A_1487 : f32 to vector<16xf32>
          %mul3A_1497 = arith.mulf %get3A_1495, %mul3A_1496 : vector<16xf32>
          %swap3A_1498 = arith.index_cast %add3A_1491 : i32 to index
          %swap3A_1499 = arith.constant 0 : index
          %swap3A_1500 = tpu.vector_load %arg7[%swap3A_1498, %swap3A_1499] {strides = array<i32>} : memref<512x64xf32, #tpu.memory_space<vmem>>, vector<1x16xf32>,
          %swap3A_1501 = vector.shape_cast %swap3A_1500 : vector<1x16xf32> to vector<16xf32>
          %swap3A_1502 = vector.shape_cast %mul3A_1497 : vector<16xf32> to vector<1x16xf32>
          tpu.vector_store %arg7[%swap3A_1498, %swap3A_1499], %swap3A_1502 {strides = array<i32>} : memref<512x64xf32, #tpu.memory_space<vmem>>, vector<1x16xf32>,
          %get3A_1503 = arith.index_cast %add3A_1491 : i32 to index
          %get3A_1504 = arith.constant 16 : index
          %get3A_1505 = tpu.vector_load %arg7[%get3A_1503, %get3A_1504] {strides = array<i32>} : memref<512x64xf32, #tpu.memory_space<vmem>>, vector<1x16xf32>,
          %get3A_1506 = vector.shape_cast %get3A_1505 : vector<1x16xf32> to vector<16xf32>
          %mul3A_1507 = vector.broadcast %squeeze3A_1487 : f32 to vector<16xf32>
          %mul3A_1508 = arith.mulf %get3A_1506, %mul3A_1507 : vector<16xf32>
          %swap3A_1509 = arith.index_cast %add3A_1491 : i32 to index
          %swap3A_1510 = arith.constant 16 : index
          %swap3A_1511 = tpu.vector_load %arg7[%swap3A_1509, %swap3A_1510] {strides = array<i32>} : memref<512x64xf32, #tpu.memory_space<vmem>>, vector<1x16xf32>,
          %swap3A_1512 = vector.shape_cast %swap3A_1511 : vector<1x16xf32> to vector<16xf32>
          %swap3A_1513 = vector.shape_cast %mul3A_1508 : vector<16xf32> to vector<1x16xf32>
          tpu.vector_store %arg7[%swap3A_1509, %swap3A_1510], %swap3A_1513 {strides = array<i32>} : memref<512x64xf32, #tpu.memory_space<vmem>>, vector<1x16xf32>,
          %get3A_1514 = arith.index_cast %add3A_1491 : i32 to index
          %get3A_1515 = arith.constant 32 : index
          %get3A_1516 = tpu.vector_load %arg7[%get3A_1514, %get3A_1515] {strides = array<i32>} : memref<512x64xf32, #tpu.memory_space<vmem>>, vector<1x16xf32>,
          %get3A_1517 = vector.shape_cast %get3A_1516 : vector<1x16xf32> to vector<16xf32>
          %mul3A_1518 = vector.broadcast %squeeze3A_1487 : f32 to vector<16xf32>
          %mul3A_1519 = arith.mulf %get3A_1517, %mul3A_1518 : vector<16xf32>
          %swap3A_1520 = arith.index_cast %add3A_1491 : i32 to index
          %swap3A_1521 = arith.constant 32 : index
          %swap3A_1522 = tpu.vector_load %arg7[%swap3A_1520, %swap3A_1521] {strides = array<i32>} : memref<512x64xf32, #tpu.memory_space<vmem>>, vector<1x16xf32>,
          %swap3A_1523 = vector.shape_cast %swap3A_1522 : vector<1x16xf32> to vector<16xf32>
          %swap3A_1524 = vector.shape_cast %mul3A_1519 : vector<16xf32> to vector<1x16xf32>
          tpu.vector_store %arg7[%swap3A_1520, %swap3A_1521], %swap3A_1524 {strides = array<i32>} : memref<512x64xf32, #tpu.memory_space<vmem>>, vector<1x16xf32>,
          %get3A_1525 = arith.index_cast %add3A_1491 : i32 to index
          %get3A_1526 = arith.constant 48 : index
          %get3A_1527 = tpu.vector_load %arg7[%get3A_1525, %get3A_1526] {strides = array<i32>} : memref<512x64xf32, #tpu.memory_space<vmem>>, vector<1x16xf32>,
          %get3A_1528 = vector.shape_cast %get3A_1527 : vector<1x16xf32> to vector<16xf32>
          %mul3A_1529 = vector.broadcast %squeeze3A_1487 : f32 to vector<16xf32>
          %mul3A_1530 = arith.mulf %get3A_1528, %mul3A_1529 : vector<16xf32>
          %swap3A_1531 = arith.index_cast %add3A_1491 : i32 to index
          %swap3A_1532 = arith.constant 48 : index
          %swap3A_1533 = tpu.vector_load %arg7[%swap3A_1531, %swap3A_1532] {strides = array<i32>} : memref<512x64xf32, #tpu.memory_space<vmem>>, vector<1x16xf32>,
          %swap3A_1534 = vector.shape_cast %swap3A_1533 : vector<1x16xf32> to vector<16xf32>
          %swap3A_1535 = vector.shape_cast %mul3A_1530 : vector<16xf32> to vector<1x16xf32>
          tpu.vector_store %arg7[%swap3A_1531, %swap3A_1532], %swap3A_1535 {strides = array<i32>} : memref<512x64xf32, #tpu.memory_space<vmem>>, vector<1x16xf32>,
          %slice3A_1536 = vector.extract_strided_slice %select_n3A_986 {offsets = [11], sizes = [1], strides = [1]} : vector<16xf32> to vector<1xf32>
          %squeeze3A_1537 = vector.extract %slice3A_1536[0] : f32 from vector<1xf32>
          %mul3A_1538 = arith.constant 16 : i32
          %mul3A_1539 = arith.muli %scan3A_937, %mul3A_1538 : i32
          %add3A_1540 = arith.constant 11 : i32
          %add3A_1541 = arith.addi %mul3A_1539, %add3A_1540 : i32
          %get3A_1542 = arith.index_cast %add3A_1541 : i32 to index
          %get3A_1543 = arith.constant 0 : index
          %get3A_1544 = tpu.vector_load %arg7[%get3A_1542, %get3A_1543] {strides = array<i32>} : memref<512x64xf32, #tpu.memory_space<vmem>>, vector<1x16xf32>,
          %get3A_1545 = vector.shape_cast %get3A_1544 : vector<1x16xf32> to vector<16xf32>
          %mul3A_1546 = vector.broadcast %squeeze3A_1537 : f32 to vector<16xf32>
          %mul3A_1547 = arith.mulf %get3A_1545, %mul3A_1546 : vector<16xf32>
          %swap3A_1548 = arith.index_cast %add3A_1541 : i32 to index
          %swap3A_1549 = arith.constant 0 : index
          %swap3A_1550 = tpu.vector_load %arg7[%swap3A_1548, %swap3A_1549] {strides = array<i32>} : memref<512x64xf32, #tpu.memory_space<vmem>>, vector<1x16xf32>,
          %swap3A_1551 = vector.shape_cast %swap3A_1550 : vector<1x16xf32> to vector<16xf32>
          %swap3A_1552 = vector.shape_cast %mul3A_1547 : vector<16xf32> to vector<1x16xf32>
          tpu.vector_store %arg7[%swap3A_1548, %swap3A_1549], %swap3A_1552 {strides = array<i32>} : memref<512x64xf32, #tpu.memory_space<vmem>>, vector<1x16xf32>,
          %get3A_1553 = arith.index_cast %add3A_1541 : i32 to index
          %get3A_1554 = arith.constant 16 : index
          %get3A_1555 = tpu.vector_load %arg7[%get3A_1553, %get3A_1554] {strides = array<i32>} : memref<512x64xf32, #tpu.memory_space<vmem>>, vector<1x16xf32>,
          %get3A_1556 = vector.shape_cast %get3A_1555 : vector<1x16xf32> to vector<16xf32>
          %mul3A_1557 = vector.broadcast %squeeze3A_1537 : f32 to vector<16xf32>
          %mul3A_1558 = arith.mulf %get3A_1556, %mul3A_1557 : vector<16xf32>
          %swap3A_1559 = arith.index_cast %add3A_1541 : i32 to index
          %swap3A_1560 = arith.constant 16 : index
          %swap3A_1561 = tpu.vector_load %arg7[%swap3A_1559, %swap3A_1560] {strides = array<i32>} : memref<512x64xf32, #tpu.memory_space<vmem>>, vector<1x16xf32>,
          %swap3A_1562 = vector.shape_cast %swap3A_1561 : vector<1x16xf32> to vector<16xf32>
          %swap3A_1563 = vector.shape_cast %mul3A_1558 : vector<16xf32> to vector<1x16xf32>
          tpu.vector_store %arg7[%swap3A_1559, %swap3A_1560], %swap3A_1563 {strides = array<i32>} : memref<512x64xf32, #tpu.memory_space<vmem>>, vector<1x16xf32>,
          %get3A_1564 = arith.index_cast %add3A_1541 : i32 to index
          %get3A_1565 = arith.constant 32 : index
          %get3A_1566 = tpu.vector_load %arg7[%get3A_1564, %get3A_1565] {strides = array<i32>} : memref<512x64xf32, #tpu.memory_space<vmem>>, vector<1x16xf32>,
          %get3A_1567 = vector.shape_cast %get3A_1566 : vector<1x16xf32> to vector<16xf32>
          %mul3A_1568 = vector.broadcast %squeeze3A_1537 : f32 to vector<16xf32>
          %mul3A_1569 = arith.mulf %get3A_1567, %mul3A_1568 : vector<16xf32>
          %swap3A_1570 = arith.index_cast %add3A_1541 : i32 to index
          %swap3A_1571 = arith.constant 32 : index
          %swap3A_1572 = tpu.vector_load %arg7[%swap3A_1570, %swap3A_1571] {strides = array<i32>} : memref<512x64xf32, #tpu.memory_space<vmem>>, vector<1x16xf32>,
          %swap3A_1573 = vector.shape_cast %swap3A_1572 : vector<1x16xf32> to vector<16xf32>
          %swap3A_1574 = vector.shape_cast %mul3A_1569 : vector<16xf32> to vector<1x16xf32>
          tpu.vector_store %arg7[%swap3A_1570, %swap3A_1571], %swap3A_1574 {strides = array<i32>} : memref<512x64xf32, #tpu.memory_space<vmem>>, vector<1x16xf32>,
          %get3A_1575 = arith.index_cast %add3A_1541 : i32 to index
          %get3A_1576 = arith.constant 48 : index
          %get3A_1577 = tpu.vector_load %arg7[%get3A_1575, %get3A_1576] {strides = array<i32>} : memref<512x64xf32, #tpu.memory_space<vmem>>, vector<1x16xf32>,
          %get3A_1578 = vector.shape_cast %get3A_1577 : vector<1x16xf32> to vector<16xf32>
          %mul3A_1579 = vector.broadcast %squeeze3A_1537 : f32 to vector<16xf32>
          %mul3A_1580 = arith.mulf %get3A_1578, %mul3A_1579 : vector<16xf32>
          %swap3A_1581 = arith.index_cast %add3A_1541 : i32 to index
          %swap3A_1582 = arith.constant 48 : index
          %swap3A_1583 = tpu.vector_load %arg7[%swap3A_1581, %swap3A_1582] {strides = array<i32>} : memref<512x64xf32, #tpu.memory_space<vmem>>, vector<1x16xf32>,
          %swap3A_1584 = vector.shape_cast %swap3A_1583 : vector<1x16xf32> to vector<16xf32>
          %swap3A_1585 = vector.shape_cast %mul3A_1580 : vector<16xf32> to vector<1x16xf32>
          tpu.vector_store %arg7[%swap3A_1581, %swap3A_1582], %swap3A_1585 {strides = array<i32>} : memref<512x64xf32, #tpu.memory_space<vmem>>, vector<1x16xf32>,
          %slice3A_1586 = vector.extract_strided_slice %select_n3A_986 {offsets = [12], sizes = [1], strides = [1]} : vector<16xf32> to vector<1xf32>
          %squeeze3A_1587 = vector.extract %slice3A_1586[0] : f32 from vector<1xf32>
          %mul3A_1588 = arith.constant 16 : i32
          %mul3A_1589 = arith.muli %scan3A_937, %mul3A_1588 : i32
          %add3A_1590 = arith.constant 12 : i32
          %add3A_1591 = arith.addi %mul3A_1589, %add3A_1590 : i32
          %get3A_1592 = arith.index_cast %add3A_1591 : i32 to index
          %get3A_1593 = arith.constant 0 : index
          %get3A_1594 = tpu.vector_load %arg7[%get3A_1592, %get3A_1593] {strides = array<i32>} : memref<512x64xf32, #tpu.memory_space<vmem>>, vector<1x16xf32>,
          %get3A_1595 = vector.shape_cast %get3A_1594 : vector<1x16xf32> to vector<16xf32>
          %mul3A_1596 = vector.broadcast %squeeze3A_1587 : f32 to vector<16xf32>
          %mul3A_1597 = arith.mulf %get3A_1595, %mul3A_1596 : vector<16xf32>
          %swap3A_1598 = arith.index_cast %add3A_1591 : i32 to index
          %swap3A_1599 = arith.constant 0 : index
          %swap3A_1600 = tpu.vector_load %arg7[%swap3A_1598, %swap3A_1599] {strides = array<i32>} : memref<512x64xf32, #tpu.memory_space<vmem>>, vector<1x16xf32>,
          %swap3A_1601 = vector.shape_cast %swap3A_1600 : vector<1x16xf32> to vector<16xf32>
          %swap3A_1602 = vector.shape_cast %mul3A_1597 : vector<16xf32> to vector<1x16xf32>
          tpu.vector_store %arg7[%swap3A_1598, %swap3A_1599], %swap3A_1602 {strides = array<i32>} : memref<512x64xf32, #tpu.memory_space<vmem>>, vector<1x16xf32>,
          %get3A_1603 = arith.index_cast %add3A_1591 : i32 to index
          %get3A_1604 = arith.constant 16 : index
          %get3A_1605 = tpu.vector_load %arg7[%get3A_1603, %get3A_1604] {strides = array<i32>} : memref<512x64xf32, #tpu.memory_space<vmem>>, vector<1x16xf32>,
          %get3A_1606 = vector.shape_cast %get3A_1605 : vector<1x16xf32> to vector<16xf32>
          %mul3A_1607 = vector.broadcast %squeeze3A_1587 : f32 to vector<16xf32>
          %mul3A_1608 = arith.mulf %get3A_1606, %mul3A_1607 : vector<16xf32>
          %swap3A_1609 = arith.index_cast %add3A_1591 : i32 to index
          %swap3A_1610 = arith.constant 16 : index
          %swap3A_1611 = tpu.vector_load %arg7[%swap3A_1609, %swap3A_1610] {strides = array<i32>} : memref<512x64xf32, #tpu.memory_space<vmem>>, vector<1x16xf32>,
          %swap3A_1612 = vector.shape_cast %swap3A_1611 : vector<1x16xf32> to vector<16xf32>
          %swap3A_1613 = vector.shape_cast %mul3A_1608 : vector<16xf32> to vector<1x16xf32>
          tpu.vector_store %arg7[%swap3A_1609, %swap3A_1610], %swap3A_1613 {strides = array<i32>} : memref<512x64xf32, #tpu.memory_space<vmem>>, vector<1x16xf32>,
          %get3A_1614 = arith.index_cast %add3A_1591 : i32 to index
          %get3A_1615 = arith.constant 32 : index
          %get3A_1616 = tpu.vector_load %arg7[%get3A_1614, %get3A_1615] {strides = array<i32>} : memref<512x64xf32, #tpu.memory_space<vmem>>, vector<1x16xf32>,
          %get3A_1617 = vector.shape_cast %get3A_1616 : vector<1x16xf32> to vector<16xf32>
          %mul3A_1618 = vector.broadcast %squeeze3A_1587 : f32 to vector<16xf32>
          %mul3A_1619 = arith.mulf %get3A_1617, %mul3A_1618 : vector<16xf32>
          %swap3A_1620 = arith.index_cast %add3A_1591 : i32 to index
          %swap3A_1621 = arith.constant 32 : index
          %swap3A_1622 = tpu.vector_load %arg7[%swap3A_1620, %swap3A_1621] {strides = array<i32>} : memref<512x64xf32, #tpu.memory_space<vmem>>, vector<1x16xf32>,
          %swap3A_1623 = vector.shape_cast %swap3A_1622 : vector<1x16xf32> to vector<16xf32>
          %swap3A_1624 = vector.shape_cast %mul3A_1619 : vector<16xf32> to vector<1x16xf32>
          tpu.vector_store %arg7[%swap3A_1620, %swap3A_1621], %swap3A_1624 {strides = array<i32>} : memref<512x64xf32, #tpu.memory_space<vmem>>, vector<1x16xf32>,
          %get3A_1625 = arith.index_cast %add3A_1591 : i32 to index
          %get3A_1626 = arith.constant 48 : index
          %get3A_1627 = tpu.vector_load %arg7[%get3A_1625, %get3A_1626] {strides = array<i32>} : memref<512x64xf32, #tpu.memory_space<vmem>>, vector<1x16xf32>,
          %get3A_1628 = vector.shape_cast %get3A_1627 : vector<1x16xf32> to vector<16xf32>
          %mul3A_1629 = vector.broadcast %squeeze3A_1587 : f32 to vector<16xf32>
          %mul3A_1630 = arith.mulf %get3A_1628, %mul3A_1629 : vector<16xf32>
          %swap3A_1631 = arith.index_cast %add3A_1591 : i32 to index
          %swap3A_1632 = arith.constant 48 : index
          %swap3A_1633 = tpu.vector_load %arg7[%swap3A_1631, %swap3A_1632] {strides = array<i32>} : memref<512x64xf32, #tpu.memory_space<vmem>>, vector<1x16xf32>,
          %swap3A_1634 = vector.shape_cast %swap3A_1633 : vector<1x16xf32> to vector<16xf32>
          %swap3A_1635 = vector.shape_cast %mul3A_1630 : vector<16xf32> to vector<1x16xf32>
          tpu.vector_store %arg7[%swap3A_1631, %swap3A_1632], %swap3A_1635 {strides = array<i32>} : memref<512x64xf32, #tpu.memory_space<vmem>>, vector<1x16xf32>,
          %slice3A_1636 = vector.extract_strided_slice %select_n3A_986 {offsets = [13], sizes = [1], strides = [1]} : vector<16xf32> to vector<1xf32>
          %squeeze3A_1637 = vector.extract %slice3A_1636[0] : f32 from vector<1xf32>
          %mul3A_1638 = arith.constant 16 : i32
          %mul3A_1639 = arith.muli %scan3A_937, %mul3A_1638 : i32
          %add3A_1640 = arith.constant 13 : i32
          %add3A_1641 = arith.addi %mul3A_1639, %add3A_1640 : i32
          %get3A_1642 = arith.index_cast %add3A_1641 : i32 to index
          %get3A_1643 = arith.constant 0 : index
          %get3A_1644 = tpu.vector_load %arg7[%get3A_1642, %get3A_1643] {strides = array<i32>} : memref<512x64xf32, #tpu.memory_space<vmem>>, vector<1x16xf32>,
          %get3A_1645 = vector.shape_cast %get3A_1644 : vector<1x16xf32> to vector<16xf32>
          %mul3A_1646 = vector.broadcast %squeeze3A_1637 : f32 to vector<16xf32>
          %mul3A_1647 = arith.mulf %get3A_1645, %mul3A_1646 : vector<16xf32>
          %swap3A_1648 = arith.index_cast %add3A_1641 : i32 to index
          %swap3A_1649 = arith.constant 0 : index
          %swap3A_1650 = tpu.vector_load %arg7[%swap3A_1648, %swap3A_1649] {strides = array<i32>} : memref<512x64xf32, #tpu.memory_space<vmem>>, vector<1x16xf32>,
          %swap3A_1651 = vector.shape_cast %swap3A_1650 : vector<1x16xf32> to vector<16xf32>
          %swap3A_1652 = vector.shape_cast %mul3A_1647 : vector<16xf32> to vector<1x16xf32>
          tpu.vector_store %arg7[%swap3A_1648, %swap3A_1649], %swap3A_1652 {strides = array<i32>} : memref<512x64xf32, #tpu.memory_space<vmem>>, vector<1x16xf32>,
          %get3A_1653 = arith.index_cast %add3A_1641 : i32 to index
          %get3A_1654 = arith.constant 16 : index
          %get3A_1655 = tpu.vector_load %arg7[%get3A_1653, %get3A_1654] {strides = array<i32>} : memref<512x64xf32, #tpu.memory_space<vmem>>, vector<1x16xf32>,
          %get3A_1656 = vector.shape_cast %get3A_1655 : vector<1x16xf32> to vector<16xf32>
          %mul3A_1657 = vector.broadcast %squeeze3A_1637 : f32 to vector<16xf32>
          %mul3A_1658 = arith.mulf %get3A_1656, %mul3A_1657 : vector<16xf32>
          %swap3A_1659 = arith.index_cast %add3A_1641 : i32 to index
          %swap3A_1660 = arith.constant 16 : index
          %swap3A_1661 = tpu.vector_load %arg7[%swap3A_1659, %swap3A_1660] {strides = array<i32>} : memref<512x64xf32, #tpu.memory_space<vmem>>, vector<1x16xf32>,
          %swap3A_1662 = vector.shape_cast %swap3A_1661 : vector<1x16xf32> to vector<16xf32>
          %swap3A_1663 = vector.shape_cast %mul3A_1658 : vector<16xf32> to vector<1x16xf32>
          tpu.vector_store %arg7[%swap3A_1659, %swap3A_1660], %swap3A_1663 {strides = array<i32>} : memref<512x64xf32, #tpu.memory_space<vmem>>, vector<1x16xf32>,
          %get3A_1664 = arith.index_cast %add3A_1641 : i32 to index
          %get3A_1665 = arith.constant 32 : index
          %get3A_1666 = tpu.vector_load %arg7[%get3A_1664, %get3A_1665] {strides = array<i32>} : memref<512x64xf32, #tpu.memory_space<vmem>>, vector<1x16xf32>,
          %get3A_1667 = vector.shape_cast %get3A_1666 : vector<1x16xf32> to vector<16xf32>
          %mul3A_1668 = vector.broadcast %squeeze3A_1637 : f32 to vector<16xf32>
          %mul3A_1669 = arith.mulf %get3A_1667, %mul3A_1668 : vector<16xf32>
          %swap3A_1670 = arith.index_cast %add3A_1641 : i32 to index
          %swap3A_1671 = arith.constant 32 : index
          %swap3A_1672 = tpu.vector_load %arg7[%swap3A_1670, %swap3A_1671] {strides = array<i32>} : memref<512x64xf32, #tpu.memory_space<vmem>>, vector<1x16xf32>,
          %swap3A_1673 = vector.shape_cast %swap3A_1672 : vector<1x16xf32> to vector<16xf32>
          %swap3A_1674 = vector.shape_cast %mul3A_1669 : vector<16xf32> to vector<1x16xf32>
          tpu.vector_store %arg7[%swap3A_1670, %swap3A_1671], %swap3A_1674 {strides = array<i32>} : memref<512x64xf32, #tpu.memory_space<vmem>>, vector<1x16xf32>,
          %get3A_1675 = arith.index_cast %add3A_1641 : i32 to index
          %get3A_1676 = arith.constant 48 : index
          %get3A_1677 = tpu.vector_load %arg7[%get3A_1675, %get3A_1676] {strides = array<i32>} : memref<512x64xf32, #tpu.memory_space<vmem>>, vector<1x16xf32>,
          %get3A_1678 = vector.shape_cast %get3A_1677 : vector<1x16xf32> to vector<16xf32>
          %mul3A_1679 = vector.broadcast %squeeze3A_1637 : f32 to vector<16xf32>
          %mul3A_1680 = arith.mulf %get3A_1678, %mul3A_1679 : vector<16xf32>
          %swap3A_1681 = arith.index_cast %add3A_1641 : i32 to index
          %swap3A_1682 = arith.constant 48 : index
          %swap3A_1683 = tpu.vector_load %arg7[%swap3A_1681, %swap3A_1682] {strides = array<i32>} : memref<512x64xf32, #tpu.memory_space<vmem>>, vector<1x16xf32>,
          %swap3A_1684 = vector.shape_cast %swap3A_1683 : vector<1x16xf32> to vector<16xf32>
          %swap3A_1685 = vector.shape_cast %mul3A_1680 : vector<16xf32> to vector<1x16xf32>
          tpu.vector_store %arg7[%swap3A_1681, %swap3A_1682], %swap3A_1685 {strides = array<i32>} : memref<512x64xf32, #tpu.memory_space<vmem>>, vector<1x16xf32>,
          %slice3A_1686 = vector.extract_strided_slice %select_n3A_986 {offsets = [14], sizes = [1], strides = [1]} : vector<16xf32> to vector<1xf32>
          %squeeze3A_1687 = vector.extract %slice3A_1686[0] : f32 from vector<1xf32>
          %mul3A_1688 = arith.constant 16 : i32
          %mul3A_1689 = arith.muli %scan3A_937, %mul3A_1688 : i32
          %add3A_1690 = arith.constant 14 : i32
          %add3A_1691 = arith.addi %mul3A_1689, %add3A_1690 : i32
          %get3A_1692 = arith.index_cast %add3A_1691 : i32 to index
          %get3A_1693 = arith.constant 0 : index
          %get3A_1694 = tpu.vector_load %arg7[%get3A_1692, %get3A_1693] {strides = array<i32>} : memref<512x64xf32, #tpu.memory_space<vmem>>, vector<1x16xf32>,
          %get3A_1695 = vector.shape_cast %get3A_1694 : vector<1x16xf32> to vector<16xf32>
          %mul3A_1696 = vector.broadcast %squeeze3A_1687 : f32 to vector<16xf32>
          %mul3A_1697 = arith.mulf %get3A_1695, %mul3A_1696 : vector<16xf32>
          %swap3A_1698 = arith.index_cast %add3A_1691 : i32 to index
          %swap3A_1699 = arith.constant 0 : index
          %swap3A_1700 = tpu.vector_load %arg7[%swap3A_1698, %swap3A_1699] {strides = array<i32>} : memref<512x64xf32, #tpu.memory_space<vmem>>, vector<1x16xf32>,
          %swap3A_1701 = vector.shape_cast %swap3A_1700 : vector<1x16xf32> to vector<16xf32>
          %swap3A_1702 = vector.shape_cast %mul3A_1697 : vector<16xf32> to vector<1x16xf32>
          tpu.vector_store %arg7[%swap3A_1698, %swap3A_1699], %swap3A_1702 {strides = array<i32>} : memref<512x64xf32, #tpu.memory_space<vmem>>, vector<1x16xf32>,
          %get3A_1703 = arith.index_cast %add3A_1691 : i32 to index
          %get3A_1704 = arith.constant 16 : index
          %get3A_1705 = tpu.vector_load %arg7[%get3A_1703, %get3A_1704] {strides = array<i32>} : memref<512x64xf32, #tpu.memory_space<vmem>>, vector<1x16xf32>,
          %get3A_1706 = vector.shape_cast %get3A_1705 : vector<1x16xf32> to vector<16xf32>
          %mul3A_1707 = vector.broadcast %squeeze3A_1687 : f32 to vector<16xf32>
          %mul3A_1708 = arith.mulf %get3A_1706, %mul3A_1707 : vector<16xf32>
          %swap3A_1709 = arith.index_cast %add3A_1691 : i32 to index
          %swap3A_1710 = arith.constant 16 : index
          %swap3A_1711 = tpu.vector_load %arg7[%swap3A_1709, %swap3A_1710] {strides = array<i32>} : memref<512x64xf32, #tpu.memory_space<vmem>>, vector<1x16xf32>,
          %swap3A_1712 = vector.shape_cast %swap3A_1711 : vector<1x16xf32> to vector<16xf32>
          %swap3A_1713 = vector.shape_cast %mul3A_1708 : vector<16xf32> to vector<1x16xf32>
          tpu.vector_store %arg7[%swap3A_1709, %swap3A_1710], %swap3A_1713 {strides = array<i32>} : memref<512x64xf32, #tpu.memory_space<vmem>>, vector<1x16xf32>,
          %get3A_1714 = arith.index_cast %add3A_1691 : i32 to index
          %get3A_1715 = arith.constant 32 : index
          %get3A_1716 = tpu.vector_load %arg7[%get3A_1714, %get3A_1715] {strides = array<i32>} : memref<512x64xf32, #tpu.memory_space<vmem>>, vector<1x16xf32>,
          %get3A_1717 = vector.shape_cast %get3A_1716 : vector<1x16xf32> to vector<16xf32>
          %mul3A_1718 = vector.broadcast %squeeze3A_1687 : f32 to vector<16xf32>
          %mul3A_1719 = arith.mulf %get3A_1717, %mul3A_1718 : vector<16xf32>
          %swap3A_1720 = arith.index_cast %add3A_1691 : i32 to index
          %swap3A_1721 = arith.constant 32 : index
          %swap3A_1722 = tpu.vector_load %arg7[%swap3A_1720, %swap3A_1721] {strides = array<i32>} : memref<512x64xf32, #tpu.memory_space<vmem>>, vector<1x16xf32>,
          %swap3A_1723 = vector.shape_cast %swap3A_1722 : vector<1x16xf32> to vector<16xf32>
          %swap3A_1724 = vector.shape_cast %mul3A_1719 : vector<16xf32> to vector<1x16xf32>
          tpu.vector_store %arg7[%swap3A_1720, %swap3A_1721], %swap3A_1724 {strides = array<i32>} : memref<512x64xf32, #tpu.memory_space<vmem>>, vector<1x16xf32>,
          %get3A_1725 = arith.index_cast %add3A_1691 : i32 to index
          %get3A_1726 = arith.constant 48 : index
          %get3A_1727 = tpu.vector_load %arg7[%get3A_1725, %get3A_1726] {strides = array<i32>} : memref<512x64xf32, #tpu.memory_space<vmem>>, vector<1x16xf32>,
          %get3A_1728 = vector.shape_cast %get3A_1727 : vector<1x16xf32> to vector<16xf32>
          %mul3A_1729 = vector.broadcast %squeeze3A_1687 : f32 to vector<16xf32>
          %mul3A_1730 = arith.mulf %get3A_1728, %mul3A_1729 : vector<16xf32>
          %swap3A_1731 = arith.index_cast %add3A_1691 : i32 to index
          %swap3A_1732 = arith.constant 48 : index
          %swap3A_1733 = tpu.vector_load %arg7[%swap3A_1731, %swap3A_1732] {strides = array<i32>} : memref<512x64xf32, #tpu.memory_space<vmem>>, vector<1x16xf32>,
          %swap3A_1734 = vector.shape_cast %swap3A_1733 : vector<1x16xf32> to vector<16xf32>
          %swap3A_1735 = vector.shape_cast %mul3A_1730 : vector<16xf32> to vector<1x16xf32>
          tpu.vector_store %arg7[%swap3A_1731, %swap3A_1732], %swap3A_1735 {strides = array<i32>} : memref<512x64xf32, #tpu.memory_space<vmem>>, vector<1x16xf32>,
          %slice3A_1736 = vector.extract_strided_slice %select_n3A_986 {offsets = [15], sizes = [1], strides = [1]} : vector<16xf32> to vector<1xf32>
          %squeeze3A_1737 = vector.extract %slice3A_1736[0] : f32 from vector<1xf32>
          %mul3A_1738 = arith.constant 16 : i32
          %mul3A_1739 = arith.muli %scan3A_937, %mul3A_1738 : i32
          %add3A_1740 = arith.constant 15 : i32
          %add3A_1741 = arith.addi %mul3A_1739, %add3A_1740 : i32
          %get3A_1742 = arith.index_cast %add3A_1741 : i32 to index
          %get3A_1743 = arith.constant 0 : index
          %get3A_1744 = tpu.vector_load %arg7[%get3A_1742, %get3A_1743] {strides = array<i32>} : memref<512x64xf32, #tpu.memory_space<vmem>>, vector<1x16xf32>,
          %get3A_1745 = vector.shape_cast %get3A_1744 : vector<1x16xf32> to vector<16xf32>
          %mul3A_1746 = vector.broadcast %squeeze3A_1737 : f32 to vector<16xf32>
          %mul3A_1747 = arith.mulf %get3A_1745, %mul3A_1746 : vector<16xf32>
          %swap3A_1748 = arith.index_cast %add3A_1741 : i32 to index
          %swap3A_1749 = arith.constant 0 : index
          %swap3A_1750 = tpu.vector_load %arg7[%swap3A_1748, %swap3A_1749] {strides = array<i32>} : memref<512x64xf32, #tpu.memory_space<vmem>>, vector<1x16xf32>,
          %swap3A_1751 = vector.shape_cast %swap3A_1750 : vector<1x16xf32> to vector<16xf32>
          %swap3A_1752 = vector.shape_cast %mul3A_1747 : vector<16xf32> to vector<1x16xf32>
          tpu.vector_store %arg7[%swap3A_1748, %swap3A_1749], %swap3A_1752 {strides = array<i32>} : memref<512x64xf32, #tpu.memory_space<vmem>>, vector<1x16xf32>,
          %get3A_1753 = arith.index_cast %add3A_1741 : i32 to index
          %get3A_1754 = arith.constant 16 : index
          %get3A_1755 = tpu.vector_load %arg7[%get3A_1753, %get3A_1754] {strides = array<i32>} : memref<512x64xf32, #tpu.memory_space<vmem>>, vector<1x16xf32>,
          %get3A_1756 = vector.shape_cast %get3A_1755 : vector<1x16xf32> to vector<16xf32>
          %mul3A_1757 = vector.broadcast %squeeze3A_1737 : f32 to vector<16xf32>
          %mul3A_1758 = arith.mulf %get3A_1756, %mul3A_1757 : vector<16xf32>
          %swap3A_1759 = arith.index_cast %add3A_1741 : i32 to index
          %swap3A_1760 = arith.constant 16 : index
          %swap3A_1761 = tpu.vector_load %arg7[%swap3A_1759, %swap3A_1760] {strides = array<i32>} : memref<512x64xf32, #tpu.memory_space<vmem>>, vector<1x16xf32>,
          %swap3A_1762 = vector.shape_cast %swap3A_1761 : vector<1x16xf32> to vector<16xf32>
          %swap3A_1763 = vector.shape_cast %mul3A_1758 : vector<16xf32> to vector<1x16xf32>
          tpu.vector_store %arg7[%swap3A_1759, %swap3A_1760], %swap3A_1763 {strides = array<i32>} : memref<512x64xf32, #tpu.memory_space<vmem>>, vector<1x16xf32>,
          %get3A_1764 = arith.index_cast %add3A_1741 : i32 to index
          %get3A_1765 = arith.constant 32 : index
          %get3A_1766 = tpu.vector_load %arg7[%get3A_1764, %get3A_1765] {strides = array<i32>} : memref<512x64xf32, #tpu.memory_space<vmem>>, vector<1x16xf32>,
          %get3A_1767 = vector.shape_cast %get3A_1766 : vector<1x16xf32> to vector<16xf32>
          %mul3A_1768 = vector.broadcast %squeeze3A_1737 : f32 to vector<16xf32>
          %mul3A_1769 = arith.mulf %get3A_1767, %mul3A_1768 : vector<16xf32>
          %swap3A_1770 = arith.index_cast %add3A_1741 : i32 to index
          %swap3A_1771 = arith.constant 32 : index
          %swap3A_1772 = tpu.vector_load %arg7[%swap3A_1770, %swap3A_1771] {strides = array<i32>} : memref<512x64xf32, #tpu.memory_space<vmem>>, vector<1x16xf32>,
          %swap3A_1773 = vector.shape_cast %swap3A_1772 : vector<1x16xf32> to vector<16xf32>
          %swap3A_1774 = vector.shape_cast %mul3A_1769 : vector<16xf32> to vector<1x16xf32>
          tpu.vector_store %arg7[%swap3A_1770, %swap3A_1771], %swap3A_1774 {strides = array<i32>} : memref<512x64xf32, #tpu.memory_space<vmem>>, vector<1x16xf32>,
          %get3A_1775 = arith.index_cast %add3A_1741 : i32 to index
          %get3A_1776 = arith.constant 48 : index
          %get3A_1777 = tpu.vector_load %arg7[%get3A_1775, %get3A_1776] {strides = array<i32>} : memref<512x64xf32, #tpu.memory_space<vmem>>, vector<1x16xf32>,
          %get3A_1778 = vector.shape_cast %get3A_1777 : vector<1x16xf32> to vector<16xf32>
          %mul3A_1779 = vector.broadcast %squeeze3A_1737 : f32 to vector<16xf32>
          %mul3A_1780 = arith.mulf %get3A_1778, %mul3A_1779 : vector<16xf32>
          %swap3A_1781 = arith.index_cast %add3A_1741 : i32 to index
          %swap3A_1782 = arith.constant 48 : index
          %swap3A_1783 = tpu.vector_load %arg7[%swap3A_1781, %swap3A_1782] {strides = array<i32>} : memref<512x64xf32, #tpu.memory_space<vmem>>, vector<1x16xf32>,
          %swap3A_1784 = vector.shape_cast %swap3A_1783 : vector<1x16xf32> to vector<16xf32>
          %swap3A_1785 = vector.shape_cast %mul3A_1780 : vector<16xf32> to vector<1x16xf32>
          tpu.vector_store %arg7[%swap3A_1781, %swap3A_1782], %swap3A_1785 {strides = array<i32>} : memref<512x64xf32, #tpu.memory_space<vmem>>, vector<1x16xf32>,
        }
        %scan3A_936 = arith.constant 32 : i32
      } else {
      }
      %mul3A_911 = arith.constant 512 : i32
      %mul3A_912 = arith.muli %add3A_519, %mul3A_911 : i32
      %add3A_913 = arith.addi %mul3A_2, %mul3A_912 : i32
      %shift_right_arithmetic3A_914 = arith.constant 12 : i32
      %shift_right_arithmetic3A_915 = arith.shrsi %add3A_913, %shift_right_arithmetic3A_914 : i32
      %and3A_916 = arith.constant 4095 : i32
      %and3A_917 = arith.andi %add3A_913, %and3A_916 : i32
      %dma_start3A_918 = arith.constant 0 : i32
      %dma_start3A_919 = tpu.memref_slice %arg4[%and3A_917, %shift_right_arithmetic3A_915, %dma_start3A_918] : memref<4096x200x64xf32, #tpu.memory_space<hbm>> -> memref<512x1x64xf32, #tpu.memory_space<hbm>>
      %dma_start3A_920 = tpu.memref_squeeze %dma_start3A_919 : memref<512x1x64xf32, #tpu.memory_space<hbm>> -> memref<512x64xf32, #tpu.memory_space<hbm>>
      %dma_start3A_921 = arith.constant 0 : i32
      %dma_start3A_922 = tpu.memref_slice %arg4[%and3A_917, %shift_right_arithmetic3A_915, %dma_start3A_921] : memref<4096x200x64xf32, #tpu.memory_space<hbm>> -> memref<512x1x64xf32, #tpu.memory_space<hbm>>
      %dma_start3A_923 = tpu.memref_squeeze %dma_start3A_922 : memref<512x1x64xf32, #tpu.memory_space<hbm>> -> memref<512x64xf32, #tpu.memory_space<hbm>>
      tpu.enqueue_dma source(%arg7 : memref<512x64xf32, #tpu.memory_space<vmem>>) target(%dma_start3A_923 : memref<512x64xf32, #tpu.memory_space<hbm>>) target_semaphore(%arg11 : memref<!tpu.dma_semaphore, #tpu.memory_space<semaphore_mem>>)
      %add3A_924 = arith.constant 2 : i32
      %add3A_925 = arith.addi %add3A_519, %add3A_924 : i32
      %lt3A_926 = arith.constant 50 : i32
      %lt3A_927 = arith.cmpi slt, %add3A_925, %lt3A_926 : i32
      %convert_element_type3A_928 = arith.extui %lt3A_927 : i1 to i32
      %cond3A_929 = arith.constant 0 : i32
      %cond3A_930 = arith.cmpi ne, %convert_element_type3A_928, %cond3A_929 : i32
      scf.if %cond3A_930 {
        %mul3A_931 = arith.constant 512 : i32
        %mul3A_932 = arith.muli %add3A_519, %mul3A_931 : i32
        %add3A_933 = arith.addi %mul3A_2, %mul3A_932 : i32
        %shift_right_arithmetic3A_934 = arith.constant 12 : i32
        %shift_right_arithmetic3A_935 = arith.shrsi %add3A_933, %shift_right_arithmetic3A_934 : i32
        %and3A_936 = arith.constant 4095 : i32
        %and3A_937 = arith.andi %add3A_933, %and3A_936 : i32
        %dma_wait3A_938 = arith.constant 0 : i32
        %dma_wait3A_939 = tpu.memref_slice %arg4[%and3A_937, %shift_right_arithmetic3A_935, %dma_wait3A_938] : memref<4096x200x64xf32, #tpu.memory_space<hbm>> -> memref<512x1x64xf32, #tpu.memory_space<hbm>>
        %dma_wait3A_940 = tpu.memref_squeeze %dma_wait3A_939 : memref<512x1x64xf32, #tpu.memory_space<hbm>> -> memref<512x64xf32, #tpu.memory_space<hbm>>
        %dma_wait3A_941 = arith.constant 0 : i32
        %dma_wait3A_942 = tpu.memref_slice %arg4[%and3A_937, %shift_right_arithmetic3A_935, %dma_wait3A_941] : memref<4096x200x64xf32, #tpu.memory_space<hbm>> -> memref<512x1x64xf32, #tpu.memory_space<hbm>>
        %dma_wait3A_943 = tpu.memref_squeeze %dma_wait3A_942 : memref<512x1x64xf32, #tpu.memory_space<hbm>> -> memref<512x64xf32, #tpu.memory_space<hbm>>
        tpu.wait_dma2 semaphore(%arg11 : memref<!tpu.dma_semaphore, #tpu.memory_space<semaphore_mem>>) src(%arg7 : memref<512x64xf32, #tpu.memory_space<vmem>>) dst(%dma_wait3A_943 : memref<512x64xf32, #tpu.memory_space<hbm>>)
        %add3A_944 = arith.constant 2 : i32
        %add3A_945 = arith.addi %add3A_519, %add3A_944 : i32
        %mul3A_946 = arith.constant 4 : i32
        %mul3A_947 = arith.muli %add3A_945, %mul3A_946 : i32
        %add3A_948 = arith.constant 0 : i32
        %add3A_949 = arith.addi %mul3A_947, %add3A_948 : i32
        %dma_start3A_950 = arith.constant 0 : i32
        %dma_start3A_951 = arith.constant 0 : i32
        %dma_start3A_952 = tpu.memref_slice %arg7[%dma_start3A_950, %dma_start3A_951] : memref<512x64xf32, #tpu.memory_space<vmem>> -> memref<128x64xf32, #tpu.memory_space<vmem>>
        %dma_start3A_953 = arith.constant 0 : i32
        %dma_start3A_954 = tpu.memref_slice %arg5[%add3A_949, %dma_start3A_953] : memref<200x128xi32, #tpu.memory_space<vmem>> -> memref<1x128xi32, #tpu.memory_space<vmem>>
        %dma_start3A_955 = tpu.memref_squeeze %dma_start3A_954 : memref<1x128xi32, #tpu.memory_space<vmem>> -> memref<128xi32, #tpu.memory_space<vmem>>
        %dma_start3A_956 = arith.constant 0 : i32
        %dma_start3A_957 = arith.constant 0 : i32
        %dma_start3A_958 = tpu.memref_slice %arg3[%dma_start3A_956, %dma_start3A_957] : memref<1000000x64xf32, #tpu.memory_space<hbm>> -> memref<1000000x64xf32, #tpu.memory_space<hbm>>
        tpu.enqueue_indirect_dma source(%dma_start3A_958 : memref<1000000x64xf32, #tpu.memory_space<hbm>>) target(%dma_start3A_952 : memref<128x64xf32, #tpu.memory_space<vmem>>) offsets(%dma_start3A_955 : memref<128xi32, #tpu.memory_space<vmem>>) semaphore(%arg9 : memref<!tpu.dma_semaphore, #tpu.memory_space<semaphore_mem>>)
        %mul3A_959 = arith.constant 4 : i32
        %mul3A_960 = arith.muli %add3A_945, %mul3A_959 : i32
        %add3A_961 = arith.constant 1 : i32
        %add3A_962 = arith.addi %mul3A_960, %add3A_961 : i32
        %dma_start3A_963 = arith.constant 128 : i32
        %dma_start3A_964 = arith.constant 0 : i32
        %dma_start3A_965 = tpu.memref_slice %arg7[%dma_start3A_963, %dma_start3A_964] : memref<512x64xf32, #tpu.memory_space<vmem>> -> memref<128x64xf32, #tpu.memory_space<vmem>>
        %dma_start3A_966 = arith.constant 0 : i32
        %dma_start3A_967 = tpu.memref_slice %arg5[%add3A_962, %dma_start3A_966] : memref<200x128xi32, #tpu.memory_space<vmem>> -> memref<1x128xi32, #tpu.memory_space<vmem>>
        %dma_start3A_968 = tpu.memref_squeeze %dma_start3A_967 : memref<1x128xi32, #tpu.memory_space<vmem>> -> memref<128xi32, #tpu.memory_space<vmem>>
        %dma_start3A_969 = arith.constant 0 : i32
        %dma_start3A_970 = arith.constant 0 : i32
        %dma_start3A_971 = tpu.memref_slice %arg3[%dma_start3A_969, %dma_start3A_970] : memref<1000000x64xf32, #tpu.memory_space<hbm>> -> memref<1000000x64xf32, #tpu.memory_space<hbm>>
        tpu.enqueue_indirect_dma source(%dma_start3A_971 : memref<1000000x64xf32, #tpu.memory_space<hbm>>) target(%dma_start3A_965 : memref<128x64xf32, #tpu.memory_space<vmem>>) offsets(%dma_start3A_968 : memref<128xi32, #tpu.memory_space<vmem>>) semaphore(%arg9 : memref<!tpu.dma_semaphore, #tpu.memory_space<semaphore_mem>>)
        %mul3A_972 = arith.constant 4 : i32
        %mul3A_973 = arith.muli %add3A_945, %mul3A_972 : i32
        %add3A_974 = arith.constant 2 : i32
        %add3A_975 = arith.addi %mul3A_973, %add3A_974 : i32
        %dma_start3A_976 = arith.constant 256 : i32
        %dma_start3A_977 = arith.constant 0 : i32
        %dma_start3A_978 = tpu.memref_slice %arg7[%dma_start3A_976, %dma_start3A_977] : memref<512x64xf32, #tpu.memory_space<vmem>> -> memref<128x64xf32, #tpu.memory_space<vmem>>
        %dma_start3A_979 = arith.constant 0 : i32
        %dma_start3A_980 = tpu.memref_slice %arg5[%add3A_975, %dma_start3A_979] : memref<200x128xi32, #tpu.memory_space<vmem>> -> memref<1x128xi32, #tpu.memory_space<vmem>>
        %dma_start3A_981 = tpu.memref_squeeze %dma_start3A_980 : memref<1x128xi32, #tpu.memory_space<vmem>> -> memref<128xi32, #tpu.memory_space<vmem>>
        %dma_start3A_982 = arith.constant 0 : i32
        %dma_start3A_983 = arith.constant 0 : i32
        %dma_start3A_984 = tpu.memref_slice %arg3[%dma_start3A_982, %dma_start3A_983] : memref<1000000x64xf32, #tpu.memory_space<hbm>> -> memref<1000000x64xf32, #tpu.memory_space<hbm>>
        tpu.enqueue_indirect_dma source(%dma_start3A_984 : memref<1000000x64xf32, #tpu.memory_space<hbm>>) target(%dma_start3A_978 : memref<128x64xf32, #tpu.memory_space<vmem>>) offsets(%dma_start3A_981 : memref<128xi32, #tpu.memory_space<vmem>>) semaphore(%arg9 : memref<!tpu.dma_semaphore, #tpu.memory_space<semaphore_mem>>)
        %mul3A_985 = arith.constant 4 : i32
        %mul3A_986 = arith.muli %add3A_945, %mul3A_985 : i32
        %add3A_987 = arith.constant 3 : i32
        %add3A_988 = arith.addi %mul3A_986, %add3A_987 : i32
        %dma_start3A_989 = arith.constant 384 : i32
        %dma_start3A_990 = arith.constant 0 : i32
        %dma_start3A_991 = tpu.memref_slice %arg7[%dma_start3A_989, %dma_start3A_990] : memref<512x64xf32, #tpu.memory_space<vmem>> -> memref<128x64xf32, #tpu.memory_space<vmem>>
        %dma_start3A_992 = arith.constant 0 : i32
        %dma_start3A_993 = tpu.memref_slice %arg5[%add3A_988, %dma_start3A_992] : memref<200x128xi32, #tpu.memory_space<vmem>> -> memref<1x128xi32, #tpu.memory_space<vmem>>
        %dma_start3A_994 = tpu.memref_squeeze %dma_start3A_993 : memref<1x128xi32, #tpu.memory_space<vmem>> -> memref<128xi32, #tpu.memory_space<vmem>>
        %dma_start3A_995 = arith.constant 0 : i32
        %dma_start3A_996 = arith.constant 0 : i32
        %dma_start3A_997 = tpu.memref_slice %arg3[%dma_start3A_995, %dma_start3A_996] : memref<1000000x64xf32, #tpu.memory_space<hbm>> -> memref<1000000x64xf32, #tpu.memory_space<hbm>>
        tpu.enqueue_indirect_dma source(%dma_start3A_997 : memref<1000000x64xf32, #tpu.memory_space<hbm>>) target(%dma_start3A_991 : memref<128x64xf32, #tpu.memory_space<vmem>>) offsets(%dma_start3A_994 : memref<128xi32, #tpu.memory_space<vmem>>) semaphore(%arg9 : memref<!tpu.dma_semaphore, #tpu.memory_space<semaphore_mem>>)
      } else {
      }
    }
    %scan3A_88 = arith.constant 25 : i32
    %add3A_89 = arith.constant 24576 : i32
    %add3A_90 = arith.addi %mul3A_2, %add3A_89 : i32
    %shift_right_arithmetic3A = arith.constant 12 : i32
    %shift_right_arithmetic3A_91 = arith.shrsi %add3A_90, %shift_right_arithmetic3A : i32
    %and3A = arith.constant 4095 : i32
    %and3A_92 = arith.andi %add3A_90, %and3A : i32
    %dma_wait3A = arith.constant 0 : i32
    %dma_wait3A_93 = tpu.memref_slice %arg4[%and3A_92, %shift_right_arithmetic3A_91, %dma_wait3A] : memref<4096x200x64xf32, #tpu.memory_space<hbm>> -> memref<512x1x64xf32, #tpu.memory_space<hbm>>
    %dma_wait3A_94 = tpu.memref_squeeze %dma_wait3A_93 : memref<512x1x64xf32, #tpu.memory_space<hbm>> -> memref<512x64xf32, #tpu.memory_space<hbm>>
    %dma_wait3A_95 = arith.constant 0 : i32
    %dma_wait3A_96 = tpu.memref_slice %arg4[%and3A_92, %shift_right_arithmetic3A_91, %dma_wait3A_95] : memref<4096x200x64xf32, #tpu.memory_space<hbm>> -> memref<512x1x64xf32, #tpu.memory_space<hbm>>
    %dma_wait3A_97 = tpu.memref_squeeze %dma_wait3A_96 : memref<512x1x64xf32, #tpu.memory_space<hbm>> -> memref<512x64xf32, #tpu.memory_space<hbm>>
    tpu.wait_dma2 semaphore(%arg10 : memref<!tpu.dma_semaphore, #tpu.memory_space<semaphore_mem>>) src(%arg6 : memref<512x64xf32, #tpu.memory_space<vmem>>) dst(%dma_wait3A_97 : memref<512x64xf32, #tpu.memory_space<hbm>>)
    %add3A_98 = arith.constant 25088 : i32
    %add3A_99 = arith.addi %mul3A_2, %add3A_98 : i32
    %shift_right_arithmetic3A_100 = arith.constant 12 : i32
    %shift_right_arithmetic3A_101 = arith.shrsi %add3A_99, %shift_right_arithmetic3A_100 : i32
    %and3A_102 = arith.constant 4095 : i32
    %and3A_103 = arith.andi %add3A_99, %and3A_102 : i32
    %dma_wait3A_104 = arith.constant 0 : i32
    %dma_wait3A_105 = tpu.memref_slice %arg4[%and3A_103, %shift_right_arithmetic3A_101, %dma_wait3A_104] : memref<4096x200x64xf32, #tpu.memory_space<hbm>> -> memref<512x1x64xf32, #tpu.memory_space<hbm>>
    %dma_wait3A_106 = tpu.memref_squeeze %dma_wait3A_105 : memref<512x1x64xf32, #tpu.memory_space<hbm>> -> memref<512x64xf32, #tpu.memory_space<hbm>>
    %dma_wait3A_107 = arith.constant 0 : i32
    %dma_wait3A_108 = tpu.memref_slice %arg4[%and3A_103, %shift_right_arithmetic3A_101, %dma_wait3A_107] : memref<4096x200x64xf32, #tpu.memory_space<hbm>> -> memref<512x1x64xf32, #tpu.memory_space<hbm>>
    %dma_wait3A_109 = tpu.memref_squeeze %dma_wait3A_108 : memref<512x1x64xf32, #tpu.memory_space<hbm>> -> memref<512x64xf32, #tpu.memory_space<hbm>>
    tpu.wait_dma2 semaphore(%arg11 : memref<!tpu.dma_semaphore, #tpu.memory_space<semaphore_mem>>) src(%arg7 : memref<512x64xf32, #tpu.memory_space<vmem>>) dst(%dma_wait3A_109 : memref<512x64xf32, #tpu.memory_space<hbm>>)
    return
  }
}

</mosaic_0001>

<sc_bundles>
// kernel: kernel.3.cloned.1.call-start
scs
__scs_entry_jumppad:
0x0: {  	(pc) =	sbr.rel $0x88, $3  }
0x1: {  	(tag) =	ssettag $0x0;
	lr =	simm.s32 $0x1  }
0x2: {  	[smem:$0x3F9F] =	sst lr;
	_ =	strace $0xD0000000  }
0x3: {  	_ = 	snop  }
0x4: {  	_ = 	snop  }
0x5: {  	_ = 	snop  }
0x6: {  	_ = 	snop  }
0x7: {  	_ = 	snop  }
__scs_overlays_trampoline_lowered:
0x8: {  	[smem:$0x3FAE] =	sst s0  }
0x9: {  	[smem:$0x3FAF] =	sst s1  }
0xa: {  	[smem:$0x3FB0] =	sst s2  }
0xb: {  	[smem:$0x3FB1] =	sst s3  }
0xc: {  	[smem:$0x3FB2] =	sst s4  }
0xd: {  	[smem:$0x3FB3] =	sst s5  }
0xe: {  	[smem:$0x3FB4] =	sst s6  }
0xf: {  	[smem:$0x3FB5] =	sst s7  }
0x10: {  	[smem:$0x3FB6] =	sst s8  }
0x11: {  	[smem:$0x3FB7] =	sst s9;
	s0 =	simm.s32 @!p0 $0x0  }
0x12: {  	s1 =	sld [smem:$0x3F9D];
	s0 =	simm.s32 @p0 $0x1  }
0x13: {  	[smem:$0x3FB8] =	sst s0;
	s0 =	simm.s32 @!p1 $0x0  }
0x14: {  	s2 =	sld [smem:$0x3F9C];
	s0 =	simm.s32 @p1 $0x1  }
0x15: {  	[smem:$0x3FB9] =	sst s0;
	s0 =	simm.s32 @!p2 $0x0  }
0x16: {  	s3 =	sld [smem:$0x3FDB];
	s0 =	simm.s32 @p2 $0x1  }
0x17: {  	s4 =	simm.s32 $0x1BF5;
	[smem:$0x3FBB] =	sst s0  }
0x18: {  	s0 =	sld [smem:$0x3F9E];
	_ =	swait.ge [sflag:s4], $0x0  }
0x19: {  	s7 =	sld [smem:$0x3F9F]  }
0x1a: {  	s8 =	sadd.s32 $0xFFFFE003, lr  }
0x1b: {  	s9 =	sadd.s32 $0xFFFFFEF7, lr;
	s5 =	simm.s32 $0xFFFFFFFF;
	p2 =	slt.u32 s8, $0xFFFFF086  }
0x1c: {  	p1 =	slt.u32 s9, $0xF7A;
	s5 =	simm.s32 @!p2 $0x0  }
0x1d: {  	s5 =	simm.s32 @p1 $0x1;
	p0 =	seq.s32 s7, s2  }
0x1e: {  	s7 =	smul.u32 @!p0 $0xF7A, s2;
	p2 =	seq.s32 @!p0 s5, $0x0  }
0x1f: {  	s9 =	smul.u32 $0xF7A, s1;
	s8 =	simm.s32 @!p0 $0x1BF5;
	p2 =	por !p2, p0  }
0x20: {  	[sflag:s8] =	ssyncset.s32 @!p0 $0xFFFFF086;
	s6 =	sadd.s32 @!p0 s3, s7;
	s7 =	simm.s32 @!p0 $0x108  }
0x21: {  	s3 =	sadd.s32 s3, s9;
	s6 =	sadd.s32 @!p0 $0x88, s6;
	s7 =	simm.s32 @p2 $0x1082  }
0x22: {  	[simem:s7], [sflag:s8] =	dma.local @!p0 [hbm:s6], $0xF7A  }
0x23: {  	s9 =	sor.u32 $0xD0000000, s2;
	s6 =	simm.s32 $0x108;
	_ =	swait.ge @!p0 [sflag:s8], $0x0  }
0x24: {  	s3 =	sadd.s32 $0x88, s3;
	s6 =	simm.s32 @!p1 $0x1082;
	[sflag:s4] =	ssyncset.s32 $0xFFFFF086  }
0x25: {  	[simem:s6], [sflag:s4] =	dma.local [hbm:s3], $0xF7A  }
0x26: {  	[smem:$0x3F9F] =	sst s1;
	(tag) =	ssettag s2;
	_ =	strace s9  }
0x27: {  	s1 =	sld [smem:$0x3FAF]  }
0x28: {  	s2 =	sld [smem:$0x3FB0]  }
0x29: {  	s4 =	sld [smem:$0x3FB2]  }
0x2a: {  	p0 =	seq.s32 s5, $0x0;
	s5 =	sld [smem:$0x3FB3]  }
0x2b: {  	s6 =	sld [smem:$0x3FB4]  }
0x2c: {  	s7 =	sld [smem:$0x3FB5]  }
0x2d: {  	s3 =	simm.s32 $0x108;
	s8 =	sld [smem:$0x3FB6]  }
0x2e: {  	s3 =	simm.s32 @!p0 $0x1082;
	s9 =	sld [smem:$0x3FB7]  }
0x2f: {  	lr =	sadd.s32 s0, s3;
	s0 =	sld [smem:$0x3FAE]  }
0x30: {  	s3 =	sld [smem:$0x3FB1]  }
0x31: {  	[smem:$0x3FBA] =	sst s10  }
0x32: {  	s10 =	sld [smem:$0x3FB8];
	_ =	sdelay $0x3  }
0x33: {  	p0 =	seq.s32 s10, $0x1;
	s10 =	sld [smem:$0x3FBA];
	_ =	sdelay $0x3  }
0x34: {  	[smem:$0x3FBA] =	sst s10  }
0x35: {  	s10 =	sld [smem:$0x3FB9];
	_ =	sdelay $0x3  }
0x36: {  	p1 =	seq.s32 s10, $0x1;
	s10 =	sld [smem:$0x3FBA];
	_ =	sdelay $0x3  }
0x37: {  	[smem:$0x3FBA] =	sst s10  }
0x38: {  	s10 =	sld [smem:$0x3FBB]  }
0x39: {  	_ = 	snop;
	(pc) =	sbr.ind lr, $3  }
0x3a: {  	_ = 	snop  }
0x3b: {  	_ = 	snop  }
0x3c: {  	p2 =	seq.s32 s10, $0x1;
	s10 =	sld [smem:$0x3FBA]  }
0x3d: {  	_ =	shalt  }
0x3e: {  	_ =	shalt  }
0x3f: {  	_ =	shalt  }
0x40: {  	_ =	shalt  }
0x41: {  	_ =	shalt  }
0x42: {  	_ =	shalt  }
0x43: {  	_ =	shalt  }
0x44: {  	_ =	shalt  }
0x45: {  	_ =	shalt  }
0x46: {  	_ =	shalt  }
0x47: {  	_ =	shalt  }
0x48: {  	_ =	shalt  }
0x49: {  	_ =	shalt  }
0x4a: {  	_ =	shalt  }
0x4b: {  	_ =	shalt  }
0x4c: {  	_ =	shalt  }
0x4d: {  	_ =	shalt  }
0x4e: {  	_ =	shalt  }
0x4f: {  	_ =	shalt  }
0x50: {  	_ =	shalt  }
0x51: {  	_ =	shalt  }
0x52: {  	_ =	shalt  }
0x53: {  	_ =	shalt  }
0x54: {  	_ =	shalt  }
0x55: {  	_ =	shalt  }
0x56: {  	_ =	shalt  }
0x57: {  	_ =	shalt  }
0x58: {  	_ =	shalt  }
0x59: {  	_ =	shalt  }
0x5a: {  	_ =	shalt  }
0x5b: {  	_ =	shalt  }
0x5c: {  	_ =	shalt  }
0x5d: {  	_ =	shalt  }
0x5e: {  	_ =	shalt  }
0x5f: {  	_ =	shalt  }
0x60: {  	_ =	shalt  }
0x61: {  	_ =	shalt  }
0x62: {  	_ =	shalt  }
0x63: {  	_ =	shalt  }
0x64: {  	_ =	shalt  }
0x65: {  	_ =	shalt  }
0x66: {  	_ =	shalt  }
0x67: {  	_ =	shalt  }
0x68: {  	_ =	shalt  }
0x69: {  	_ =	shalt  }
0x6a: {  	_ =	shalt  }
0x6b: {  	_ =	shalt  }
0x6c: {  	_ =	shalt  }
0x6d: {  	_ =	shalt  }
0x6e: {  	_ =	shalt  }
0x6f: {  	_ =	shalt  }
0x70: {  	_ =	shalt  }
0x71: {  	_ =	shalt  }
0x72: {  	_ =	shalt  }
0x73: {  	_ =	shalt  }
0x74: {  	_ =	shalt  }
0x75: {  	_ =	shalt  }
0x76: {  	_ =	shalt  }
0x77: {  	_ =	shalt  }
0x78: {  	_ =	shalt  }
0x79: {  	_ =	shalt  }
0x7a: {  	_ =	shalt  }
0x7b: {  	_ =	shalt  }
0x7c: {  	_ =	shalt  }
0x7d: {  	_ =	shalt  }
0x7e: {  	_ =	shalt  }
0x7f: {  	_ =	shalt  }
0x80: {  	_ =	shalt  }
0x81: {  	_ =	shalt  }
0x82: {  	_ =	shalt  }
0x83: {  	_ =	shalt  }
0x84: {  	_ =	shalt  }
0x85: {  	_ =	shalt  }
0x86: {  	_ =	shalt  }
0x87: {  	_ =	shalt  }
.Lfunc_end0:
.L_simem_size_0:
called_computation.1_lowered:
.L_overlay_start_0:
0x88: {  	s2 =	sld [smem:$0x3FD9]  }
0x89: {  	s3 =	sld [smem:$0x3FFE];
	_ =	sdelay $0x1  }
0x8a: {  	s1 =	srdreg.scid  }
0x8b: {  	s0 =	sand.u32 $0x1, s1  }
0x8c: {  	s17 =	sshll.u32 s0, $0xA;
	s2 =	sadd.s32 s3, s2  }
0x8d: {  	s2 =	sadd.s32 s2, s17  }
0x8e: {  	[smem:$0x3FC6] =	sst s2  }
0x8f: {  	_ = 	snop  }
0x90: {  	s2 =	sld [smem:$0x3FD0];
	(tm) =	ssettm $0x1  }
0x91: {  	s18 =	sld [smem:$0x3FFB];
	_ =	sdelay $0x3  }
0x92: {  	_ =	strace s18  }
0x93: {  	s3 =	sld [smem:$0x3FFC];
	_ =	sdelay $0x3  }
0x94: {  	_ =	strace s3  }
0x95: {  	s3 =	sld [smem:$0x3FFD];
	_ =	sdelay $0x3  }
0x96: {  	_ =	strace s3  }
0x97: {  	_ =	strace $0x8FFFFFFF  }
0x98: {  	s19 =	sld [smem:$0x3FDB];
	_ =	sdelay $0x1  }
0x99: {  	s4 =	simm.s32 $_scs_section_size  }
0x9a: {  	s5 =	simm.s32 $_size__tile_overlayer_lowered;
	s6 =	simm.s32 $_tile_overlayer_lowered  }
0x9b: {  	s22 =	simm.s32 $0x1BFF;
	s21 =	sshll.u32 s6, $0x1;
	s3 =	sadd.s32 s4, s19  }
0x9c: {  	s7 =	simm.s32 $0x0;
	s20 =	sshll.u32 s5, $0x1;
	s5 =	sadd.s32 s21, s3  }
0x9d: {  	[timem:s7], [sflag:s22] =	dma.local [hbm:s5], s20  }
0x9e: {  	_ =	swait.ge [sflag:s22], s20  }
0x9f: {  	s4 =	ssub.s32 $0x0, s20;
	[sflag:s22] =	ssyncset.done $0x0  }
0xa0: {  	[sflag:s22] =	ssyncadd.s32 s4;
	_ =	sdelay $0x1  }
0xa1: {  	s23 =	simm.s32 $0x1B8B  }
0xa2: {  	_ =	swait.ge [sflag:s23], $0x1  }
0xa3: {  	[sflag:s23] =	ssyncset.done $0x0  }
0xa4: {  	s25 =	simm.s32 $0x1B8E;
	s24 =	sld [smem:$0x3FFE];
	[sflag:s23] =	ssyncadd.s32 $0xFFFFFFFF  }
0xa5: {  	s26 =	simm.s32 $execute0_lowered;
	[smem:$0x3FD2] =	sst s25  }
0xa6: {  	s5 =	sshll.u32 s26, $0x1;
	_ =	strace $0x80000046;
	[dreg:$0x1] =	wrdreg $0xFFFFFFFF  }
0xa7: {  	s28 =	simm.s32 $_size_execute0_lowered;
	s3 =	sadd.s32 s3, s5;
	[dreg:$0x0] =	wrdreg $0x0  }
0xa8: {  	s5 =	sshll.u32 s28, $0x1;
	[dreg:$0x2] =	wrdreg s3  }
0xa9: {  	[dreg:$0x3] =	wrdreg s5  }
0xaa: {  	[dreg:$0x4] =	wrdreg $0xC0  }
0xab: {  	_ =	task [dreg:s7], $0x5FFFF  }
0xac: {  	[dreg:$0x1] =	wrdreg $0xFFFFFFFF  }
0xad: {  	[dreg:$0x0] =	wrdreg $0x60  }
0xae: {  	[dreg:$0x2] =	wrdreg s24  }
0xaf: {  	[dreg:$0x3] =	wrdreg s2  }
0xb0: {  	[dreg:$0x4] =	wrdreg $0x9  }
0xb1: {  	_ =	task.clear_ibuf [dreg:s7], $0x5FFFF;
	_ =	strace $0x90000046  }
0xb2: {  	s29 =	simm.s32 $0x9;
	_ =	strace $0x80000048  }
0xb3: {  	_ =	swait.ge [sflag:s29], $0x1  }
0xb4: {  	[sflag:s29] =	ssyncadd.s32 $0xFFFFFFFF  }
0xb5: {  	_ =	strace $0x90000048  }
0xb6: {  	_ =	sfence  }
0xb7: {  	s30 =	sld [smem:$0x0];
	_ =	sdelay $0x2  }
0xb8: {  	s31 =	sshll.u32 s1, $0xD;
	s1 =	sshrl.u32 s1, $0x2  }
0xb9: {  	s3 =	sand.u32 $0x4000, s31;
	s1 =	sadd.s32 s1, s30  }
0xba: {  	s0 =	sor.u32 s3, s0;
	s1 =	sshll.u32 s1, $0x11  }
0xbb: {  	s0 =	sor.u32 s1, s0  }
0xbc: {  	s0 =	sadd.s32 $0x8F2B, s0  }
0xbd: {  	[sflag:s0] =	ssyncadd.remote.s32 $0x1  }
0xbe: {  	_ =	sfence.sel $0xFFFF  }
0xbf: {  	[dreg:$0x0] =	wrdreg $0xFFFFFFFF;
	(pc) =	sbr.abs _section_cstart, $3  }
0xc0: {  	[dreg:$0x1] =	wrdreg $0xFFFFFFFF  }
0xc1: {  	_ =	task.clear_ibuf [dreg:s7], $0x2FFFF;
	_ =	strace $0x9FFFFFFF  }
0xc2: {  	(tm) =	ssettm $0x7FFFFFFF  }
0xc3: {  	_ =	shalt  }
tec
execute0_lowered:
.L_overlay_start_1:
0x0: {  	(tag) =	ssettag $0x1  }
0x1: {  	s0 =	rddreg [dreg:$0x0]  }
0x2: {  	s1 =	srdreg.scid;
	s3 =	stileid.u32  }
0x3: {  	s2 =	rddreg [dreg:$0x1];
	s8 =	simm.s32 $0x5;
	s9 =	simm.s32 $0x80  }
0x4: {  	s10 =	simm.s32 $0x6400;
	s17 =	simm.s32 $0xE400;
	s19 =	simm.s32 $0x10400  }
0x5: {  	s20 =	simm.s32 $0x300;
	s21 =	simm.s32 $0x12400;
	s22 =	simm.s32 $0x380  }
0x6: {  	s23 =	simm.s32 $0x14400;
	s24 =	simm.s32 $0x1;
	s25 =	simm.s32 $0x40  }
0x7: {  	s28 =	simm.s32 $0x2;
	s29 =	simm.s32 $0x3;
	s30 =	simm.s32 $0x4  }
0x8: {  	s31 =	simm.s32 $0x0;
	s1 =	sand.u32 $0x1, s1;
	s4 =	sshll.u32 s3, $0x1  }
.Ltmp0:
0x9: {  	s3 =	simm.s32 $0x0;
	s5 =	sor.u32 s1, s4;
	(pc) =	sbr.rel .LBB2_1-.Ltmp0, $4  }
0xa: {  	[smem:$0x7FF] =	sst s3;
	s1 =	ssub.s32 $0x2, s1;
	s4 =	smul.u32 $0xC80, s5  }
0xb: {  	_ =	strace $0x80000047;
	s26 =	sshrl.u32 s1, $0x1;
	s5 =	smul.u32 $0x6400, s5  }
0xc: {  	s6 =	sadd.s32 s4, s0;
	s4 =	sadd.s32 $0xF42E00, s0;
	s0 =	ssub.s32 s1, s26  }
0xd: {  	v0 =	vimm.f32 $1.000000000e+00;
	s26 =	simm.s32 $0x3200;
	s6 =	sadd.s32 $0xA00, s6;
	s7 =	smax.u32 s0, $0x1  }
.LBB2_10:
0xe: {  	s31 =	sadd.s32 $0x1, s31  }
0xf: {  	_ =	swait.ge [sflag:s29], $0x8000;
	p0 =	sne.s32 s31, s7  }
.Ltmp1:
0x10: {  	[sflag:s29] =	ssyncset.done $0x0;
	(pc) =	sbr.rel @!p0 .LBB2_11-.Ltmp1, $4  }
0x11: {  	[sflag:s29] =	ssyncadd.s32 $0xFFFF8000  }
0x12: {  	_ =	swait.ge [sflag:s30], $0x8000  }
0x13: {  	[sflag:s30] =	ssyncset.done $0x0  }
0x14: {  	[sflag:s30] =	ssyncadd.s32 $0xFFFF8000  }
.LBB2_1:
0x15: {  	[tilespmem:s3], [sflag:$0x5] =	stream.linear.gather [hbm4b:s6+s3], $0x6400, $0x38;
	[tilespmem:$0x16400] =	vst v63  }
0x16: {  	_ =	swait.ge [sflag:s8], $0x6400  }
0x17: {  	[sflag:s8] =	ssyncset.done $0x0  }
0x18: {  	[sflag:s8] =	ssyncadd.s32 $0xFFFF9C00  }
0x19: {  	[tilespmem:s10], [sflag:$0x1] =	stream.indirect.gather [hbm4b:s4+s9], $0x40, s3, s9, $0xb8;
	[tilespmem:$0x16400] =	vst v63  }
0x1a: {  	s0 =	simm.s32 $0x8400  }
0x1b: {  	[tilespmem:s0], [sflag:$0x1] =	stream.indirect.gather [hbm4b:s4+s9], $0x40, s9, s9, $0xb8;
	[tilespmem:$0x16400] =	vst v63  }
0x1c: {  	s13 =	simm.s32 $0x100;
	s1 =	simm.s32 $0xA400  }
0x1d: {  	[tilespmem:s1], [sflag:$0x1] =	stream.indirect.gather [hbm4b:s4+s9], $0x40, s13, s9, $0xb8;
	[tilespmem:$0x16400] =	vst v63  }
0x1e: {  	s14 =	simm.s32 $0x180;
	s15 =	simm.s32 $0xC400  }
0x1f: {  	[tilespmem:s15], [sflag:$0x1] =	stream.indirect.gather [hbm4b:s4+s9], $0x40, s14, s9, $0xb8;
	[tilespmem:$0x16400] =	vst v63  }
0x20: {  	s16 =	simm.s32 $0x200  }
0x21: {  	[tilespmem:s17], [sflag:$0x2] =	stream.indirect.gather [hbm4b:s4+s9], $0x40, s16, s9, $0xb8;
	[tilespmem:$0x16400] =	vst v63  }
0x22: {  	s18 =	simm.s32 $0x280  }
0x23: {  	[tilespmem:s19], [sflag:$0x2] =	stream.indirect.gather [hbm4b:s4+s9], $0x40, s18, s9, $0xb8;
	[tilespmem:$0x16400] =	vst v63  }
0x24: {  	_ = 	snop  }
0x25: {  	[tilespmem:s21], [sflag:$0x2] =	stream.indirect.gather [hbm4b:s4+s9], $0x40, s20, s9, $0xb8;
	[tilespmem:$0x16400] =	vst v63  }
0x26: {  	s1 =	simm.s32 $0x0  }
0x27: {  	[tilespmem:s23], [sflag:$0x2] =	stream.indirect.gather [hbm4b:s4+s9], $0x40, s22, s9, $0xb8;
	[tilespmem:$0x16400] =	vst v63  }
.LBB2_2:
0x28: {  	_ =	swait.ge [sflag:s24], $0x2000  }
0x29: {  	[sflag:s24] =	ssyncset.done $0x0  }
0x2a: {  	[sflag:s24] =	ssyncadd.s32 $0xFFFFE000  }
0x2b: {  	_ =	swait.ge [sflag:s24], $0x2000  }
0x2c: {  	[sflag:s24] =	ssyncset.done $0x0  }
0x2d: {  	[sflag:s24] =	ssyncadd.s32 $0xFFFFE000  }
0x2e: {  	_ =	swait.ge [sflag:s24], $0x2000  }
0x2f: {  	[sflag:s24] =	ssyncset.done $0x0  }
0x30: {  	[sflag:s24] =	ssyncadd.s32 $0xFFFFE000  }
0x31: {  	_ =	swait.ge [sflag:s24], $0x2000  }
0x32: {  	[sflag:s24] =	ssyncset.done $0x0  }
0x33: {  	s11 =	sshll.u32 s1, $0xA;
	[sflag:s24] =	ssyncadd.s32 $0xFFFFE000  }
0x34: {  	v1 =	vld [tilespmem:s11+$0x0]  }
0x35: {  	v2 =	vld [tilespmem:s11+$0x10];
	_ =	sdelay $0x1  }
0x36: {  	v3 =	vld [tilespmem:s11+$0x20];
	_ =	sdelay $0x1  }
0x37: {  	v4 =	vld [tilespmem:s11+$0x30]  }
0x38: {  	vm0 =	vlt.s32 v1, v2  }
0x39: {  	v5 =	vld [tilespmem:s11+$0x40];
	v1 =	vsel vm0, v1, v2  }
0x3a: {  	vm0 =	vlt.s32 v1, v3  }
0x3b: {  	v2 =	vld [tilespmem:s11+$0x50];
	v1 =	vsel vm0, v1, v3  }
0x3c: {  	vm0 =	vlt.s32 v1, v4  }
0x3d: {  	v3 =	vld [tilespmem:s11+$0x60];
	v1 =	vsel vm0, v1, v4  }
0x3e: {  	vm0 =	vlt.s32 v1, v5  }
0x3f: {  	v51 =	vld [tilespmem:s11+$0x70];
	v1 =	vsel vm0, v1, v5  }
0x40: {  	vm0 =	vlt.s32 v1, v2  }
0x41: {  	v52 =	vld [tilespmem:s11+$0x80];
	v1 =	vsel vm0, v1, v2  }
0x42: {  	vm0 =	vlt.s32 v1, v3  }
0x43: {  	v2 =	vld [tilespmem:s11+$0x90];
	v1 =	vsel vm0, v1, v3  }
0x44: {  	vm0 =	vlt.s32 v1, v51  }
0x45: {  	v3 =	vld [tilespmem:s11+$0xA0];
	v1 =	vsel vm0, v1, v51  }
0x46: {  	vm0 =	vlt.s32 v1, v52  }
0x47: {  	v53 =	vld [tilespmem:s11+$0xB0];
	v1 =	vsel vm0, v1, v52  }
0x48: {  	vm0 =	vlt.s32 v1, v2  }
0x49: {  	v54 =	vld [tilespmem:s11+$0xC0];
	v1 =	vsel vm0, v1, v2  }
0x4a: {  	vm0 =	vlt.s32 v1, v3  }
0x4b: {  	v2 =	vld [tilespmem:s11+$0xD0];
	v1 =	vsel vm0, v1, v3  }
0x4c: {  	vm0 =	vlt.s32 v1, v53  }
0x4d: {  	v3 =	vld [tilespmem:s11+$0xE0];
	v1 =	vsel vm0, v1, v53  }
0x4e: {  	vm0 =	vlt.s32 v1, v54  }
0x4f: {  	v55 =	vld [tilespmem:s11+$0xF0];
	v1 =	vsel vm0, v1, v54  }
0x50: {  	vm0 =	vlt.s32 v1, v2  }
0x51: {  	v56 =	vld [tilespmem:s11+$0x100];
	v1 =	vsel vm0, v1, v2  }
0x52: {  	vm0 =	vlt.s32 v1, v3  }
0x53: {  	v2 =	vld [tilespmem:s11+$0x110];
	v1 =	vsel vm0, v1, v3  }
0x54: {  	vm0 =	vlt.s32 v1, v55  }
0x55: {  	v3 =	vld [tilespmem:s11+$0x120];
	v1 =	vsel vm0, v1, v55  }
0x56: {  	vm0 =	vlt.s32 v1, v56  }
0x57: {  	v57 =	vld [tilespmem:s11+$0x130];
	v1 =	vsel vm0, v1, v56  }
0x58: {  	vm0 =	vlt.s32 v1, v2  }
0x59: {  	v58 =	vld [tilespmem:s11+$0x140];
	v1 =	vsel vm0, v1, v2  }
0x5a: {  	vm0 =	vlt.s32 v1, v3  }
0x5b: {  	v2 =	vld [tilespmem:s11+$0x150];
	v1 =	vsel vm0, v1, v3  }
0x5c: {  	vm0 =	vlt.s32 v1, v57  }
0x5d: {  	v3 =	vld [tilespmem:s11+$0x160];
	v1 =	vsel vm0, v1, v57  }
0x5e: {  	vm0 =	vlt.s32 v1, v58  }
0x5f: {  	v59 =	vld [tilespmem:s11+$0x170];
	v1 =	vsel vm0, v1, v58  }
0x60: {  	vm0 =	vlt.s32 v1, v2  }
0x61: {  	v60 =	vld [tilespmem:s11+$0x180];
	v1 =	vsel vm0, v1, v2  }
0x62: {  	vm0 =	vlt.s32 v1, v3  }
0x63: {  	v2 =	vld [tilespmem:s11+$0x190];
	v1 =	vsel vm0, v1, v3  }
0x64: {  	vm0 =	vlt.s32 v1, v59  }
0x65: {  	v3 =	vld [tilespmem:s11+$0x1A0];
	v1 =	vsel vm0, v1, v59  }
0x66: {  	vm0 =	vlt.s32 v1, v60  }
0x67: {  	v61 =	vld [tilespmem:s11+$0x1B0];
	v1 =	vsel vm0, v1, v60  }
0x68: {  	vm0 =	vlt.s32 v1, v2  }
0x69: {  	v62 =	vld [tilespmem:s11+$0x1C0];
	v1 =	vsel vm0, v1, v2  }
0x6a: {  	vm0 =	vlt.s32 v1, v3  }
0x6b: {  	v2 =	vld [tilespmem:s11+$0x1D0];
	v1 =	vsel vm0, v1, v3  }
0x6c: {  	vm0 =	vlt.s32 v1, v61  }
0x6d: {  	v3 =	vld [tilespmem:s11+$0x1E0];
	v1 =	vsel vm0, v1, v61  }
0x6e: {  	vm0 =	vlt.s32 v1, v62  }
0x6f: {  	v63 =	vld [tilespmem:s11+$0x1F0];
	v1 =	vsel vm0, v1, v62  }
0x70: {  	vm0 =	vlt.s32 v1, v2  }
0x71: {  	v1 =	vsel vm0, v1, v2  }
0x72: {  	vm0 =	vlt.s32 v1, v3  }
0x73: {  	v1 =	vsel vm0, v1, v3  }
0x74: {  	vm0 =	vlt.s32 v1, v63  }
0x75: {  	v1 =	vsel vm0, v1, v63  }
0x76: {  	(v2sf) =	vpush v1, $0x0  }
0x77: {  	(v2sf) =	vpush v1, $0x1;
	_ =	sdelay $0x1  }
0x78: {  	(v2sf) =	vpush v1, $0x2;
	_ =	sdelay $0x1  }
0x79: {  	(v2sf) =	vpush v1, $0x3;
	_ =	sdelay $0x1  }
0x7a: {  	(v2sf) =	vpush v1, $0x4;
	_ =	sdelay $0x1  }
0x7b: {  	(v2sf) =	vpush v1, $0x5;
	_ =	sdelay $0x1  }
0x7c: {  	(v2sf) =	vpush v1, $0x6;
	_ =	sdelay $0x1  }
0x7d: {  	(v2sf) =	vpush v1, $0x7;
	_ =	sdelay $0x1  }
0x7e: {  	s0 =	spop (v2sf);
	(v2sf) =	vpush v1, $0x8  }
0x7f: {  	s12 =	spop (v2sf)  }
0x80: {  	(v2sf) =	vpush v1, $0x9;
	p0 =	slt.s32 s0, s12  }
0x81: {  	s13 =	spop (v2sf);
	s12 =	smov.u32 @p0 s0  }
0x82: {  	(v2sf) =	vpush v1, $0xA;
	p0 =	slt.s32 s12, s13  }
0x83: {  	s0 =	spop (v2sf);
	s13 =	smov.u32 @p0 s12  }
0x84: {  	(v2sf) =	vpush v1, $0xB;
	p0 =	slt.s32 s13, s0  }
0x85: {  	s12 =	spop (v2sf);
	s0 =	smov.u32 @p0 s13  }
0x86: {  	(v2sf) =	vpush v1, $0xC;
	p0 =	slt.s32 s0, s12  }
0x87: {  	s13 =	spop (v2sf);
	s12 =	smov.u32 @p0 s0  }
0x88: {  	(v2sf) =	vpush v1, $0xD;
	p0 =	slt.s32 s12, s13  }
0x89: {  	s0 =	spop (v2sf);
	s13 =	smov.u32 @p0 s12  }
0x8a: {  	(v2sf) =	vpush v1, $0xE;
	p0 =	slt.s32 s13, s0  }
0x8b: {  	s12 =	spop (v2sf);
	s0 =	smov.u32 @p0 s13  }
0x8c: {  	(v2sf) =	vpush v1, $0xF;
	p0 =	slt.s32 s0, s12  }
0x8d: {  	s13 =	spop (v2sf);
	s12 =	smov.u32 @p0 s0  }
0x8e: {  	p0 =	slt.s32 s12, s13  }
0x8f: {  	s0 =	spop (v2sf);
	s13 =	smov.u32 @p0 s12  }
0x90: {  	p0 =	slt.s32 s13, s0  }
0x91: {  	s12 =	spop (v2sf);
	s0 =	smov.u32 @p0 s13  }
0x92: {  	p0 =	slt.s32 s0, s12  }
0x93: {  	s13 =	spop (v2sf);
	s12 =	smov.u32 @p0 s0  }
0x94: {  	p0 =	slt.s32 s12, s13  }
0x95: {  	s0 =	spop (v2sf);
	s13 =	smov.u32 @p0 s12  }
0x96: {  	p0 =	slt.s32 s13, s0  }
0x97: {  	s12 =	spop (v2sf);
	s0 =	smov.u32 @p0 s13  }
0x98: {  	p0 =	slt.s32 s0, s12  }
0x99: {  	s13 =	spop (v2sf);
	s12 =	smov.u32 @p0 s0  }
0x9a: {  	p0 =	slt.s32 s12, s13  }
0x9b: {  	s0 =	spop (v2sf);
	s13 =	smov.u32 @p0 s12  }
0x9c: {  	p0 =	slt.s32 s13, s0  }
0x9d: {  	s0 =	smov.u32 @p0 s13  }
0x9e: {  	p0 =	sne.s32 s0, $0x0  }
.Ltmp2:
0x9f: {  	_ = 	snop;
	(pc) =	sbr.rel @p0 .LBB2_5-.Ltmp2, $2  }
0xa0: {  	_ =	sdelay $0x2  }
0xa1: {  	s0 =	sand.u32 $0x3FFFFC00, s11  }
0xa2: {  	s12 =	simm.s32 $0x0;
	s13 =	simm.s32 $0x6600;
	s14 =	simm.s32 $0x0  }
.LBB2_4:
0xa3: {  	s15 =	sand.u32 $0x600, s14  }
0xa4: {  	s15 =	sshrl.u32 s15, $0x2  }
0xa5: {  	s16 =	sand.u32 $0x70, s12;
	s15 =	sadd.s32 s15, s0  }
0xa6: {  	s15 =	sadd.s32 s16, s15  }
0xa7: {  	v1 =	vld [tilespmem:s15+$0x0];
	_ =	sdelay $0x3  }
0xa8: {  	v2 =	vld [tilespmem:s13+$0xFFFFFE00]  }
0xa9: {  	vm0 =	veq.s32 v1, $0x0  }
0xaa: {  	v1 =	vsel vm0, $0x0, v0  }
0xab: {  	v3 =	vbroadcast v1, $0x0;
	_ =	sdelay $0x1  }
0xac: {  	v2 =	vmul.f32 v3, v2;
	_ =	sdelay $0x1  }
0xad: {  	[tilespmem:s13+$0xFFFFFE00] =	vst v2;
	v2 =	vld [tilespmem:s13+$0xFFFFFE10];
	_ =	sdelay $0x4  }
0xae: {  	v2 =	vmul.f32 v3, v2;
	_ =	sdelay $0x1  }
0xaf: {  	[tilespmem:s13+$0xFFFFFE10] =	vst v2;
	v2 =	vld [tilespmem:s13+$0xFFFFFE20];
	_ =	sdelay $0x4  }
0xb0: {  	v2 =	vmul.f32 v2, v3;
	_ =	sdelay $0x1  }
0xb1: {  	[tilespmem:s13+$0xFFFFFE20] =	vst v2;
	v2 =	vld [tilespmem:s13+$0xFFFFFE30];
	_ =	sdelay $0x4  }
0xb2: {  	v2 =	vmul.f32 v2, v3;
	_ =	sdelay $0x1  }
0xb3: {  	[tilespmem:s13+$0xFFFFFE30] =	vst v2;
	v2 =	vld [tilespmem:s13+$0xFFFFFE40];
	_ =	sdelay $0x2  }
0xb4: {  	v3 =	vbroadcast v1, $0x1;
	_ =	sdelay $0x1  }
0xb5: {  	v2 =	vmul.f32 v2, v3;
	_ =	sdelay $0x1  }
0xb6: {  	[tilespmem:s13+$0xFFFFFE40] =	vst v2;
	v2 =	vld [tilespmem:s13+$0xFFFFFE50];
	_ =	sdelay $0x4  }
0xb7: {  	v2 =	vmul.f32 v2, v3;
	_ =	sdelay $0x1  }
0xb8: {  	[tilespmem:s13+$0xFFFFFE50] =	vst v2;
	v2 =	vld [tilespmem:s13+$0xFFFFFE60];
	_ =	sdelay $0x4  }
0xb9: {  	v2 =	vmul.f32 v2, v3;
	_ =	sdelay $0x1  }
0xba: {  	[tilespmem:s13+$0xFFFFFE60] =	vst v2;
	v2 =	vld [tilespmem:s13+$0xFFFFFE70];
	_ =	sdelay $0x4  }
0xbb: {  	v2 =	vmul.f32 v2, v3;
	_ =	sdelay $0x1  }
0xbc: {  	[tilespmem:s13+$0xFFFFFE70] =	vst v2;
	v2 =	vld [tilespmem:s13+$0xFFFFFE80];
	_ =	sdelay $0x2  }
0xbd: {  	v3 =	vbroadcast v1, $0x2;
	_ =	sdelay $0x1  }
0xbe: {  	v2 =	vmul.f32 v2, v3;
	_ =	sdelay $0x1  }
0xbf: {  	[tilespmem:s13+$0xFFFFFE80] =	vst v2;
	v2 =	vld [tilespmem:s13+$0xFFFFFE90];
	_ =	sdelay $0x4  }
0xc0: {  	v2 =	vmul.f32 v2, v3;
	_ =	sdelay $0x1  }
0xc1: {  	[tilespmem:s13+$0xFFFFFE90] =	vst v2;
	v2 =	vld [tilespmem:s13+$0xFFFFFEA0];
	_ =	sdelay $0x4  }
0xc2: {  	v2 =	vmul.f32 v2, v3;
	_ =	sdelay $0x1  }
0xc3: {  	[tilespmem:s13+$0xFFFFFEA0] =	vst v2;
	v2 =	vld [tilespmem:s13+$0xFFFFFEB0];
	_ =	sdelay $0x4  }
0xc4: {  	v2 =	vmul.f32 v2, v3;
	_ =	sdelay $0x1  }
0xc5: {  	[tilespmem:s13+$0xFFFFFEB0] =	vst v2;
	v2 =	vld [tilespmem:s13+$0xFFFFFEC0];
	_ =	sdelay $0x2  }
0xc6: {  	v3 =	vbroadcast v1, $0x3;
	_ =	sdelay $0x1  }
0xc7: {  	v2 =	vmul.f32 v2, v3;
	_ =	sdelay $0x1  }
0xc8: {  	[tilespmem:s13+$0xFFFFFEC0] =	vst v2;
	v2 =	vld [tilespmem:s13+$0xFFFFFED0];
	_ =	sdelay $0x4  }
0xc9: {  	v2 =	vmul.f32 v2, v3;
	_ =	sdelay $0x1  }
0xca: {  	[tilespmem:s13+$0xFFFFFED0] =	vst v2;
	v2 =	vld [tilespmem:s13+$0xFFFFFEE0];
	_ =	sdelay $0x4  }
0xcb: {  	v2 =	vmul.f32 v2, v3;
	_ =	sdelay $0x1  }
0xcc: {  	[tilespmem:s13+$0xFFFFFEE0] =	vst v2;
	v2 =	vld [tilespmem:s13+$0xFFFFFEF0];
	_ =	sdelay $0x4  }
0xcd: {  	v2 =	vmul.f32 v2, v3;
	_ =	sdelay $0x1  }
0xce: {  	[tilespmem:s13+$0xFFFFFEF0] =	vst v2;
	v2 =	vld [tilespmem:s13+$0xFFFFFF00];
	_ =	sdelay $0x2  }
0xcf: {  	v3 =	vbroadcast v1, $0x4;
	_ =	sdelay $0x1  }
0xd0: {  	v2 =	vmul.f32 v2, v3;
	_ =	sdelay $0x1  }
0xd1: {  	[tilespmem:s13+$0xFFFFFF00] =	vst v2;
	v2 =	vld [tilespmem:s13+$0xFFFFFF10];
	_ =	sdelay $0x4  }
0xd2: {  	v2 =	vmul.f32 v2, v3;
	_ =	sdelay $0x1  }
0xd3: {  	[tilespmem:s13+$0xFFFFFF10] =	vst v2;
	v2 =	vld [tilespmem:s13+$0xFFFFFF20];
	_ =	sdelay $0x4  }
0xd4: {  	v2 =	vmul.f32 v2, v3;
	_ =	sdelay $0x1  }
0xd5: {  	[tilespmem:s13+$0xFFFFFF20] =	vst v2;
	v2 =	vld [tilespmem:s13+$0xFFFFFF30];
	_ =	sdelay $0x4  }
0xd6: {  	v2 =	vmul.f32 v2, v3;
	_ =	sdelay $0x1  }
0xd7: {  	[tilespmem:s13+$0xFFFFFF30] =	vst v2;
	v2 =	vld [tilespmem:s13+$0xFFFFFF40];
	_ =	sdelay $0x2  }
0xd8: {  	v3 =	vbroadcast v1, $0x5;
	_ =	sdelay $0x1  }
0xd9: {  	v2 =	vmul.f32 v2, v3;
	_ =	sdelay $0x1  }
0xda: {  	[tilespmem:s13+$0xFFFFFF40] =	vst v2;
	v2 =	vld [tilespmem:s13+$0xFFFFFF50];
	_ =	sdelay $0x4  }
0xdb: {  	v2 =	vmul.f32 v2, v3;
	_ =	sdelay $0x1  }
0xdc: {  	[tilespmem:s13+$0xFFFFFF50] =	vst v2;
	v2 =	vld [tilespmem:s13+$0xFFFFFF60];
	_ =	sdelay $0x4  }
0xdd: {  	v2 =	vmul.f32 v2, v3;
	_ =	sdelay $0x1  }
0xde: {  	[tilespmem:s13+$0xFFFFFF60] =	vst v2;
	v2 =	vld [tilespmem:s13+$0xFFFFFF70];
	_ =	sdelay $0x4  }
0xdf: {  	v2 =	vmul.f32 v2, v3;
	_ =	sdelay $0x1  }
0xe0: {  	[tilespmem:s13+$0xFFFFFF70] =	vst v2;
	v2 =	vld [tilespmem:s13+$0xFFFFFF80];
	_ =	sdelay $0x2  }
0xe1: {  	v3 =	vbroadcast v1, $0x6;
	_ =	sdelay $0x1  }
0xe2: {  	v2 =	vmul.f32 v2, v3;
	_ =	sdelay $0x1  }
0xe3: {  	[tilespmem:s13+$0xFFFFFF80] =	vst v2;
	v2 =	vld [tilespmem:s13+$0xFFFFFF90];
	_ =	sdelay $0x4  }
0xe4: {  	v2 =	vmul.f32 v2, v3;
	_ =	sdelay $0x1  }
0xe5: {  	[tilespmem:s13+$0xFFFFFF90] =	vst v2;
	v2 =	vld [tilespmem:s13+$0xFFFFFFA0];
	_ =	sdelay $0x4  }
0xe6: {  	v2 =	vmul.f32 v2, v3;
	_ =	sdelay $0x1  }
0xe7: {  	[tilespmem:s13+$0xFFFFFFA0] =	vst v2;
	v2 =	vld [tilespmem:s13+$0xFFFFFFB0];
	_ =	sdelay $0x4  }
0xe8: {  	v2 =	vmul.f32 v2, v3;
	_ =	sdelay $0x1  }
0xe9: {  	[tilespmem:s13+$0xFFFFFFB0] =	vst v2;
	v2 =	vld [tilespmem:s13+$0xFFFFFFC0];
	_ =	sdelay $0x2  }
0xea: {  	v3 =	vbroadcast v1, $0x7;
	_ =	sdelay $0x1  }
0xeb: {  	v2 =	vmul.f32 v2, v3;
	_ =	sdelay $0x1  }
0xec: {  	[tilespmem:s13+$0xFFFFFFC0] =	vst v2;
	v2 =	vld [tilespmem:s13+$0xFFFFFFD0];
	_ =	sdelay $0x4  }
0xed: {  	v2 =	vmul.f32 v2, v3;
	_ =	sdelay $0x1  }
0xee: {  	[tilespmem:s13+$0xFFFFFFD0] =	vst v2;
	v2 =	vld [tilespmem:s13+$0xFFFFFFE0];
	_ =	sdelay $0x4  }
0xef: {  	v2 =	vmul.f32 v2, v3;
	_ =	sdelay $0x1  }
0xf0: {  	[tilespmem:s13+$0xFFFFFFE0] =	vst v2;
	v2 =	vld [tilespmem:s13+$0xFFFFFFF0];
	_ =	sdelay $0x4  }
0xf1: {  	v2 =	vmul.f32 v2, v3;
	_ =	sdelay $0x1  }
0xf2: {  	[tilespmem:s13+$0xFFFFFFF0] =	vst v2;
	v2 =	vld [tilespmem:s13+$0x0];
	_ =	sdelay $0x2  }
0xf3: {  	v3 =	vbroadcast v1, $0x8;
	_ =	sdelay $0x1  }
0xf4: {  	v2 =	vmul.f32 v2, v3;
	_ =	sdelay $0x1  }
0xf5: {  	[tilespmem:s13+$0x0] =	vst v2;
	v2 =	vld [tilespmem:s13+$0x10];
	_ =	sdelay $0x4  }
0xf6: {  	v2 =	vmul.f32 v2, v3;
	_ =	sdelay $0x1  }
0xf7: {  	[tilespmem:s13+$0x10] =	vst v2;
	v2 =	vld [tilespmem:s13+$0x20];
	_ =	sdelay $0x4  }
0xf8: {  	v2 =	vmul.f32 v2, v3;
	_ =	sdelay $0x1  }
0xf9: {  	[tilespmem:s13+$0x20] =	vst v2;
	v2 =	vld [tilespmem:s13+$0x30];
	_ =	sdelay $0x4  }
0xfa: {  	v2 =	vmul.f32 v2, v3;
	_ =	sdelay $0x1  }
0xfb: {  	[tilespmem:s13+$0x30] =	vst v2;
	v2 =	vld [tilespmem:s13+$0x40];
	_ =	sdelay $0x2  }
0xfc: {  	v3 =	vbroadcast v1, $0x9;
	_ =	sdelay $0x1  }
0xfd: {  	v2 =	vmul.f32 v2, v3;
	_ =	sdelay $0x1  }
0xfe: {  	[tilespmem:s13+$0x40] =	vst v2;
	v2 =	vld [tilespmem:s13+$0x50];
	_ =	sdelay $0x4  }
0xff: {  	v2 =	vmul.f32 v2, v3;
	_ =	sdelay $0x1  }
0x100: {  	[tilespmem:s13+$0x50] =	vst v2;
	v2 =	vld [tilespmem:s13+$0x60];
	_ =	sdelay $0x4  }
0x101: {  	v2 =	vmul.f32 v2, v3;
	_ =	sdelay $0x1  }
0x102: {  	[tilespmem:s13+$0x60] =	vst v2;
	v2 =	vld [tilespmem:s13+$0x70];
	_ =	sdelay $0x4  }
0x103: {  	v2 =	vmul.f32 v2, v3;
	_ =	sdelay $0x1  }
0x104: {  	[tilespmem:s13+$0x70] =	vst v2;
	v2 =	vld [tilespmem:s13+$0x80];
	_ =	sdelay $0x2  }
0x105: {  	v3 =	vbroadcast v1, $0xA;
	_ =	sdelay $0x1  }
0x106: {  	v2 =	vmul.f32 v2, v3;
	_ =	sdelay $0x1  }
0x107: {  	[tilespmem:s13+$0x80] =	vst v2;
	v2 =	vld [tilespmem:s13+$0x90];
	_ =	sdelay $0x4  }
0x108: {  	v2 =	vmul.f32 v2, v3;
	_ =	sdelay $0x1  }
0x109: {  	[tilespmem:s13+$0x90] =	vst v2;
	v2 =	vld [tilespmem:s13+$0xA0];
	_ =	sdelay $0x4  }
0x10a: {  	v2 =	vmul.f32 v2, v3;
	_ =	sdelay $0x1  }
0x10b: {  	[tilespmem:s13+$0xA0] =	vst v2;
	v2 =	vld [tilespmem:s13+$0xB0];
	_ =	sdelay $0x4  }
0x10c: {  	v2 =	vmul.f32 v2, v3;
	_ =	sdelay $0x1  }
0x10d: {  	[tilespmem:s13+$0xB0] =	vst v2;
	v2 =	vld [tilespmem:s13+$0xC0];
	_ =	sdelay $0x2  }
0x10e: {  	v3 =	vbroadcast v1, $0xB;
	_ =	sdelay $0x1  }
0x10f: {  	v2 =	vmul.f32 v2, v3;
	_ =	sdelay $0x1  }
0x110: {  	[tilespmem:s13+$0xC0] =	vst v2;
	v2 =	vld [tilespmem:s13+$0xD0];
	_ =	sdelay $0x4  }
0x111: {  	v2 =	vmul.f32 v2, v3;
	_ =	sdelay $0x1  }
0x112: {  	[tilespmem:s13+$0xD0] =	vst v2;
	v2 =	vld [tilespmem:s13+$0xE0];
	_ =	sdelay $0x4  }
0x113: {  	v2 =	vmul.f32 v2, v3;
	_ =	sdelay $0x1  }
0x114: {  	[tilespmem:s13+$0xE0] =	vst v2;
	v2 =	vld [tilespmem:s13+$0xF0];
	_ =	sdelay $0x4  }
0x115: {  	v2 =	vmul.f32 v2, v3;
	_ =	sdelay $0x1  }
0x116: {  	[tilespmem:s13+$0xF0] =	vst v2;
	v2 =	vld [tilespmem:s13+$0x100];
	_ =	sdelay $0x2  }
0x117: {  	v3 =	vbroadcast v1, $0xC;
	_ =	sdelay $0x1  }
0x118: {  	v2 =	vmul.f32 v2, v3;
	_ =	sdelay $0x1  }
0x119: {  	[tilespmem:s13+$0x100] =	vst v2;
	v2 =	vld [tilespmem:s13+$0x110];
	_ =	sdelay $0x4  }
0x11a: {  	v2 =	vmul.f32 v2, v3;
	_ =	sdelay $0x1  }
0x11b: {  	[tilespmem:s13+$0x110] =	vst v2;
	v2 =	vld [tilespmem:s13+$0x120];
	_ =	sdelay $0x4  }
0x11c: {  	v2 =	vmul.f32 v2, v3;
	_ =	sdelay $0x1  }
0x11d: {  	[tilespmem:s13+$0x120] =	vst v2;
	v2 =	vld [tilespmem:s13+$0x130];
	_ =	sdelay $0x4  }
0x11e: {  	v2 =	vmul.f32 v2, v3;
	_ =	sdelay $0x1  }
0x11f: {  	[tilespmem:s13+$0x130] =	vst v2;
	v2 =	vld [tilespmem:s13+$0x140];
	_ =	sdelay $0x2  }
0x120: {  	v3 =	vbroadcast v1, $0xD;
	_ =	sdelay $0x1  }
0x121: {  	v2 =	vmul.f32 v2, v3;
	_ =	sdelay $0x1  }
0x122: {  	[tilespmem:s13+$0x140] =	vst v2;
	v2 =	vld [tilespmem:s13+$0x150];
	_ =	sdelay $0x4  }
0x123: {  	v2 =	vmul.f32 v2, v3;
	_ =	sdelay $0x1  }
0x124: {  	[tilespmem:s13+$0x150] =	vst v2;
	v2 =	vld [tilespmem:s13+$0x160];
	_ =	sdelay $0x4  }
0x125: {  	v2 =	vmul.f32 v2, v3;
	_ =	sdelay $0x1  }
0x126: {  	[tilespmem:s13+$0x160] =	vst v2;
	v2 =	vld [tilespmem:s13+$0x170];
	_ =	sdelay $0x4  }
0x127: {  	v2 =	vmul.f32 v2, v3;
	_ =	sdelay $0x1  }
0x128: {  	[tilespmem:s13+$0x170] =	vst v2;
	v2 =	vld [tilespmem:s13+$0x180];
	_ =	sdelay $0x2  }
0x129: {  	v3 =	vbroadcast v1, $0xE;
	_ =	sdelay $0x1  }
0x12a: {  	v2 =	vmul.f32 v2, v3;
	_ =	sdelay $0x1  }
0x12b: {  	[tilespmem:s13+$0x180] =	vst v2;
	v2 =	vld [tilespmem:s13+$0x190];
	_ =	sdelay $0x4  }
0x12c: {  	v2 =	vmul.f32 v2, v3;
	_ =	sdelay $0x1  }
0x12d: {  	[tilespmem:s13+$0x190] =	vst v2;
	v2 =	vld [tilespmem:s13+$0x1A0];
	_ =	sdelay $0x4  }
0x12e: {  	v2 =	vmul.f32 v2, v3;
	_ =	sdelay $0x1  }
0x12f: {  	[tilespmem:s13+$0x1A0] =	vst v2;
	v2 =	vld [tilespmem:s13+$0x1B0];
	_ =	sdelay $0x4  }
0x130: {  	v2 =	vmul.f32 v2, v3;
	_ =	sdelay $0x1  }
0x131: {  	[tilespmem:s13+$0x1B0] =	vst v2;
	v2 =	vld [tilespmem:s13+$0x1C0];
	_ =	sdelay $0x2  }
0x132: {  	v1 =	vbroadcast v1, $0xF;
	_ =	sdelay $0x1  }
0x133: {  	v2 =	vmul.f32 v2, v1;
	_ =	sdelay $0x1  }
0x134: {  	[tilespmem:s13+$0x1C0] =	vst v2;
	v2 =	vld [tilespmem:s13+$0x1D0];
	_ =	sdelay $0x4  }
0x135: {  	v2 =	vmul.f32 v2, v1;
	_ =	sdelay $0x1  }
0x136: {  	[tilespmem:s13+$0x1D0] =	vst v2;
	v2 =	vld [tilespmem:s13+$0x1E0];
	_ =	sdelay $0x4  }
0x137: {  	v2 =	vmul.f32 v2, v1;
	_ =	sdelay $0x1  }
0x138: {  	[tilespmem:s13+$0x1E0] =	vst v2;
	v2 =	vld [tilespmem:s13+$0x1F0];
	_ =	sdelay $0x1  }
0x139: {  	p0 =	sne.s32 s14, $0x7C0  }
.Ltmp3:
0x13a: {  	_ = 	snop;
	(pc) =	sbr.rel @p0 .LBB2_4-.Ltmp3, $3  }
0x13b: {  	_ = 	snop  }
0x13c: {  	v1 =	vmul.f32 v2, v1;
	_ =	sdelay $0x1  }
0x13d: {  	s12 =	sadd.s32 $0x10, s12;
	s14 =	sadd.s32 $0x40, s14;
	[tilespmem:s13+$0x1F0] =	vst v1;
	s13 =	sadd.s32 $0x400, s13  }
.LBB2_5:
0x13e: {  	s11 =	sadd.s32 s5, s11  }
0x13f: {  	s12 =	sand.u32 $0xC00, s11  }
0x140: {  	s11 =	sshrl.u32 s11, $0x6;
	s12 =	smul.u32 $0x3200, s12  }
0x141: {  	s11 =	sand.u32 $0x1FFFFC0, s11  }
0x142: {  	s11 =	sadd.s32 s11, s12  }
0x143: {  	s11 =	sshrl.u32 s11, $0x3  }
0x144: {  	p0 =	seq.s32 s1, $0x18;
	s11 =	sadd.s32 s2, s11  }
0x145: {  	[hbm4b:s11+s25] =	stream.strided.scatter [tilespmem:s10], [sflag:$0x3], $0x8000, s26, s25, $0x38;
	[tilespmem:$0x16400] =	vst v63  }
0x146: {  	s11 =	simm.s32 @!p0 $0x3  }
0x147: {  	_ =	swait.ge @!p0 [sflag:s11], $0x8000  }
0x148: {  	s12 =	sshll.u32 @!p0 s1, $0xA;
	[sflag:s11] =	ssyncset.done @!p0 $0x0  }
0x149: {  	[sflag:s11] =	ssyncadd.s32 @!p0 $0xFFFF8000;
	s11 =	sand.u32 @!p0 $0x3FFFFC00, s12  }
0x14a: {  	s13 =	simm.s32 @!p0 $0x80;
	s14 =	simm.s32 @!p0 $0x6400;
	s12 =	sadd.s32 @!p0 $0x400, s11  }
0x14b: {  	[tilespmem:s14], [sflag:$0x1] =	stream.indirect.gather @!p0 [hbm4b:s4+s13], $0x40, s12, s13, $0xb8;
	[tilespmem:$0x16400] =	vst v63  }
0x14c: {  	s12 =	sadd.s32 @!p0 $0x480, s11;
	s14 =	simm.s32 @!p0 $0x8400  }
0x14d: {  	[tilespmem:s14], [sflag:$0x1] =	stream.indirect.gather @!p0 [hbm4b:s4+s13], $0x40, s12, s13, $0xb8;
	[tilespmem:$0x16400] =	vst v63  }
0x14e: {  	s12 =	sadd.s32 @!p0 $0x500, s11;
	s14 =	simm.s32 @!p0 $0xA400  }
0x14f: {  	[tilespmem:s14], [sflag:$0x1] =	stream.indirect.gather @!p0 [hbm4b:s4+s13], $0x40, s12, s13, $0xb8;
	[tilespmem:$0x16400] =	vst v63  }
0x150: {  	s11 =	sadd.s32 @!p0 $0x580, s11;
	s12 =	simm.s32 @!p0 $0xC400  }
0x151: {  	[tilespmem:s12], [sflag:$0x1] =	stream.indirect.gather @!p0 [hbm4b:s4+s13], $0x40, s11, s13, $0xb8;
	[tilespmem:$0x16400] =	vst v63  }
0x152: {  	_ =	swait.ge [sflag:s28], $0x2000  }
0x153: {  	[sflag:s28] =	ssyncset.done $0x0  }
0x154: {  	[sflag:s28] =	ssyncadd.s32 $0xFFFFE000  }
0x155: {  	_ =	swait.ge [sflag:s28], $0x2000  }
0x156: {  	[sflag:s28] =	ssyncset.done $0x0  }
0x157: {  	[sflag:s28] =	ssyncadd.s32 $0xFFFFE000  }
0x158: {  	_ =	swait.ge [sflag:s28], $0x2000  }
0x159: {  	[sflag:s28] =	ssyncset.done $0x0  }
0x15a: {  	[sflag:s28] =	ssyncadd.s32 $0xFFFFE000  }
0x15b: {  	s18 =	sshll.u32 s1, $0x1;
	_ =	swait.ge [sflag:s28], $0x2000  }
0x15c: {  	s11 =	sor.u32 $0x1, s18;
	[sflag:s28] =	ssyncset.done $0x0  }
0x15d: {  	s11 =	sshll.u32 s11, $0x9;
	[sflag:s28] =	ssyncadd.s32 $0xFFFFE000  }
0x15e: {  	v1 =	vld [tilespmem:s11+$0x0]  }
0x15f: {  	v2 =	vld [tilespmem:s11+$0x10];
	_ =	sdelay $0x1  }
0x160: {  	v3 =	vld [tilespmem:s11+$0x20];
	_ =	sdelay $0x1  }
0x161: {  	v4 =	vld [tilespmem:s11+$0x30]  }
0x162: {  	vm0 =	vlt.s32 v1, v2  }
0x163: {  	v5 =	vld [tilespmem:s11+$0x40];
	v1 =	vsel vm0, v1, v2  }
0x164: {  	vm0 =	vlt.s32 v1, v3  }
0x165: {  	v2 =	vld [tilespmem:s11+$0x50];
	v1 =	vsel vm0, v1, v3  }
0x166: {  	vm0 =	vlt.s32 v1, v4  }
0x167: {  	v3 =	vld [tilespmem:s11+$0x60];
	v1 =	vsel vm0, v1, v4  }
0x168: {  	vm0 =	vlt.s32 v1, v5  }
0x169: {  	v51 =	vld [tilespmem:s11+$0x70];
	v1 =	vsel vm0, v1, v5  }
0x16a: {  	vm0 =	vlt.s32 v1, v2  }
0x16b: {  	v52 =	vld [tilespmem:s11+$0x80];
	v1 =	vsel vm0, v1, v2  }
0x16c: {  	vm0 =	vlt.s32 v1, v3  }
0x16d: {  	v2 =	vld [tilespmem:s11+$0x90];
	v1 =	vsel vm0, v1, v3  }
0x16e: {  	vm0 =	vlt.s32 v1, v51  }
0x16f: {  	v3 =	vld [tilespmem:s11+$0xA0];
	v1 =	vsel vm0, v1, v51  }
0x170: {  	vm0 =	vlt.s32 v1, v52  }
0x171: {  	v53 =	vld [tilespmem:s11+$0xB0];
	v1 =	vsel vm0, v1, v52  }
0x172: {  	vm0 =	vlt.s32 v1, v2  }
0x173: {  	v54 =	vld [tilespmem:s11+$0xC0];
	v1 =	vsel vm0, v1, v2  }
0x174: {  	vm0 =	vlt.s32 v1, v3  }
0x175: {  	v2 =	vld [tilespmem:s11+$0xD0];
	v1 =	vsel vm0, v1, v3  }
0x176: {  	vm0 =	vlt.s32 v1, v53  }
0x177: {  	v3 =	vld [tilespmem:s11+$0xE0];
	v1 =	vsel vm0, v1, v53  }
0x178: {  	vm0 =	vlt.s32 v1, v54  }
0x179: {  	v55 =	vld [tilespmem:s11+$0xF0];
	v1 =	vsel vm0, v1, v54  }
0x17a: {  	vm0 =	vlt.s32 v1, v2  }
0x17b: {  	v56 =	vld [tilespmem:s11+$0x100];
	v1 =	vsel vm0, v1, v2  }
0x17c: {  	vm0 =	vlt.s32 v1, v3  }
0x17d: {  	v2 =	vld [tilespmem:s11+$0x110];
	v1 =	vsel vm0, v1, v3  }
0x17e: {  	vm0 =	vlt.s32 v1, v55  }
0x17f: {  	v3 =	vld [tilespmem:s11+$0x120];
	v1 =	vsel vm0, v1, v55  }
0x180: {  	vm0 =	vlt.s32 v1, v56  }
0x181: {  	v57 =	vld [tilespmem:s11+$0x130];
	v1 =	vsel vm0, v1, v56  }
0x182: {  	vm0 =	vlt.s32 v1, v2  }
0x183: {  	v58 =	vld [tilespmem:s11+$0x140];
	v1 =	vsel vm0, v1, v2  }
0x184: {  	vm0 =	vlt.s32 v1, v3  }
0x185: {  	v2 =	vld [tilespmem:s11+$0x150];
	v1 =	vsel vm0, v1, v3  }
0x186: {  	vm0 =	vlt.s32 v1, v57  }
0x187: {  	v3 =	vld [tilespmem:s11+$0x160];
	v1 =	vsel vm0, v1, v57  }
0x188: {  	vm0 =	vlt.s32 v1, v58  }
0x189: {  	v59 =	vld [tilespmem:s11+$0x170];
	v1 =	vsel vm0, v1, v58  }
0x18a: {  	vm0 =	vlt.s32 v1, v2  }
0x18b: {  	v60 =	vld [tilespmem:s11+$0x180];
	v1 =	vsel vm0, v1, v2  }
0x18c: {  	vm0 =	vlt.s32 v1, v3  }
0x18d: {  	v2 =	vld [tilespmem:s11+$0x190];
	v1 =	vsel vm0, v1, v3  }
0x18e: {  	vm0 =	vlt.s32 v1, v59  }
0x18f: {  	v3 =	vld [tilespmem:s11+$0x1A0];
	v1 =	vsel vm0, v1, v59  }
0x190: {  	vm0 =	vlt.s32 v1, v60  }
0x191: {  	v61 =	vld [tilespmem:s11+$0x1B0];
	v1 =	vsel vm0, v1, v60  }
0x192: {  	vm0 =	vlt.s32 v1, v2  }
0x193: {  	v62 =	vld [tilespmem:s11+$0x1C0];
	v1 =	vsel vm0, v1, v2  }
0x194: {  	vm0 =	vlt.s32 v1, v3  }
0x195: {  	v2 =	vld [tilespmem:s11+$0x1D0];
	v1 =	vsel vm0, v1, v3  }
0x196: {  	vm0 =	vlt.s32 v1, v61  }
0x197: {  	v3 =	vld [tilespmem:s11+$0x1E0];
	v1 =	vsel vm0, v1, v61  }
0x198: {  	vm0 =	vlt.s32 v1, v62  }
0x199: {  	v63 =	vld [tilespmem:s11+$0x1F0];
	v1 =	vsel vm0, v1, v62  }
0x19a: {  	vm0 =	vlt.s32 v1, v2  }
0x19b: {  	v1 =	vsel vm0, v1, v2  }
0x19c: {  	vm0 =	vlt.s32 v1, v3  }
0x19d: {  	v1 =	vsel vm0, v1, v3  }
0x19e: {  	vm0 =	vlt.s32 v1, v63  }
0x19f: {  	v1 =	vsel vm0, v1, v63  }
0x1a0: {  	(v2sf) =	vpush v1, $0x0  }
0x1a1: {  	(v2sf) =	vpush v1, $0x1;
	_ =	sdelay $0x1  }
0x1a2: {  	(v2sf) =	vpush v1, $0x2;
	_ =	sdelay $0x1  }
0x1a3: {  	(v2sf) =	vpush v1, $0x3;
	_ =	sdelay $0x1  }
0x1a4: {  	(v2sf) =	vpush v1, $0x4;
	_ =	sdelay $0x1  }
0x1a5: {  	(v2sf) =	vpush v1, $0x5;
	_ =	sdelay $0x1  }
0x1a6: {  	(v2sf) =	vpush v1, $0x6;
	_ =	sdelay $0x1  }
0x1a7: {  	(v2sf) =	vpush v1, $0x7;
	_ =	sdelay $0x1  }
0x1a8: {  	s12 =	spop (v2sf);
	(v2sf) =	vpush v1, $0x8  }
0x1a9: {  	s13 =	spop (v2sf)  }
0x1aa: {  	(v2sf) =	vpush v1, $0x9;
	p1 =	slt.s32 s12, s13  }
0x1ab: {  	s14 =	spop (v2sf);
	s13 =	smov.u32 @p1 s12  }
0x1ac: {  	(v2sf) =	vpush v1, $0xA;
	p1 =	slt.s32 s13, s14  }
0x1ad: {  	s12 =	spop (v2sf);
	s14 =	smov.u32 @p1 s13  }
0x1ae: {  	(v2sf) =	vpush v1, $0xB;
	p1 =	slt.s32 s14, s12  }
0x1af: {  	s13 =	spop (v2sf);
	s12 =	smov.u32 @p1 s14  }
0x1b0: {  	(v2sf) =	vpush v1, $0xC;
	p1 =	slt.s32 s12, s13  }
0x1b1: {  	s14 =	spop (v2sf);
	s13 =	smov.u32 @p1 s12  }
0x1b2: {  	(v2sf) =	vpush v1, $0xD;
	p1 =	slt.s32 s13, s14  }
0x1b3: {  	s12 =	spop (v2sf);
	s14 =	smov.u32 @p1 s13  }
0x1b4: {  	(v2sf) =	vpush v1, $0xE;
	p1 =	slt.s32 s14, s12  }
0x1b5: {  	s13 =	spop (v2sf);
	s12 =	smov.u32 @p1 s14  }
0x1b6: {  	(v2sf) =	vpush v1, $0xF;
	p1 =	slt.s32 s12, s13  }
0x1b7: {  	s14 =	spop (v2sf);
	s13 =	smov.u32 @p1 s12  }
0x1b8: {  	p1 =	slt.s32 s13, s14  }
0x1b9: {  	s12 =	spop (v2sf);
	s14 =	smov.u32 @p1 s13  }
0x1ba: {  	p1 =	slt.s32 s14, s12  }
0x1bb: {  	s13 =	spop (v2sf);
	s12 =	smov.u32 @p1 s14  }
0x1bc: {  	p1 =	slt.s32 s12, s13  }
0x1bd: {  	s14 =	spop (v2sf);
	s13 =	smov.u32 @p1 s12  }
0x1be: {  	p1 =	slt.s32 s13, s14  }
0x1bf: {  	s12 =	spop (v2sf);
	s14 =	smov.u32 @p1 s13  }
0x1c0: {  	p1 =	slt.s32 s14, s12  }
0x1c1: {  	s13 =	spop (v2sf);
	s12 =	smov.u32 @p1 s14  }
0x1c2: {  	p1 =	slt.s32 s12, s13  }
0x1c3: {  	s14 =	spop (v2sf);
	s13 =	smov.u32 @p1 s12  }
0x1c4: {  	p1 =	slt.s32 s13, s14  }
0x1c5: {  	s12 =	spop (v2sf);
	s14 =	smov.u32 @p1 s13  }
0x1c6: {  	p1 =	slt.s32 s14, s12  }
0x1c7: {  	s12 =	smov.u32 @p1 s14  }
0x1c8: {  	p1 =	sne.s32 s12, $0x0  }
.Ltmp4:
0x1c9: {  	_ = 	snop;
	(pc) =	sbr.rel @p1 .LBB2_8-.Ltmp4, $1  }
0x1ca: {  	_ =	sdelay $0x3  }
0x1cb: {  	s12 =	sand.u32 $0x3FFFFE00, s11  }
0x1cc: {  	s13 =	simm.s32 $0x0;
	s14 =	simm.s32 $0xE600;
	s15 =	simm.s32 $0x0  }
.LBB2_7:
0x1cd: {  	s16 =	sand.u32 $0x600, s15  }
0x1ce: {  	s16 =	sshrl.u32 s16, $0x2  }
0x1cf: {  	s18 =	sand.u32 $0x70, s13;
	s16 =	sadd.s32 s16, s12  }
0x1d0: {  	s16 =	sadd.s32 s18, s16  }
0x1d1: {  	v1 =	vld [tilespmem:s16+$0x0];
	_ =	sdelay $0x3  }
0x1d2: {  	v2 =	vld [tilespmem:s14+$0xFFFFFE00]  }
0x1d3: {  	vm0 =	veq.s32 v1, $0x0  }
0x1d4: {  	v1 =	vsel vm0, $0x0, v0  }
0x1d5: {  	v3 =	vbroadcast v1, $0x0;
	_ =	sdelay $0x1  }
0x1d6: {  	v2 =	vmul.f32 v3, v2;
	_ =	sdelay $0x1  }
0x1d7: {  	[tilespmem:s14+$0xFFFFFE00] =	vst v2;
	v2 =	vld [tilespmem:s14+$0xFFFFFE10];
	_ =	sdelay $0x4  }
0x1d8: {  	v2 =	vmul.f32 v3, v2;
	_ =	sdelay $0x1  }
0x1d9: {  	[tilespmem:s14+$0xFFFFFE10] =	vst v2;
	v2 =	vld [tilespmem:s14+$0xFFFFFE20];
	_ =	sdelay $0x4  }
0x1da: {  	v2 =	vmul.f32 v2, v3;
	_ =	sdelay $0x1  }
0x1db: {  	[tilespmem:s14+$0xFFFFFE20] =	vst v2;
	v2 =	vld [tilespmem:s14+$0xFFFFFE30];
	_ =	sdelay $0x4  }
0x1dc: {  	v2 =	vmul.f32 v2, v3;
	_ =	sdelay $0x1  }
0x1dd: {  	[tilespmem:s14+$0xFFFFFE30] =	vst v2;
	v2 =	vld [tilespmem:s14+$0xFFFFFE40];
	_ =	sdelay $0x2  }
0x1de: {  	v3 =	vbroadcast v1, $0x1;
	_ =	sdelay $0x1  }
0x1df: {  	v2 =	vmul.f32 v2, v3;
	_ =	sdelay $0x1  }
0x1e0: {  	[tilespmem:s14+$0xFFFFFE40] =	vst v2;
	v2 =	vld [tilespmem:s14+$0xFFFFFE50];
	_ =	sdelay $0x4  }
0x1e1: {  	v2 =	vmul.f32 v2, v3;
	_ =	sdelay $0x1  }
0x1e2: {  	[tilespmem:s14+$0xFFFFFE50] =	vst v2;
	v2 =	vld [tilespmem:s14+$0xFFFFFE60];
	_ =	sdelay $0x4  }
0x1e3: {  	v2 =	vmul.f32 v2, v3;
	_ =	sdelay $0x1  }
0x1e4: {  	[tilespmem:s14+$0xFFFFFE60] =	vst v2;
	v2 =	vld [tilespmem:s14+$0xFFFFFE70];
	_ =	sdelay $0x4  }
0x1e5: {  	v2 =	vmul.f32 v2, v3;
	_ =	sdelay $0x1  }
0x1e6: {  	[tilespmem:s14+$0xFFFFFE70] =	vst v2;
	v2 =	vld [tilespmem:s14+$0xFFFFFE80];
	_ =	sdelay $0x2  }
0x1e7: {  	v3 =	vbroadcast v1, $0x2;
	_ =	sdelay $0x1  }
0x1e8: {  	v2 =	vmul.f32 v2, v3;
	_ =	sdelay $0x1  }
0x1e9: {  	[tilespmem:s14+$0xFFFFFE80] =	vst v2;
	v2 =	vld [tilespmem:s14+$0xFFFFFE90];
	_ =	sdelay $0x4  }
0x1ea: {  	v2 =	vmul.f32 v2, v3;
	_ =	sdelay $0x1  }
0x1eb: {  	[tilespmem:s14+$0xFFFFFE90] =	vst v2;
	v2 =	vld [tilespmem:s14+$0xFFFFFEA0];
	_ =	sdelay $0x4  }
0x1ec: {  	v2 =	vmul.f32 v2, v3;
	_ =	sdelay $0x1  }
0x1ed: {  	[tilespmem:s14+$0xFFFFFEA0] =	vst v2;
	v2 =	vld [tilespmem:s14+$0xFFFFFEB0];
	_ =	sdelay $0x4  }
0x1ee: {  	v2 =	vmul.f32 v2, v3;
	_ =	sdelay $0x1  }
0x1ef: {  	[tilespmem:s14+$0xFFFFFEB0] =	vst v2;
	v2 =	vld [tilespmem:s14+$0xFFFFFEC0];
	_ =	sdelay $0x2  }
0x1f0: {  	v3 =	vbroadcast v1, $0x3;
	_ =	sdelay $0x1  }
0x1f1: {  	v2 =	vmul.f32 v2, v3;
	_ =	sdelay $0x1  }
0x1f2: {  	[tilespmem:s14+$0xFFFFFEC0] =	vst v2;
	v2 =	vld [tilespmem:s14+$0xFFFFFED0];
	_ =	sdelay $0x4  }
0x1f3: {  	v2 =	vmul.f32 v2, v3;
	_ =	sdelay $0x1  }
0x1f4: {  	[tilespmem:s14+$0xFFFFFED0] =	vst v2;
	v2 =	vld [tilespmem:s14+$0xFFFFFEE0];
	_ =	sdelay $0x4  }
0x1f5: {  	v2 =	vmul.f32 v2, v3;
	_ =	sdelay $0x1  }
0x1f6: {  	[tilespmem:s14+$0xFFFFFEE0] =	vst v2;
	v2 =	vld [tilespmem:s14+$0xFFFFFEF0];
	_ =	sdelay $0x4  }
0x1f7: {  	v2 =	vmul.f32 v2, v3;
	_ =	sdelay $0x1  }
0x1f8: {  	[tilespmem:s14+$0xFFFFFEF0] =	vst v2;
	v2 =	vld [tilespmem:s14+$0xFFFFFF00];
	_ =	sdelay $0x2  }
0x1f9: {  	v3 =	vbroadcast v1, $0x4;
	_ =	sdelay $0x1  }
0x1fa: {  	v2 =	vmul.f32 v2, v3;
	_ =	sdelay $0x1  }
0x1fb: {  	[tilespmem:s14+$0xFFFFFF00] =	vst v2;
	v2 =	vld [tilespmem:s14+$0xFFFFFF10];
	_ =	sdelay $0x4  }
0x1fc: {  	v2 =	vmul.f32 v2, v3;
	_ =	sdelay $0x1  }
0x1fd: {  	[tilespmem:s14+$0xFFFFFF10] =	vst v2;
	v2 =	vld [tilespmem:s14+$0xFFFFFF20];
	_ =	sdelay $0x4  }
0x1fe: {  	v2 =	vmul.f32 v2, v3;
	_ =	sdelay $0x1  }
0x1ff: {  	[tilespmem:s14+$0xFFFFFF20] =	vst v2;
	v2 =	vld [tilespmem:s14+$0xFFFFFF30];
	_ =	sdelay $0x4  }
0x200: {  	v2 =	vmul.f32 v2, v3;
	_ =	sdelay $0x1  }
0x201: {  	[tilespmem:s14+$0xFFFFFF30] =	vst v2;
	v2 =	vld [tilespmem:s14+$0xFFFFFF40];
	_ =	sdelay $0x2  }
0x202: {  	v3 =	vbroadcast v1, $0x5;
	_ =	sdelay $0x1  }
0x203: {  	v2 =	vmul.f32 v2, v3;
	_ =	sdelay $0x1  }
0x204: {  	[tilespmem:s14+$0xFFFFFF40] =	vst v2;
	v2 =	vld [tilespmem:s14+$0xFFFFFF50];
	_ =	sdelay $0x4  }
0x205: {  	v2 =	vmul.f32 v2, v3;
	_ =	sdelay $0x1  }
0x206: {  	[tilespmem:s14+$0xFFFFFF50] =	vst v2;
	v2 =	vld [tilespmem:s14+$0xFFFFFF60];
	_ =	sdelay $0x4  }
0x207: {  	v2 =	vmul.f32 v2, v3;
	_ =	sdelay $0x1  }
0x208: {  	[tilespmem:s14+$0xFFFFFF60] =	vst v2;
	v2 =	vld [tilespmem:s14+$0xFFFFFF70];
	_ =	sdelay $0x4  }
0x209: {  	v2 =	vmul.f32 v2, v3;
	_ =	sdelay $0x1  }
0x20a: {  	[tilespmem:s14+$0xFFFFFF70] =	vst v2;
	v2 =	vld [tilespmem:s14+$0xFFFFFF80];
	_ =	sdelay $0x2  }
0x20b: {  	v3 =	vbroadcast v1, $0x6;
	_ =	sdelay $0x1  }
0x20c: {  	v2 =	vmul.f32 v2, v3;
	_ =	sdelay $0x1  }
0x20d: {  	[tilespmem:s14+$0xFFFFFF80] =	vst v2;
	v2 =	vld [tilespmem:s14+$0xFFFFFF90];
	_ =	sdelay $0x4  }
0x20e: {  	v2 =	vmul.f32 v2, v3;
	_ =	sdelay $0x1  }
0x20f: {  	[tilespmem:s14+$0xFFFFFF90] =	vst v2;
	v2 =	vld [tilespmem:s14+$0xFFFFFFA0];
	_ =	sdelay $0x4  }
0x210: {  	v2 =	vmul.f32 v2, v3;
	_ =	sdelay $0x1  }
0x211: {  	[tilespmem:s14+$0xFFFFFFA0] =	vst v2;
	v2 =	vld [tilespmem:s14+$0xFFFFFFB0];
	_ =	sdelay $0x4  }
0x212: {  	v2 =	vmul.f32 v2, v3;
	_ =	sdelay $0x1  }
0x213: {  	[tilespmem:s14+$0xFFFFFFB0] =	vst v2;
	v2 =	vld [tilespmem:s14+$0xFFFFFFC0];
	_ =	sdelay $0x2  }
0x214: {  	v3 =	vbroadcast v1, $0x7;
	_ =	sdelay $0x1  }
0x215: {  	v2 =	vmul.f32 v2, v3;
	_ =	sdelay $0x1  }
0x216: {  	[tilespmem:s14+$0xFFFFFFC0] =	vst v2;
	v2 =	vld [tilespmem:s14+$0xFFFFFFD0];
	_ =	sdelay $0x4  }
0x217: {  	v2 =	vmul.f32 v2, v3;
	_ =	sdelay $0x1  }
0x218: {  	[tilespmem:s14+$0xFFFFFFD0] =	vst v2;
	v2 =	vld [tilespmem:s14+$0xFFFFFFE0];
	_ =	sdelay $0x4  }
0x219: {  	v2 =	vmul.f32 v2, v3;
	_ =	sdelay $0x1  }
0x21a: {  	[tilespmem:s14+$0xFFFFFFE0] =	vst v2;
	v2 =	vld [tilespmem:s14+$0xFFFFFFF0];
	_ =	sdelay $0x4  }
0x21b: {  	v2 =	vmul.f32 v2, v3;
	_ =	sdelay $0x1  }
0x21c: {  	[tilespmem:s14+$0xFFFFFFF0] =	vst v2;
	v2 =	vld [tilespmem:s14+$0x0];
	_ =	sdelay $0x2  }
0x21d: {  	v3 =	vbroadcast v1, $0x8;
	_ =	sdelay $0x1  }
0x21e: {  	v2 =	vmul.f32 v2, v3;
	_ =	sdelay $0x1  }
0x21f: {  	[tilespmem:s14+$0x0] =	vst v2;
	v2 =	vld [tilespmem:s14+$0x10];
	_ =	sdelay $0x4  }
0x220: {  	v2 =	vmul.f32 v2, v3;
	_ =	sdelay $0x1  }
0x221: {  	[tilespmem:s14+$0x10] =	vst v2;
	v2 =	vld [tilespmem:s14+$0x20];
	_ =	sdelay $0x4  }
0x222: {  	v2 =	vmul.f32 v2, v3;
	_ =	sdelay $0x1  }
0x223: {  	[tilespmem:s14+$0x20] =	vst v2;
	v2 =	vld [tilespmem:s14+$0x30];
	_ =	sdelay $0x4  }
0x224: {  	v2 =	vmul.f32 v2, v3;
	_ =	sdelay $0x1  }
0x225: {  	[tilespmem:s14+$0x30] =	vst v2;
	v2 =	vld [tilespmem:s14+$0x40];
	_ =	sdelay $0x2  }
0x226: {  	v3 =	vbroadcast v1, $0x9;
	_ =	sdelay $0x1  }
0x227: {  	v2 =	vmul.f32 v2, v3;
	_ =	sdelay $0x1  }
0x228: {  	[tilespmem:s14+$0x40] =	vst v2;
	v2 =	vld [tilespmem:s14+$0x50];
	_ =	sdelay $0x4  }
0x229: {  	v2 =	vmul.f32 v2, v3;
	_ =	sdelay $0x1  }
0x22a: {  	[tilespmem:s14+$0x50] =	vst v2;
	v2 =	vld [tilespmem:s14+$0x60];
	_ =	sdelay $0x4  }
0x22b: {  	v2 =	vmul.f32 v2, v3;
	_ =	sdelay $0x1  }
0x22c: {  	[tilespmem:s14+$0x60] =	vst v2;
	v2 =	vld [tilespmem:s14+$0x70];
	_ =	sdelay $0x4  }
0x22d: {  	v2 =	vmul.f32 v2, v3;
	_ =	sdelay $0x1  }
0x22e: {  	[tilespmem:s14+$0x70] =	vst v2;
	v2 =	vld [tilespmem:s14+$0x80];
	_ =	sdelay $0x2  }
0x22f: {  	v3 =	vbroadcast v1, $0xA;
	_ =	sdelay $0x1  }
0x230: {  	v2 =	vmul.f32 v2, v3;
	_ =	sdelay $0x1  }
0x231: {  	[tilespmem:s14+$0x80] =	vst v2;
	v2 =	vld [tilespmem:s14+$0x90];
	_ =	sdelay $0x4  }
0x232: {  	v2 =	vmul.f32 v2, v3;
	_ =	sdelay $0x1  }
0x233: {  	[tilespmem:s14+$0x90] =	vst v2;
	v2 =	vld [tilespmem:s14+$0xA0];
	_ =	sdelay $0x4  }
0x234: {  	v2 =	vmul.f32 v2, v3;
	_ =	sdelay $0x1  }
0x235: {  	[tilespmem:s14+$0xA0] =	vst v2;
	v2 =	vld [tilespmem:s14+$0xB0];
	_ =	sdelay $0x4  }
0x236: {  	v2 =	vmul.f32 v2, v3;
	_ =	sdelay $0x1  }
0x237: {  	[tilespmem:s14+$0xB0] =	vst v2;
	v2 =	vld [tilespmem:s14+$0xC0];
	_ =	sdelay $0x2  }
0x238: {  	v3 =	vbroadcast v1, $0xB;
	_ =	sdelay $0x1  }
0x239: {  	v2 =	vmul.f32 v2, v3;
	_ =	sdelay $0x1  }
0x23a: {  	[tilespmem:s14+$0xC0] =	vst v2;
	v2 =	vld [tilespmem:s14+$0xD0];
	_ =	sdelay $0x4  }
0x23b: {  	v2 =	vmul.f32 v2, v3;
	_ =	sdelay $0x1  }
0x23c: {  	[tilespmem:s14+$0xD0] =	vst v2;
	v2 =	vld [tilespmem:s14+$0xE0];
	_ =	sdelay $0x4  }
0x23d: {  	v2 =	vmul.f32 v2, v3;
	_ =	sdelay $0x1  }
0x23e: {  	[tilespmem:s14+$0xE0] =	vst v2;
	v2 =	vld [tilespmem:s14+$0xF0];
	_ =	sdelay $0x4  }
0x23f: {  	v2 =	vmul.f32 v2, v3;
	_ =	sdelay $0x1  }
0x240: {  	[tilespmem:s14+$0xF0] =	vst v2;
	v2 =	vld [tilespmem:s14+$0x100];
	_ =	sdelay $0x2  }
0x241: {  	v3 =	vbroadcast v1, $0xC;
	_ =	sdelay $0x1  }
0x242: {  	v2 =	vmul.f32 v2, v3;
	_ =	sdelay $0x1  }
0x243: {  	[tilespmem:s14+$0x100] =	vst v2;
	v2 =	vld [tilespmem:s14+$0x110];
	_ =	sdelay $0x4  }
0x244: {  	v2 =	vmul.f32 v2, v3;
	_ =	sdelay $0x1  }
0x245: {  	[tilespmem:s14+$0x110] =	vst v2;
	v2 =	vld [tilespmem:s14+$0x120];
	_ =	sdelay $0x4  }
0x246: {  	v2 =	vmul.f32 v2, v3;
	_ =	sdelay $0x1  }
0x247: {  	[tilespmem:s14+$0x120] =	vst v2;
	v2 =	vld [tilespmem:s14+$0x130];
	_ =	sdelay $0x4  }
0x248: {  	v2 =	vmul.f32 v2, v3;
	_ =	sdelay $0x1  }
0x249: {  	[tilespmem:s14+$0x130] =	vst v2;
	v2 =	vld [tilespmem:s14+$0x140];
	_ =	sdelay $0x2  }
0x24a: {  	v3 =	vbroadcast v1, $0xD;
	_ =	sdelay $0x1  }
0x24b: {  	v2 =	vmul.f32 v2, v3;
	_ =	sdelay $0x1  }
0x24c: {  	[tilespmem:s14+$0x140] =	vst v2;
	v2 =	vld [tilespmem:s14+$0x150];
	_ =	sdelay $0x4  }
0x24d: {  	v2 =	vmul.f32 v2, v3;
	_ =	sdelay $0x1  }
0x24e: {  	[tilespmem:s14+$0x150] =	vst v2;
	v2 =	vld [tilespmem:s14+$0x160];
	_ =	sdelay $0x4  }
0x24f: {  	v2 =	vmul.f32 v2, v3;
	_ =	sdelay $0x1  }
0x250: {  	[tilespmem:s14+$0x160] =	vst v2;
	v2 =	vld [tilespmem:s14+$0x170];
	_ =	sdelay $0x4  }
0x251: {  	v2 =	vmul.f32 v2, v3;
	_ =	sdelay $0x1  }
0x252: {  	[tilespmem:s14+$0x170] =	vst v2;
	v2 =	vld [tilespmem:s14+$0x180];
	_ =	sdelay $0x2  }
0x253: {  	v3 =	vbroadcast v1, $0xE;
	_ =	sdelay $0x1  }
0x254: {  	v2 =	vmul.f32 v2, v3;
	_ =	sdelay $0x1  }
0x255: {  	[tilespmem:s14+$0x180] =	vst v2;
	v2 =	vld [tilespmem:s14+$0x190];
	_ =	sdelay $0x4  }
0x256: {  	v2 =	vmul.f32 v2, v3;
	_ =	sdelay $0x1  }
0x257: {  	[tilespmem:s14+$0x190] =	vst v2;
	v2 =	vld [tilespmem:s14+$0x1A0];
	_ =	sdelay $0x4  }
0x258: {  	v2 =	vmul.f32 v2, v3;
	_ =	sdelay $0x1  }
0x259: {  	[tilespmem:s14+$0x1A0] =	vst v2;
	v2 =	vld [tilespmem:s14+$0x1B0];
	_ =	sdelay $0x4  }
0x25a: {  	v2 =	vmul.f32 v2, v3;
	_ =	sdelay $0x1  }
0x25b: {  	[tilespmem:s14+$0x1B0] =	vst v2;
	v2 =	vld [tilespmem:s14+$0x1C0];
	_ =	sdelay $0x2  }
0x25c: {  	v1 =	vbroadcast v1, $0xF;
	_ =	sdelay $0x1  }
0x25d: {  	v2 =	vmul.f32 v2, v1;
	_ =	sdelay $0x1  }
0x25e: {  	[tilespmem:s14+$0x1C0] =	vst v2;
	v2 =	vld [tilespmem:s14+$0x1D0];
	_ =	sdelay $0x4  }
0x25f: {  	v2 =	vmul.f32 v2, v1;
	_ =	sdelay $0x1  }
0x260: {  	[tilespmem:s14+$0x1D0] =	vst v2;
	v2 =	vld [tilespmem:s14+$0x1E0];
	_ =	sdelay $0x4  }
0x261: {  	v2 =	vmul.f32 v2, v1;
	_ =	sdelay $0x1  }
0x262: {  	[tilespmem:s14+$0x1E0] =	vst v2;
	v2 =	vld [tilespmem:s14+$0x1F0];
	_ =	sdelay $0x1  }
0x263: {  	p1 =	sne.s32 s15, $0x7C0  }
.Ltmp5:
0x264: {  	_ = 	snop;
	(pc) =	sbr.rel @p1 .LBB2_7-.Ltmp5, $3  }
0x265: {  	_ = 	snop  }
0x266: {  	v1 =	vmul.f32 v2, v1;
	_ =	sdelay $0x1  }
0x267: {  	s13 =	sadd.s32 $0x10, s13;
	s15 =	sadd.s32 $0x40, s15;
	[tilespmem:s14+$0x1F0] =	vst v1;
	s14 =	sadd.s32 $0x400, s14  }
.LBB2_8:
0x268: {  	s11 =	sadd.s32 s5, s11  }
0x269: {  	s12 =	sand.u32 $0xE00, s11  }
0x26a: {  	s11 =	sshrl.u32 s11, $0x6;
	s12 =	smul.u32 $0x3200, s12  }
.Ltmp6:
0x26b: {  	s11 =	sand.u32 $0x1FFFFC0, s11;
	(pc) =	sbr.rel @p0 .LBB2_10-.Ltmp6, $4  }
0x26c: {  	s11 =	sadd.s32 s11, s12  }
0x26d: {  	s11 =	sshrl.u32 s11, $0x3  }
0x26e: {  	s11 =	sadd.s32 s2, s11  }
0x26f: {  	[hbm4b:s11+s25] =	stream.strided.scatter [tilespmem:s17], [sflag:$0x4], $0x8000, s26, s25, $0x38;
	[tilespmem:$0x16400] =	vst v63  }
0x270: {  	_ =	swait.ge [sflag:s30], $0x8000  }
0x271: {  	[sflag:s30] =	ssyncset.done $0x0  }
0x272: {  	s11 =	sadd.s32 $0x600, s0;
	[sflag:s30] =	ssyncadd.s32 $0xFFFF8000  }
0x273: {  	[tilespmem:s17], [sflag:$0x2] =	stream.indirect.gather [hbm4b:s4+s9], $0x40, s11, s9, $0xb8;
	[tilespmem:$0x16400] =	vst v63  }
0x274: {  	s15 =	sadd.s32 $0x680, s0  }
0x275: {  	[tilespmem:s19], [sflag:$0x2] =	stream.indirect.gather [hbm4b:s4+s9], $0x40, s15, s9, $0xb8;
	[tilespmem:$0x16400] =	vst v63  }
.Ltmp7:
0x276: {  	_ = 	snop;
	(pc) =	sbr.rel .LBB2_2-.Ltmp7, $4  }
0x277: {  	s16 =	sadd.s32 $0x700, s0  }
0x278: {  	[tilespmem:s21], [sflag:$0x2] =	stream.indirect.gather [hbm4b:s4+s9], $0x40, s16, s9, $0xb8;
	[tilespmem:$0x16400] =	vst v63  }
0x279: {  	s18 =	sadd.s32 $0x780, s0;
	s1 =	sadd.s32 $0x1, s1  }
0x27a: {  	[tilespmem:s23], [sflag:$0x2] =	stream.indirect.gather [hbm4b:s4+s9], $0x40, s18, s9, $0xb8;
	[tilespmem:$0x16400] =	vst v63  }
.LBB2_11:
0x27b: {  	_ =	sfence.sel $0x180000  }
0x27c: {  	[bflag:$0x0] =	sbarrier.arrive $0xFFFF  }
0x27d: {  	_ =	strace $0x90000047  }
0x27e: {  	s0 =	stileid.u32;
	[bflag:$0x2] =	sbarrier.arrive $0xFFFF  }
0x27f: {  	p0 =	sne.s32 s0, $0x0;
	s0 =	rddreg [dreg:$0x2]  }
0x280: {  	s0 =	sadd.s32 @!p0 $0x100000, s0  }
0x281: {  	[sflag:s0] =	ssyncadd.tile.s32 @!p0 $0x1;
	_ =	shalt  }
.Lfunc_end2:
_tile_overlayer_lowered:
.L_overlay_start_2:
0x282: {  	(tag) =	ssettag $0x2  }
0x283: {  	s0 =	rddreg [dreg:$0x0];
	s2 =	stileid.u32  }
0x284: {  	s1 =	rddreg [dreg:$0x1];
	p0 =	sne.s32 s2, $0x0  }
0x285: {  	s3 =	rddreg [dreg:$0x2];
	[bflag:$0x3] =	sbarrier.arrive $0xFFFF;
	s2 =	simm.s32 @!p0 $0x1C05  }
0x286: {  	[timem:s3], [sflag:s2] =	dma.local @!p0 [hbm:s0], s1  }
0x287: {  	s0 =	simm.s32 @!p0 $0x5  }
0x288: {  	_ =	swait.ge @!p0 [sflag:s0], s1  }
0x289: {  	s1 =	ssub.s32 @!p0 $0x0, s1;
	[sflag:s0] =	ssyncset.done @!p0 $0x0  }
0x28a: {  	[sflag:s0] =	ssyncadd.s32 @!p0 s1  }
0x28b: {  	[bflag:$0x3] =	sbarrier.arrive $0xFFFF  }
0x28c: {  	_ =	shalt  }

// kernel: sparse-core-data-format-call.cloned.1.call-start
scs
called_computation_lowered:
.L_overlay_start_0:
0x0: {  	s2 =	sld [smem:$0x3FD9]  }
0x1: {  	s3 =	sld [smem:$0x3FFE];
	_ =	sdelay $0x1  }
0x2: {  	s1 =	srdreg.scid  }
0x3: {  	s0 =	sand.u32 $0x1, s1  }
0x4: {  	s18 =	sshll.u32 s0, $0xA;
	s2 =	sadd.s32 s3, s2  }
0x5: {  	s2 =	sadd.s32 s2, s18  }
0x6: {  	[smem:$0x3FC6] =	sst s2  }
0x7: {  	_ = 	snop  }
0x8: {  	s2 =	sld [smem:$0x3FD0];
	(tm) =	ssettm $0x1  }
0x9: {  	s19 =	sld [smem:$0x3FFB];
	_ =	sdelay $0x3  }
0xa: {  	_ =	strace s19  }
0xb: {  	s3 =	sld [smem:$0x3FFC];
	_ =	sdelay $0x3  }
0xc: {  	_ =	strace s3  }
0xd: {  	s3 =	sld [smem:$0x3FFD];
	_ =	sdelay $0x3  }
0xe: {  	_ =	strace s3  }
0xf: {  	_ =	strace $0x8FFFFFFF  }
0x10: {  	s20 =	sld [smem:$0x3FDB];
	_ =	sdelay $0x1  }
0x11: {  	s4 =	simm.s32 $_scs_section_size  }
0x12: {  	s5 =	simm.s32 $_size__tile_overlayer_lowered;
	s6 =	simm.s32 $_tile_overlayer_lowered  }
0x13: {  	s23 =	simm.s32 $0x1BFF;
	s22 =	sshll.u32 s6, $0x1;
	s3 =	sadd.s32 s4, s20  }
0x14: {  	s7 =	simm.s32 $0x0;
	s21 =	sshll.u32 s5, $0x1;
	s5 =	sadd.s32 s22, s3  }
0x15: {  	[timem:s7], [sflag:s23] =	dma.local [hbm:s5], s21  }
0x16: {  	_ =	swait.ge [sflag:s23], s21  }
0x17: {  	s4 =	ssub.s32 $0x0, s21;
	[sflag:s23] =	ssyncset.done $0x0  }
0x18: {  	[sflag:s23] =	ssyncadd.s32 s4;
	_ =	sdelay $0x1  }
0x19: {  	s24 =	simm.s32 $0x1B8B  }
0x1a: {  	_ =	swait.ge [sflag:s24], $0x1  }
0x1b: {  	[sflag:s24] =	ssyncset.done $0x0  }
0x1c: {  	s26 =	simm.s32 $0x1B8E;
	s25 =	sld [smem:$0x3FFE];
	[sflag:s24] =	ssyncadd.s32 $0xFFFFFFFF  }
0x1d: {  	s27 =	simm.s32 $execute0_lowered;
	[smem:$0x3FD2] =	sst s26  }
0x1e: {  	s5 =	sshll.u32 s27, $0x1;
	_ =	strace $0x80000049;
	[dreg:$0x1] =	wrdreg $0xFFFFFFFF  }
0x1f: {  	s28 =	simm.s32 $_size_execute0_lowered;
	s3 =	sadd.s32 s3, s5;
	[dreg:$0x0] =	wrdreg $0x0  }
0x20: {  	s5 =	sshll.u32 s28, $0x1;
	[dreg:$0x2] =	wrdreg s3  }
0x21: {  	[dreg:$0x3] =	wrdreg s5  }
0x22: {  	[dreg:$0x4] =	wrdreg $0xC0  }
0x23: {  	_ =	task [dreg:s7], $0x5FFFF  }
0x24: {  	[dreg:$0x1] =	wrdreg $0xFFFFFFFF  }
0x25: {  	[dreg:$0x0] =	wrdreg $0x60  }
0x26: {  	[dreg:$0x2] =	wrdreg s25  }
0x27: {  	[dreg:$0x3] =	wrdreg s2  }
0x28: {  	[dreg:$0x4] =	wrdreg $0x9  }
0x29: {  	_ =	task.clear_ibuf [dreg:s7], $0x5FFFF;
	_ =	strace $0x90000049  }
0x2a: {  	s29 =	simm.s32 $0x9;
	_ =	strace $0x8000004B  }
0x2b: {  	_ =	swait.ge [sflag:s29], $0x1  }
0x2c: {  	[sflag:s29] =	ssyncadd.s32 $0xFFFFFFFF  }
0x2d: {  	_ =	strace $0x9000004B  }
0x2e: {  	_ =	sfence  }
0x2f: {  	s30 =	sld [smem:$0x0];
	_ =	sdelay $0x2  }
0x30: {  	s31 =	sshll.u32 s1, $0xD;
	s1 =	sshrl.u32 s1, $0x2  }
0x31: {  	s3 =	sand.u32 $0x4000, s31;
	s1 =	sadd.s32 s1, s30  }
0x32: {  	s0 =	sor.u32 s3, s0;
	s1 =	sshll.u32 s1, $0x11  }
0x33: {  	s0 =	sor.u32 s1, s0  }
0x34: {  	s0 =	sadd.s32 $0x8F2B, s0  }
0x35: {  	[sflag:s0] =	ssyncadd.remote.s32 $0x1  }
0x36: {  	_ =	sfence.sel $0xFFFF  }
0x37: {  	[dreg:$0x0] =	wrdreg $0xFFFFFFFF;
	(pc) =	sbr.abs _section_cstart, $3  }
0x38: {  	[dreg:$0x1] =	wrdreg $0xFFFFFFFF  }
0x39: {  	_ =	task.clear_ibuf [dreg:s7], $0x2FFFF;
	_ =	strace $0x9FFFFFFF  }
0x3a: {  	(tm) =	ssettm $0x7FFFFFFF  }
0x3b: {  	_ =	shalt  }
tec
execute0_lowered:
.L_overlay_start_1:
0x0: {  	(tag) =	ssettag $0x1  }
0x1: {  	s0 =	srdreg.scid  }
0x2: {  	s1 =	sshll.u32 s0, $0x4  }
0x3: {  	s0 =	stileid.u32;
	s1 =	sand.u32 $0x10, s1  }
0x4: {  	s1 =	sor.u32 s0, s1  }
0x5: {  	s6 =	rddreg [dreg:$0x0];
	s4 =	simm.s32 $0x1;
	s2 =	sshll.u32 s1, $0x7  }
0x6: {  	s7 =	simm.s32 $0x2;
	s12 =	simm.s32 $0x0;
	s1 =	ssub.s32 $0x1000, s2  }
0x7: {  	s8 =	simm.s32 $0x8000;
	s13 =	simm.s32 $0x0;
	s3 =	sand.u32 $0xF80, s1  }
0x8: {  	s9 =	simm.s32 $0x0;
	s5 =	sshrl.u32 s1, $0xC;
	p0 =	sne.s32 s3, $0x0  }
.Ltmp0:
0x9: {  	s1 =	rddreg [dreg:$0x2];
	s4 =	simm.s32 @!p0 $0x0;
	(pc) =	sbr.rel .LBB1_1-.Ltmp0, $4  }
0xa: {  	s11 =	simm.s32 $0x0;
	s3 =	rddreg [dreg:$0x1];
	s5 =	sadd.s32 s4, s5  }
0xb: {  	_ =	strace $0x8000004A;
	s4 =	simm.s32 $0x1;
	s5 =	smul.u32 $0xC8, s5  }
0xc: {  	s6 =	sadd.s32 $0xA00, s6;
	s10 =	smov.u32 s2;
	[sflag:s4] =	ssyncpa.u1 $0x0  }
0xd: {  	p0 =	por $0x0, $0x0;
	[sflag:s7] =	ssyncpa.u1 $0x0;
	s7 =	sor.u32 $0x1, s5  }
.LBB1_4:
0xe: {  	s16 =	sshll.u32 s13, $0x3;
	s17 =	sand.u32 $0x78, s13  }
0xf: {  	s30 =	sand.u32 $0x7E00, s13;
	s12 =	sshll.u32 s12, $0xF;
	s16 =	sand.u32 $0xC00, s16  }
0x10: {  	[tilespmem:s15+$0x810 ss:$0x81] =	vst.msk $0xffff, v2;
	s31 =	sand.u32 $0x7, s13;
	s16 =	sor.u32 s17, s16;
	s17 =	sadd.s32 s3, s30  }
0x11: {  	[tilespmem:s15+$0x1020 ss:$0x81] =	vst.msk $0xffff, v0;
	s13 =	sshll.u32 s31, $0x12;
	s12 =	sadd.s32 s12, s17;
	s16 =	sshrl.u32 s16, $0x3  }
0x12: {  	[tilespmem:s15+$0x0 ss:$0x81] =	vst.msk $0xffff, v1;
	s13 =	sor.u32 $0x400, s13;
	s12 =	sadd.s32 s16, s12  }
0x13: {  	[hbm4b:s12+s13] =	stream.strided.scatter [tilespmem:s14], [sflag:$0x2], $0x2000, s8, s13, $0x20;
	[tilespmem:$0x8080] =	vst v63  }
.LBB1_5:
0x14: {  	s14 =	sadd.s32 $0x1, s9  }
0x15: {  	s12 =	sadd.s32 $0x1000, s10;
	s16 =	smov.u32 s10;
	p2 =	sgt.s32 s14, $0xC7  }
0x16: {  	s16 =	smov.u32 @p2 s12  }
0x17: {  	s14 =	simm.s32 @p2 $0x0;
	p2 =	sgt.s32 s16, $0xFFF  }
0x18: {  	s16 =	smov.u32 @p2 s2;
	p2 =	sne.s32 s11, s7  }
.Ltmp1:
0x19: {  	p1 =	slt.u32 s11, $0x2;
	(pc) =	sbr.rel @!p2 .LBB1_6-.Ltmp1, $4  }
0x1a: {  	s15 =	simm.s32 @!p1 $0x2  }
0x1b: {  	s13 =	smov.u32 s10;
	p0 =	por !p0, !p0;
	_ =	swait.ge @!p1 [sflag:s15], $0x2000  }
0x1c: {  	s12 =	smov.u32 s9;
	[sflag:s15] =	ssyncset.done @!p1 $0x0;
	s9 =	smov.u32 s14  }
0x1d: {  	s11 =	sadd.s32 $0x1, s11;
	[sflag:s15] =	ssyncadd.s32 @!p1 $0xFFFFE000;
	s10 =	smov.u32 s16  }
.LBB1_1:
0x1e: {  	p1 =	sge.u32 s11, s5  }
0x1f: {  	s14 =	sand.u32 @!p1 $0x1FFFFFF, s9  }
0x20: {  	s15 =	smulhi.u32 @!p1 $0x147AE15, s14;
	_ =	sdelay $0x1  }
0x21: {  	s15 =	smul.u32 @!p1 $0xC8, s15  }
0x22: {  	s16 =	sxor.u32 @!p1 $0xFFFFFFFF, s11;
	s17 =	smul.u32 @!p1 $0xC80, s10  }
0x23: {  	s31 =	sadd.s32 $0xFFFFFFFF, s11;
	s16 =	sshll.u32 @!p1 s16, $0xD;
	s14 =	ssub.s32 @!p1 s14, s15  }
0x24: {  	s15 =	sand.u32 @!p1 $0x2000, s16;
	s16 =	sadd.s32 @!p1 s6, s17;
	s14 =	sshll.u32 @!p1 s14, $0x4  }
0x25: {  	s17 =	simm.s32 @!p1 $0x6400;
	s14 =	sadd.s32 @!p1 s14, s16;
	s16 =	simm.s32 @!p1 $0x40  }
0x26: {  	[tilespmem:s15], [sflag:$0x1] =	stream.strided.gather @!p1 [hbm4b:s14+s16], $0x2000, s17, s16, $0x38;
	[tilespmem:$0x8080] =	vst v63  }
0x27: {  	p1 =	sge.u32 s31, s5  }
.Ltmp2:
0x28: {  	_ = 	snop;
	(pc) =	sbr.rel @p1 .LBB1_5-.Ltmp2, $1  }
0x29: {  	_ =	sdelay $0x3  }
0x2a: {  	s14 =	simm.s32 $0x1  }
0x2b: {  	_ =	swait.ge [sflag:s4], $0x2000;
	s14 =	simm.s32 @!p0 $0x0  }
0x2c: {  	[sflag:s4] =	ssyncset.done $0x0;
	s15 =	sshll.u32 s14, $0xD  }
0x2d: {  	[sflag:s4] =	ssyncadd.s32 $0xFFFFE000;
	s18 =	sor.u32 $0x20, s15  }
0x2e: {  	s14 =	smul.u32 $0x8100, s14;
	v3 =	vld [tilespmem:s18+$0x10]  }
0x2f: {  	s30 =	sand.u32 $0x1, s11;
	v2 =	vld [tilespmem:s18+$0xFFFFFFF0]  }
0x30: {  	s15 =	smul.u32 $0x8100, s30;
	s14 =	sshrl.u32 s14, $0x2;
	v0 =	vld [tilespmem:s18+$0x0]  }
0x31: {  	v1 =	vld [tilespmem:s18+$0xFFFFFFE0];
	s16 =	sor.u32 $0x4000, s14  }
0x32: {  	s31 =	sshrl.u32 s15, $0x2;
	s15 =	sadd.s32 $0x0, s16  }
0x33: {  	s17 =	simm.s32 $0x4;
	s18 =	sadd.s32 $0x40, s18;
	s14 =	sor.u32 $0x4000, s31;
	[tilespmem:s15+$0x1830 ss:$0x81] =	vst.msk $0xffff, v3  }
.LBB1_3:
0x34: {  	v3 =	vld [tilespmem:s18+$0x10];
	p1 =	sne.s32 s17, $0x1FC;
	[tilespmem:s15+$0x810 ss:$0x81] =	vst.msk $0xffff, v2;
	s19 =	smov.u32 s17;
	s17 =	sadd.s32 $0x4, s17  }
.Ltmp3:
0x35: {  	v2 =	vld [tilespmem:s18+$0xFFFFFFF0];
	[tilespmem:s15+$0x1020 ss:$0x81] =	vst.msk $0xffff, v0;
	(pc) =	sbr.rel @p1 .LBB1_3-.Ltmp3, $4  }
0x36: {  	v0 =	vld [tilespmem:s18+$0x0];
	[tilespmem:s15+$0x0 ss:$0x81] =	vst.msk $0xffff, v1  }
0x37: {  	s15 =	sshra.s32 s19, $0x2;
	v1 =	vld [tilespmem:s18+$0xFFFFFFE0]  }
0x38: {  	s15 =	sadd.s32 s15, s16  }
0x39: {  	s18 =	sadd.s32 $0x40, s18;
	[tilespmem:s15+$0x1830 ss:$0x81] =	vst.msk $0xffff, v3  }
.Ltmp4:
0x3a: {  	_ = 	snop;
	(pc) =	sbr.rel .LBB1_4-.Ltmp4, $1  }
0x3b: {  	_ =	sdelay $0x3  }
.LBB1_6:
0x3c: {  	_ =	sfence.sel $0x180000  }
0x3d: {  	s2 =	simm.s32 $0x1;
	[bflag:$0x0] =	sbarrier.arrive $0xFFFF  }
0x3e: {  	s31 =	simm.s32 $0x2;
	[sflag:s2] =	ssyncpa.u1 $0x1  }
0x3f: {  	[sflag:s31] =	ssyncpa.u1 $0x1  }
0x40: {  	p0 =	sne.s32 s0, $0x0;
	_ =	strace $0x9000004A  }
0x41: {  	s0 =	sadd.s32 @!p0 $0x100000, s1;
	[bflag:$0x2] =	sbarrier.arrive $0xFFFF  }
0x42: {  	[sflag:s0] =	ssyncadd.tile.s32 @!p0 $0x1;
	_ =	shalt  }
.Lfunc_end1:
_tile_overlayer_lowered:
.L_overlay_start_2:
0x43: {  	(tag) =	ssettag $0x2  }
0x44: {  	s0 =	rddreg [dreg:$0x0];
	s2 =	stileid.u32  }
0x45: {  	s1 =	rddreg [dreg:$0x1];
	p0 =	sne.s32 s2, $0x0  }
0x46: {  	s3 =	rddreg [dreg:$0x2];
	[bflag:$0x3] =	sbarrier.arrive $0xFFFF;
	s2 =	simm.s32 @!p0 $0x1C01  }
0x47: {  	[timem:s3], [sflag:s2] =	dma.local @!p0 [hbm:s0], s1  }
0x48: {  	s0 =	simm.s32 @!p0 $0x1  }
0x49: {  	_ =	swait.ge @!p0 [sflag:s0], s1  }
0x4a: {  	s1 =	ssub.s32 @!p0 $0x0, s1;
	[sflag:s0] =	ssyncset.done @!p0 $0x0  }
0x4b: {  	[sflag:s0] =	ssyncadd.s32 @!p0 s1  }
0x4c: {  	[bflag:$0x3] =	sbarrier.arrive $0xFFFF  }
0x4d: {  	_ =	shalt  }

</sc_bundles>
